<compile_context>
chip_gen: v7x
topology: tpu7x:2x2x1
jax: 0.10.2.dev20260603
libtpu: 0.0.44.dev20260713+nightly
codegen_flags: <defaults>
</compile_context>

<pallas_src>
import functools
import math

import jax
import jax.numpy as jnp
from jax import lax
from jax.experimental import pallas as pl
from jax.experimental.pallas import tpu as pltpu
from jax.experimental.pallas import tpu_sc as plsc

D_MODEL = 128
SEQ = 200
LANES = 16
NV = D_MODEL // LANES
NC, NS = 2, 16
NW = NC * NS
EPS = 1e-6
SQRTD = math.sqrt(D_MODEL)
IDX_W = 100
NBUF = 2
UNROLL = 2

_MAGIC = 0x5F3759DF


def _lane_sum(v):
    dnums = lax.GatherDimensionNumbers(
        offset_dims=(), collapsed_slice_dims=(0,), start_index_map=(0,))
    for k in (8, 4, 2, 1):
        perm = jnp.bitwise_xor(lax.iota(jnp.int32, LANES), jnp.int32(k))
        shuf = lax.gather(
            v, perm[:, None], dimension_numbers=dnums, slice_sizes=(1,),
            mode=lax.GatherScatterMode.PROMISE_IN_BOUNDS)
        v = v + shuf
    return v


def _ln_row(buf, pos_v, r, a_regs, b_regs):
    h = [
        buf[r, pl.ds(k * LANES, LANES)] + pos_v[r, pl.ds(k * LANES, LANES)]
        for k in range(NV)
    ]
    q = [h[k] * h[k] for k in range(NV)]
    s01, s23 = h[0] + h[1], h[2] + h[3]
    s45, s67 = h[4] + h[5], h[6] + h[7]
    sum_b = _lane_sum((s01 + s23) + (s45 + s67))
    q01, q23 = q[0] + q[1], q[2] + q[3]
    q45, q67 = q[4] + q[5], q[6] + q[7]
    ssq_b = _lane_sum((q01 + q23) + (q45 + q67))
    mean_b = sum_b * jnp.float32(1.0 / D_MODEL)
    var_b = (ssq_b - (mean_b * mean_b) * jnp.float32(D_MODEL)) * jnp.float32(
        1.0 / (D_MODEL - 1))
    var_b = jnp.maximum(var_b, jnp.float32(1e-12))
    yi = jnp.int32(_MAGIC) - lax.shift_right_logical(
        lax.bitcast_convert_type(var_b, jnp.int32), 1)
    y = lax.bitcast_convert_type(yi, jnp.float32)
    half_v = var_b * jnp.float32(0.5)
    for _ in range(1):
        y = y * (jnp.float32(1.5) - half_v * y * y)
    inv_b = y
    for k in range(NV):
        c = inv_b * a_regs[k]
        buf[r, pl.ds(k * LANES, LANES)] = (h[k] - mean_b) * c + b_regs[k]


def _make_kernel(batch):
    rpw = batch * SEQ // NW
    nchunk = rpw // SEQ
    nidx = rpw // IDX_W
    nloop = nchunk // NBUF
    assert nchunk % NBUF == 0
    mesh = plsc.VectorSubcoreMesh(core_axis_name="c", subcore_axis_name="s")

    @functools.partial(
        pl.kernel,
        out_type=jax.ShapeDtypeStruct((batch, SEQ, D_MODEL), jnp.float32),
        mesh=mesh,
        scratch_types=[
            pltpu.VMEM((nidx, IDX_W), jnp.int32),
            pltpu.VMEM((NBUF, SEQ, D_MODEL), jnp.float32),
            pltpu.VMEM((SEQ, D_MODEL), jnp.float32),
            pltpu.VMEM((D_MODEL,), jnp.float32),
            pltpu.VMEM((D_MODEL,), jnp.float32),
        ] + [pltpu.SemaphoreType.DMA] * (2 * NBUF),
    )
    def emb_ln(x_hbm, tok_hbm, pos_hbm, a_hbm, b_hbm, out_hbm,
               idx_v, rows_v, pos_v, a_v, b_v, *sems):
        gsems, ssems = sems[:NBUF], sems[NBUF:]
        wid = lax.axis_index("s") * NC + lax.axis_index("c")
        pltpu.sync_copy(pos_hbm, pos_v)
        pltpu.sync_copy(a_hbm, a_v)
        pltpu.sync_copy(b_hbm, b_v)
        pltpu.sync_copy(
            x_hbm.at[pl.ds(pl.multiple_of(wid * nidx, 8), nidx)], idx_v)
        a_regs = [
            a_v[pl.ds(k * LANES, LANES)] * jnp.float32(SQRTD) for k in range(NV)
        ]
        b_regs = [
            b_v[pl.ds(k * LANES, LANES)] * jnp.float32(SQRTD) for k in range(NV)
        ]
        seq0 = wid * nchunk

        def start_gather(k, j):
            pltpu.async_copy(tok_hbm.at[idx_v.at[2 * k]],
                             rows_v.at[j].at[pl.ds(0, IDX_W)], gsems[j])
            pltpu.async_copy(tok_hbm.at[idx_v.at[2 * k + 1]],
                             rows_v.at[j].at[pl.ds(IDX_W, IDX_W)], gsems[j])

        def wait_gather(j):
            for _ in range(2):
                pltpu.make_async_copy(
                    tok_hbm.at[idx_v.at[0]],
                    rows_v.at[j].at[pl.ds(0, IDX_W)], gsems[j]).wait()

        def start_scatter(k, j):
            pltpu.async_copy(rows_v.at[j], out_hbm.at[seq0 + k], ssems[j])

        def wait_scatter(j):
            pltpu.make_async_copy(rows_v.at[j], out_hbm.at[0], ssems[j]).wait()

        start_gather(0, 0)

        def compute_half(j, half):
            buf = rows_v.at[j]

            @plsc.parallel_loop(half * IDX_W, (half + 1) * IDX_W, step=1,
                                unroll=UNROLL)
            def _(r):
                _ln_row(buf, pos_v, r, a_regs, b_regs)

        def loop_body(i, carry):
            for j in range(NBUF):
                k = i * NBUF + j
                wait_gather(j)
                compute_half(j, 0)
                if j == 0:
                    @pl.when(i > 0)
                    def _():
                        wait_scatter(NBUF - 1)
                else:
                    wait_scatter(j - 1)
                if j < NBUF - 1:
                    start_gather(k + 1, j + 1)
                else:
                    @pl.when(i < nloop - 1)
                    def _(k=k):
                        start_gather(k + 1, 0)
                compute_half(j, 1)
                start_scatter(k, j)
            return carry

        lax.fori_loop(0, nloop, loop_body, 0)
        wait_scatter(NBUF - 1)

    return emb_ln


@jax.jit
def kernel(x, tok_table, pos_table, a, b):
    batch, seq = x.shape
    assert seq == SEQ and tok_table.shape[1] == D_MODEL
    x2d = x.reshape(batch * seq // IDX_W, IDX_W).astype(jnp.int32)
    return _make_kernel(batch)(x2d, tok_table, pos_table, a, b)

# --- scband reference (transcript-rebuilt; emitter-appended) ---
"""Pipeline reference for scband-caption-embeddings-16209206575577 (READ-ONLY COPY).

The authoritative reference and input builder live on the scoring server;
editing this copy changes nothing except your own understanding.
"""

import jax, jax.numpy as jnp
import numpy as np
import math

VOCAB = 100000
MAX_SEQ_LEN = 200
D_MODEL = 128
BATCH = 4096
EPS = 1e-6


def setup_inputs(seed: int = 0) -> dict:
    key = jax.random.key(seed)
    k1, k2, k3, k4 = jax.random.split(key, 4)
    x = jax.random.randint(k1, (BATCH, MAX_SEQ_LEN), 0, VOCAB)
    tok_table = jax.random.normal(k2, (VOCAB, D_MODEL), dtype=jnp.float32) * 0.02
    pos_table = jax.random.normal(k3, (MAX_SEQ_LEN, D_MODEL), dtype=jnp.float32) * 0.02
    a = jnp.ones((D_MODEL,), dtype=jnp.float32)
    b = jnp.zeros((D_MODEL,), dtype=jnp.float32)
    return {"x": x, "tok_table": tok_table, "pos_table": pos_table, "a": a, "b": b}


def reference(x, tok_table, pos_table, a, b):
    # token embedding lookup (gather)
    tok_emb = jnp.take(tok_table, x, axis=0)  # [B, L, D]
    # positional embedding lookup
    positions = jnp.arange(x.shape[1])[None, :]  # [1, L]
    positions = jnp.broadcast_to(positions, (x.shape[0], x.shape[1]))
    pos_emb = jnp.take(pos_table, positions, axis=0)  # [B, L, D]
    h = tok_emb + pos_emb
    # custom LayerNorm: torch .std() is unbiased (ddof=1)
    mean = jnp.mean(h, axis=-1, keepdims=True)
    std = jnp.std(h, axis=-1, ddof=1, keepdims=True)
    normed = a * ((h - mean) / (std + EPS)) + b
    # dropout p=0.0 -> identity
    return normed * math.sqrt(D_MODEL)

if __name__ == "__main__":
    import jax
    _d = setup_inputs()
    print(jax.jit(kernel)(*tuple(_d.values())))

</pallas_src>

<mosaic_0001>
#map = affine_map<(d0, d1) -> (0, 0)>
#map1 = affine_map<(d0, d1) -> (0)>
#map2 = affine_map<(d0, d1) -> (0, 0, 0)>
module attributes {stable_mosaic.version = 14 : i64} {
  func.func @emb_ln(%arg0: i32, %arg1: i32, %arg2: memref<8192x100xi32, #tpu.memory_space<hbm>>, %arg3: memref<100000x128xf32, #tpu.memory_space<hbm>>, %arg4: memref<200x128xf32, #tpu.memory_space<hbm>>, %arg5: memref<128xf32, #tpu.memory_space<hbm>>, %arg6: memref<128xf32, #tpu.memory_space<hbm>>, %arg7: memref<4096x200x128xf32, #tpu.memory_space<hbm>>, %arg8: memref<256x100xi32, #tpu.memory_space<vmem>>, %arg9: memref<2x200x128xf32, #tpu.memory_space<vmem>>, %arg10: memref<200x128xf32, #tpu.memory_space<vmem>>, %arg11: memref<128xf32, #tpu.memory_space<vmem>>, %arg12: memref<128xf32, #tpu.memory_space<vmem>>, %arg13: memref<!tpu.dma_semaphore, #tpu.memory_space<semaphore_mem>>, %arg14: memref<!tpu.dma_semaphore, #tpu.memory_space<semaphore_mem>>, %arg15: memref<!tpu.dma_semaphore, #tpu.memory_space<semaphore_mem>>, %arg16: memref<!tpu.dma_semaphore, #tpu.memory_space<semaphore_mem>>) attributes {dimension_semantics = [#tpu.dimension_semantics<core_parallel>, #tpu.dimension_semantics<subcore_parallel>], iteration_bounds = array<i64: 2, 16>, scalar_prefetch = 0 : i64, scratch_operands = 9 : i64, tpu.core_type = #tpu.core_type<sc_vector_subcore>, window_params = [{transform_indices = #map}, {transform_indices = #map}, {transform_indices = #map}, {transform_indices = #map1}, {transform_indices = #map1}, {transform_indices = #map2}]} {
    %mul3A = arith.constant 2 : i32
    %mul3A_0 = arith.muli %arg1, %mul3A : i32
    %add3A = arith.addi %mul3A_0, %arg0 : i32
    "tpu.region"() ({
      %run_scoped3A = tpu.sem_alloc : memref<!tpu.dma_semaphore, #tpu.memory_space<semaphore_mem>>
      tpu.enqueue_dma source(%arg4 : memref<200x128xf32, #tpu.memory_space<hbm>>) target(%arg10 : memref<200x128xf32, #tpu.memory_space<vmem>>) target_semaphore(%run_scoped3A : memref<!tpu.dma_semaphore, #tpu.memory_space<semaphore_mem>>)
      tpu.wait_dma2 semaphore(%run_scoped3A : memref<!tpu.dma_semaphore, #tpu.memory_space<semaphore_mem>>) src(%arg4 : memref<200x128xf32, #tpu.memory_space<hbm>>) dst(%arg10 : memref<200x128xf32, #tpu.memory_space<vmem>>)
      tpu.yield
    }) : () -> ()
    "tpu.region"() ({
      %run_scoped3A = tpu.sem_alloc : memref<!tpu.dma_semaphore, #tpu.memory_space<semaphore_mem>>
      tpu.enqueue_dma source(%arg5 : memref<128xf32, #tpu.memory_space<hbm>>) target(%arg11 : memref<128xf32, #tpu.memory_space<vmem>>) target_semaphore(%run_scoped3A : memref<!tpu.dma_semaphore, #tpu.memory_space<semaphore_mem>>)
      tpu.wait_dma2 semaphore(%run_scoped3A : memref<!tpu.dma_semaphore, #tpu.memory_space<semaphore_mem>>) src(%arg5 : memref<128xf32, #tpu.memory_space<hbm>>) dst(%arg11 : memref<128xf32, #tpu.memory_space<vmem>>)
      tpu.yield
    }) : () -> ()
    "tpu.region"() ({
      %run_scoped3A = tpu.sem_alloc : memref<!tpu.dma_semaphore, #tpu.memory_space<semaphore_mem>>
      tpu.enqueue_dma source(%arg6 : memref<128xf32, #tpu.memory_space<hbm>>) target(%arg12 : memref<128xf32, #tpu.memory_space<vmem>>) target_semaphore(%run_scoped3A : memref<!tpu.dma_semaphore, #tpu.memory_space<semaphore_mem>>)
      tpu.wait_dma2 semaphore(%run_scoped3A : memref<!tpu.dma_semaphore, #tpu.memory_space<semaphore_mem>>) src(%arg6 : memref<128xf32, #tpu.memory_space<hbm>>) dst(%arg12 : memref<128xf32, #tpu.memory_space<vmem>>)
      tpu.yield
    }) : () -> ()
    %mul3A_1 = arith.constant 256 : i32
    %mul3A_2 = arith.muli %add3A, %mul3A_1 : i32
    %multiple_of3A = tpu.assume_multiple %mul3A_2, 8 : i32
    "tpu.region"() ({
      %run_scoped3A = tpu.sem_alloc : memref<!tpu.dma_semaphore, #tpu.memory_space<semaphore_mem>>
      %dma_start3A_151 = arith.constant 0 : i32
      %dma_start3A_152 = tpu.memref_slice %arg2[%multiple_of3A, %dma_start3A_151] : memref<8192x100xi32, #tpu.memory_space<hbm>> -> memref<256x100xi32, #tpu.memory_space<hbm>>
      %dma_start3A_153 = arith.constant 0 : i32
      %dma_start3A_154 = tpu.memref_slice %arg2[%multiple_of3A, %dma_start3A_153] : memref<8192x100xi32, #tpu.memory_space<hbm>> -> memref<256x100xi32, #tpu.memory_space<hbm>>
      tpu.enqueue_dma source(%dma_start3A_154 : memref<256x100xi32, #tpu.memory_space<hbm>>) target(%arg8 : memref<256x100xi32, #tpu.memory_space<vmem>>) target_semaphore(%run_scoped3A : memref<!tpu.dma_semaphore, #tpu.memory_space<semaphore_mem>>)
      %dma_wait3A_155 = arith.constant 0 : i32
      %dma_wait3A_156 = tpu.memref_slice %arg2[%multiple_of3A, %dma_wait3A_155] : memref<8192x100xi32, #tpu.memory_space<hbm>> -> memref<256x100xi32, #tpu.memory_space<hbm>>
      %dma_wait3A_157 = arith.constant 0 : i32
      %dma_wait3A_158 = tpu.memref_slice %arg2[%multiple_of3A, %dma_wait3A_157] : memref<8192x100xi32, #tpu.memory_space<hbm>> -> memref<256x100xi32, #tpu.memory_space<hbm>>
      tpu.wait_dma2 semaphore(%run_scoped3A : memref<!tpu.dma_semaphore, #tpu.memory_space<semaphore_mem>>) src(%dma_wait3A_158 : memref<256x100xi32, #tpu.memory_space<hbm>>) dst(%arg8 : memref<256x100xi32, #tpu.memory_space<vmem>>)
      tpu.yield
    }) : () -> ()
    %get3A = arith.constant 0 : index
    %get3A_3 = tpu.vector_load %arg11[%get3A] {strides = array<i32>} : memref<128xf32, #tpu.memory_space<vmem>>, vector<16xf32>,
    %get3A_4 = vector.shape_cast %get3A_3 : vector<16xf32> to vector<16xf32>
    %mul3A_5 = arith.constant 11.3137083 : f32
    %mul3A_6 = vector.broadcast %mul3A_5 : f32 to vector<16xf32>
    %mul3A_7 = arith.mulf %get3A_4, %mul3A_6 : vector<16xf32>
    %get3A_8 = arith.constant 16 : index
    %get3A_9 = tpu.vector_load %arg11[%get3A_8] {strides = array<i32>} : memref<128xf32, #tpu.memory_space<vmem>>, vector<16xf32>,
    %get3A_10 = vector.shape_cast %get3A_9 : vector<16xf32> to vector<16xf32>
    %mul3A_11 = arith.constant 11.3137083 : f32
    %mul3A_12 = vector.broadcast %mul3A_11 : f32 to vector<16xf32>
    %mul3A_13 = arith.mulf %get3A_10, %mul3A_12 : vector<16xf32>
    %get3A_14 = arith.constant 32 : index
    %get3A_15 = tpu.vector_load %arg11[%get3A_14] {strides = array<i32>} : memref<128xf32, #tpu.memory_space<vmem>>, vector<16xf32>,
    %get3A_16 = vector.shape_cast %get3A_15 : vector<16xf32> to vector<16xf32>
    %mul3A_17 = arith.constant 11.3137083 : f32
    %mul3A_18 = vector.broadcast %mul3A_17 : f32 to vector<16xf32>
    %mul3A_19 = arith.mulf %get3A_16, %mul3A_18 : vector<16xf32>
    %get3A_20 = arith.constant 48 : index
    %get3A_21 = tpu.vector_load %arg11[%get3A_20] {strides = array<i32>} : memref<128xf32, #tpu.memory_space<vmem>>, vector<16xf32>,
    %get3A_22 = vector.shape_cast %get3A_21 : vector<16xf32> to vector<16xf32>
    %mul3A_23 = arith.constant 11.3137083 : f32
    %mul3A_24 = vector.broadcast %mul3A_23 : f32 to vector<16xf32>
    %mul3A_25 = arith.mulf %get3A_22, %mul3A_24 : vector<16xf32>
    %get3A_26 = arith.constant 64 : index
    %get3A_27 = tpu.vector_load %arg11[%get3A_26] {strides = array<i32>} : memref<128xf32, #tpu.memory_space<vmem>>, vector<16xf32>,
    %get3A_28 = vector.shape_cast %get3A_27 : vector<16xf32> to vector<16xf32>
    %mul3A_29 = arith.constant 11.3137083 : f32
    %mul3A_30 = vector.broadcast %mul3A_29 : f32 to vector<16xf32>
    %mul3A_31 = arith.mulf %get3A_28, %mul3A_30 : vector<16xf32>
    %get3A_32 = arith.constant 80 : index
    %get3A_33 = tpu.vector_load %arg11[%get3A_32] {strides = array<i32>} : memref<128xf32, #tpu.memory_space<vmem>>, vector<16xf32>,
    %get3A_34 = vector.shape_cast %get3A_33 : vector<16xf32> to vector<16xf32>
    %mul3A_35 = arith.constant 11.3137083 : f32
    %mul3A_36 = vector.broadcast %mul3A_35 : f32 to vector<16xf32>
    %mul3A_37 = arith.mulf %get3A_34, %mul3A_36 : vector<16xf32>
    %get3A_38 = arith.constant 96 : index
    %get3A_39 = tpu.vector_load %arg11[%get3A_38] {strides = array<i32>} : memref<128xf32, #tpu.memory_space<vmem>>, vector<16xf32>,
    %get3A_40 = vector.shape_cast %get3A_39 : vector<16xf32> to vector<16xf32>
    %mul3A_41 = arith.constant 11.3137083 : f32
    %mul3A_42 = vector.broadcast %mul3A_41 : f32 to vector<16xf32>
    %mul3A_43 = arith.mulf %get3A_40, %mul3A_42 : vector<16xf32>
    %get3A_44 = arith.constant 112 : index
    %get3A_45 = tpu.vector_load %arg11[%get3A_44] {strides = array<i32>} : memref<128xf32, #tpu.memory_space<vmem>>, vector<16xf32>,
    %get3A_46 = vector.shape_cast %get3A_45 : vector<16xf32> to vector<16xf32>
    %mul3A_47 = arith.constant 11.3137083 : f32
    %mul3A_48 = vector.broadcast %mul3A_47 : f32 to vector<16xf32>
    %mul3A_49 = arith.mulf %get3A_46, %mul3A_48 : vector<16xf32>
    %get3A_50 = arith.constant 0 : index
    %get3A_51 = tpu.vector_load %arg12[%get3A_50] {strides = array<i32>} : memref<128xf32, #tpu.memory_space<vmem>>, vector<16xf32>,
    %get3A_52 = vector.shape_cast %get3A_51 : vector<16xf32> to vector<16xf32>
    %mul3A_53 = arith.constant 11.3137083 : f32
    %mul3A_54 = vector.broadcast %mul3A_53 : f32 to vector<16xf32>
    %mul3A_55 = arith.mulf %get3A_52, %mul3A_54 : vector<16xf32>
    %get3A_56 = arith.constant 16 : index
    %get3A_57 = tpu.vector_load %arg12[%get3A_56] {strides = array<i32>} : memref<128xf32, #tpu.memory_space<vmem>>, vector<16xf32>,
    %get3A_58 = vector.shape_cast %get3A_57 : vector<16xf32> to vector<16xf32>
    %mul3A_59 = arith.constant 11.3137083 : f32
    %mul3A_60 = vector.broadcast %mul3A_59 : f32 to vector<16xf32>
    %mul3A_61 = arith.mulf %get3A_58, %mul3A_60 : vector<16xf32>
    %get3A_62 = arith.constant 32 : index
    %get3A_63 = tpu.vector_load %arg12[%get3A_62] {strides = array<i32>} : memref<128xf32, #tpu.memory_space<vmem>>, vector<16xf32>,
    %get3A_64 = vector.shape_cast %get3A_63 : vector<16xf32> to vector<16xf32>
    %mul3A_65 = arith.constant 11.3137083 : f32
    %mul3A_66 = vector.broadcast %mul3A_65 : f32 to vector<16xf32>
    %mul3A_67 = arith.mulf %get3A_64, %mul3A_66 : vector<16xf32>
    %get3A_68 = arith.constant 48 : index
    %get3A_69 = tpu.vector_load %arg12[%get3A_68] {strides = array<i32>} : memref<128xf32, #tpu.memory_space<vmem>>, vector<16xf32>,
    %get3A_70 = vector.shape_cast %get3A_69 : vector<16xf32> to vector<16xf32>
    %mul3A_71 = arith.constant 11.3137083 : f32
    %mul3A_72 = vector.broadcast %mul3A_71 : f32 to vector<16xf32>
    %mul3A_73 = arith.mulf %get3A_70, %mul3A_72 : vector<16xf32>
    %get3A_74 = arith.constant 64 : index
    %get3A_75 = tpu.vector_load %arg12[%get3A_74] {strides = array<i32>} : memref<128xf32, #tpu.memory_space<vmem>>, vector<16xf32>,
    %get3A_76 = vector.shape_cast %get3A_75 : vector<16xf32> to vector<16xf32>
    %mul3A_77 = arith.constant 11.3137083 : f32
    %mul3A_78 = vector.broadcast %mul3A_77 : f32 to vector<16xf32>
    %mul3A_79 = arith.mulf %get3A_76, %mul3A_78 : vector<16xf32>
    %get3A_80 = arith.constant 80 : index
    %get3A_81 = tpu.vector_load %arg12[%get3A_80] {strides = array<i32>} : memref<128xf32, #tpu.memory_space<vmem>>, vector<16xf32>,
    %get3A_82 = vector.shape_cast %get3A_81 : vector<16xf32> to vector<16xf32>
    %mul3A_83 = arith.constant 11.3137083 : f32
    %mul3A_84 = vector.broadcast %mul3A_83 : f32 to vector<16xf32>
    %mul3A_85 = arith.mulf %get3A_82, %mul3A_84 : vector<16xf32>
    %get3A_86 = arith.constant 96 : index
    %get3A_87 = tpu.vector_load %arg12[%get3A_86] {strides = array<i32>} : memref<128xf32, #tpu.memory_space<vmem>>, vector<16xf32>,
    %get3A_88 = vector.shape_cast %get3A_87 : vector<16xf32> to vector<16xf32>
    %mul3A_89 = arith.constant 11.3137083 : f32
    %mul3A_90 = vector.broadcast %mul3A_89 : f32 to vector<16xf32>
    %mul3A_91 = arith.mulf %get3A_88, %mul3A_90 : vector<16xf32>
    %get3A_92 = arith.constant 112 : index
    %get3A_93 = tpu.vector_load %arg12[%get3A_92] {strides = array<i32>} : memref<128xf32, #tpu.memory_space<vmem>>, vector<16xf32>,
    %get3A_94 = vector.shape_cast %get3A_93 : vector<16xf32> to vector<16xf32>
    %mul3A_95 = arith.constant 11.3137083 : f32
    %mul3A_96 = vector.broadcast %mul3A_95 : f32 to vector<16xf32>
    %mul3A_97 = arith.mulf %get3A_94, %mul3A_96 : vector<16xf32>
    %mul3A_98 = arith.constant 128 : i32
    %mul3A_99 = arith.muli %add3A, %mul3A_98 : i32
    %dma_start3A = arith.constant 0 : i32
    %dma_start3A_100 = arith.constant 0 : i32
    %dma_start3A_101 = arith.constant 0 : i32
    %dma_start3A_102 = arith.constant 0 : i32
    %dma_start3A_103 = tpu.memref_slice %arg9[%dma_start3A_100, %dma_start3A_101, %dma_start3A_102] : memref<2x200x128xf32, #tpu.memory_space<vmem>> -> memref<1x200x128xf32, #tpu.memory_space<vmem>>
    %dma_start3A_104 = tpu.memref_squeeze %dma_start3A_103 : memref<1x200x128xf32, #tpu.memory_space<vmem>> -> memref<200x128xf32, #tpu.memory_space<vmem>>
    %dma_start3A_105 = arith.constant 0 : i32
    %dma_start3A_106 = arith.constant 0 : i32
    %dma_start3A_107 = tpu.memref_slice %dma_start3A_104[%dma_start3A_105, %dma_start3A_106] : memref<200x128xf32, #tpu.memory_space<vmem>> -> memref<100x128xf32, #tpu.memory_space<vmem>>
    %dma_start3A_108 = arith.constant 0 : i32
    %dma_start3A_109 = tpu.memref_slice %arg8[%dma_start3A, %dma_start3A_108] : memref<256x100xi32, #tpu.memory_space<vmem>> -> memref<1x100xi32, #tpu.memory_space<vmem>>
    %dma_start3A_110 = tpu.memref_squeeze %dma_start3A_109 : memref<1x100xi32, #tpu.memory_space<vmem>> -> memref<100xi32, #tpu.memory_space<vmem>>
    %dma_start3A_111 = arith.constant 0 : i32
    %dma_start3A_112 = arith.constant 0 : i32
    %dma_start3A_113 = tpu.memref_slice %arg3[%dma_start3A_111, %dma_start3A_112] : memref<100000x128xf32, #tpu.memory_space<hbm>> -> memref<100000x128xf32, #tpu.memory_space<hbm>>
    tpu.enqueue_indirect_dma source(%dma_start3A_113 : memref<100000x128xf32, #tpu.memory_space<hbm>>) target(%dma_start3A_107 : memref<100x128xf32, #tpu.memory_space<vmem>>) offsets(%dma_start3A_110 : memref<100xi32, #tpu.memory_space<vmem>>) semaphore(%arg13 : memref<!tpu.dma_semaphore, #tpu.memory_space<semaphore_mem>>)
    %dma_start3A_114 = arith.constant 1 : i32
    %dma_start3A_115 = arith.constant 0 : i32
    %dma_start3A_116 = arith.constant 0 : i32
    %dma_start3A_117 = arith.constant 0 : i32
    %dma_start3A_118 = tpu.memref_slice %arg9[%dma_start3A_115, %dma_start3A_116, %dma_start3A_117] : memref<2x200x128xf32, #tpu.memory_space<vmem>> -> memref<1x200x128xf32, #tpu.memory_space<vmem>>
    %dma_start3A_119 = tpu.memref_squeeze %dma_start3A_118 : memref<1x200x128xf32, #tpu.memory_space<vmem>> -> memref<200x128xf32, #tpu.memory_space<vmem>>
    %dma_start3A_120 = arith.constant 100 : i32
    %dma_start3A_121 = arith.constant 0 : i32
    %dma_start3A_122 = tpu.memref_slice %dma_start3A_119[%dma_start3A_120, %dma_start3A_121] : memref<200x128xf32, #tpu.memory_space<vmem>> -> memref<100x128xf32, #tpu.memory_space<vmem>>
    %dma_start3A_123 = arith.constant 0 : i32
    %dma_start3A_124 = tpu.memref_slice %arg8[%dma_start3A_114, %dma_start3A_123] : memref<256x100xi32, #tpu.memory_space<vmem>> -> memref<1x100xi32, #tpu.memory_space<vmem>>
    %dma_start3A_125 = tpu.memref_squeeze %dma_start3A_124 : memref<1x100xi32, #tpu.memory_space<vmem>> -> memref<100xi32, #tpu.memory_space<vmem>>
    %dma_start3A_126 = arith.constant 0 : i32
    %dma_start3A_127 = arith.constant 0 : i32
    %dma_start3A_128 = tpu.memref_slice %arg3[%dma_start3A_126, %dma_start3A_127] : memref<100000x128xf32, #tpu.memory_space<hbm>> -> memref<100000x128xf32, #tpu.memory_space<hbm>>
    tpu.enqueue_indirect_dma source(%dma_start3A_128 : memref<100000x128xf32, #tpu.memory_space<hbm>>) target(%dma_start3A_122 : memref<100x128xf32, #tpu.memory_space<vmem>>) offsets(%dma_start3A_125 : memref<100xi32, #tpu.memory_space<vmem>>) semaphore(%arg13 : memref<!tpu.dma_semaphore, #tpu.memory_space<semaphore_mem>>)
    %scan3A = arith.constant 0 : i32
    %scan3A_129 = arith.constant 0 : i32
    %scan3A_130 = arith.constant 64 : i32
    %scan3A_131 = arith.addi %scan3A_129, %scan3A_130 : i32
    %scan3A_132 = arith.constant 1 : i32
    scf.for %scan3A_151 = %scan3A_129 to %scan3A_131 step %scan3A_132  : i32 {
      %mul3A_152 = arith.constant 2 : i32
      %mul3A_153 = arith.muli %scan3A_151, %mul3A_152 : i32
      %add3A_154 = arith.constant 0 : i32
      %add3A_155 = arith.addi %mul3A_153, %add3A_154 : i32
      %dma_wait3A_156 = arith.constant 0 : i32
      %dma_wait3A_157 = arith.constant 0 : i32
      %dma_wait3A_158 = arith.constant 0 : i32
      %dma_wait3A_159 = arith.constant 0 : i32
      %dma_wait3A_160 = tpu.memref_slice %arg9[%dma_wait3A_157, %dma_wait3A_158, %dma_wait3A_159] : memref<2x200x128xf32, #tpu.memory_space<vmem>> -> memref<1x200x128xf32, #tpu.memory_space<vmem>>
      %dma_wait3A_161 = tpu.memref_squeeze %dma_wait3A_160 : memref<1x200x128xf32, #tpu.memory_space<vmem>> -> memref<200x128xf32, #tpu.memory_space<vmem>>
      %dma_wait3A_162 = arith.constant 0 : i32
      %dma_wait3A_163 = arith.constant 0 : i32
      %dma_wait3A_164 = tpu.memref_slice %dma_wait3A_161[%dma_wait3A_162, %dma_wait3A_163] : memref<200x128xf32, #tpu.memory_space<vmem>> -> memref<100x128xf32, #tpu.memory_space<vmem>>
      %dma_wait3A_165 = arith.constant 0 : i32
      %dma_wait3A_166 = tpu.memref_slice %arg8[%dma_wait3A_156, %dma_wait3A_165] : memref<256x100xi32, #tpu.memory_space<vmem>> -> memref<1x100xi32, #tpu.memory_space<vmem>>
      %dma_wait3A_167 = tpu.memref_squeeze %dma_wait3A_166 : memref<1x100xi32, #tpu.memory_space<vmem>> -> memref<100xi32, #tpu.memory_space<vmem>>
      %dma_wait3A_168 = arith.constant 0 : i32
      %dma_wait3A_169 = arith.constant 0 : i32
      %dma_wait3A_170 = tpu.memref_slice %arg3[%dma_wait3A_168, %dma_wait3A_169] : memref<100000x128xf32, #tpu.memory_space<hbm>> -> memref<100000x128xf32, #tpu.memory_space<hbm>>
      tpu.wait_indirect_dma semaphore(%arg13 : memref<!tpu.dma_semaphore, #tpu.memory_space<semaphore_mem>>) src(%dma_wait3A_170 : memref<100000x128xf32, #tpu.memory_space<hbm>>) dst(%dma_wait3A_164 : memref<100x128xf32, #tpu.memory_space<vmem>>)
      %dma_wait3A_171 = arith.constant 0 : i32
      %dma_wait3A_172 = arith.constant 0 : i32
      %dma_wait3A_173 = arith.constant 0 : i32
      %dma_wait3A_174 = arith.constant 0 : i32
      %dma_wait3A_175 = tpu.memref_slice %arg9[%dma_wait3A_172, %dma_wait3A_173, %dma_wait3A_174] : memref<2x200x128xf32, #tpu.memory_space<vmem>> -> memref<1x200x128xf32, #tpu.memory_space<vmem>>
      %dma_wait3A_176 = tpu.memref_squeeze %dma_wait3A_175 : memref<1x200x128xf32, #tpu.memory_space<vmem>> -> memref<200x128xf32, #tpu.memory_space<vmem>>
      %dma_wait3A_177 = arith.constant 0 : i32
      %dma_wait3A_178 = arith.constant 0 : i32
      %dma_wait3A_179 = tpu.memref_slice %dma_wait3A_176[%dma_wait3A_177, %dma_wait3A_178] : memref<200x128xf32, #tpu.memory_space<vmem>> -> memref<100x128xf32, #tpu.memory_space<vmem>>
      %dma_wait3A_180 = arith.constant 0 : i32
      %dma_wait3A_181 = tpu.memref_slice %arg8[%dma_wait3A_171, %dma_wait3A_180] : memref<256x100xi32, #tpu.memory_space<vmem>> -> memref<1x100xi32, #tpu.memory_space<vmem>>
      %dma_wait3A_182 = tpu.memref_squeeze %dma_wait3A_181 : memref<1x100xi32, #tpu.memory_space<vmem>> -> memref<100xi32, #tpu.memory_space<vmem>>
      %dma_wait3A_183 = arith.constant 0 : i32
      %dma_wait3A_184 = arith.constant 0 : i32
      %dma_wait3A_185 = tpu.memref_slice %arg3[%dma_wait3A_183, %dma_wait3A_184] : memref<100000x128xf32, #tpu.memory_space<hbm>> -> memref<100000x128xf32, #tpu.memory_space<hbm>>
      tpu.wait_indirect_dma semaphore(%arg13 : memref<!tpu.dma_semaphore, #tpu.memory_space<semaphore_mem>>) src(%dma_wait3A_185 : memref<100000x128xf32, #tpu.memory_space<hbm>>) dst(%dma_wait3A_179 : memref<100x128xf32, #tpu.memory_space<vmem>>)
      %parallel_loop3A = arith.constant 0 : i32
      %parallel_loop3A_186 = arith.constant 100 : i32
      %parallel_loop3A_187 = arith.constant 1 : i32
      %parallel_loop3A_188 = arith.constant 0 : i32
      scf.for %parallel_loop3A_331 = %parallel_loop3A to %parallel_loop3A_186 step %parallel_loop3A_187  : i32 {
        %parallel_loop3A_332 = arith.constant 0 : i32
        %parallel_loop3A_333 = arith.constant 0 : i32
        %parallel_loop3A_334 = tpu.memref_slice %arg9[%parallel_loop3A_188, %parallel_loop3A_332, %parallel_loop3A_333] : memref<2x200x128xf32, #tpu.memory_space<vmem>> -> memref<1x200x128xf32, #tpu.memory_space<vmem>>
        %parallel_loop3A_335 = tpu.memref_squeeze %parallel_loop3A_334 : memref<1x200x128xf32, #tpu.memory_space<vmem>> -> memref<200x128xf32, #tpu.memory_space<vmem>>
        %parallel_loop3A_336 = arith.index_cast %parallel_loop3A_331 : i32 to index
        %parallel_loop3A_337 = arith.constant 0 : index
        %parallel_loop3A_338 = tpu.vector_load %parallel_loop3A_335[%parallel_loop3A_336, %parallel_loop3A_337] {strides = array<i32>} : memref<200x128xf32, #tpu.memory_space<vmem>>, vector<1x16xf32>,
        %parallel_loop3A_339 = vector.shape_cast %parallel_loop3A_338 : vector<1x16xf32> to vector<16xf32>
        %parallel_loop3A_340 = arith.index_cast %parallel_loop3A_331 : i32 to index
        %parallel_loop3A_341 = arith.constant 0 : index
        %parallel_loop3A_342 = tpu.vector_load %arg10[%parallel_loop3A_340, %parallel_loop3A_341] {strides = array<i32>} : memref<200x128xf32, #tpu.memory_space<vmem>>, vector<1x16xf32>,
        %parallel_loop3A_343 = vector.shape_cast %parallel_loop3A_342 : vector<1x16xf32> to vector<16xf32>
        %parallel_loop3A_344 = arith.addf %parallel_loop3A_339, %parallel_loop3A_343 : vector<16xf32>
        %parallel_loop3A_345 = arith.constant 0 : i32
        %parallel_loop3A_346 = arith.constant 0 : i32
        %parallel_loop3A_347 = tpu.memref_slice %arg9[%parallel_loop3A_188, %parallel_loop3A_345, %parallel_loop3A_346] : memref<2x200x128xf32, #tpu.memory_space<vmem>> -> memref<1x200x128xf32, #tpu.memory_space<vmem>>
        %parallel_loop3A_348 = tpu.memref_squeeze %parallel_loop3A_347 : memref<1x200x128xf32, #tpu.memory_space<vmem>> -> memref<200x128xf32, #tpu.memory_space<vmem>>
        %parallel_loop3A_349 = arith.index_cast %parallel_loop3A_331 : i32 to index
        %parallel_loop3A_350 = arith.constant 16 : index
        %parallel_loop3A_351 = tpu.vector_load %parallel_loop3A_348[%parallel_loop3A_349, %parallel_loop3A_350] {strides = array<i32>} : memref<200x128xf32, #tpu.memory_space<vmem>>, vector<1x16xf32>,
        %parallel_loop3A_352 = vector.shape_cast %parallel_loop3A_351 : vector<1x16xf32> to vector<16xf32>
        %parallel_loop3A_353 = arith.index_cast %parallel_loop3A_331 : i32 to index
        %parallel_loop3A_354 = arith.constant 16 : index
        %parallel_loop3A_355 = tpu.vector_load %arg10[%parallel_loop3A_353, %parallel_loop3A_354] {strides = array<i32>} : memref<200x128xf32, #tpu.memory_space<vmem>>, vector<1x16xf32>,
        %parallel_loop3A_356 = vector.shape_cast %parallel_loop3A_355 : vector<1x16xf32> to vector<16xf32>
        %parallel_loop3A_357 = arith.addf %parallel_loop3A_352, %parallel_loop3A_356 : vector<16xf32>
        %parallel_loop3A_358 = arith.constant 0 : i32
        %parallel_loop3A_359 = arith.constant 0 : i32
        %parallel_loop3A_360 = tpu.memref_slice %arg9[%parallel_loop3A_188, %parallel_loop3A_358, %parallel_loop3A_359] : memref<2x200x128xf32, #tpu.memory_space<vmem>> -> memref<1x200x128xf32, #tpu.memory_space<vmem>>
        %parallel_loop3A_361 = tpu.memref_squeeze %parallel_loop3A_360 : memref<1x200x128xf32, #tpu.memory_space<vmem>> -> memref<200x128xf32, #tpu.memory_space<vmem>>
        %parallel_loop3A_362 = arith.index_cast %parallel_loop3A_331 : i32 to index
        %parallel_loop3A_363 = arith.constant 32 : index
        %parallel_loop3A_364 = tpu.vector_load %parallel_loop3A_361[%parallel_loop3A_362, %parallel_loop3A_363] {strides = array<i32>} : memref<200x128xf32, #tpu.memory_space<vmem>>, vector<1x16xf32>,
        %parallel_loop3A_365 = vector.shape_cast %parallel_loop3A_364 : vector<1x16xf32> to vector<16xf32>
        %parallel_loop3A_366 = arith.index_cast %parallel_loop3A_331 : i32 to index
        %parallel_loop3A_367 = arith.constant 32 : index
        %parallel_loop3A_368 = tpu.vector_load %arg10[%parallel_loop3A_366, %parallel_loop3A_367] {strides = array<i32>} : memref<200x128xf32, #tpu.memory_space<vmem>>, vector<1x16xf32>,
        %parallel_loop3A_369 = vector.shape_cast %parallel_loop3A_368 : vector<1x16xf32> to vector<16xf32>
        %parallel_loop3A_370 = arith.addf %parallel_loop3A_365, %parallel_loop3A_369 : vector<16xf32>
        %parallel_loop3A_371 = arith.constant 0 : i32
        %parallel_loop3A_372 = arith.constant 0 : i32
        %parallel_loop3A_373 = tpu.memref_slice %arg9[%parallel_loop3A_188, %parallel_loop3A_371, %parallel_loop3A_372] : memref<2x200x128xf32, #tpu.memory_space<vmem>> -> memref<1x200x128xf32, #tpu.memory_space<vmem>>
        %parallel_loop3A_374 = tpu.memref_squeeze %parallel_loop3A_373 : memref<1x200x128xf32, #tpu.memory_space<vmem>> -> memref<200x128xf32, #tpu.memory_space<vmem>>
        %parallel_loop3A_375 = arith.index_cast %parallel_loop3A_331 : i32 to index
        %parallel_loop3A_376 = arith.constant 48 : index
        %parallel_loop3A_377 = tpu.vector_load %parallel_loop3A_374[%parallel_loop3A_375, %parallel_loop3A_376] {strides = array<i32>} : memref<200x128xf32, #tpu.memory_space<vmem>>, vector<1x16xf32>,
        %parallel_loop3A_378 = vector.shape_cast %parallel_loop3A_377 : vector<1x16xf32> to vector<16xf32>
        %parallel_loop3A_379 = arith.index_cast %parallel_loop3A_331 : i32 to index
        %parallel_loop3A_380 = arith.constant 48 : index
        %parallel_loop3A_381 = tpu.vector_load %arg10[%parallel_loop3A_379, %parallel_loop3A_380] {strides = array<i32>} : memref<200x128xf32, #tpu.memory_space<vmem>>, vector<1x16xf32>,
        %parallel_loop3A_382 = vector.shape_cast %parallel_loop3A_381 : vector<1x16xf32> to vector<16xf32>
        %parallel_loop3A_383 = arith.addf %parallel_loop3A_378, %parallel_loop3A_382 : vector<16xf32>
        %parallel_loop3A_384 = arith.constant 0 : i32
        %parallel_loop3A_385 = arith.constant 0 : i32
        %parallel_loop3A_386 = tpu.memref_slice %arg9[%parallel_loop3A_188, %parallel_loop3A_384, %parallel_loop3A_385] : memref<2x200x128xf32, #tpu.memory_space<vmem>> -> memref<1x200x128xf32, #tpu.memory_space<vmem>>
        %parallel_loop3A_387 = tpu.memref_squeeze %parallel_loop3A_386 : memref<1x200x128xf32, #tpu.memory_space<vmem>> -> memref<200x128xf32, #tpu.memory_space<vmem>>
        %parallel_loop3A_388 = arith.index_cast %parallel_loop3A_331 : i32 to index
        %parallel_loop3A_389 = arith.constant 64 : index
        %parallel_loop3A_390 = tpu.vector_load %parallel_loop3A_387[%parallel_loop3A_388, %parallel_loop3A_389] {strides = array<i32>} : memref<200x128xf32, #tpu.memory_space<vmem>>, vector<1x16xf32>,
        %parallel_loop3A_391 = vector.shape_cast %parallel_loop3A_390 : vector<1x16xf32> to vector<16xf32>
        %parallel_loop3A_392 = arith.index_cast %parallel_loop3A_331 : i32 to index
        %parallel_loop3A_393 = arith.constant 64 : index
        %parallel_loop3A_394 = tpu.vector_load %arg10[%parallel_loop3A_392, %parallel_loop3A_393] {strides = array<i32>} : memref<200x128xf32, #tpu.memory_space<vmem>>, vector<1x16xf32>,
        %parallel_loop3A_395 = vector.shape_cast %parallel_loop3A_394 : vector<1x16xf32> to vector<16xf32>
        %parallel_loop3A_396 = arith.addf %parallel_loop3A_391, %parallel_loop3A_395 : vector<16xf32>
        %parallel_loop3A_397 = arith.constant 0 : i32
        %parallel_loop3A_398 = arith.constant 0 : i32
        %parallel_loop3A_399 = tpu.memref_slice %arg9[%parallel_loop3A_188, %parallel_loop3A_397, %parallel_loop3A_398] : memref<2x200x128xf32, #tpu.memory_space<vmem>> -> memref<1x200x128xf32, #tpu.memory_space<vmem>>
        %parallel_loop3A_400 = tpu.memref_squeeze %parallel_loop3A_399 : memref<1x200x128xf32, #tpu.memory_space<vmem>> -> memref<200x128xf32, #tpu.memory_space<vmem>>
        %parallel_loop3A_401 = arith.index_cast %parallel_loop3A_331 : i32 to index
        %parallel_loop3A_402 = arith.constant 80 : index
        %parallel_loop3A_403 = tpu.vector_load %parallel_loop3A_400[%parallel_loop3A_401, %parallel_loop3A_402] {strides = array<i32>} : memref<200x128xf32, #tpu.memory_space<vmem>>, vector<1x16xf32>,
        %parallel_loop3A_404 = vector.shape_cast %parallel_loop3A_403 : vector<1x16xf32> to vector<16xf32>
        %parallel_loop3A_405 = arith.index_cast %parallel_loop3A_331 : i32 to index
        %parallel_loop3A_406 = arith.constant 80 : index
        %parallel_loop3A_407 = tpu.vector_load %arg10[%parallel_loop3A_405, %parallel_loop3A_406] {strides = array<i32>} : memref<200x128xf32, #tpu.memory_space<vmem>>, vector<1x16xf32>,
        %parallel_loop3A_408 = vector.shape_cast %parallel_loop3A_407 : vector<1x16xf32> to vector<16xf32>
        %parallel_loop3A_409 = arith.addf %parallel_loop3A_404, %parallel_loop3A_408 : vector<16xf32>
        %parallel_loop3A_410 = arith.constant 0 : i32
        %parallel_loop3A_411 = arith.constant 0 : i32
        %parallel_loop3A_412 = tpu.memref_slice %arg9[%parallel_loop3A_188, %parallel_loop3A_410, %parallel_loop3A_411] : memref<2x200x128xf32, #tpu.memory_space<vmem>> -> memref<1x200x128xf32, #tpu.memory_space<vmem>>
        %parallel_loop3A_413 = tpu.memref_squeeze %parallel_loop3A_412 : memref<1x200x128xf32, #tpu.memory_space<vmem>> -> memref<200x128xf32, #tpu.memory_space<vmem>>
        %parallel_loop3A_414 = arith.index_cast %parallel_loop3A_331 : i32 to index
        %parallel_loop3A_415 = arith.constant 96 : index
        %parallel_loop3A_416 = tpu.vector_load %parallel_loop3A_413[%parallel_loop3A_414, %parallel_loop3A_415] {strides = array<i32>} : memref<200x128xf32, #tpu.memory_space<vmem>>, vector<1x16xf32>,
        %parallel_loop3A_417 = vector.shape_cast %parallel_loop3A_416 : vector<1x16xf32> to vector<16xf32>
        %parallel_loop3A_418 = arith.index_cast %parallel_loop3A_331 : i32 to index
        %parallel_loop3A_419 = arith.constant 96 : index
        %parallel_loop3A_420 = tpu.vector_load %arg10[%parallel_loop3A_418, %parallel_loop3A_419] {strides = array<i32>} : memref<200x128xf32, #tpu.memory_space<vmem>>, vector<1x16xf32>,
        %parallel_loop3A_421 = vector.shape_cast %parallel_loop3A_420 : vector<1x16xf32> to vector<16xf32>
        %parallel_loop3A_422 = arith.addf %parallel_loop3A_417, %parallel_loop3A_421 : vector<16xf32>
        %parallel_loop3A_423 = arith.constant 0 : i32
        %parallel_loop3A_424 = arith.constant 0 : i32
        %parallel_loop3A_425 = tpu.memref_slice %arg9[%parallel_loop3A_188, %parallel_loop3A_423, %parallel_loop3A_424] : memref<2x200x128xf32, #tpu.memory_space<vmem>> -> memref<1x200x128xf32, #tpu.memory_space<vmem>>
        %parallel_loop3A_426 = tpu.memref_squeeze %parallel_loop3A_425 : memref<1x200x128xf32, #tpu.memory_space<vmem>> -> memref<200x128xf32, #tpu.memory_space<vmem>>
        %parallel_loop3A_427 = arith.index_cast %parallel_loop3A_331 : i32 to index
        %parallel_loop3A_428 = arith.constant 112 : index
        %parallel_loop3A_429 = tpu.vector_load %parallel_loop3A_426[%parallel_loop3A_427, %parallel_loop3A_428] {strides = array<i32>} : memref<200x128xf32, #tpu.memory_space<vmem>>, vector<1x16xf32>,
        %parallel_loop3A_430 = vector.shape_cast %parallel_loop3A_429 : vector<1x16xf32> to vector<16xf32>
        %parallel_loop3A_431 = arith.index_cast %parallel_loop3A_331 : i32 to index
        %parallel_loop3A_432 = arith.constant 112 : index
        %parallel_loop3A_433 = tpu.vector_load %arg10[%parallel_loop3A_431, %parallel_loop3A_432] {strides = array<i32>} : memref<200x128xf32, #tpu.memory_space<vmem>>, vector<1x16xf32>,
        %parallel_loop3A_434 = vector.shape_cast %parallel_loop3A_433 : vector<1x16xf32> to vector<16xf32>
        %parallel_loop3A_435 = arith.addf %parallel_loop3A_430, %parallel_loop3A_434 : vector<16xf32>
        %parallel_loop3A_436 = arith.mulf %parallel_loop3A_344, %parallel_loop3A_344 : vector<16xf32>
        %parallel_loop3A_437 = arith.mulf %parallel_loop3A_357, %parallel_loop3A_357 : vector<16xf32>
        %parallel_loop3A_438 = arith.mulf %parallel_loop3A_370, %parallel_loop3A_370 : vector<16xf32>
        %parallel_loop3A_439 = arith.mulf %parallel_loop3A_383, %parallel_loop3A_383 : vector<16xf32>
        %parallel_loop3A_440 = arith.mulf %parallel_loop3A_396, %parallel_loop3A_396 : vector<16xf32>
        %parallel_loop3A_441 = arith.mulf %parallel_loop3A_409, %parallel_loop3A_409 : vector<16xf32>
        %parallel_loop3A_442 = arith.mulf %parallel_loop3A_422, %parallel_loop3A_422 : vector<16xf32>
        %parallel_loop3A_443 = arith.mulf %parallel_loop3A_435, %parallel_loop3A_435 : vector<16xf32>
        %parallel_loop3A_444 = arith.addf %parallel_loop3A_344, %parallel_loop3A_357 : vector<16xf32>
        %parallel_loop3A_445 = arith.addf %parallel_loop3A_370, %parallel_loop3A_383 : vector<16xf32>
        %parallel_loop3A_446 = arith.addf %parallel_loop3A_396, %parallel_loop3A_409 : vector<16xf32>
        %parallel_loop3A_447 = arith.addf %parallel_loop3A_422, %parallel_loop3A_435 : vector<16xf32>
        %parallel_loop3A_448 = arith.addf %parallel_loop3A_444, %parallel_loop3A_445 : vector<16xf32>
        %parallel_loop3A_449 = arith.addf %parallel_loop3A_446, %parallel_loop3A_447 : vector<16xf32>
        %parallel_loop3A_450 = arith.addf %parallel_loop3A_448, %parallel_loop3A_449 : vector<16xf32>
        %parallel_loop3A_451 = tpu.iota {dimensions = array<i32: 0>} : vector<16xi32>
        %parallel_loop3A_452 = arith.constant 8 : i32
        %parallel_loop3A_453 = vector.broadcast %parallel_loop3A_452 : i32 to vector<16xi32>
        %parallel_loop3A_454 = arith.xori %parallel_loop3A_451, %parallel_loop3A_453 : vector<16xi32>
        %parallel_loop3A_455 = vector.shape_cast %parallel_loop3A_454 : vector<16xi32> to vector<16x1xi32>
        %parallel_loop3A_456 = vector.shape_cast %parallel_loop3A_455 : vector<16x1xi32> to vector<16xi32>
        %parallel_loop3A_457 = tpu.dynamic_gather %parallel_loop3A_450[%parallel_loop3A_456] in [0] : vector<16xf32>, vector<16xi32> -> vector<16xf32>
        %parallel_loop3A_458 = arith.addf %parallel_loop3A_450, %parallel_loop3A_457 : vector<16xf32>
        %parallel_loop3A_459 = tpu.iota {dimensions = array<i32: 0>} : vector<16xi32>
        %parallel_loop3A_460 = arith.constant 4 : i32
        %parallel_loop3A_461 = vector.broadcast %parallel_loop3A_460 : i32 to vector<16xi32>
        %parallel_loop3A_462 = arith.xori %parallel_loop3A_459, %parallel_loop3A_461 : vector<16xi32>
        %parallel_loop3A_463 = vector.shape_cast %parallel_loop3A_462 : vector<16xi32> to vector<16x1xi32>
        %parallel_loop3A_464 = vector.shape_cast %parallel_loop3A_463 : vector<16x1xi32> to vector<16xi32>
        %parallel_loop3A_465 = tpu.dynamic_gather %parallel_loop3A_458[%parallel_loop3A_464] in [0] : vector<16xf32>, vector<16xi32> -> vector<16xf32>
        %parallel_loop3A_466 = arith.addf %parallel_loop3A_458, %parallel_loop3A_465 : vector<16xf32>
        %parallel_loop3A_467 = tpu.iota {dimensions = array<i32: 0>} : vector<16xi32>
        %parallel_loop3A_468 = arith.constant 2 : i32
        %parallel_loop3A_469 = vector.broadcast %parallel_loop3A_468 : i32 to vector<16xi32>
        %parallel_loop3A_470 = arith.xori %parallel_loop3A_467, %parallel_loop3A_469 : vector<16xi32>
        %parallel_loop3A_471 = vector.shape_cast %parallel_loop3A_470 : vector<16xi32> to vector<16x1xi32>
        %parallel_loop3A_472 = vector.shape_cast %parallel_loop3A_471 : vector<16x1xi32> to vector<16xi32>
        %parallel_loop3A_473 = tpu.dynamic_gather %parallel_loop3A_466[%parallel_loop3A_472] in [0] : vector<16xf32>, vector<16xi32> -> vector<16xf32>
        %parallel_loop3A_474 = arith.addf %parallel_loop3A_466, %parallel_loop3A_473 : vector<16xf32>
        %parallel_loop3A_475 = tpu.iota {dimensions = array<i32: 0>} : vector<16xi32>
        %parallel_loop3A_476 = arith.constant 1 : i32
        %parallel_loop3A_477 = vector.broadcast %parallel_loop3A_476 : i32 to vector<16xi32>
        %parallel_loop3A_478 = arith.xori %parallel_loop3A_475, %parallel_loop3A_477 : vector<16xi32>
        %parallel_loop3A_479 = vector.shape_cast %parallel_loop3A_478 : vector<16xi32> to vector<16x1xi32>
        %parallel_loop3A_480 = vector.shape_cast %parallel_loop3A_479 : vector<16x1xi32> to vector<16xi32>
        %parallel_loop3A_481 = tpu.dynamic_gather %parallel_loop3A_474[%parallel_loop3A_480] in [0] : vector<16xf32>, vector<16xi32> -> vector<16xf32>
        %parallel_loop3A_482 = arith.addf %parallel_loop3A_474, %parallel_loop3A_481 : vector<16xf32>
        %parallel_loop3A_483 = arith.addf %parallel_loop3A_436, %parallel_loop3A_437 : vector<16xf32>
        %parallel_loop3A_484 = arith.addf %parallel_loop3A_438, %parallel_loop3A_439 : vector<16xf32>
        %parallel_loop3A_485 = arith.addf %parallel_loop3A_440, %parallel_loop3A_441 : vector<16xf32>
        %parallel_loop3A_486 = arith.addf %parallel_loop3A_442, %parallel_loop3A_443 : vector<16xf32>
        %parallel_loop3A_487 = arith.addf %parallel_loop3A_483, %parallel_loop3A_484 : vector<16xf32>
        %parallel_loop3A_488 = arith.addf %parallel_loop3A_485, %parallel_loop3A_486 : vector<16xf32>
        %parallel_loop3A_489 = arith.addf %parallel_loop3A_487, %parallel_loop3A_488 : vector<16xf32>
        %parallel_loop3A_490 = tpu.iota {dimensions = array<i32: 0>} : vector<16xi32>
        %parallel_loop3A_491 = arith.constant 8 : i32
        %parallel_loop3A_492 = vector.broadcast %parallel_loop3A_491 : i32 to vector<16xi32>
        %parallel_loop3A_493 = arith.xori %parallel_loop3A_490, %parallel_loop3A_492 : vector<16xi32>
        %parallel_loop3A_494 = vector.shape_cast %parallel_loop3A_493 : vector<16xi32> to vector<16x1xi32>
        %parallel_loop3A_495 = vector.shape_cast %parallel_loop3A_494 : vector<16x1xi32> to vector<16xi32>
        %parallel_loop3A_496 = tpu.dynamic_gather %parallel_loop3A_489[%parallel_loop3A_495] in [0] : vector<16xf32>, vector<16xi32> -> vector<16xf32>
        %parallel_loop3A_497 = arith.addf %parallel_loop3A_489, %parallel_loop3A_496 : vector<16xf32>
        %parallel_loop3A_498 = tpu.iota {dimensions = array<i32: 0>} : vector<16xi32>
        %parallel_loop3A_499 = arith.constant 4 : i32
        %parallel_loop3A_500 = vector.broadcast %parallel_loop3A_499 : i32 to vector<16xi32>
        %parallel_loop3A_501 = arith.xori %parallel_loop3A_498, %parallel_loop3A_500 : vector<16xi32>
        %parallel_loop3A_502 = vector.shape_cast %parallel_loop3A_501 : vector<16xi32> to vector<16x1xi32>
        %parallel_loop3A_503 = vector.shape_cast %parallel_loop3A_502 : vector<16x1xi32> to vector<16xi32>
        %parallel_loop3A_504 = tpu.dynamic_gather %parallel_loop3A_497[%parallel_loop3A_503] in [0] : vector<16xf32>, vector<16xi32> -> vector<16xf32>
        %parallel_loop3A_505 = arith.addf %parallel_loop3A_497, %parallel_loop3A_504 : vector<16xf32>
        %parallel_loop3A_506 = tpu.iota {dimensions = array<i32: 0>} : vector<16xi32>
        %parallel_loop3A_507 = arith.constant 2 : i32
        %parallel_loop3A_508 = vector.broadcast %parallel_loop3A_507 : i32 to vector<16xi32>
        %parallel_loop3A_509 = arith.xori %parallel_loop3A_506, %parallel_loop3A_508 : vector<16xi32>
        %parallel_loop3A_510 = vector.shape_cast %parallel_loop3A_509 : vector<16xi32> to vector<16x1xi32>
        %parallel_loop3A_511 = vector.shape_cast %parallel_loop3A_510 : vector<16x1xi32> to vector<16xi32>
        %parallel_loop3A_512 = tpu.dynamic_gather %parallel_loop3A_505[%parallel_loop3A_511] in [0] : vector<16xf32>, vector<16xi32> -> vector<16xf32>
        %parallel_loop3A_513 = arith.addf %parallel_loop3A_505, %parallel_loop3A_512 : vector<16xf32>
        %parallel_loop3A_514 = tpu.iota {dimensions = array<i32: 0>} : vector<16xi32>
        %parallel_loop3A_515 = arith.constant 1 : i32
        %parallel_loop3A_516 = vector.broadcast %parallel_loop3A_515 : i32 to vector<16xi32>
        %parallel_loop3A_517 = arith.xori %parallel_loop3A_514, %parallel_loop3A_516 : vector<16xi32>
        %parallel_loop3A_518 = vector.shape_cast %parallel_loop3A_517 : vector<16xi32> to vector<16x1xi32>
        %parallel_loop3A_519 = vector.shape_cast %parallel_loop3A_518 : vector<16x1xi32> to vector<16xi32>
        %parallel_loop3A_520 = tpu.dynamic_gather %parallel_loop3A_513[%parallel_loop3A_519] in [0] : vector<16xf32>, vector<16xi32> -> vector<16xf32>
        %parallel_loop3A_521 = arith.addf %parallel_loop3A_513, %parallel_loop3A_520 : vector<16xf32>
        %parallel_loop3A_522 = arith.constant 7.812500e-03 : f32
        %parallel_loop3A_523 = vector.broadcast %parallel_loop3A_522 : f32 to vector<16xf32>
        %parallel_loop3A_524 = arith.mulf %parallel_loop3A_482, %parallel_loop3A_523 : vector<16xf32>
        %parallel_loop3A_525 = arith.mulf %parallel_loop3A_524, %parallel_loop3A_524 : vector<16xf32>
        %parallel_loop3A_526 = arith.constant 1.280000e+02 : f32
        %parallel_loop3A_527 = vector.broadcast %parallel_loop3A_526 : f32 to vector<16xf32>
        %parallel_loop3A_528 = arith.mulf %parallel_loop3A_525, %parallel_loop3A_527 : vector<16xf32>
        %parallel_loop3A_529 = arith.subf %parallel_loop3A_521, %parallel_loop3A_528 : vector<16xf32>
        %parallel_loop3A_530 = arith.constant 0.00787401571 : f32
        %parallel_loop3A_531 = vector.broadcast %parallel_loop3A_530 : f32 to vector<16xf32>
        %parallel_loop3A_532 = arith.mulf %parallel_loop3A_529, %parallel_loop3A_531 : vector<16xf32>
        %parallel_loop3A_533 = arith.constant 9.99999996E-13 : f32
        %parallel_loop3A_534 = vector.broadcast %parallel_loop3A_533 : f32 to vector<16xf32>
        %parallel_loop3A_535 = arith.maximumf %parallel_loop3A_532, %parallel_loop3A_534 : vector<16xf32>
        %parallel_loop3A_536 = tpu.bitcast %parallel_loop3A_535 : vector<16xf32> -> vector<16xi32>
        %parallel_loop3A_537 = arith.constant 1 : i32
        %parallel_loop3A_538 = vector.broadcast %parallel_loop3A_537 : i32 to vector<16xi32>
        %parallel_loop3A_539 = arith.shrui %parallel_loop3A_536, %parallel_loop3A_538 : vector<16xi32>
        %parallel_loop3A_540 = arith.constant 1597463007 : i32
        %parallel_loop3A_541 = vector.broadcast %parallel_loop3A_540 : i32 to vector<16xi32>
        %parallel_loop3A_542 = arith.subi %parallel_loop3A_541, %parallel_loop3A_539 : vector<16xi32>
        %parallel_loop3A_543 = tpu.bitcast %parallel_loop3A_542 : vector<16xi32> -> vector<16xf32>
        %parallel_loop3A_544 = arith.constant 5.000000e-01 : f32
        %parallel_loop3A_545 = vector.broadcast %parallel_loop3A_544 : f32 to vector<16xf32>
        %parallel_loop3A_546 = arith.mulf %parallel_loop3A_535, %parallel_loop3A_545 : vector<16xf32>
        %parallel_loop3A_547 = arith.mulf %parallel_loop3A_546, %parallel_loop3A_543 : vector<16xf32>
        %parallel_loop3A_548 = arith.mulf %parallel_loop3A_547, %parallel_loop3A_543 : vector<16xf32>
        %parallel_loop3A_549 = arith.constant 1.500000e+00 : f32
        %parallel_loop3A_550 = vector.broadcast %parallel_loop3A_549 : f32 to vector<16xf32>
        %parallel_loop3A_551 = arith.subf %parallel_loop3A_550, %parallel_loop3A_548 : vector<16xf32>
        %parallel_loop3A_552 = arith.mulf %parallel_loop3A_543, %parallel_loop3A_551 : vector<16xf32>
        %parallel_loop3A_553 = arith.mulf %parallel_loop3A_552, %mul3A_7 : vector<16xf32>
        %parallel_loop3A_554 = arith.subf %parallel_loop3A_344, %parallel_loop3A_524 : vector<16xf32>
        %parallel_loop3A_555 = arith.mulf %parallel_loop3A_554, %parallel_loop3A_553 : vector<16xf32>
        %parallel_loop3A_556 = arith.addf %parallel_loop3A_555, %mul3A_55 : vector<16xf32>
        %parallel_loop3A_557 = arith.constant 0 : i32
        %parallel_loop3A_558 = arith.constant 0 : i32
        %parallel_loop3A_559 = tpu.memref_slice %arg9[%parallel_loop3A_188, %parallel_loop3A_557, %parallel_loop3A_558] : memref<2x200x128xf32, #tpu.memory_space<vmem>> -> memref<1x200x128xf32, #tpu.memory_space<vmem>>
        %parallel_loop3A_560 = tpu.memref_squeeze %parallel_loop3A_559 : memref<1x200x128xf32, #tpu.memory_space<vmem>> -> memref<200x128xf32, #tpu.memory_space<vmem>>
        %parallel_loop3A_561 = arith.index_cast %parallel_loop3A_331 : i32 to index
        %parallel_loop3A_562 = arith.constant 0 : index
        %parallel_loop3A_563 = tpu.vector_load %parallel_loop3A_560[%parallel_loop3A_561, %parallel_loop3A_562] {strides = array<i32>} : memref<200x128xf32, #tpu.memory_space<vmem>>, vector<1x16xf32>,
        %parallel_loop3A_564 = vector.shape_cast %parallel_loop3A_563 : vector<1x16xf32> to vector<16xf32>
        %parallel_loop3A_565 = vector.shape_cast %parallel_loop3A_556 : vector<16xf32> to vector<1x16xf32>
        tpu.vector_store %parallel_loop3A_560[%parallel_loop3A_561, %parallel_loop3A_562], %parallel_loop3A_565 {strides = array<i32>} : memref<200x128xf32, #tpu.memory_space<vmem>>, vector<1x16xf32>,
        %parallel_loop3A_566 = arith.mulf %parallel_loop3A_552, %mul3A_13 : vector<16xf32>
        %parallel_loop3A_567 = arith.subf %parallel_loop3A_357, %parallel_loop3A_524 : vector<16xf32>
        %parallel_loop3A_568 = arith.mulf %parallel_loop3A_567, %parallel_loop3A_566 : vector<16xf32>
        %parallel_loop3A_569 = arith.addf %parallel_loop3A_568, %mul3A_61 : vector<16xf32>
        %parallel_loop3A_570 = arith.constant 0 : i32
        %parallel_loop3A_571 = arith.constant 0 : i32
        %parallel_loop3A_572 = tpu.memref_slice %arg9[%parallel_loop3A_188, %parallel_loop3A_570, %parallel_loop3A_571] : memref<2x200x128xf32, #tpu.memory_space<vmem>> -> memref<1x200x128xf32, #tpu.memory_space<vmem>>
        %parallel_loop3A_573 = tpu.memref_squeeze %parallel_loop3A_572 : memref<1x200x128xf32, #tpu.memory_space<vmem>> -> memref<200x128xf32, #tpu.memory_space<vmem>>
        %parallel_loop3A_574 = arith.index_cast %parallel_loop3A_331 : i32 to index
        %parallel_loop3A_575 = arith.constant 16 : index
        %parallel_loop3A_576 = tpu.vector_load %parallel_loop3A_573[%parallel_loop3A_574, %parallel_loop3A_575] {strides = array<i32>} : memref<200x128xf32, #tpu.memory_space<vmem>>, vector<1x16xf32>,
        %parallel_loop3A_577 = vector.shape_cast %parallel_loop3A_576 : vector<1x16xf32> to vector<16xf32>
        %parallel_loop3A_578 = vector.shape_cast %parallel_loop3A_569 : vector<16xf32> to vector<1x16xf32>
        tpu.vector_store %parallel_loop3A_573[%parallel_loop3A_574, %parallel_loop3A_575], %parallel_loop3A_578 {strides = array<i32>} : memref<200x128xf32, #tpu.memory_space<vmem>>, vector<1x16xf32>,
        %parallel_loop3A_579 = arith.mulf %parallel_loop3A_552, %mul3A_19 : vector<16xf32>
        %parallel_loop3A_580 = arith.subf %parallel_loop3A_370, %parallel_loop3A_524 : vector<16xf32>
        %parallel_loop3A_581 = arith.mulf %parallel_loop3A_580, %parallel_loop3A_579 : vector<16xf32>
        %parallel_loop3A_582 = arith.addf %parallel_loop3A_581, %mul3A_67 : vector<16xf32>
        %parallel_loop3A_583 = arith.constant 0 : i32
        %parallel_loop3A_584 = arith.constant 0 : i32
        %parallel_loop3A_585 = tpu.memref_slice %arg9[%parallel_loop3A_188, %parallel_loop3A_583, %parallel_loop3A_584] : memref<2x200x128xf32, #tpu.memory_space<vmem>> -> memref<1x200x128xf32, #tpu.memory_space<vmem>>
        %parallel_loop3A_586 = tpu.memref_squeeze %parallel_loop3A_585 : memref<1x200x128xf32, #tpu.memory_space<vmem>> -> memref<200x128xf32, #tpu.memory_space<vmem>>
        %parallel_loop3A_587 = arith.index_cast %parallel_loop3A_331 : i32 to index
        %parallel_loop3A_588 = arith.constant 32 : index
        %parallel_loop3A_589 = tpu.vector_load %parallel_loop3A_586[%parallel_loop3A_587, %parallel_loop3A_588] {strides = array<i32>} : memref<200x128xf32, #tpu.memory_space<vmem>>, vector<1x16xf32>,
        %parallel_loop3A_590 = vector.shape_cast %parallel_loop3A_589 : vector<1x16xf32> to vector<16xf32>
        %parallel_loop3A_591 = vector.shape_cast %parallel_loop3A_582 : vector<16xf32> to vector<1x16xf32>
        tpu.vector_store %parallel_loop3A_586[%parallel_loop3A_587, %parallel_loop3A_588], %parallel_loop3A_591 {strides = array<i32>} : memref<200x128xf32, #tpu.memory_space<vmem>>, vector<1x16xf32>,
        %parallel_loop3A_592 = arith.mulf %parallel_loop3A_552, %mul3A_25 : vector<16xf32>
        %parallel_loop3A_593 = arith.subf %parallel_loop3A_383, %parallel_loop3A_524 : vector<16xf32>
        %parallel_loop3A_594 = arith.mulf %parallel_loop3A_593, %parallel_loop3A_592 : vector<16xf32>
        %parallel_loop3A_595 = arith.addf %parallel_loop3A_594, %mul3A_73 : vector<16xf32>
        %parallel_loop3A_596 = arith.constant 0 : i32
        %parallel_loop3A_597 = arith.constant 0 : i32
        %parallel_loop3A_598 = tpu.memref_slice %arg9[%parallel_loop3A_188, %parallel_loop3A_596, %parallel_loop3A_597] : memref<2x200x128xf32, #tpu.memory_space<vmem>> -> memref<1x200x128xf32, #tpu.memory_space<vmem>>
        %parallel_loop3A_599 = tpu.memref_squeeze %parallel_loop3A_598 : memref<1x200x128xf32, #tpu.memory_space<vmem>> -> memref<200x128xf32, #tpu.memory_space<vmem>>
        %parallel_loop3A_600 = arith.index_cast %parallel_loop3A_331 : i32 to index
        %parallel_loop3A_601 = arith.constant 48 : index
        %parallel_loop3A_602 = tpu.vector_load %parallel_loop3A_599[%parallel_loop3A_600, %parallel_loop3A_601] {strides = array<i32>} : memref<200x128xf32, #tpu.memory_space<vmem>>, vector<1x16xf32>,
        %parallel_loop3A_603 = vector.shape_cast %parallel_loop3A_602 : vector<1x16xf32> to vector<16xf32>
        %parallel_loop3A_604 = vector.shape_cast %parallel_loop3A_595 : vector<16xf32> to vector<1x16xf32>
        tpu.vector_store %parallel_loop3A_599[%parallel_loop3A_600, %parallel_loop3A_601], %parallel_loop3A_604 {strides = array<i32>} : memref<200x128xf32, #tpu.memory_space<vmem>>, vector<1x16xf32>,
        %parallel_loop3A_605 = arith.mulf %parallel_loop3A_552, %mul3A_31 : vector<16xf32>
        %parallel_loop3A_606 = arith.subf %parallel_loop3A_396, %parallel_loop3A_524 : vector<16xf32>
        %parallel_loop3A_607 = arith.mulf %parallel_loop3A_606, %parallel_loop3A_605 : vector<16xf32>
        %parallel_loop3A_608 = arith.addf %parallel_loop3A_607, %mul3A_79 : vector<16xf32>
        %parallel_loop3A_609 = arith.constant 0 : i32
        %parallel_loop3A_610 = arith.constant 0 : i32
        %parallel_loop3A_611 = tpu.memref_slice %arg9[%parallel_loop3A_188, %parallel_loop3A_609, %parallel_loop3A_610] : memref<2x200x128xf32, #tpu.memory_space<vmem>> -> memref<1x200x128xf32, #tpu.memory_space<vmem>>
        %parallel_loop3A_612 = tpu.memref_squeeze %parallel_loop3A_611 : memref<1x200x128xf32, #tpu.memory_space<vmem>> -> memref<200x128xf32, #tpu.memory_space<vmem>>
        %parallel_loop3A_613 = arith.index_cast %parallel_loop3A_331 : i32 to index
        %parallel_loop3A_614 = arith.constant 64 : index
        %parallel_loop3A_615 = tpu.vector_load %parallel_loop3A_612[%parallel_loop3A_613, %parallel_loop3A_614] {strides = array<i32>} : memref<200x128xf32, #tpu.memory_space<vmem>>, vector<1x16xf32>,
        %parallel_loop3A_616 = vector.shape_cast %parallel_loop3A_615 : vector<1x16xf32> to vector<16xf32>
        %parallel_loop3A_617 = vector.shape_cast %parallel_loop3A_608 : vector<16xf32> to vector<1x16xf32>
        tpu.vector_store %parallel_loop3A_612[%parallel_loop3A_613, %parallel_loop3A_614], %parallel_loop3A_617 {strides = array<i32>} : memref<200x128xf32, #tpu.memory_space<vmem>>, vector<1x16xf32>,
        %parallel_loop3A_618 = arith.mulf %parallel_loop3A_552, %mul3A_37 : vector<16xf32>
        %parallel_loop3A_619 = arith.subf %parallel_loop3A_409, %parallel_loop3A_524 : vector<16xf32>
        %parallel_loop3A_620 = arith.mulf %parallel_loop3A_619, %parallel_loop3A_618 : vector<16xf32>
        %parallel_loop3A_621 = arith.addf %parallel_loop3A_620, %mul3A_85 : vector<16xf32>
        %parallel_loop3A_622 = arith.constant 0 : i32
        %parallel_loop3A_623 = arith.constant 0 : i32
        %parallel_loop3A_624 = tpu.memref_slice %arg9[%parallel_loop3A_188, %parallel_loop3A_622, %parallel_loop3A_623] : memref<2x200x128xf32, #tpu.memory_space<vmem>> -> memref<1x200x128xf32, #tpu.memory_space<vmem>>
        %parallel_loop3A_625 = tpu.memref_squeeze %parallel_loop3A_624 : memref<1x200x128xf32, #tpu.memory_space<vmem>> -> memref<200x128xf32, #tpu.memory_space<vmem>>
        %parallel_loop3A_626 = arith.index_cast %parallel_loop3A_331 : i32 to index
        %parallel_loop3A_627 = arith.constant 80 : index
        %parallel_loop3A_628 = tpu.vector_load %parallel_loop3A_625[%parallel_loop3A_626, %parallel_loop3A_627] {strides = array<i32>} : memref<200x128xf32, #tpu.memory_space<vmem>>, vector<1x16xf32>,
        %parallel_loop3A_629 = vector.shape_cast %parallel_loop3A_628 : vector<1x16xf32> to vector<16xf32>
        %parallel_loop3A_630 = vector.shape_cast %parallel_loop3A_621 : vector<16xf32> to vector<1x16xf32>
        tpu.vector_store %parallel_loop3A_625[%parallel_loop3A_626, %parallel_loop3A_627], %parallel_loop3A_630 {strides = array<i32>} : memref<200x128xf32, #tpu.memory_space<vmem>>, vector<1x16xf32>,
        %parallel_loop3A_631 = arith.mulf %parallel_loop3A_552, %mul3A_43 : vector<16xf32>
        %parallel_loop3A_632 = arith.subf %parallel_loop3A_422, %parallel_loop3A_524 : vector<16xf32>
        %parallel_loop3A_633 = arith.mulf %parallel_loop3A_632, %parallel_loop3A_631 : vector<16xf32>
        %parallel_loop3A_634 = arith.addf %parallel_loop3A_633, %mul3A_91 : vector<16xf32>
        %parallel_loop3A_635 = arith.constant 0 : i32
        %parallel_loop3A_636 = arith.constant 0 : i32
        %parallel_loop3A_637 = tpu.memref_slice %arg9[%parallel_loop3A_188, %parallel_loop3A_635, %parallel_loop3A_636] : memref<2x200x128xf32, #tpu.memory_space<vmem>> -> memref<1x200x128xf32, #tpu.memory_space<vmem>>
        %parallel_loop3A_638 = tpu.memref_squeeze %parallel_loop3A_637 : memref<1x200x128xf32, #tpu.memory_space<vmem>> -> memref<200x128xf32, #tpu.memory_space<vmem>>
        %parallel_loop3A_639 = arith.index_cast %parallel_loop3A_331 : i32 to index
        %parallel_loop3A_640 = arith.constant 96 : index
        %parallel_loop3A_641 = tpu.vector_load %parallel_loop3A_638[%parallel_loop3A_639, %parallel_loop3A_640] {strides = array<i32>} : memref<200x128xf32, #tpu.memory_space<vmem>>, vector<1x16xf32>,
        %parallel_loop3A_642 = vector.shape_cast %parallel_loop3A_641 : vector<1x16xf32> to vector<16xf32>
        %parallel_loop3A_643 = vector.shape_cast %parallel_loop3A_634 : vector<16xf32> to vector<1x16xf32>
        tpu.vector_store %parallel_loop3A_638[%parallel_loop3A_639, %parallel_loop3A_640], %parallel_loop3A_643 {strides = array<i32>} : memref<200x128xf32, #tpu.memory_space<vmem>>, vector<1x16xf32>,
        %parallel_loop3A_644 = arith.mulf %parallel_loop3A_552, %mul3A_49 : vector<16xf32>
        %parallel_loop3A_645 = arith.subf %parallel_loop3A_435, %parallel_loop3A_524 : vector<16xf32>
        %parallel_loop3A_646 = arith.mulf %parallel_loop3A_645, %parallel_loop3A_644 : vector<16xf32>
        %parallel_loop3A_647 = arith.addf %parallel_loop3A_646, %mul3A_97 : vector<16xf32>
        %parallel_loop3A_648 = arith.constant 0 : i32
        %parallel_loop3A_649 = arith.constant 0 : i32
        %parallel_loop3A_650 = tpu.memref_slice %arg9[%parallel_loop3A_188, %parallel_loop3A_648, %parallel_loop3A_649] : memref<2x200x128xf32, #tpu.memory_space<vmem>> -> memref<1x200x128xf32, #tpu.memory_space<vmem>>
        %parallel_loop3A_651 = tpu.memref_squeeze %parallel_loop3A_650 : memref<1x200x128xf32, #tpu.memory_space<vmem>> -> memref<200x128xf32, #tpu.memory_space<vmem>>
        %parallel_loop3A_652 = arith.index_cast %parallel_loop3A_331 : i32 to index
        %parallel_loop3A_653 = arith.constant 112 : index
        %parallel_loop3A_654 = tpu.vector_load %parallel_loop3A_651[%parallel_loop3A_652, %parallel_loop3A_653] {strides = array<i32>} : memref<200x128xf32, #tpu.memory_space<vmem>>, vector<1x16xf32>,
        %parallel_loop3A_655 = vector.shape_cast %parallel_loop3A_654 : vector<1x16xf32> to vector<16xf32>
        %parallel_loop3A_656 = vector.shape_cast %parallel_loop3A_647 : vector<16xf32> to vector<1x16xf32>
        tpu.vector_store %parallel_loop3A_651[%parallel_loop3A_652, %parallel_loop3A_653], %parallel_loop3A_656 {strides = array<i32>} : memref<200x128xf32, #tpu.memory_space<vmem>>, vector<1x16xf32>,
      } {sc.loop_unroll_factor = 2 : i64, sc.parallel_access}
      %gt3A = arith.constant 0 : i32
      %gt3A_189 = arith.cmpi sgt, %scan3A_151, %gt3A : i32
      %convert_element_type3A = arith.extui %gt3A_189 : i1 to i32
      %cond3A = arith.constant 0 : i32
      %cond3A_190 = arith.cmpi ne, %convert_element_type3A, %cond3A : i32
      scf.if %cond3A_190 {
        %dma_wait3A_331 = arith.constant 1 : i32
        %dma_wait3A_332 = arith.constant 0 : i32
        %dma_wait3A_333 = arith.constant 0 : i32
        %dma_wait3A_334 = arith.constant 0 : i32
        %dma_wait3A_335 = tpu.memref_slice %arg9[%dma_wait3A_331, %dma_wait3A_333, %dma_wait3A_334] : memref<2x200x128xf32, #tpu.memory_space<vmem>> -> memref<1x200x128xf32, #tpu.memory_space<vmem>>
        %dma_wait3A_336 = tpu.memref_squeeze %dma_wait3A_335 : memref<1x200x128xf32, #tpu.memory_space<vmem>> -> memref<200x128xf32, #tpu.memory_space<vmem>>
        %dma_wait3A_337 = arith.constant 0 : i32
        %dma_wait3A_338 = arith.constant 0 : i32
        %dma_wait3A_339 = tpu.memref_slice %arg7[%dma_wait3A_332, %dma_wait3A_337, %dma_wait3A_338] : memref<4096x200x128xf32, #tpu.memory_space<hbm>> -> memref<1x200x128xf32, #tpu.memory_space<hbm>>
        %dma_wait3A_340 = tpu.memref_squeeze %dma_wait3A_339 : memref<1x200x128xf32, #tpu.memory_space<hbm>> -> memref<200x128xf32, #tpu.memory_space<hbm>>
        %dma_wait3A_341 = arith.constant 0 : i32
        %dma_wait3A_342 = arith.constant 0 : i32
        %dma_wait3A_343 = tpu.memref_slice %arg7[%dma_wait3A_332, %dma_wait3A_341, %dma_wait3A_342] : memref<4096x200x128xf32, #tpu.memory_space<hbm>> -> memref<1x200x128xf32, #tpu.memory_space<hbm>>
        %dma_wait3A_344 = tpu.memref_squeeze %dma_wait3A_343 : memref<1x200x128xf32, #tpu.memory_space<hbm>> -> memref<200x128xf32, #tpu.memory_space<hbm>>
        %dma_wait3A_345 = arith.constant 0 : i32
        %dma_wait3A_346 = arith.constant 0 : i32
        %dma_wait3A_347 = tpu.memref_slice %arg9[%dma_wait3A_331, %dma_wait3A_345, %dma_wait3A_346] : memref<2x200x128xf32, #tpu.memory_space<vmem>> -> memref<1x200x128xf32, #tpu.memory_space<vmem>>
        %dma_wait3A_348 = tpu.memref_squeeze %dma_wait3A_347 : memref<1x200x128xf32, #tpu.memory_space<vmem>> -> memref<200x128xf32, #tpu.memory_space<vmem>>
        tpu.wait_dma2 semaphore(%arg16 : memref<!tpu.dma_semaphore, #tpu.memory_space<semaphore_mem>>) src(%dma_wait3A_348 : memref<200x128xf32, #tpu.memory_space<vmem>>) dst(%dma_wait3A_344 : memref<200x128xf32, #tpu.memory_space<hbm>>)
      } else {
      }
      %add3A_191 = arith.constant 1 : i32
      %add3A_192 = arith.addi %add3A_155, %add3A_191 : i32
      %mul3A_193 = arith.constant 2 : i32
      %mul3A_194 = arith.muli %mul3A_193, %add3A_192 : i32
      %dma_start3A_195 = arith.constant 1 : i32
      %dma_start3A_196 = arith.constant 0 : i32
      %dma_start3A_197 = arith.constant 0 : i32
      %dma_start3A_198 = tpu.memref_slice %arg9[%dma_start3A_195, %dma_start3A_196, %dma_start3A_197] : memref<2x200x128xf32, #tpu.memory_space<vmem>> -> memref<1x200x128xf32, #tpu.memory_space<vmem>>
      %dma_start3A_199 = tpu.memref_squeeze %dma_start3A_198 : memref<1x200x128xf32, #tpu.memory_space<vmem>> -> memref<200x128xf32, #tpu.memory_space<vmem>>
      %dma_start3A_200 = arith.constant 0 : i32
      %dma_start3A_201 = arith.constant 0 : i32
      %dma_start3A_202 = tpu.memref_slice %dma_start3A_199[%dma_start3A_200, %dma_start3A_201] : memref<200x128xf32, #tpu.memory_space<vmem>> -> memref<100x128xf32, #tpu.memory_space<vmem>>
      %dma_start3A_203 = arith.constant 0 : i32
      %dma_start3A_204 = tpu.memref_slice %arg8[%mul3A_194, %dma_start3A_203] : memref<256x100xi32, #tpu.memory_space<vmem>> -> memref<1x100xi32, #tpu.memory_space<vmem>>
      %dma_start3A_205 = tpu.memref_squeeze %dma_start3A_204 : memref<1x100xi32, #tpu.memory_space<vmem>> -> memref<100xi32, #tpu.memory_space<vmem>>
      %dma_start3A_206 = arith.constant 0 : i32
      %dma_start3A_207 = arith.constant 0 : i32
      %dma_start3A_208 = tpu.memref_slice %arg3[%dma_start3A_206, %dma_start3A_207] : memref<100000x128xf32, #tpu.memory_space<hbm>> -> memref<100000x128xf32, #tpu.memory_space<hbm>>
      tpu.enqueue_indirect_dma source(%dma_start3A_208 : memref<100000x128xf32, #tpu.memory_space<hbm>>) target(%dma_start3A_202 : memref<100x128xf32, #tpu.memory_space<vmem>>) offsets(%dma_start3A_205 : memref<100xi32, #tpu.memory_space<vmem>>) semaphore(%arg14 : memref<!tpu.dma_semaphore, #tpu.memory_space<semaphore_mem>>)
      %mul3A_209 = arith.constant 2 : i32
      %mul3A_210 = arith.muli %mul3A_209, %add3A_192 : i32
      %add3A_211 = arith.constant 1 : i32
      %add3A_212 = arith.addi %mul3A_210, %add3A_211 : i32
      %dma_start3A_213 = arith.constant 1 : i32
      %dma_start3A_214 = arith.constant 0 : i32
      %dma_start3A_215 = arith.constant 0 : i32
      %dma_start3A_216 = tpu.memref_slice %arg9[%dma_start3A_213, %dma_start3A_214, %dma_start3A_215] : memref<2x200x128xf32, #tpu.memory_space<vmem>> -> memref<1x200x128xf32, #tpu.memory_space<vmem>>
      %dma_start3A_217 = tpu.memref_squeeze %dma_start3A_216 : memref<1x200x128xf32, #tpu.memory_space<vmem>> -> memref<200x128xf32, #tpu.memory_space<vmem>>
      %dma_start3A_218 = arith.constant 100 : i32
      %dma_start3A_219 = arith.constant 0 : i32
      %dma_start3A_220 = tpu.memref_slice %dma_start3A_217[%dma_start3A_218, %dma_start3A_219] : memref<200x128xf32, #tpu.memory_space<vmem>> -> memref<100x128xf32, #tpu.memory_space<vmem>>
      %dma_start3A_221 = arith.constant 0 : i32
      %dma_start3A_222 = tpu.memref_slice %arg8[%add3A_212, %dma_start3A_221] : memref<256x100xi32, #tpu.memory_space<vmem>> -> memref<1x100xi32, #tpu.memory_space<vmem>>
      %dma_start3A_223 = tpu.memref_squeeze %dma_start3A_222 : memref<1x100xi32, #tpu.memory_space<vmem>> -> memref<100xi32, #tpu.memory_space<vmem>>
      %dma_start3A_224 = arith.constant 0 : i32
      %dma_start3A_225 = arith.constant 0 : i32
      %dma_start3A_226 = tpu.memref_slice %arg3[%dma_start3A_224, %dma_start3A_225] : memref<100000x128xf32, #tpu.memory_space<hbm>> -> memref<100000x128xf32, #tpu.memory_space<hbm>>
      tpu.enqueue_indirect_dma source(%dma_start3A_226 : memref<100000x128xf32, #tpu.memory_space<hbm>>) target(%dma_start3A_220 : memref<100x128xf32, #tpu.memory_space<vmem>>) offsets(%dma_start3A_223 : memref<100xi32, #tpu.memory_space<vmem>>) semaphore(%arg14 : memref<!tpu.dma_semaphore, #tpu.memory_space<semaphore_mem>>)
      %parallel_loop3A_227 = arith.constant 100 : i32
      %parallel_loop3A_228 = arith.constant 200 : i32
      %parallel_loop3A_229 = arith.constant 1 : i32
      %parallel_loop3A_230 = arith.constant 0 : i32
      scf.for %parallel_loop3A_331 = %parallel_loop3A_227 to %parallel_loop3A_228 step %parallel_loop3A_229  : i32 {
        %parallel_loop3A_332 = arith.constant 0 : i32
        %parallel_loop3A_333 = arith.constant 0 : i32
        %parallel_loop3A_334 = tpu.memref_slice %arg9[%parallel_loop3A_230, %parallel_loop3A_332, %parallel_loop3A_333] : memref<2x200x128xf32, #tpu.memory_space<vmem>> -> memref<1x200x128xf32, #tpu.memory_space<vmem>>
        %parallel_loop3A_335 = tpu.memref_squeeze %parallel_loop3A_334 : memref<1x200x128xf32, #tpu.memory_space<vmem>> -> memref<200x128xf32, #tpu.memory_space<vmem>>
        %parallel_loop3A_336 = arith.index_cast %parallel_loop3A_331 : i32 to index
        %parallel_loop3A_337 = arith.constant 0 : index
        %parallel_loop3A_338 = tpu.vector_load %parallel_loop3A_335[%parallel_loop3A_336, %parallel_loop3A_337] {strides = array<i32>} : memref<200x128xf32, #tpu.memory_space<vmem>>, vector<1x16xf32>,
        %parallel_loop3A_339 = vector.shape_cast %parallel_loop3A_338 : vector<1x16xf32> to vector<16xf32>
        %parallel_loop3A_340 = arith.index_cast %parallel_loop3A_331 : i32 to index
        %parallel_loop3A_341 = arith.constant 0 : index
        %parallel_loop3A_342 = tpu.vector_load %arg10[%parallel_loop3A_340, %parallel_loop3A_341] {strides = array<i32>} : memref<200x128xf32, #tpu.memory_space<vmem>>, vector<1x16xf32>,
        %parallel_loop3A_343 = vector.shape_cast %parallel_loop3A_342 : vector<1x16xf32> to vector<16xf32>
        %parallel_loop3A_344 = arith.addf %parallel_loop3A_339, %parallel_loop3A_343 : vector<16xf32>
        %parallel_loop3A_345 = arith.constant 0 : i32
        %parallel_loop3A_346 = arith.constant 0 : i32
        %parallel_loop3A_347 = tpu.memref_slice %arg9[%parallel_loop3A_230, %parallel_loop3A_345, %parallel_loop3A_346] : memref<2x200x128xf32, #tpu.memory_space<vmem>> -> memref<1x200x128xf32, #tpu.memory_space<vmem>>
        %parallel_loop3A_348 = tpu.memref_squeeze %parallel_loop3A_347 : memref<1x200x128xf32, #tpu.memory_space<vmem>> -> memref<200x128xf32, #tpu.memory_space<vmem>>
        %parallel_loop3A_349 = arith.index_cast %parallel_loop3A_331 : i32 to index
        %parallel_loop3A_350 = arith.constant 16 : index
        %parallel_loop3A_351 = tpu.vector_load %parallel_loop3A_348[%parallel_loop3A_349, %parallel_loop3A_350] {strides = array<i32>} : memref<200x128xf32, #tpu.memory_space<vmem>>, vector<1x16xf32>,
        %parallel_loop3A_352 = vector.shape_cast %parallel_loop3A_351 : vector<1x16xf32> to vector<16xf32>
        %parallel_loop3A_353 = arith.index_cast %parallel_loop3A_331 : i32 to index
        %parallel_loop3A_354 = arith.constant 16 : index
        %parallel_loop3A_355 = tpu.vector_load %arg10[%parallel_loop3A_353, %parallel_loop3A_354] {strides = array<i32>} : memref<200x128xf32, #tpu.memory_space<vmem>>, vector<1x16xf32>,
        %parallel_loop3A_356 = vector.shape_cast %parallel_loop3A_355 : vector<1x16xf32> to vector<16xf32>
        %parallel_loop3A_357 = arith.addf %parallel_loop3A_352, %parallel_loop3A_356 : vector<16xf32>
        %parallel_loop3A_358 = arith.constant 0 : i32
        %parallel_loop3A_359 = arith.constant 0 : i32
        %parallel_loop3A_360 = tpu.memref_slice %arg9[%parallel_loop3A_230, %parallel_loop3A_358, %parallel_loop3A_359] : memref<2x200x128xf32, #tpu.memory_space<vmem>> -> memref<1x200x128xf32, #tpu.memory_space<vmem>>
        %parallel_loop3A_361 = tpu.memref_squeeze %parallel_loop3A_360 : memref<1x200x128xf32, #tpu.memory_space<vmem>> -> memref<200x128xf32, #tpu.memory_space<vmem>>
        %parallel_loop3A_362 = arith.index_cast %parallel_loop3A_331 : i32 to index
        %parallel_loop3A_363 = arith.constant 32 : index
        %parallel_loop3A_364 = tpu.vector_load %parallel_loop3A_361[%parallel_loop3A_362, %parallel_loop3A_363] {strides = array<i32>} : memref<200x128xf32, #tpu.memory_space<vmem>>, vector<1x16xf32>,
        %parallel_loop3A_365 = vector.shape_cast %parallel_loop3A_364 : vector<1x16xf32> to vector<16xf32>
        %parallel_loop3A_366 = arith.index_cast %parallel_loop3A_331 : i32 to index
        %parallel_loop3A_367 = arith.constant 32 : index
        %parallel_loop3A_368 = tpu.vector_load %arg10[%parallel_loop3A_366, %parallel_loop3A_367] {strides = array<i32>} : memref<200x128xf32, #tpu.memory_space<vmem>>, vector<1x16xf32>,
        %parallel_loop3A_369 = vector.shape_cast %parallel_loop3A_368 : vector<1x16xf32> to vector<16xf32>
        %parallel_loop3A_370 = arith.addf %parallel_loop3A_365, %parallel_loop3A_369 : vector<16xf32>
        %parallel_loop3A_371 = arith.constant 0 : i32
        %parallel_loop3A_372 = arith.constant 0 : i32
        %parallel_loop3A_373 = tpu.memref_slice %arg9[%parallel_loop3A_230, %parallel_loop3A_371, %parallel_loop3A_372] : memref<2x200x128xf32, #tpu.memory_space<vmem>> -> memref<1x200x128xf32, #tpu.memory_space<vmem>>
        %parallel_loop3A_374 = tpu.memref_squeeze %parallel_loop3A_373 : memref<1x200x128xf32, #tpu.memory_space<vmem>> -> memref<200x128xf32, #tpu.memory_space<vmem>>
        %parallel_loop3A_375 = arith.index_cast %parallel_loop3A_331 : i32 to index
        %parallel_loop3A_376 = arith.constant 48 : index
        %parallel_loop3A_377 = tpu.vector_load %parallel_loop3A_374[%parallel_loop3A_375, %parallel_loop3A_376] {strides = array<i32>} : memref<200x128xf32, #tpu.memory_space<vmem>>, vector<1x16xf32>,
        %parallel_loop3A_378 = vector.shape_cast %parallel_loop3A_377 : vector<1x16xf32> to vector<16xf32>
        %parallel_loop3A_379 = arith.index_cast %parallel_loop3A_331 : i32 to index
        %parallel_loop3A_380 = arith.constant 48 : index
        %parallel_loop3A_381 = tpu.vector_load %arg10[%parallel_loop3A_379, %parallel_loop3A_380] {strides = array<i32>} : memref<200x128xf32, #tpu.memory_space<vmem>>, vector<1x16xf32>,
        %parallel_loop3A_382 = vector.shape_cast %parallel_loop3A_381 : vector<1x16xf32> to vector<16xf32>
        %parallel_loop3A_383 = arith.addf %parallel_loop3A_378, %parallel_loop3A_382 : vector<16xf32>
        %parallel_loop3A_384 = arith.constant 0 : i32
        %parallel_loop3A_385 = arith.constant 0 : i32
        %parallel_loop3A_386 = tpu.memref_slice %arg9[%parallel_loop3A_230, %parallel_loop3A_384, %parallel_loop3A_385] : memref<2x200x128xf32, #tpu.memory_space<vmem>> -> memref<1x200x128xf32, #tpu.memory_space<vmem>>
        %parallel_loop3A_387 = tpu.memref_squeeze %parallel_loop3A_386 : memref<1x200x128xf32, #tpu.memory_space<vmem>> -> memref<200x128xf32, #tpu.memory_space<vmem>>
        %parallel_loop3A_388 = arith.index_cast %parallel_loop3A_331 : i32 to index
        %parallel_loop3A_389 = arith.constant 64 : index
        %parallel_loop3A_390 = tpu.vector_load %parallel_loop3A_387[%parallel_loop3A_388, %parallel_loop3A_389] {strides = array<i32>} : memref<200x128xf32, #tpu.memory_space<vmem>>, vector<1x16xf32>,
        %parallel_loop3A_391 = vector.shape_cast %parallel_loop3A_390 : vector<1x16xf32> to vector<16xf32>
        %parallel_loop3A_392 = arith.index_cast %parallel_loop3A_331 : i32 to index
        %parallel_loop3A_393 = arith.constant 64 : index
        %parallel_loop3A_394 = tpu.vector_load %arg10[%parallel_loop3A_392, %parallel_loop3A_393] {strides = array<i32>} : memref<200x128xf32, #tpu.memory_space<vmem>>, vector<1x16xf32>,
        %parallel_loop3A_395 = vector.shape_cast %parallel_loop3A_394 : vector<1x16xf32> to vector<16xf32>
        %parallel_loop3A_396 = arith.addf %parallel_loop3A_391, %parallel_loop3A_395 : vector<16xf32>
        %parallel_loop3A_397 = arith.constant 0 : i32
        %parallel_loop3A_398 = arith.constant 0 : i32
        %parallel_loop3A_399 = tpu.memref_slice %arg9[%parallel_loop3A_230, %parallel_loop3A_397, %parallel_loop3A_398] : memref<2x200x128xf32, #tpu.memory_space<vmem>> -> memref<1x200x128xf32, #tpu.memory_space<vmem>>
        %parallel_loop3A_400 = tpu.memref_squeeze %parallel_loop3A_399 : memref<1x200x128xf32, #tpu.memory_space<vmem>> -> memref<200x128xf32, #tpu.memory_space<vmem>>
        %parallel_loop3A_401 = arith.index_cast %parallel_loop3A_331 : i32 to index
        %parallel_loop3A_402 = arith.constant 80 : index
        %parallel_loop3A_403 = tpu.vector_load %parallel_loop3A_400[%parallel_loop3A_401, %parallel_loop3A_402] {strides = array<i32>} : memref<200x128xf32, #tpu.memory_space<vmem>>, vector<1x16xf32>,
        %parallel_loop3A_404 = vector.shape_cast %parallel_loop3A_403 : vector<1x16xf32> to vector<16xf32>
        %parallel_loop3A_405 = arith.index_cast %parallel_loop3A_331 : i32 to index
        %parallel_loop3A_406 = arith.constant 80 : index
        %parallel_loop3A_407 = tpu.vector_load %arg10[%parallel_loop3A_405, %parallel_loop3A_406] {strides = array<i32>} : memref<200x128xf32, #tpu.memory_space<vmem>>, vector<1x16xf32>,
        %parallel_loop3A_408 = vector.shape_cast %parallel_loop3A_407 : vector<1x16xf32> to vector<16xf32>
        %parallel_loop3A_409 = arith.addf %parallel_loop3A_404, %parallel_loop3A_408 : vector<16xf32>
        %parallel_loop3A_410 = arith.constant 0 : i32
        %parallel_loop3A_411 = arith.constant 0 : i32
        %parallel_loop3A_412 = tpu.memref_slice %arg9[%parallel_loop3A_230, %parallel_loop3A_410, %parallel_loop3A_411] : memref<2x200x128xf32, #tpu.memory_space<vmem>> -> memref<1x200x128xf32, #tpu.memory_space<vmem>>
        %parallel_loop3A_413 = tpu.memref_squeeze %parallel_loop3A_412 : memref<1x200x128xf32, #tpu.memory_space<vmem>> -> memref<200x128xf32, #tpu.memory_space<vmem>>
        %parallel_loop3A_414 = arith.index_cast %parallel_loop3A_331 : i32 to index
        %parallel_loop3A_415 = arith.constant 96 : index
        %parallel_loop3A_416 = tpu.vector_load %parallel_loop3A_413[%parallel_loop3A_414, %parallel_loop3A_415] {strides = array<i32>} : memref<200x128xf32, #tpu.memory_space<vmem>>, vector<1x16xf32>,
        %parallel_loop3A_417 = vector.shape_cast %parallel_loop3A_416 : vector<1x16xf32> to vector<16xf32>
        %parallel_loop3A_418 = arith.index_cast %parallel_loop3A_331 : i32 to index
        %parallel_loop3A_419 = arith.constant 96 : index
        %parallel_loop3A_420 = tpu.vector_load %arg10[%parallel_loop3A_418, %parallel_loop3A_419] {strides = array<i32>} : memref<200x128xf32, #tpu.memory_space<vmem>>, vector<1x16xf32>,
        %parallel_loop3A_421 = vector.shape_cast %parallel_loop3A_420 : vector<1x16xf32> to vector<16xf32>
        %parallel_loop3A_422 = arith.addf %parallel_loop3A_417, %parallel_loop3A_421 : vector<16xf32>
        %parallel_loop3A_423 = arith.constant 0 : i32
        %parallel_loop3A_424 = arith.constant 0 : i32
        %parallel_loop3A_425 = tpu.memref_slice %arg9[%parallel_loop3A_230, %parallel_loop3A_423, %parallel_loop3A_424] : memref<2x200x128xf32, #tpu.memory_space<vmem>> -> memref<1x200x128xf32, #tpu.memory_space<vmem>>
        %parallel_loop3A_426 = tpu.memref_squeeze %parallel_loop3A_425 : memref<1x200x128xf32, #tpu.memory_space<vmem>> -> memref<200x128xf32, #tpu.memory_space<vmem>>
        %parallel_loop3A_427 = arith.index_cast %parallel_loop3A_331 : i32 to index
        %parallel_loop3A_428 = arith.constant 112 : index
        %parallel_loop3A_429 = tpu.vector_load %parallel_loop3A_426[%parallel_loop3A_427, %parallel_loop3A_428] {strides = array<i32>} : memref<200x128xf32, #tpu.memory_space<vmem>>, vector<1x16xf32>,
        %parallel_loop3A_430 = vector.shape_cast %parallel_loop3A_429 : vector<1x16xf32> to vector<16xf32>
        %parallel_loop3A_431 = arith.index_cast %parallel_loop3A_331 : i32 to index
        %parallel_loop3A_432 = arith.constant 112 : index
        %parallel_loop3A_433 = tpu.vector_load %arg10[%parallel_loop3A_431, %parallel_loop3A_432] {strides = array<i32>} : memref<200x128xf32, #tpu.memory_space<vmem>>, vector<1x16xf32>,
        %parallel_loop3A_434 = vector.shape_cast %parallel_loop3A_433 : vector<1x16xf32> to vector<16xf32>
        %parallel_loop3A_435 = arith.addf %parallel_loop3A_430, %parallel_loop3A_434 : vector<16xf32>
        %parallel_loop3A_436 = arith.mulf %parallel_loop3A_344, %parallel_loop3A_344 : vector<16xf32>
        %parallel_loop3A_437 = arith.mulf %parallel_loop3A_357, %parallel_loop3A_357 : vector<16xf32>
        %parallel_loop3A_438 = arith.mulf %parallel_loop3A_370, %parallel_loop3A_370 : vector<16xf32>
        %parallel_loop3A_439 = arith.mulf %parallel_loop3A_383, %parallel_loop3A_383 : vector<16xf32>
        %parallel_loop3A_440 = arith.mulf %parallel_loop3A_396, %parallel_loop3A_396 : vector<16xf32>
        %parallel_loop3A_441 = arith.mulf %parallel_loop3A_409, %parallel_loop3A_409 : vector<16xf32>
        %parallel_loop3A_442 = arith.mulf %parallel_loop3A_422, %parallel_loop3A_422 : vector<16xf32>
        %parallel_loop3A_443 = arith.mulf %parallel_loop3A_435, %parallel_loop3A_435 : vector<16xf32>
        %parallel_loop3A_444 = arith.addf %parallel_loop3A_344, %parallel_loop3A_357 : vector<16xf32>
        %parallel_loop3A_445 = arith.addf %parallel_loop3A_370, %parallel_loop3A_383 : vector<16xf32>
        %parallel_loop3A_446 = arith.addf %parallel_loop3A_396, %parallel_loop3A_409 : vector<16xf32>
        %parallel_loop3A_447 = arith.addf %parallel_loop3A_422, %parallel_loop3A_435 : vector<16xf32>
        %parallel_loop3A_448 = arith.addf %parallel_loop3A_444, %parallel_loop3A_445 : vector<16xf32>
        %parallel_loop3A_449 = arith.addf %parallel_loop3A_446, %parallel_loop3A_447 : vector<16xf32>
        %parallel_loop3A_450 = arith.addf %parallel_loop3A_448, %parallel_loop3A_449 : vector<16xf32>
        %parallel_loop3A_451 = tpu.iota {dimensions = array<i32: 0>} : vector<16xi32>
        %parallel_loop3A_452 = arith.constant 8 : i32
        %parallel_loop3A_453 = vector.broadcast %parallel_loop3A_452 : i32 to vector<16xi32>
        %parallel_loop3A_454 = arith.xori %parallel_loop3A_451, %parallel_loop3A_453 : vector<16xi32>
        %parallel_loop3A_455 = vector.shape_cast %parallel_loop3A_454 : vector<16xi32> to vector<16x1xi32>
        %parallel_loop3A_456 = vector.shape_cast %parallel_loop3A_455 : vector<16x1xi32> to vector<16xi32>
        %parallel_loop3A_457 = tpu.dynamic_gather %parallel_loop3A_450[%parallel_loop3A_456] in [0] : vector<16xf32>, vector<16xi32> -> vector<16xf32>
        %parallel_loop3A_458 = arith.addf %parallel_loop3A_450, %parallel_loop3A_457 : vector<16xf32>
        %parallel_loop3A_459 = tpu.iota {dimensions = array<i32: 0>} : vector<16xi32>
        %parallel_loop3A_460 = arith.constant 4 : i32
        %parallel_loop3A_461 = vector.broadcast %parallel_loop3A_460 : i32 to vector<16xi32>
        %parallel_loop3A_462 = arith.xori %parallel_loop3A_459, %parallel_loop3A_461 : vector<16xi32>
        %parallel_loop3A_463 = vector.shape_cast %parallel_loop3A_462 : vector<16xi32> to vector<16x1xi32>
        %parallel_loop3A_464 = vector.shape_cast %parallel_loop3A_463 : vector<16x1xi32> to vector<16xi32>
        %parallel_loop3A_465 = tpu.dynamic_gather %parallel_loop3A_458[%parallel_loop3A_464] in [0] : vector<16xf32>, vector<16xi32> -> vector<16xf32>
        %parallel_loop3A_466 = arith.addf %parallel_loop3A_458, %parallel_loop3A_465 : vector<16xf32>
        %parallel_loop3A_467 = tpu.iota {dimensions = array<i32: 0>} : vector<16xi32>
        %parallel_loop3A_468 = arith.constant 2 : i32
        %parallel_loop3A_469 = vector.broadcast %parallel_loop3A_468 : i32 to vector<16xi32>
        %parallel_loop3A_470 = arith.xori %parallel_loop3A_467, %parallel_loop3A_469 : vector<16xi32>
        %parallel_loop3A_471 = vector.shape_cast %parallel_loop3A_470 : vector<16xi32> to vector<16x1xi32>
        %parallel_loop3A_472 = vector.shape_cast %parallel_loop3A_471 : vector<16x1xi32> to vector<16xi32>
        %parallel_loop3A_473 = tpu.dynamic_gather %parallel_loop3A_466[%parallel_loop3A_472] in [0] : vector<16xf32>, vector<16xi32> -> vector<16xf32>
        %parallel_loop3A_474 = arith.addf %parallel_loop3A_466, %parallel_loop3A_473 : vector<16xf32>
        %parallel_loop3A_475 = tpu.iota {dimensions = array<i32: 0>} : vector<16xi32>
        %parallel_loop3A_476 = arith.constant 1 : i32
        %parallel_loop3A_477 = vector.broadcast %parallel_loop3A_476 : i32 to vector<16xi32>
        %parallel_loop3A_478 = arith.xori %parallel_loop3A_475, %parallel_loop3A_477 : vector<16xi32>
        %parallel_loop3A_479 = vector.shape_cast %parallel_loop3A_478 : vector<16xi32> to vector<16x1xi32>
        %parallel_loop3A_480 = vector.shape_cast %parallel_loop3A_479 : vector<16x1xi32> to vector<16xi32>
        %parallel_loop3A_481 = tpu.dynamic_gather %parallel_loop3A_474[%parallel_loop3A_480] in [0] : vector<16xf32>, vector<16xi32> -> vector<16xf32>
        %parallel_loop3A_482 = arith.addf %parallel_loop3A_474, %parallel_loop3A_481 : vector<16xf32>
        %parallel_loop3A_483 = arith.addf %parallel_loop3A_436, %parallel_loop3A_437 : vector<16xf32>
        %parallel_loop3A_484 = arith.addf %parallel_loop3A_438, %parallel_loop3A_439 : vector<16xf32>
        %parallel_loop3A_485 = arith.addf %parallel_loop3A_440, %parallel_loop3A_441 : vector<16xf32>
        %parallel_loop3A_486 = arith.addf %parallel_loop3A_442, %parallel_loop3A_443 : vector<16xf32>
        %parallel_loop3A_487 = arith.addf %parallel_loop3A_483, %parallel_loop3A_484 : vector<16xf32>
        %parallel_loop3A_488 = arith.addf %parallel_loop3A_485, %parallel_loop3A_486 : vector<16xf32>
        %parallel_loop3A_489 = arith.addf %parallel_loop3A_487, %parallel_loop3A_488 : vector<16xf32>
        %parallel_loop3A_490 = tpu.iota {dimensions = array<i32: 0>} : vector<16xi32>
        %parallel_loop3A_491 = arith.constant 8 : i32
        %parallel_loop3A_492 = vector.broadcast %parallel_loop3A_491 : i32 to vector<16xi32>
        %parallel_loop3A_493 = arith.xori %parallel_loop3A_490, %parallel_loop3A_492 : vector<16xi32>
        %parallel_loop3A_494 = vector.shape_cast %parallel_loop3A_493 : vector<16xi32> to vector<16x1xi32>
        %parallel_loop3A_495 = vector.shape_cast %parallel_loop3A_494 : vector<16x1xi32> to vector<16xi32>
        %parallel_loop3A_496 = tpu.dynamic_gather %parallel_loop3A_489[%parallel_loop3A_495] in [0] : vector<16xf32>, vector<16xi32> -> vector<16xf32>
        %parallel_loop3A_497 = arith.addf %parallel_loop3A_489, %parallel_loop3A_496 : vector<16xf32>
        %parallel_loop3A_498 = tpu.iota {dimensions = array<i32: 0>} : vector<16xi32>
        %parallel_loop3A_499 = arith.constant 4 : i32
        %parallel_loop3A_500 = vector.broadcast %parallel_loop3A_499 : i32 to vector<16xi32>
        %parallel_loop3A_501 = arith.xori %parallel_loop3A_498, %parallel_loop3A_500 : vector<16xi32>
        %parallel_loop3A_502 = vector.shape_cast %parallel_loop3A_501 : vector<16xi32> to vector<16x1xi32>
        %parallel_loop3A_503 = vector.shape_cast %parallel_loop3A_502 : vector<16x1xi32> to vector<16xi32>
        %parallel_loop3A_504 = tpu.dynamic_gather %parallel_loop3A_497[%parallel_loop3A_503] in [0] : vector<16xf32>, vector<16xi32> -> vector<16xf32>
        %parallel_loop3A_505 = arith.addf %parallel_loop3A_497, %parallel_loop3A_504 : vector<16xf32>
        %parallel_loop3A_506 = tpu.iota {dimensions = array<i32: 0>} : vector<16xi32>
        %parallel_loop3A_507 = arith.constant 2 : i32
        %parallel_loop3A_508 = vector.broadcast %parallel_loop3A_507 : i32 to vector<16xi32>
        %parallel_loop3A_509 = arith.xori %parallel_loop3A_506, %parallel_loop3A_508 : vector<16xi32>
        %parallel_loop3A_510 = vector.shape_cast %parallel_loop3A_509 : vector<16xi32> to vector<16x1xi32>
        %parallel_loop3A_511 = vector.shape_cast %parallel_loop3A_510 : vector<16x1xi32> to vector<16xi32>
        %parallel_loop3A_512 = tpu.dynamic_gather %parallel_loop3A_505[%parallel_loop3A_511] in [0] : vector<16xf32>, vector<16xi32> -> vector<16xf32>
        %parallel_loop3A_513 = arith.addf %parallel_loop3A_505, %parallel_loop3A_512 : vector<16xf32>
        %parallel_loop3A_514 = tpu.iota {dimensions = array<i32: 0>} : vector<16xi32>
        %parallel_loop3A_515 = arith.constant 1 : i32
        %parallel_loop3A_516 = vector.broadcast %parallel_loop3A_515 : i32 to vector<16xi32>
        %parallel_loop3A_517 = arith.xori %parallel_loop3A_514, %parallel_loop3A_516 : vector<16xi32>
        %parallel_loop3A_518 = vector.shape_cast %parallel_loop3A_517 : vector<16xi32> to vector<16x1xi32>
        %parallel_loop3A_519 = vector.shape_cast %parallel_loop3A_518 : vector<16x1xi32> to vector<16xi32>
        %parallel_loop3A_520 = tpu.dynamic_gather %parallel_loop3A_513[%parallel_loop3A_519] in [0] : vector<16xf32>, vector<16xi32> -> vector<16xf32>
        %parallel_loop3A_521 = arith.addf %parallel_loop3A_513, %parallel_loop3A_520 : vector<16xf32>
        %parallel_loop3A_522 = arith.constant 7.812500e-03 : f32
        %parallel_loop3A_523 = vector.broadcast %parallel_loop3A_522 : f32 to vector<16xf32>
        %parallel_loop3A_524 = arith.mulf %parallel_loop3A_482, %parallel_loop3A_523 : vector<16xf32>
        %parallel_loop3A_525 = arith.mulf %parallel_loop3A_524, %parallel_loop3A_524 : vector<16xf32>
        %parallel_loop3A_526 = arith.constant 1.280000e+02 : f32
        %parallel_loop3A_527 = vector.broadcast %parallel_loop3A_526 : f32 to vector<16xf32>
        %parallel_loop3A_528 = arith.mulf %parallel_loop3A_525, %parallel_loop3A_527 : vector<16xf32>
        %parallel_loop3A_529 = arith.subf %parallel_loop3A_521, %parallel_loop3A_528 : vector<16xf32>
        %parallel_loop3A_530 = arith.constant 0.00787401571 : f32
        %parallel_loop3A_531 = vector.broadcast %parallel_loop3A_530 : f32 to vector<16xf32>
        %parallel_loop3A_532 = arith.mulf %parallel_loop3A_529, %parallel_loop3A_531 : vector<16xf32>
        %parallel_loop3A_533 = arith.constant 9.99999996E-13 : f32
        %parallel_loop3A_534 = vector.broadcast %parallel_loop3A_533 : f32 to vector<16xf32>
        %parallel_loop3A_535 = arith.maximumf %parallel_loop3A_532, %parallel_loop3A_534 : vector<16xf32>
        %parallel_loop3A_536 = tpu.bitcast %parallel_loop3A_535 : vector<16xf32> -> vector<16xi32>
        %parallel_loop3A_537 = arith.constant 1 : i32
        %parallel_loop3A_538 = vector.broadcast %parallel_loop3A_537 : i32 to vector<16xi32>
        %parallel_loop3A_539 = arith.shrui %parallel_loop3A_536, %parallel_loop3A_538 : vector<16xi32>
        %parallel_loop3A_540 = arith.constant 1597463007 : i32
        %parallel_loop3A_541 = vector.broadcast %parallel_loop3A_540 : i32 to vector<16xi32>
        %parallel_loop3A_542 = arith.subi %parallel_loop3A_541, %parallel_loop3A_539 : vector<16xi32>
        %parallel_loop3A_543 = tpu.bitcast %parallel_loop3A_542 : vector<16xi32> -> vector<16xf32>
        %parallel_loop3A_544 = arith.constant 5.000000e-01 : f32
        %parallel_loop3A_545 = vector.broadcast %parallel_loop3A_544 : f32 to vector<16xf32>
        %parallel_loop3A_546 = arith.mulf %parallel_loop3A_535, %parallel_loop3A_545 : vector<16xf32>
        %parallel_loop3A_547 = arith.mulf %parallel_loop3A_546, %parallel_loop3A_543 : vector<16xf32>
        %parallel_loop3A_548 = arith.mulf %parallel_loop3A_547, %parallel_loop3A_543 : vector<16xf32>
        %parallel_loop3A_549 = arith.constant 1.500000e+00 : f32
        %parallel_loop3A_550 = vector.broadcast %parallel_loop3A_549 : f32 to vector<16xf32>
        %parallel_loop3A_551 = arith.subf %parallel_loop3A_550, %parallel_loop3A_548 : vector<16xf32>
        %parallel_loop3A_552 = arith.mulf %parallel_loop3A_543, %parallel_loop3A_551 : vector<16xf32>
        %parallel_loop3A_553 = arith.mulf %parallel_loop3A_552, %mul3A_7 : vector<16xf32>
        %parallel_loop3A_554 = arith.subf %parallel_loop3A_344, %parallel_loop3A_524 : vector<16xf32>
        %parallel_loop3A_555 = arith.mulf %parallel_loop3A_554, %parallel_loop3A_553 : vector<16xf32>
        %parallel_loop3A_556 = arith.addf %parallel_loop3A_555, %mul3A_55 : vector<16xf32>
        %parallel_loop3A_557 = arith.constant 0 : i32
        %parallel_loop3A_558 = arith.constant 0 : i32
        %parallel_loop3A_559 = tpu.memref_slice %arg9[%parallel_loop3A_230, %parallel_loop3A_557, %parallel_loop3A_558] : memref<2x200x128xf32, #tpu.memory_space<vmem>> -> memref<1x200x128xf32, #tpu.memory_space<vmem>>
        %parallel_loop3A_560 = tpu.memref_squeeze %parallel_loop3A_559 : memref<1x200x128xf32, #tpu.memory_space<vmem>> -> memref<200x128xf32, #tpu.memory_space<vmem>>
        %parallel_loop3A_561 = arith.index_cast %parallel_loop3A_331 : i32 to index
        %parallel_loop3A_562 = arith.constant 0 : index
        %parallel_loop3A_563 = tpu.vector_load %parallel_loop3A_560[%parallel_loop3A_561, %parallel_loop3A_562] {strides = array<i32>} : memref<200x128xf32, #tpu.memory_space<vmem>>, vector<1x16xf32>,
        %parallel_loop3A_564 = vector.shape_cast %parallel_loop3A_563 : vector<1x16xf32> to vector<16xf32>
        %parallel_loop3A_565 = vector.shape_cast %parallel_loop3A_556 : vector<16xf32> to vector<1x16xf32>
        tpu.vector_store %parallel_loop3A_560[%parallel_loop3A_561, %parallel_loop3A_562], %parallel_loop3A_565 {strides = array<i32>} : memref<200x128xf32, #tpu.memory_space<vmem>>, vector<1x16xf32>,
        %parallel_loop3A_566 = arith.mulf %parallel_loop3A_552, %mul3A_13 : vector<16xf32>
        %parallel_loop3A_567 = arith.subf %parallel_loop3A_357, %parallel_loop3A_524 : vector<16xf32>
        %parallel_loop3A_568 = arith.mulf %parallel_loop3A_567, %parallel_loop3A_566 : vector<16xf32>
        %parallel_loop3A_569 = arith.addf %parallel_loop3A_568, %mul3A_61 : vector<16xf32>
        %parallel_loop3A_570 = arith.constant 0 : i32
        %parallel_loop3A_571 = arith.constant 0 : i32
        %parallel_loop3A_572 = tpu.memref_slice %arg9[%parallel_loop3A_230, %parallel_loop3A_570, %parallel_loop3A_571] : memref<2x200x128xf32, #tpu.memory_space<vmem>> -> memref<1x200x128xf32, #tpu.memory_space<vmem>>
        %parallel_loop3A_573 = tpu.memref_squeeze %parallel_loop3A_572 : memref<1x200x128xf32, #tpu.memory_space<vmem>> -> memref<200x128xf32, #tpu.memory_space<vmem>>
        %parallel_loop3A_574 = arith.index_cast %parallel_loop3A_331 : i32 to index
        %parallel_loop3A_575 = arith.constant 16 : index
        %parallel_loop3A_576 = tpu.vector_load %parallel_loop3A_573[%parallel_loop3A_574, %parallel_loop3A_575] {strides = array<i32>} : memref<200x128xf32, #tpu.memory_space<vmem>>, vector<1x16xf32>,
        %parallel_loop3A_577 = vector.shape_cast %parallel_loop3A_576 : vector<1x16xf32> to vector<16xf32>
        %parallel_loop3A_578 = vector.shape_cast %parallel_loop3A_569 : vector<16xf32> to vector<1x16xf32>
        tpu.vector_store %parallel_loop3A_573[%parallel_loop3A_574, %parallel_loop3A_575], %parallel_loop3A_578 {strides = array<i32>} : memref<200x128xf32, #tpu.memory_space<vmem>>, vector<1x16xf32>,
        %parallel_loop3A_579 = arith.mulf %parallel_loop3A_552, %mul3A_19 : vector<16xf32>
        %parallel_loop3A_580 = arith.subf %parallel_loop3A_370, %parallel_loop3A_524 : vector<16xf32>
        %parallel_loop3A_581 = arith.mulf %parallel_loop3A_580, %parallel_loop3A_579 : vector<16xf32>
        %parallel_loop3A_582 = arith.addf %parallel_loop3A_581, %mul3A_67 : vector<16xf32>
        %parallel_loop3A_583 = arith.constant 0 : i32
        %parallel_loop3A_584 = arith.constant 0 : i32
        %parallel_loop3A_585 = tpu.memref_slice %arg9[%parallel_loop3A_230, %parallel_loop3A_583, %parallel_loop3A_584] : memref<2x200x128xf32, #tpu.memory_space<vmem>> -> memref<1x200x128xf32, #tpu.memory_space<vmem>>
        %parallel_loop3A_586 = tpu.memref_squeeze %parallel_loop3A_585 : memref<1x200x128xf32, #tpu.memory_space<vmem>> -> memref<200x128xf32, #tpu.memory_space<vmem>>
        %parallel_loop3A_587 = arith.index_cast %parallel_loop3A_331 : i32 to index
        %parallel_loop3A_588 = arith.constant 32 : index
        %parallel_loop3A_589 = tpu.vector_load %parallel_loop3A_586[%parallel_loop3A_587, %parallel_loop3A_588] {strides = array<i32>} : memref<200x128xf32, #tpu.memory_space<vmem>>, vector<1x16xf32>,
        %parallel_loop3A_590 = vector.shape_cast %parallel_loop3A_589 : vector<1x16xf32> to vector<16xf32>
        %parallel_loop3A_591 = vector.shape_cast %parallel_loop3A_582 : vector<16xf32> to vector<1x16xf32>
        tpu.vector_store %parallel_loop3A_586[%parallel_loop3A_587, %parallel_loop3A_588], %parallel_loop3A_591 {strides = array<i32>} : memref<200x128xf32, #tpu.memory_space<vmem>>, vector<1x16xf32>,
        %parallel_loop3A_592 = arith.mulf %parallel_loop3A_552, %mul3A_25 : vector<16xf32>
        %parallel_loop3A_593 = arith.subf %parallel_loop3A_383, %parallel_loop3A_524 : vector<16xf32>
        %parallel_loop3A_594 = arith.mulf %parallel_loop3A_593, %parallel_loop3A_592 : vector<16xf32>
        %parallel_loop3A_595 = arith.addf %parallel_loop3A_594, %mul3A_73 : vector<16xf32>
        %parallel_loop3A_596 = arith.constant 0 : i32
        %parallel_loop3A_597 = arith.constant 0 : i32
        %parallel_loop3A_598 = tpu.memref_slice %arg9[%parallel_loop3A_230, %parallel_loop3A_596, %parallel_loop3A_597] : memref<2x200x128xf32, #tpu.memory_space<vmem>> -> memref<1x200x128xf32, #tpu.memory_space<vmem>>
        %parallel_loop3A_599 = tpu.memref_squeeze %parallel_loop3A_598 : memref<1x200x128xf32, #tpu.memory_space<vmem>> -> memref<200x128xf32, #tpu.memory_space<vmem>>
        %parallel_loop3A_600 = arith.index_cast %parallel_loop3A_331 : i32 to index
        %parallel_loop3A_601 = arith.constant 48 : index
        %parallel_loop3A_602 = tpu.vector_load %parallel_loop3A_599[%parallel_loop3A_600, %parallel_loop3A_601] {strides = array<i32>} : memref<200x128xf32, #tpu.memory_space<vmem>>, vector<1x16xf32>,
        %parallel_loop3A_603 = vector.shape_cast %parallel_loop3A_602 : vector<1x16xf32> to vector<16xf32>
        %parallel_loop3A_604 = vector.shape_cast %parallel_loop3A_595 : vector<16xf32> to vector<1x16xf32>
        tpu.vector_store %parallel_loop3A_599[%parallel_loop3A_600, %parallel_loop3A_601], %parallel_loop3A_604 {strides = array<i32>} : memref<200x128xf32, #tpu.memory_space<vmem>>, vector<1x16xf32>,
        %parallel_loop3A_605 = arith.mulf %parallel_loop3A_552, %mul3A_31 : vector<16xf32>
        %parallel_loop3A_606 = arith.subf %parallel_loop3A_396, %parallel_loop3A_524 : vector<16xf32>
        %parallel_loop3A_607 = arith.mulf %parallel_loop3A_606, %parallel_loop3A_605 : vector<16xf32>
        %parallel_loop3A_608 = arith.addf %parallel_loop3A_607, %mul3A_79 : vector<16xf32>
        %parallel_loop3A_609 = arith.constant 0 : i32
        %parallel_loop3A_610 = arith.constant 0 : i32
        %parallel_loop3A_611 = tpu.memref_slice %arg9[%parallel_loop3A_230, %parallel_loop3A_609, %parallel_loop3A_610] : memref<2x200x128xf32, #tpu.memory_space<vmem>> -> memref<1x200x128xf32, #tpu.memory_space<vmem>>
        %parallel_loop3A_612 = tpu.memref_squeeze %parallel_loop3A_611 : memref<1x200x128xf32, #tpu.memory_space<vmem>> -> memref<200x128xf32, #tpu.memory_space<vmem>>
        %parallel_loop3A_613 = arith.index_cast %parallel_loop3A_331 : i32 to index
        %parallel_loop3A_614 = arith.constant 64 : index
        %parallel_loop3A_615 = tpu.vector_load %parallel_loop3A_612[%parallel_loop3A_613, %parallel_loop3A_614] {strides = array<i32>} : memref<200x128xf32, #tpu.memory_space<vmem>>, vector<1x16xf32>,
        %parallel_loop3A_616 = vector.shape_cast %parallel_loop3A_615 : vector<1x16xf32> to vector<16xf32>
        %parallel_loop3A_617 = vector.shape_cast %parallel_loop3A_608 : vector<16xf32> to vector<1x16xf32>
        tpu.vector_store %parallel_loop3A_612[%parallel_loop3A_613, %parallel_loop3A_614], %parallel_loop3A_617 {strides = array<i32>} : memref<200x128xf32, #tpu.memory_space<vmem>>, vector<1x16xf32>,
        %parallel_loop3A_618 = arith.mulf %parallel_loop3A_552, %mul3A_37 : vector<16xf32>
        %parallel_loop3A_619 = arith.subf %parallel_loop3A_409, %parallel_loop3A_524 : vector<16xf32>
        %parallel_loop3A_620 = arith.mulf %parallel_loop3A_619, %parallel_loop3A_618 : vector<16xf32>
        %parallel_loop3A_621 = arith.addf %parallel_loop3A_620, %mul3A_85 : vector<16xf32>
        %parallel_loop3A_622 = arith.constant 0 : i32
        %parallel_loop3A_623 = arith.constant 0 : i32
        %parallel_loop3A_624 = tpu.memref_slice %arg9[%parallel_loop3A_230, %parallel_loop3A_622, %parallel_loop3A_623] : memref<2x200x128xf32, #tpu.memory_space<vmem>> -> memref<1x200x128xf32, #tpu.memory_space<vmem>>
        %parallel_loop3A_625 = tpu.memref_squeeze %parallel_loop3A_624 : memref<1x200x128xf32, #tpu.memory_space<vmem>> -> memref<200x128xf32, #tpu.memory_space<vmem>>
        %parallel_loop3A_626 = arith.index_cast %parallel_loop3A_331 : i32 to index
        %parallel_loop3A_627 = arith.constant 80 : index
        %parallel_loop3A_628 = tpu.vector_load %parallel_loop3A_625[%parallel_loop3A_626, %parallel_loop3A_627] {strides = array<i32>} : memref<200x128xf32, #tpu.memory_space<vmem>>, vector<1x16xf32>,
        %parallel_loop3A_629 = vector.shape_cast %parallel_loop3A_628 : vector<1x16xf32> to vector<16xf32>
        %parallel_loop3A_630 = vector.shape_cast %parallel_loop3A_621 : vector<16xf32> to vector<1x16xf32>
        tpu.vector_store %parallel_loop3A_625[%parallel_loop3A_626, %parallel_loop3A_627], %parallel_loop3A_630 {strides = array<i32>} : memref<200x128xf32, #tpu.memory_space<vmem>>, vector<1x16xf32>,
        %parallel_loop3A_631 = arith.mulf %parallel_loop3A_552, %mul3A_43 : vector<16xf32>
        %parallel_loop3A_632 = arith.subf %parallel_loop3A_422, %parallel_loop3A_524 : vector<16xf32>
        %parallel_loop3A_633 = arith.mulf %parallel_loop3A_632, %parallel_loop3A_631 : vector<16xf32>
        %parallel_loop3A_634 = arith.addf %parallel_loop3A_633, %mul3A_91 : vector<16xf32>
        %parallel_loop3A_635 = arith.constant 0 : i32
        %parallel_loop3A_636 = arith.constant 0 : i32
        %parallel_loop3A_637 = tpu.memref_slice %arg9[%parallel_loop3A_230, %parallel_loop3A_635, %parallel_loop3A_636] : memref<2x200x128xf32, #tpu.memory_space<vmem>> -> memref<1x200x128xf32, #tpu.memory_space<vmem>>
        %parallel_loop3A_638 = tpu.memref_squeeze %parallel_loop3A_637 : memref<1x200x128xf32, #tpu.memory_space<vmem>> -> memref<200x128xf32, #tpu.memory_space<vmem>>
        %parallel_loop3A_639 = arith.index_cast %parallel_loop3A_331 : i32 to index
        %parallel_loop3A_640 = arith.constant 96 : index
        %parallel_loop3A_641 = tpu.vector_load %parallel_loop3A_638[%parallel_loop3A_639, %parallel_loop3A_640] {strides = array<i32>} : memref<200x128xf32, #tpu.memory_space<vmem>>, vector<1x16xf32>,
        %parallel_loop3A_642 = vector.shape_cast %parallel_loop3A_641 : vector<1x16xf32> to vector<16xf32>
        %parallel_loop3A_643 = vector.shape_cast %parallel_loop3A_634 : vector<16xf32> to vector<1x16xf32>
        tpu.vector_store %parallel_loop3A_638[%parallel_loop3A_639, %parallel_loop3A_640], %parallel_loop3A_643 {strides = array<i32>} : memref<200x128xf32, #tpu.memory_space<vmem>>, vector<1x16xf32>,
        %parallel_loop3A_644 = arith.mulf %parallel_loop3A_552, %mul3A_49 : vector<16xf32>
        %parallel_loop3A_645 = arith.subf %parallel_loop3A_435, %parallel_loop3A_524 : vector<16xf32>
        %parallel_loop3A_646 = arith.mulf %parallel_loop3A_645, %parallel_loop3A_644 : vector<16xf32>
        %parallel_loop3A_647 = arith.addf %parallel_loop3A_646, %mul3A_97 : vector<16xf32>
        %parallel_loop3A_648 = arith.constant 0 : i32
        %parallel_loop3A_649 = arith.constant 0 : i32
        %parallel_loop3A_650 = tpu.memref_slice %arg9[%parallel_loop3A_230, %parallel_loop3A_648, %parallel_loop3A_649] : memref<2x200x128xf32, #tpu.memory_space<vmem>> -> memref<1x200x128xf32, #tpu.memory_space<vmem>>
        %parallel_loop3A_651 = tpu.memref_squeeze %parallel_loop3A_650 : memref<1x200x128xf32, #tpu.memory_space<vmem>> -> memref<200x128xf32, #tpu.memory_space<vmem>>
        %parallel_loop3A_652 = arith.index_cast %parallel_loop3A_331 : i32 to index
        %parallel_loop3A_653 = arith.constant 112 : index
        %parallel_loop3A_654 = tpu.vector_load %parallel_loop3A_651[%parallel_loop3A_652, %parallel_loop3A_653] {strides = array<i32>} : memref<200x128xf32, #tpu.memory_space<vmem>>, vector<1x16xf32>,
        %parallel_loop3A_655 = vector.shape_cast %parallel_loop3A_654 : vector<1x16xf32> to vector<16xf32>
        %parallel_loop3A_656 = vector.shape_cast %parallel_loop3A_647 : vector<16xf32> to vector<1x16xf32>
        tpu.vector_store %parallel_loop3A_651[%parallel_loop3A_652, %parallel_loop3A_653], %parallel_loop3A_656 {strides = array<i32>} : memref<200x128xf32, #tpu.memory_space<vmem>>, vector<1x16xf32>,
      } {sc.loop_unroll_factor = 2 : i64, sc.parallel_access}
      %add3A_231 = arith.addi %mul3A_99, %add3A_155 : i32
      %dma_start3A_232 = arith.constant 0 : i32
      %dma_start3A_233 = arith.constant 0 : i32
      %dma_start3A_234 = arith.constant 0 : i32
      %dma_start3A_235 = tpu.memref_slice %arg9[%dma_start3A_232, %dma_start3A_233, %dma_start3A_234] : memref<2x200x128xf32, #tpu.memory_space<vmem>> -> memref<1x200x128xf32, #tpu.memory_space<vmem>>
      %dma_start3A_236 = tpu.memref_squeeze %dma_start3A_235 : memref<1x200x128xf32, #tpu.memory_space<vmem>> -> memref<200x128xf32, #tpu.memory_space<vmem>>
      %dma_start3A_237 = arith.constant 0 : i32
      %dma_start3A_238 = arith.constant 0 : i32
      %dma_start3A_239 = tpu.memref_slice %arg7[%add3A_231, %dma_start3A_237, %dma_start3A_238] : memref<4096x200x128xf32, #tpu.memory_space<hbm>> -> memref<1x200x128xf32, #tpu.memory_space<hbm>>
      %dma_start3A_240 = tpu.memref_squeeze %dma_start3A_239 : memref<1x200x128xf32, #tpu.memory_space<hbm>> -> memref<200x128xf32, #tpu.memory_space<hbm>>
      %dma_start3A_241 = arith.constant 0 : i32
      %dma_start3A_242 = arith.constant 0 : i32
      %dma_start3A_243 = tpu.memref_slice %arg7[%add3A_231, %dma_start3A_241, %dma_start3A_242] : memref<4096x200x128xf32, #tpu.memory_space<hbm>> -> memref<1x200x128xf32, #tpu.memory_space<hbm>>
      %dma_start3A_244 = tpu.memref_squeeze %dma_start3A_243 : memref<1x200x128xf32, #tpu.memory_space<hbm>> -> memref<200x128xf32, #tpu.memory_space<hbm>>
      %dma_start3A_245 = arith.constant 0 : i32
      %dma_start3A_246 = arith.constant 0 : i32
      %dma_start3A_247 = tpu.memref_slice %arg9[%dma_start3A_232, %dma_start3A_245, %dma_start3A_246] : memref<2x200x128xf32, #tpu.memory_space<vmem>> -> memref<1x200x128xf32, #tpu.memory_space<vmem>>
      %dma_start3A_248 = tpu.memref_squeeze %dma_start3A_247 : memref<1x200x128xf32, #tpu.memory_space<vmem>> -> memref<200x128xf32, #tpu.memory_space<vmem>>
      tpu.enqueue_dma source(%dma_start3A_248 : memref<200x128xf32, #tpu.memory_space<vmem>>) target(%dma_start3A_244 : memref<200x128xf32, #tpu.memory_space<hbm>>) target_semaphore(%arg15 : memref<!tpu.dma_semaphore, #tpu.memory_space<semaphore_mem>>)
      %mul3A_249 = arith.constant 2 : i32
      %mul3A_250 = arith.muli %scan3A_151, %mul3A_249 : i32
      %add3A_251 = arith.constant 1 : i32
      %add3A_252 = arith.addi %mul3A_250, %add3A_251 : i32
      %dma_wait3A_253 = arith.constant 0 : i32
      %dma_wait3A_254 = arith.constant 1 : i32
      %dma_wait3A_255 = arith.constant 0 : i32
      %dma_wait3A_256 = arith.constant 0 : i32
      %dma_wait3A_257 = tpu.memref_slice %arg9[%dma_wait3A_254, %dma_wait3A_255, %dma_wait3A_256] : memref<2x200x128xf32, #tpu.memory_space<vmem>> -> memref<1x200x128xf32, #tpu.memory_space<vmem>>
      %dma_wait3A_258 = tpu.memref_squeeze %dma_wait3A_257 : memref<1x200x128xf32, #tpu.memory_space<vmem>> -> memref<200x128xf32, #tpu.memory_space<vmem>>
      %dma_wait3A_259 = arith.constant 0 : i32
      %dma_wait3A_260 = arith.constant 0 : i32
      %dma_wait3A_261 = tpu.memref_slice %dma_wait3A_258[%dma_wait3A_259, %dma_wait3A_260] : memref<200x128xf32, #tpu.memory_space<vmem>> -> memref<100x128xf32, #tpu.memory_space<vmem>>
      %dma_wait3A_262 = arith.constant 0 : i32
      %dma_wait3A_263 = tpu.memref_slice %arg8[%dma_wait3A_253, %dma_wait3A_262] : memref<256x100xi32, #tpu.memory_space<vmem>> -> memref<1x100xi32, #tpu.memory_space<vmem>>
      %dma_wait3A_264 = tpu.memref_squeeze %dma_wait3A_263 : memref<1x100xi32, #tpu.memory_space<vmem>> -> memref<100xi32, #tpu.memory_space<vmem>>
      %dma_wait3A_265 = arith.constant 0 : i32
      %dma_wait3A_266 = arith.constant 0 : i32
      %dma_wait3A_267 = tpu.memref_slice %arg3[%dma_wait3A_265, %dma_wait3A_266] : memref<100000x128xf32, #tpu.memory_space<hbm>> -> memref<100000x128xf32, #tpu.memory_space<hbm>>
      tpu.wait_indirect_dma semaphore(%arg14 : memref<!tpu.dma_semaphore, #tpu.memory_space<semaphore_mem>>) src(%dma_wait3A_267 : memref<100000x128xf32, #tpu.memory_space<hbm>>) dst(%dma_wait3A_261 : memref<100x128xf32, #tpu.memory_space<vmem>>)
      %dma_wait3A_268 = arith.constant 0 : i32
      %dma_wait3A_269 = arith.constant 1 : i32
      %dma_wait3A_270 = arith.constant 0 : i32
      %dma_wait3A_271 = arith.constant 0 : i32
      %dma_wait3A_272 = tpu.memref_slice %arg9[%dma_wait3A_269, %dma_wait3A_270, %dma_wait3A_271] : memref<2x200x128xf32, #tpu.memory_space<vmem>> -> memref<1x200x128xf32, #tpu.memory_space<vmem>>
      %dma_wait3A_273 = tpu.memref_squeeze %dma_wait3A_272 : memref<1x200x128xf32, #tpu.memory_space<vmem>> -> memref<200x128xf32, #tpu.memory_space<vmem>>
      %dma_wait3A_274 = arith.constant 0 : i32
      %dma_wait3A_275 = arith.constant 0 : i32
      %dma_wait3A_276 = tpu.memref_slice %dma_wait3A_273[%dma_wait3A_274, %dma_wait3A_275] : memref<200x128xf32, #tpu.memory_space<vmem>> -> memref<100x128xf32, #tpu.memory_space<vmem>>
      %dma_wait3A_277 = arith.constant 0 : i32
      %dma_wait3A_278 = tpu.memref_slice %arg8[%dma_wait3A_268, %dma_wait3A_277] : memref<256x100xi32, #tpu.memory_space<vmem>> -> memref<1x100xi32, #tpu.memory_space<vmem>>
      %dma_wait3A_279 = tpu.memref_squeeze %dma_wait3A_278 : memref<1x100xi32, #tpu.memory_space<vmem>> -> memref<100xi32, #tpu.memory_space<vmem>>
      %dma_wait3A_280 = arith.constant 0 : i32
      %dma_wait3A_281 = arith.constant 0 : i32
      %dma_wait3A_282 = tpu.memref_slice %arg3[%dma_wait3A_280, %dma_wait3A_281] : memref<100000x128xf32, #tpu.memory_space<hbm>> -> memref<100000x128xf32, #tpu.memory_space<hbm>>
      tpu.wait_indirect_dma semaphore(%arg14 : memref<!tpu.dma_semaphore, #tpu.memory_space<semaphore_mem>>) src(%dma_wait3A_282 : memref<100000x128xf32, #tpu.memory_space<hbm>>) dst(%dma_wait3A_276 : memref<100x128xf32, #tpu.memory_space<vmem>>)
      %parallel_loop3A_283 = arith.constant 0 : i32
      %parallel_loop3A_284 = arith.constant 100 : i32
      %parallel_loop3A_285 = arith.constant 1 : i32
      %parallel_loop3A_286 = arith.constant 1 : i32
      scf.for %parallel_loop3A_331 = %parallel_loop3A_283 to %parallel_loop3A_284 step %parallel_loop3A_285  : i32 {
        %parallel_loop3A_332 = arith.constant 0 : i32
        %parallel_loop3A_333 = arith.constant 0 : i32
        %parallel_loop3A_334 = tpu.memref_slice %arg9[%parallel_loop3A_286, %parallel_loop3A_332, %parallel_loop3A_333] : memref<2x200x128xf32, #tpu.memory_space<vmem>> -> memref<1x200x128xf32, #tpu.memory_space<vmem>>
        %parallel_loop3A_335 = tpu.memref_squeeze %parallel_loop3A_334 : memref<1x200x128xf32, #tpu.memory_space<vmem>> -> memref<200x128xf32, #tpu.memory_space<vmem>>
        %parallel_loop3A_336 = arith.index_cast %parallel_loop3A_331 : i32 to index
        %parallel_loop3A_337 = arith.constant 0 : index
        %parallel_loop3A_338 = tpu.vector_load %parallel_loop3A_335[%parallel_loop3A_336, %parallel_loop3A_337] {strides = array<i32>} : memref<200x128xf32, #tpu.memory_space<vmem>>, vector<1x16xf32>,
        %parallel_loop3A_339 = vector.shape_cast %parallel_loop3A_338 : vector<1x16xf32> to vector<16xf32>
        %parallel_loop3A_340 = arith.index_cast %parallel_loop3A_331 : i32 to index
        %parallel_loop3A_341 = arith.constant 0 : index
        %parallel_loop3A_342 = tpu.vector_load %arg10[%parallel_loop3A_340, %parallel_loop3A_341] {strides = array<i32>} : memref<200x128xf32, #tpu.memory_space<vmem>>, vector<1x16xf32>,
        %parallel_loop3A_343 = vector.shape_cast %parallel_loop3A_342 : vector<1x16xf32> to vector<16xf32>
        %parallel_loop3A_344 = arith.addf %parallel_loop3A_339, %parallel_loop3A_343 : vector<16xf32>
        %parallel_loop3A_345 = arith.constant 0 : i32
        %parallel_loop3A_346 = arith.constant 0 : i32
        %parallel_loop3A_347 = tpu.memref_slice %arg9[%parallel_loop3A_286, %parallel_loop3A_345, %parallel_loop3A_346] : memref<2x200x128xf32, #tpu.memory_space<vmem>> -> memref<1x200x128xf32, #tpu.memory_space<vmem>>
        %parallel_loop3A_348 = tpu.memref_squeeze %parallel_loop3A_347 : memref<1x200x128xf32, #tpu.memory_space<vmem>> -> memref<200x128xf32, #tpu.memory_space<vmem>>
        %parallel_loop3A_349 = arith.index_cast %parallel_loop3A_331 : i32 to index
        %parallel_loop3A_350 = arith.constant 16 : index
        %parallel_loop3A_351 = tpu.vector_load %parallel_loop3A_348[%parallel_loop3A_349, %parallel_loop3A_350] {strides = array<i32>} : memref<200x128xf32, #tpu.memory_space<vmem>>, vector<1x16xf32>,
        %parallel_loop3A_352 = vector.shape_cast %parallel_loop3A_351 : vector<1x16xf32> to vector<16xf32>
        %parallel_loop3A_353 = arith.index_cast %parallel_loop3A_331 : i32 to index
        %parallel_loop3A_354 = arith.constant 16 : index
        %parallel_loop3A_355 = tpu.vector_load %arg10[%parallel_loop3A_353, %parallel_loop3A_354] {strides = array<i32>} : memref<200x128xf32, #tpu.memory_space<vmem>>, vector<1x16xf32>,
        %parallel_loop3A_356 = vector.shape_cast %parallel_loop3A_355 : vector<1x16xf32> to vector<16xf32>
        %parallel_loop3A_357 = arith.addf %parallel_loop3A_352, %parallel_loop3A_356 : vector<16xf32>
        %parallel_loop3A_358 = arith.constant 0 : i32
        %parallel_loop3A_359 = arith.constant 0 : i32
        %parallel_loop3A_360 = tpu.memref_slice %arg9[%parallel_loop3A_286, %parallel_loop3A_358, %parallel_loop3A_359] : memref<2x200x128xf32, #tpu.memory_space<vmem>> -> memref<1x200x128xf32, #tpu.memory_space<vmem>>
        %parallel_loop3A_361 = tpu.memref_squeeze %parallel_loop3A_360 : memref<1x200x128xf32, #tpu.memory_space<vmem>> -> memref<200x128xf32, #tpu.memory_space<vmem>>
        %parallel_loop3A_362 = arith.index_cast %parallel_loop3A_331 : i32 to index
        %parallel_loop3A_363 = arith.constant 32 : index
        %parallel_loop3A_364 = tpu.vector_load %parallel_loop3A_361[%parallel_loop3A_362, %parallel_loop3A_363] {strides = array<i32>} : memref<200x128xf32, #tpu.memory_space<vmem>>, vector<1x16xf32>,
        %parallel_loop3A_365 = vector.shape_cast %parallel_loop3A_364 : vector<1x16xf32> to vector<16xf32>
        %parallel_loop3A_366 = arith.index_cast %parallel_loop3A_331 : i32 to index
        %parallel_loop3A_367 = arith.constant 32 : index
        %parallel_loop3A_368 = tpu.vector_load %arg10[%parallel_loop3A_366, %parallel_loop3A_367] {strides = array<i32>} : memref<200x128xf32, #tpu.memory_space<vmem>>, vector<1x16xf32>,
        %parallel_loop3A_369 = vector.shape_cast %parallel_loop3A_368 : vector<1x16xf32> to vector<16xf32>
        %parallel_loop3A_370 = arith.addf %parallel_loop3A_365, %parallel_loop3A_369 : vector<16xf32>
        %parallel_loop3A_371 = arith.constant 0 : i32
        %parallel_loop3A_372 = arith.constant 0 : i32
        %parallel_loop3A_373 = tpu.memref_slice %arg9[%parallel_loop3A_286, %parallel_loop3A_371, %parallel_loop3A_372] : memref<2x200x128xf32, #tpu.memory_space<vmem>> -> memref<1x200x128xf32, #tpu.memory_space<vmem>>
        %parallel_loop3A_374 = tpu.memref_squeeze %parallel_loop3A_373 : memref<1x200x128xf32, #tpu.memory_space<vmem>> -> memref<200x128xf32, #tpu.memory_space<vmem>>
        %parallel_loop3A_375 = arith.index_cast %parallel_loop3A_331 : i32 to index
        %parallel_loop3A_376 = arith.constant 48 : index
        %parallel_loop3A_377 = tpu.vector_load %parallel_loop3A_374[%parallel_loop3A_375, %parallel_loop3A_376] {strides = array<i32>} : memref<200x128xf32, #tpu.memory_space<vmem>>, vector<1x16xf32>,
        %parallel_loop3A_378 = vector.shape_cast %parallel_loop3A_377 : vector<1x16xf32> to vector<16xf32>
        %parallel_loop3A_379 = arith.index_cast %parallel_loop3A_331 : i32 to index
        %parallel_loop3A_380 = arith.constant 48 : index
        %parallel_loop3A_381 = tpu.vector_load %arg10[%parallel_loop3A_379, %parallel_loop3A_380] {strides = array<i32>} : memref<200x128xf32, #tpu.memory_space<vmem>>, vector<1x16xf32>,
        %parallel_loop3A_382 = vector.shape_cast %parallel_loop3A_381 : vector<1x16xf32> to vector<16xf32>
        %parallel_loop3A_383 = arith.addf %parallel_loop3A_378, %parallel_loop3A_382 : vector<16xf32>
        %parallel_loop3A_384 = arith.constant 0 : i32
        %parallel_loop3A_385 = arith.constant 0 : i32
        %parallel_loop3A_386 = tpu.memref_slice %arg9[%parallel_loop3A_286, %parallel_loop3A_384, %parallel_loop3A_385] : memref<2x200x128xf32, #tpu.memory_space<vmem>> -> memref<1x200x128xf32, #tpu.memory_space<vmem>>
        %parallel_loop3A_387 = tpu.memref_squeeze %parallel_loop3A_386 : memref<1x200x128xf32, #tpu.memory_space<vmem>> -> memref<200x128xf32, #tpu.memory_space<vmem>>
        %parallel_loop3A_388 = arith.index_cast %parallel_loop3A_331 : i32 to index
        %parallel_loop3A_389 = arith.constant 64 : index
        %parallel_loop3A_390 = tpu.vector_load %parallel_loop3A_387[%parallel_loop3A_388, %parallel_loop3A_389] {strides = array<i32>} : memref<200x128xf32, #tpu.memory_space<vmem>>, vector<1x16xf32>,
        %parallel_loop3A_391 = vector.shape_cast %parallel_loop3A_390 : vector<1x16xf32> to vector<16xf32>
        %parallel_loop3A_392 = arith.index_cast %parallel_loop3A_331 : i32 to index
        %parallel_loop3A_393 = arith.constant 64 : index
        %parallel_loop3A_394 = tpu.vector_load %arg10[%parallel_loop3A_392, %parallel_loop3A_393] {strides = array<i32>} : memref<200x128xf32, #tpu.memory_space<vmem>>, vector<1x16xf32>,
        %parallel_loop3A_395 = vector.shape_cast %parallel_loop3A_394 : vector<1x16xf32> to vector<16xf32>
        %parallel_loop3A_396 = arith.addf %parallel_loop3A_391, %parallel_loop3A_395 : vector<16xf32>
        %parallel_loop3A_397 = arith.constant 0 : i32
        %parallel_loop3A_398 = arith.constant 0 : i32
        %parallel_loop3A_399 = tpu.memref_slice %arg9[%parallel_loop3A_286, %parallel_loop3A_397, %parallel_loop3A_398] : memref<2x200x128xf32, #tpu.memory_space<vmem>> -> memref<1x200x128xf32, #tpu.memory_space<vmem>>
        %parallel_loop3A_400 = tpu.memref_squeeze %parallel_loop3A_399 : memref<1x200x128xf32, #tpu.memory_space<vmem>> -> memref<200x128xf32, #tpu.memory_space<vmem>>
        %parallel_loop3A_401 = arith.index_cast %parallel_loop3A_331 : i32 to index
        %parallel_loop3A_402 = arith.constant 80 : index
        %parallel_loop3A_403 = tpu.vector_load %parallel_loop3A_400[%parallel_loop3A_401, %parallel_loop3A_402] {strides = array<i32>} : memref<200x128xf32, #tpu.memory_space<vmem>>, vector<1x16xf32>,
        %parallel_loop3A_404 = vector.shape_cast %parallel_loop3A_403 : vector<1x16xf32> to vector<16xf32>
        %parallel_loop3A_405 = arith.index_cast %parallel_loop3A_331 : i32 to index
        %parallel_loop3A_406 = arith.constant 80 : index
        %parallel_loop3A_407 = tpu.vector_load %arg10[%parallel_loop3A_405, %parallel_loop3A_406] {strides = array<i32>} : memref<200x128xf32, #tpu.memory_space<vmem>>, vector<1x16xf32>,
        %parallel_loop3A_408 = vector.shape_cast %parallel_loop3A_407 : vector<1x16xf32> to vector<16xf32>
        %parallel_loop3A_409 = arith.addf %parallel_loop3A_404, %parallel_loop3A_408 : vector<16xf32>
        %parallel_loop3A_410 = arith.constant 0 : i32
        %parallel_loop3A_411 = arith.constant 0 : i32
        %parallel_loop3A_412 = tpu.memref_slice %arg9[%parallel_loop3A_286, %parallel_loop3A_410, %parallel_loop3A_411] : memref<2x200x128xf32, #tpu.memory_space<vmem>> -> memref<1x200x128xf32, #tpu.memory_space<vmem>>
        %parallel_loop3A_413 = tpu.memref_squeeze %parallel_loop3A_412 : memref<1x200x128xf32, #tpu.memory_space<vmem>> -> memref<200x128xf32, #tpu.memory_space<vmem>>
        %parallel_loop3A_414 = arith.index_cast %parallel_loop3A_331 : i32 to index
        %parallel_loop3A_415 = arith.constant 96 : index
        %parallel_loop3A_416 = tpu.vector_load %parallel_loop3A_413[%parallel_loop3A_414, %parallel_loop3A_415] {strides = array<i32>} : memref<200x128xf32, #tpu.memory_space<vmem>>, vector<1x16xf32>,
        %parallel_loop3A_417 = vector.shape_cast %parallel_loop3A_416 : vector<1x16xf32> to vector<16xf32>
        %parallel_loop3A_418 = arith.index_cast %parallel_loop3A_331 : i32 to index
        %parallel_loop3A_419 = arith.constant 96 : index
        %parallel_loop3A_420 = tpu.vector_load %arg10[%parallel_loop3A_418, %parallel_loop3A_419] {strides = array<i32>} : memref<200x128xf32, #tpu.memory_space<vmem>>, vector<1x16xf32>,
        %parallel_loop3A_421 = vector.shape_cast %parallel_loop3A_420 : vector<1x16xf32> to vector<16xf32>
        %parallel_loop3A_422 = arith.addf %parallel_loop3A_417, %parallel_loop3A_421 : vector<16xf32>
        %parallel_loop3A_423 = arith.constant 0 : i32
        %parallel_loop3A_424 = arith.constant 0 : i32
        %parallel_loop3A_425 = tpu.memref_slice %arg9[%parallel_loop3A_286, %parallel_loop3A_423, %parallel_loop3A_424] : memref<2x200x128xf32, #tpu.memory_space<vmem>> -> memref<1x200x128xf32, #tpu.memory_space<vmem>>
        %parallel_loop3A_426 = tpu.memref_squeeze %parallel_loop3A_425 : memref<1x200x128xf32, #tpu.memory_space<vmem>> -> memref<200x128xf32, #tpu.memory_space<vmem>>
        %parallel_loop3A_427 = arith.index_cast %parallel_loop3A_331 : i32 to index
        %parallel_loop3A_428 = arith.constant 112 : index
        %parallel_loop3A_429 = tpu.vector_load %parallel_loop3A_426[%parallel_loop3A_427, %parallel_loop3A_428] {strides = array<i32>} : memref<200x128xf32, #tpu.memory_space<vmem>>, vector<1x16xf32>,
        %parallel_loop3A_430 = vector.shape_cast %parallel_loop3A_429 : vector<1x16xf32> to vector<16xf32>
        %parallel_loop3A_431 = arith.index_cast %parallel_loop3A_331 : i32 to index
        %parallel_loop3A_432 = arith.constant 112 : index
        %parallel_loop3A_433 = tpu.vector_load %arg10[%parallel_loop3A_431, %parallel_loop3A_432] {strides = array<i32>} : memref<200x128xf32, #tpu.memory_space<vmem>>, vector<1x16xf32>,
        %parallel_loop3A_434 = vector.shape_cast %parallel_loop3A_433 : vector<1x16xf32> to vector<16xf32>
        %parallel_loop3A_435 = arith.addf %parallel_loop3A_430, %parallel_loop3A_434 : vector<16xf32>
        %parallel_loop3A_436 = arith.mulf %parallel_loop3A_344, %parallel_loop3A_344 : vector<16xf32>
        %parallel_loop3A_437 = arith.mulf %parallel_loop3A_357, %parallel_loop3A_357 : vector<16xf32>
        %parallel_loop3A_438 = arith.mulf %parallel_loop3A_370, %parallel_loop3A_370 : vector<16xf32>
        %parallel_loop3A_439 = arith.mulf %parallel_loop3A_383, %parallel_loop3A_383 : vector<16xf32>
        %parallel_loop3A_440 = arith.mulf %parallel_loop3A_396, %parallel_loop3A_396 : vector<16xf32>
        %parallel_loop3A_441 = arith.mulf %parallel_loop3A_409, %parallel_loop3A_409 : vector<16xf32>
        %parallel_loop3A_442 = arith.mulf %parallel_loop3A_422, %parallel_loop3A_422 : vector<16xf32>
        %parallel_loop3A_443 = arith.mulf %parallel_loop3A_435, %parallel_loop3A_435 : vector<16xf32>
        %parallel_loop3A_444 = arith.addf %parallel_loop3A_344, %parallel_loop3A_357 : vector<16xf32>
        %parallel_loop3A_445 = arith.addf %parallel_loop3A_370, %parallel_loop3A_383 : vector<16xf32>
        %parallel_loop3A_446 = arith.addf %parallel_loop3A_396, %parallel_loop3A_409 : vector<16xf32>
        %parallel_loop3A_447 = arith.addf %parallel_loop3A_422, %parallel_loop3A_435 : vector<16xf32>
        %parallel_loop3A_448 = arith.addf %parallel_loop3A_444, %parallel_loop3A_445 : vector<16xf32>
        %parallel_loop3A_449 = arith.addf %parallel_loop3A_446, %parallel_loop3A_447 : vector<16xf32>
        %parallel_loop3A_450 = arith.addf %parallel_loop3A_448, %parallel_loop3A_449 : vector<16xf32>
        %parallel_loop3A_451 = tpu.iota {dimensions = array<i32: 0>} : vector<16xi32>
        %parallel_loop3A_452 = arith.constant 8 : i32
        %parallel_loop3A_453 = vector.broadcast %parallel_loop3A_452 : i32 to vector<16xi32>
        %parallel_loop3A_454 = arith.xori %parallel_loop3A_451, %parallel_loop3A_453 : vector<16xi32>
        %parallel_loop3A_455 = vector.shape_cast %parallel_loop3A_454 : vector<16xi32> to vector<16x1xi32>
        %parallel_loop3A_456 = vector.shape_cast %parallel_loop3A_455 : vector<16x1xi32> to vector<16xi32>
        %parallel_loop3A_457 = tpu.dynamic_gather %parallel_loop3A_450[%parallel_loop3A_456] in [0] : vector<16xf32>, vector<16xi32> -> vector<16xf32>
        %parallel_loop3A_458 = arith.addf %parallel_loop3A_450, %parallel_loop3A_457 : vector<16xf32>
        %parallel_loop3A_459 = tpu.iota {dimensions = array<i32: 0>} : vector<16xi32>
        %parallel_loop3A_460 = arith.constant 4 : i32
        %parallel_loop3A_461 = vector.broadcast %parallel_loop3A_460 : i32 to vector<16xi32>
        %parallel_loop3A_462 = arith.xori %parallel_loop3A_459, %parallel_loop3A_461 : vector<16xi32>
        %parallel_loop3A_463 = vector.shape_cast %parallel_loop3A_462 : vector<16xi32> to vector<16x1xi32>
        %parallel_loop3A_464 = vector.shape_cast %parallel_loop3A_463 : vector<16x1xi32> to vector<16xi32>
        %parallel_loop3A_465 = tpu.dynamic_gather %parallel_loop3A_458[%parallel_loop3A_464] in [0] : vector<16xf32>, vector<16xi32> -> vector<16xf32>
        %parallel_loop3A_466 = arith.addf %parallel_loop3A_458, %parallel_loop3A_465 : vector<16xf32>
        %parallel_loop3A_467 = tpu.iota {dimensions = array<i32: 0>} : vector<16xi32>
        %parallel_loop3A_468 = arith.constant 2 : i32
        %parallel_loop3A_469 = vector.broadcast %parallel_loop3A_468 : i32 to vector<16xi32>
        %parallel_loop3A_470 = arith.xori %parallel_loop3A_467, %parallel_loop3A_469 : vector<16xi32>
        %parallel_loop3A_471 = vector.shape_cast %parallel_loop3A_470 : vector<16xi32> to vector<16x1xi32>
        %parallel_loop3A_472 = vector.shape_cast %parallel_loop3A_471 : vector<16x1xi32> to vector<16xi32>
        %parallel_loop3A_473 = tpu.dynamic_gather %parallel_loop3A_466[%parallel_loop3A_472] in [0] : vector<16xf32>, vector<16xi32> -> vector<16xf32>
        %parallel_loop3A_474 = arith.addf %parallel_loop3A_466, %parallel_loop3A_473 : vector<16xf32>
        %parallel_loop3A_475 = tpu.iota {dimensions = array<i32: 0>} : vector<16xi32>
        %parallel_loop3A_476 = arith.constant 1 : i32
        %parallel_loop3A_477 = vector.broadcast %parallel_loop3A_476 : i32 to vector<16xi32>
        %parallel_loop3A_478 = arith.xori %parallel_loop3A_475, %parallel_loop3A_477 : vector<16xi32>
        %parallel_loop3A_479 = vector.shape_cast %parallel_loop3A_478 : vector<16xi32> to vector<16x1xi32>
        %parallel_loop3A_480 = vector.shape_cast %parallel_loop3A_479 : vector<16x1xi32> to vector<16xi32>
        %parallel_loop3A_481 = tpu.dynamic_gather %parallel_loop3A_474[%parallel_loop3A_480] in [0] : vector<16xf32>, vector<16xi32> -> vector<16xf32>
        %parallel_loop3A_482 = arith.addf %parallel_loop3A_474, %parallel_loop3A_481 : vector<16xf32>
        %parallel_loop3A_483 = arith.addf %parallel_loop3A_436, %parallel_loop3A_437 : vector<16xf32>
        %parallel_loop3A_484 = arith.addf %parallel_loop3A_438, %parallel_loop3A_439 : vector<16xf32>
        %parallel_loop3A_485 = arith.addf %parallel_loop3A_440, %parallel_loop3A_441 : vector<16xf32>
        %parallel_loop3A_486 = arith.addf %parallel_loop3A_442, %parallel_loop3A_443 : vector<16xf32>
        %parallel_loop3A_487 = arith.addf %parallel_loop3A_483, %parallel_loop3A_484 : vector<16xf32>
        %parallel_loop3A_488 = arith.addf %parallel_loop3A_485, %parallel_loop3A_486 : vector<16xf32>
        %parallel_loop3A_489 = arith.addf %parallel_loop3A_487, %parallel_loop3A_488 : vector<16xf32>
        %parallel_loop3A_490 = tpu.iota {dimensions = array<i32: 0>} : vector<16xi32>
        %parallel_loop3A_491 = arith.constant 8 : i32
        %parallel_loop3A_492 = vector.broadcast %parallel_loop3A_491 : i32 to vector<16xi32>
        %parallel_loop3A_493 = arith.xori %parallel_loop3A_490, %parallel_loop3A_492 : vector<16xi32>
        %parallel_loop3A_494 = vector.shape_cast %parallel_loop3A_493 : vector<16xi32> to vector<16x1xi32>
        %parallel_loop3A_495 = vector.shape_cast %parallel_loop3A_494 : vector<16x1xi32> to vector<16xi32>
        %parallel_loop3A_496 = tpu.dynamic_gather %parallel_loop3A_489[%parallel_loop3A_495] in [0] : vector<16xf32>, vector<16xi32> -> vector<16xf32>
        %parallel_loop3A_497 = arith.addf %parallel_loop3A_489, %parallel_loop3A_496 : vector<16xf32>
        %parallel_loop3A_498 = tpu.iota {dimensions = array<i32: 0>} : vector<16xi32>
        %parallel_loop3A_499 = arith.constant 4 : i32
        %parallel_loop3A_500 = vector.broadcast %parallel_loop3A_499 : i32 to vector<16xi32>
        %parallel_loop3A_501 = arith.xori %parallel_loop3A_498, %parallel_loop3A_500 : vector<16xi32>
        %parallel_loop3A_502 = vector.shape_cast %parallel_loop3A_501 : vector<16xi32> to vector<16x1xi32>
        %parallel_loop3A_503 = vector.shape_cast %parallel_loop3A_502 : vector<16x1xi32> to vector<16xi32>
        %parallel_loop3A_504 = tpu.dynamic_gather %parallel_loop3A_497[%parallel_loop3A_503] in [0] : vector<16xf32>, vector<16xi32> -> vector<16xf32>
        %parallel_loop3A_505 = arith.addf %parallel_loop3A_497, %parallel_loop3A_504 : vector<16xf32>
        %parallel_loop3A_506 = tpu.iota {dimensions = array<i32: 0>} : vector<16xi32>
        %parallel_loop3A_507 = arith.constant 2 : i32
        %parallel_loop3A_508 = vector.broadcast %parallel_loop3A_507 : i32 to vector<16xi32>
        %parallel_loop3A_509 = arith.xori %parallel_loop3A_506, %parallel_loop3A_508 : vector<16xi32>
        %parallel_loop3A_510 = vector.shape_cast %parallel_loop3A_509 : vector<16xi32> to vector<16x1xi32>
        %parallel_loop3A_511 = vector.shape_cast %parallel_loop3A_510 : vector<16x1xi32> to vector<16xi32>
        %parallel_loop3A_512 = tpu.dynamic_gather %parallel_loop3A_505[%parallel_loop3A_511] in [0] : vector<16xf32>, vector<16xi32> -> vector<16xf32>
        %parallel_loop3A_513 = arith.addf %parallel_loop3A_505, %parallel_loop3A_512 : vector<16xf32>
        %parallel_loop3A_514 = tpu.iota {dimensions = array<i32: 0>} : vector<16xi32>
        %parallel_loop3A_515 = arith.constant 1 : i32
        %parallel_loop3A_516 = vector.broadcast %parallel_loop3A_515 : i32 to vector<16xi32>
        %parallel_loop3A_517 = arith.xori %parallel_loop3A_514, %parallel_loop3A_516 : vector<16xi32>
        %parallel_loop3A_518 = vector.shape_cast %parallel_loop3A_517 : vector<16xi32> to vector<16x1xi32>
        %parallel_loop3A_519 = vector.shape_cast %parallel_loop3A_518 : vector<16x1xi32> to vector<16xi32>
        %parallel_loop3A_520 = tpu.dynamic_gather %parallel_loop3A_513[%parallel_loop3A_519] in [0] : vector<16xf32>, vector<16xi32> -> vector<16xf32>
        %parallel_loop3A_521 = arith.addf %parallel_loop3A_513, %parallel_loop3A_520 : vector<16xf32>
        %parallel_loop3A_522 = arith.constant 7.812500e-03 : f32
        %parallel_loop3A_523 = vector.broadcast %parallel_loop3A_522 : f32 to vector<16xf32>
        %parallel_loop3A_524 = arith.mulf %parallel_loop3A_482, %parallel_loop3A_523 : vector<16xf32>
        %parallel_loop3A_525 = arith.mulf %parallel_loop3A_524, %parallel_loop3A_524 : vector<16xf32>
        %parallel_loop3A_526 = arith.constant 1.280000e+02 : f32
        %parallel_loop3A_527 = vector.broadcast %parallel_loop3A_526 : f32 to vector<16xf32>
        %parallel_loop3A_528 = arith.mulf %parallel_loop3A_525, %parallel_loop3A_527 : vector<16xf32>
        %parallel_loop3A_529 = arith.subf %parallel_loop3A_521, %parallel_loop3A_528 : vector<16xf32>
        %parallel_loop3A_530 = arith.constant 0.00787401571 : f32
        %parallel_loop3A_531 = vector.broadcast %parallel_loop3A_530 : f32 to vector<16xf32>
        %parallel_loop3A_532 = arith.mulf %parallel_loop3A_529, %parallel_loop3A_531 : vector<16xf32>
        %parallel_loop3A_533 = arith.constant 9.99999996E-13 : f32
        %parallel_loop3A_534 = vector.broadcast %parallel_loop3A_533 : f32 to vector<16xf32>
        %parallel_loop3A_535 = arith.maximumf %parallel_loop3A_532, %parallel_loop3A_534 : vector<16xf32>
        %parallel_loop3A_536 = tpu.bitcast %parallel_loop3A_535 : vector<16xf32> -> vector<16xi32>
        %parallel_loop3A_537 = arith.constant 1 : i32
        %parallel_loop3A_538 = vector.broadcast %parallel_loop3A_537 : i32 to vector<16xi32>
        %parallel_loop3A_539 = arith.shrui %parallel_loop3A_536, %parallel_loop3A_538 : vector<16xi32>
        %parallel_loop3A_540 = arith.constant 1597463007 : i32
        %parallel_loop3A_541 = vector.broadcast %parallel_loop3A_540 : i32 to vector<16xi32>
        %parallel_loop3A_542 = arith.subi %parallel_loop3A_541, %parallel_loop3A_539 : vector<16xi32>
        %parallel_loop3A_543 = tpu.bitcast %parallel_loop3A_542 : vector<16xi32> -> vector<16xf32>
        %parallel_loop3A_544 = arith.constant 5.000000e-01 : f32
        %parallel_loop3A_545 = vector.broadcast %parallel_loop3A_544 : f32 to vector<16xf32>
        %parallel_loop3A_546 = arith.mulf %parallel_loop3A_535, %parallel_loop3A_545 : vector<16xf32>
        %parallel_loop3A_547 = arith.mulf %parallel_loop3A_546, %parallel_loop3A_543 : vector<16xf32>
        %parallel_loop3A_548 = arith.mulf %parallel_loop3A_547, %parallel_loop3A_543 : vector<16xf32>
        %parallel_loop3A_549 = arith.constant 1.500000e+00 : f32
        %parallel_loop3A_550 = vector.broadcast %parallel_loop3A_549 : f32 to vector<16xf32>
        %parallel_loop3A_551 = arith.subf %parallel_loop3A_550, %parallel_loop3A_548 : vector<16xf32>
        %parallel_loop3A_552 = arith.mulf %parallel_loop3A_543, %parallel_loop3A_551 : vector<16xf32>
        %parallel_loop3A_553 = arith.mulf %parallel_loop3A_552, %mul3A_7 : vector<16xf32>
        %parallel_loop3A_554 = arith.subf %parallel_loop3A_344, %parallel_loop3A_524 : vector<16xf32>
        %parallel_loop3A_555 = arith.mulf %parallel_loop3A_554, %parallel_loop3A_553 : vector<16xf32>
        %parallel_loop3A_556 = arith.addf %parallel_loop3A_555, %mul3A_55 : vector<16xf32>
        %parallel_loop3A_557 = arith.constant 0 : i32
        %parallel_loop3A_558 = arith.constant 0 : i32
        %parallel_loop3A_559 = tpu.memref_slice %arg9[%parallel_loop3A_286, %parallel_loop3A_557, %parallel_loop3A_558] : memref<2x200x128xf32, #tpu.memory_space<vmem>> -> memref<1x200x128xf32, #tpu.memory_space<vmem>>
        %parallel_loop3A_560 = tpu.memref_squeeze %parallel_loop3A_559 : memref<1x200x128xf32, #tpu.memory_space<vmem>> -> memref<200x128xf32, #tpu.memory_space<vmem>>
        %parallel_loop3A_561 = arith.index_cast %parallel_loop3A_331 : i32 to index
        %parallel_loop3A_562 = arith.constant 0 : index
        %parallel_loop3A_563 = tpu.vector_load %parallel_loop3A_560[%parallel_loop3A_561, %parallel_loop3A_562] {strides = array<i32>} : memref<200x128xf32, #tpu.memory_space<vmem>>, vector<1x16xf32>,
        %parallel_loop3A_564 = vector.shape_cast %parallel_loop3A_563 : vector<1x16xf32> to vector<16xf32>
        %parallel_loop3A_565 = vector.shape_cast %parallel_loop3A_556 : vector<16xf32> to vector<1x16xf32>
        tpu.vector_store %parallel_loop3A_560[%parallel_loop3A_561, %parallel_loop3A_562], %parallel_loop3A_565 {strides = array<i32>} : memref<200x128xf32, #tpu.memory_space<vmem>>, vector<1x16xf32>,
        %parallel_loop3A_566 = arith.mulf %parallel_loop3A_552, %mul3A_13 : vector<16xf32>
        %parallel_loop3A_567 = arith.subf %parallel_loop3A_357, %parallel_loop3A_524 : vector<16xf32>
        %parallel_loop3A_568 = arith.mulf %parallel_loop3A_567, %parallel_loop3A_566 : vector<16xf32>
        %parallel_loop3A_569 = arith.addf %parallel_loop3A_568, %mul3A_61 : vector<16xf32>
        %parallel_loop3A_570 = arith.constant 0 : i32
        %parallel_loop3A_571 = arith.constant 0 : i32
        %parallel_loop3A_572 = tpu.memref_slice %arg9[%parallel_loop3A_286, %parallel_loop3A_570, %parallel_loop3A_571] : memref<2x200x128xf32, #tpu.memory_space<vmem>> -> memref<1x200x128xf32, #tpu.memory_space<vmem>>
        %parallel_loop3A_573 = tpu.memref_squeeze %parallel_loop3A_572 : memref<1x200x128xf32, #tpu.memory_space<vmem>> -> memref<200x128xf32, #tpu.memory_space<vmem>>
        %parallel_loop3A_574 = arith.index_cast %parallel_loop3A_331 : i32 to index
        %parallel_loop3A_575 = arith.constant 16 : index
        %parallel_loop3A_576 = tpu.vector_load %parallel_loop3A_573[%parallel_loop3A_574, %parallel_loop3A_575] {strides = array<i32>} : memref<200x128xf32, #tpu.memory_space<vmem>>, vector<1x16xf32>,
        %parallel_loop3A_577 = vector.shape_cast %parallel_loop3A_576 : vector<1x16xf32> to vector<16xf32>
        %parallel_loop3A_578 = vector.shape_cast %parallel_loop3A_569 : vector<16xf32> to vector<1x16xf32>
        tpu.vector_store %parallel_loop3A_573[%parallel_loop3A_574, %parallel_loop3A_575], %parallel_loop3A_578 {strides = array<i32>} : memref<200x128xf32, #tpu.memory_space<vmem>>, vector<1x16xf32>,
        %parallel_loop3A_579 = arith.mulf %parallel_loop3A_552, %mul3A_19 : vector<16xf32>
        %parallel_loop3A_580 = arith.subf %parallel_loop3A_370, %parallel_loop3A_524 : vector<16xf32>
        %parallel_loop3A_581 = arith.mulf %parallel_loop3A_580, %parallel_loop3A_579 : vector<16xf32>
        %parallel_loop3A_582 = arith.addf %parallel_loop3A_581, %mul3A_67 : vector<16xf32>
        %parallel_loop3A_583 = arith.constant 0 : i32
        %parallel_loop3A_584 = arith.constant 0 : i32
        %parallel_loop3A_585 = tpu.memref_slice %arg9[%parallel_loop3A_286, %parallel_loop3A_583, %parallel_loop3A_584] : memref<2x200x128xf32, #tpu.memory_space<vmem>> -> memref<1x200x128xf32, #tpu.memory_space<vmem>>
        %parallel_loop3A_586 = tpu.memref_squeeze %parallel_loop3A_585 : memref<1x200x128xf32, #tpu.memory_space<vmem>> -> memref<200x128xf32, #tpu.memory_space<vmem>>
        %parallel_loop3A_587 = arith.index_cast %parallel_loop3A_331 : i32 to index
        %parallel_loop3A_588 = arith.constant 32 : index
        %parallel_loop3A_589 = tpu.vector_load %parallel_loop3A_586[%parallel_loop3A_587, %parallel_loop3A_588] {strides = array<i32>} : memref<200x128xf32, #tpu.memory_space<vmem>>, vector<1x16xf32>,
        %parallel_loop3A_590 = vector.shape_cast %parallel_loop3A_589 : vector<1x16xf32> to vector<16xf32>
        %parallel_loop3A_591 = vector.shape_cast %parallel_loop3A_582 : vector<16xf32> to vector<1x16xf32>
        tpu.vector_store %parallel_loop3A_586[%parallel_loop3A_587, %parallel_loop3A_588], %parallel_loop3A_591 {strides = array<i32>} : memref<200x128xf32, #tpu.memory_space<vmem>>, vector<1x16xf32>,
        %parallel_loop3A_592 = arith.mulf %parallel_loop3A_552, %mul3A_25 : vector<16xf32>
        %parallel_loop3A_593 = arith.subf %parallel_loop3A_383, %parallel_loop3A_524 : vector<16xf32>
        %parallel_loop3A_594 = arith.mulf %parallel_loop3A_593, %parallel_loop3A_592 : vector<16xf32>
        %parallel_loop3A_595 = arith.addf %parallel_loop3A_594, %mul3A_73 : vector<16xf32>
        %parallel_loop3A_596 = arith.constant 0 : i32
        %parallel_loop3A_597 = arith.constant 0 : i32
        %parallel_loop3A_598 = tpu.memref_slice %arg9[%parallel_loop3A_286, %parallel_loop3A_596, %parallel_loop3A_597] : memref<2x200x128xf32, #tpu.memory_space<vmem>> -> memref<1x200x128xf32, #tpu.memory_space<vmem>>
        %parallel_loop3A_599 = tpu.memref_squeeze %parallel_loop3A_598 : memref<1x200x128xf32, #tpu.memory_space<vmem>> -> memref<200x128xf32, #tpu.memory_space<vmem>>
        %parallel_loop3A_600 = arith.index_cast %parallel_loop3A_331 : i32 to index
        %parallel_loop3A_601 = arith.constant 48 : index
        %parallel_loop3A_602 = tpu.vector_load %parallel_loop3A_599[%parallel_loop3A_600, %parallel_loop3A_601] {strides = array<i32>} : memref<200x128xf32, #tpu.memory_space<vmem>>, vector<1x16xf32>,
        %parallel_loop3A_603 = vector.shape_cast %parallel_loop3A_602 : vector<1x16xf32> to vector<16xf32>
        %parallel_loop3A_604 = vector.shape_cast %parallel_loop3A_595 : vector<16xf32> to vector<1x16xf32>
        tpu.vector_store %parallel_loop3A_599[%parallel_loop3A_600, %parallel_loop3A_601], %parallel_loop3A_604 {strides = array<i32>} : memref<200x128xf32, #tpu.memory_space<vmem>>, vector<1x16xf32>,
        %parallel_loop3A_605 = arith.mulf %parallel_loop3A_552, %mul3A_31 : vector<16xf32>
        %parallel_loop3A_606 = arith.subf %parallel_loop3A_396, %parallel_loop3A_524 : vector<16xf32>
        %parallel_loop3A_607 = arith.mulf %parallel_loop3A_606, %parallel_loop3A_605 : vector<16xf32>
        %parallel_loop3A_608 = arith.addf %parallel_loop3A_607, %mul3A_79 : vector<16xf32>
        %parallel_loop3A_609 = arith.constant 0 : i32
        %parallel_loop3A_610 = arith.constant 0 : i32
        %parallel_loop3A_611 = tpu.memref_slice %arg9[%parallel_loop3A_286, %parallel_loop3A_609, %parallel_loop3A_610] : memref<2x200x128xf32, #tpu.memory_space<vmem>> -> memref<1x200x128xf32, #tpu.memory_space<vmem>>
        %parallel_loop3A_612 = tpu.memref_squeeze %parallel_loop3A_611 : memref<1x200x128xf32, #tpu.memory_space<vmem>> -> memref<200x128xf32, #tpu.memory_space<vmem>>
        %parallel_loop3A_613 = arith.index_cast %parallel_loop3A_331 : i32 to index
        %parallel_loop3A_614 = arith.constant 64 : index
        %parallel_loop3A_615 = tpu.vector_load %parallel_loop3A_612[%parallel_loop3A_613, %parallel_loop3A_614] {strides = array<i32>} : memref<200x128xf32, #tpu.memory_space<vmem>>, vector<1x16xf32>,
        %parallel_loop3A_616 = vector.shape_cast %parallel_loop3A_615 : vector<1x16xf32> to vector<16xf32>
        %parallel_loop3A_617 = vector.shape_cast %parallel_loop3A_608 : vector<16xf32> to vector<1x16xf32>
        tpu.vector_store %parallel_loop3A_612[%parallel_loop3A_613, %parallel_loop3A_614], %parallel_loop3A_617 {strides = array<i32>} : memref<200x128xf32, #tpu.memory_space<vmem>>, vector<1x16xf32>,
        %parallel_loop3A_618 = arith.mulf %parallel_loop3A_552, %mul3A_37 : vector<16xf32>
        %parallel_loop3A_619 = arith.subf %parallel_loop3A_409, %parallel_loop3A_524 : vector<16xf32>
        %parallel_loop3A_620 = arith.mulf %parallel_loop3A_619, %parallel_loop3A_618 : vector<16xf32>
        %parallel_loop3A_621 = arith.addf %parallel_loop3A_620, %mul3A_85 : vector<16xf32>
        %parallel_loop3A_622 = arith.constant 0 : i32
        %parallel_loop3A_623 = arith.constant 0 : i32
        %parallel_loop3A_624 = tpu.memref_slice %arg9[%parallel_loop3A_286, %parallel_loop3A_622, %parallel_loop3A_623] : memref<2x200x128xf32, #tpu.memory_space<vmem>> -> memref<1x200x128xf32, #tpu.memory_space<vmem>>
        %parallel_loop3A_625 = tpu.memref_squeeze %parallel_loop3A_624 : memref<1x200x128xf32, #tpu.memory_space<vmem>> -> memref<200x128xf32, #tpu.memory_space<vmem>>
        %parallel_loop3A_626 = arith.index_cast %parallel_loop3A_331 : i32 to index
        %parallel_loop3A_627 = arith.constant 80 : index
        %parallel_loop3A_628 = tpu.vector_load %parallel_loop3A_625[%parallel_loop3A_626, %parallel_loop3A_627] {strides = array<i32>} : memref<200x128xf32, #tpu.memory_space<vmem>>, vector<1x16xf32>,
        %parallel_loop3A_629 = vector.shape_cast %parallel_loop3A_628 : vector<1x16xf32> to vector<16xf32>
        %parallel_loop3A_630 = vector.shape_cast %parallel_loop3A_621 : vector<16xf32> to vector<1x16xf32>
        tpu.vector_store %parallel_loop3A_625[%parallel_loop3A_626, %parallel_loop3A_627], %parallel_loop3A_630 {strides = array<i32>} : memref<200x128xf32, #tpu.memory_space<vmem>>, vector<1x16xf32>,
        %parallel_loop3A_631 = arith.mulf %parallel_loop3A_552, %mul3A_43 : vector<16xf32>
        %parallel_loop3A_632 = arith.subf %parallel_loop3A_422, %parallel_loop3A_524 : vector<16xf32>
        %parallel_loop3A_633 = arith.mulf %parallel_loop3A_632, %parallel_loop3A_631 : vector<16xf32>
        %parallel_loop3A_634 = arith.addf %parallel_loop3A_633, %mul3A_91 : vector<16xf32>
        %parallel_loop3A_635 = arith.constant 0 : i32
        %parallel_loop3A_636 = arith.constant 0 : i32
        %parallel_loop3A_637 = tpu.memref_slice %arg9[%parallel_loop3A_286, %parallel_loop3A_635, %parallel_loop3A_636] : memref<2x200x128xf32, #tpu.memory_space<vmem>> -> memref<1x200x128xf32, #tpu.memory_space<vmem>>
        %parallel_loop3A_638 = tpu.memref_squeeze %parallel_loop3A_637 : memref<1x200x128xf32, #tpu.memory_space<vmem>> -> memref<200x128xf32, #tpu.memory_space<vmem>>
        %parallel_loop3A_639 = arith.index_cast %parallel_loop3A_331 : i32 to index
        %parallel_loop3A_640 = arith.constant 96 : index
        %parallel_loop3A_641 = tpu.vector_load %parallel_loop3A_638[%parallel_loop3A_639, %parallel_loop3A_640] {strides = array<i32>} : memref<200x128xf32, #tpu.memory_space<vmem>>, vector<1x16xf32>,
        %parallel_loop3A_642 = vector.shape_cast %parallel_loop3A_641 : vector<1x16xf32> to vector<16xf32>
        %parallel_loop3A_643 = vector.shape_cast %parallel_loop3A_634 : vector<16xf32> to vector<1x16xf32>
        tpu.vector_store %parallel_loop3A_638[%parallel_loop3A_639, %parallel_loop3A_640], %parallel_loop3A_643 {strides = array<i32>} : memref<200x128xf32, #tpu.memory_space<vmem>>, vector<1x16xf32>,
        %parallel_loop3A_644 = arith.mulf %parallel_loop3A_552, %mul3A_49 : vector<16xf32>
        %parallel_loop3A_645 = arith.subf %parallel_loop3A_435, %parallel_loop3A_524 : vector<16xf32>
        %parallel_loop3A_646 = arith.mulf %parallel_loop3A_645, %parallel_loop3A_644 : vector<16xf32>
        %parallel_loop3A_647 = arith.addf %parallel_loop3A_646, %mul3A_97 : vector<16xf32>
        %parallel_loop3A_648 = arith.constant 0 : i32
        %parallel_loop3A_649 = arith.constant 0 : i32
        %parallel_loop3A_650 = tpu.memref_slice %arg9[%parallel_loop3A_286, %parallel_loop3A_648, %parallel_loop3A_649] : memref<2x200x128xf32, #tpu.memory_space<vmem>> -> memref<1x200x128xf32, #tpu.memory_space<vmem>>
        %parallel_loop3A_651 = tpu.memref_squeeze %parallel_loop3A_650 : memref<1x200x128xf32, #tpu.memory_space<vmem>> -> memref<200x128xf32, #tpu.memory_space<vmem>>
        %parallel_loop3A_652 = arith.index_cast %parallel_loop3A_331 : i32 to index
        %parallel_loop3A_653 = arith.constant 112 : index
        %parallel_loop3A_654 = tpu.vector_load %parallel_loop3A_651[%parallel_loop3A_652, %parallel_loop3A_653] {strides = array<i32>} : memref<200x128xf32, #tpu.memory_space<vmem>>, vector<1x16xf32>,
        %parallel_loop3A_655 = vector.shape_cast %parallel_loop3A_654 : vector<1x16xf32> to vector<16xf32>
        %parallel_loop3A_656 = vector.shape_cast %parallel_loop3A_647 : vector<16xf32> to vector<1x16xf32>
        tpu.vector_store %parallel_loop3A_651[%parallel_loop3A_652, %parallel_loop3A_653], %parallel_loop3A_656 {strides = array<i32>} : memref<200x128xf32, #tpu.memory_space<vmem>>, vector<1x16xf32>,
      } {sc.loop_unroll_factor = 2 : i64, sc.parallel_access}
      %dma_wait3A_287 = arith.constant 0 : i32
      %dma_wait3A_288 = arith.constant 0 : i32
      %dma_wait3A_289 = arith.constant 0 : i32
      %dma_wait3A_290 = arith.constant 0 : i32
      %dma_wait3A_291 = tpu.memref_slice %arg9[%dma_wait3A_287, %dma_wait3A_289, %dma_wait3A_290] : memref<2x200x128xf32, #tpu.memory_space<vmem>> -> memref<1x200x128xf32, #tpu.memory_space<vmem>>
      %dma_wait3A_292 = tpu.memref_squeeze %dma_wait3A_291 : memref<1x200x128xf32, #tpu.memory_space<vmem>> -> memref<200x128xf32, #tpu.memory_space<vmem>>
      %dma_wait3A_293 = arith.constant 0 : i32
      %dma_wait3A_294 = arith.constant 0 : i32
      %dma_wait3A_295 = tpu.memref_slice %arg7[%dma_wait3A_288, %dma_wait3A_293, %dma_wait3A_294] : memref<4096x200x128xf32, #tpu.memory_space<hbm>> -> memref<1x200x128xf32, #tpu.memory_space<hbm>>
      %dma_wait3A_296 = tpu.memref_squeeze %dma_wait3A_295 : memref<1x200x128xf32, #tpu.memory_space<hbm>> -> memref<200x128xf32, #tpu.memory_space<hbm>>
      %dma_wait3A_297 = arith.constant 0 : i32
      %dma_wait3A_298 = arith.constant 0 : i32
      %dma_wait3A_299 = tpu.memref_slice %arg7[%dma_wait3A_288, %dma_wait3A_297, %dma_wait3A_298] : memref<4096x200x128xf32, #tpu.memory_space<hbm>> -> memref<1x200x128xf32, #tpu.memory_space<hbm>>
      %dma_wait3A_300 = tpu.memref_squeeze %dma_wait3A_299 : memref<1x200x128xf32, #tpu.memory_space<hbm>> -> memref<200x128xf32, #tpu.memory_space<hbm>>
      %dma_wait3A_301 = arith.constant 0 : i32
      %dma_wait3A_302 = arith.constant 0 : i32
      %dma_wait3A_303 = tpu.memref_slice %arg9[%dma_wait3A_287, %dma_wait3A_301, %dma_wait3A_302] : memref<2x200x128xf32, #tpu.memory_space<vmem>> -> memref<1x200x128xf32, #tpu.memory_space<vmem>>
      %dma_wait3A_304 = tpu.memref_squeeze %dma_wait3A_303 : memref<1x200x128xf32, #tpu.memory_space<vmem>> -> memref<200x128xf32, #tpu.memory_space<vmem>>
      tpu.wait_dma2 semaphore(%arg15 : memref<!tpu.dma_semaphore, #tpu.memory_space<semaphore_mem>>) src(%dma_wait3A_304 : memref<200x128xf32, #tpu.memory_space<vmem>>) dst(%dma_wait3A_300 : memref<200x128xf32, #tpu.memory_space<hbm>>)
      %lt3A = arith.constant 63 : i32
      %lt3A_305 = arith.cmpi slt, %scan3A_151, %lt3A : i32
      %convert_element_type3A_306 = arith.extui %lt3A_305 : i1 to i32
      %cond3A_307 = arith.constant 0 : i32
      %cond3A_308 = arith.cmpi ne, %convert_element_type3A_306, %cond3A_307 : i32
      scf.if %cond3A_308 {
        %add3A_331 = arith.constant 1 : i32
        %add3A_332 = arith.addi %add3A_252, %add3A_331 : i32
        %mul3A_333 = arith.constant 2 : i32
        %mul3A_334 = arith.muli %mul3A_333, %add3A_332 : i32
        %dma_start3A_335 = arith.constant 0 : i32
        %dma_start3A_336 = arith.constant 0 : i32
        %dma_start3A_337 = arith.constant 0 : i32
        %dma_start3A_338 = tpu.memref_slice %arg9[%dma_start3A_335, %dma_start3A_336, %dma_start3A_337] : memref<2x200x128xf32, #tpu.memory_space<vmem>> -> memref<1x200x128xf32, #tpu.memory_space<vmem>>
        %dma_start3A_339 = tpu.memref_squeeze %dma_start3A_338 : memref<1x200x128xf32, #tpu.memory_space<vmem>> -> memref<200x128xf32, #tpu.memory_space<vmem>>
        %dma_start3A_340 = arith.constant 0 : i32
        %dma_start3A_341 = arith.constant 0 : i32
        %dma_start3A_342 = tpu.memref_slice %dma_start3A_339[%dma_start3A_340, %dma_start3A_341] : memref<200x128xf32, #tpu.memory_space<vmem>> -> memref<100x128xf32, #tpu.memory_space<vmem>>
        %dma_start3A_343 = arith.constant 0 : i32
        %dma_start3A_344 = tpu.memref_slice %arg8[%mul3A_334, %dma_start3A_343] : memref<256x100xi32, #tpu.memory_space<vmem>> -> memref<1x100xi32, #tpu.memory_space<vmem>>
        %dma_start3A_345 = tpu.memref_squeeze %dma_start3A_344 : memref<1x100xi32, #tpu.memory_space<vmem>> -> memref<100xi32, #tpu.memory_space<vmem>>
        %dma_start3A_346 = arith.constant 0 : i32
        %dma_start3A_347 = arith.constant 0 : i32
        %dma_start3A_348 = tpu.memref_slice %arg3[%dma_start3A_346, %dma_start3A_347] : memref<100000x128xf32, #tpu.memory_space<hbm>> -> memref<100000x128xf32, #tpu.memory_space<hbm>>
        tpu.enqueue_indirect_dma source(%dma_start3A_348 : memref<100000x128xf32, #tpu.memory_space<hbm>>) target(%dma_start3A_342 : memref<100x128xf32, #tpu.memory_space<vmem>>) offsets(%dma_start3A_345 : memref<100xi32, #tpu.memory_space<vmem>>) semaphore(%arg13 : memref<!tpu.dma_semaphore, #tpu.memory_space<semaphore_mem>>)
        %mul3A_349 = arith.constant 2 : i32
        %mul3A_350 = arith.muli %mul3A_349, %add3A_332 : i32
        %add3A_351 = arith.constant 1 : i32
        %add3A_352 = arith.addi %mul3A_350, %add3A_351 : i32
        %dma_start3A_353 = arith.constant 0 : i32
        %dma_start3A_354 = arith.constant 0 : i32
        %dma_start3A_355 = arith.constant 0 : i32
        %dma_start3A_356 = tpu.memref_slice %arg9[%dma_start3A_353, %dma_start3A_354, %dma_start3A_355] : memref<2x200x128xf32, #tpu.memory_space<vmem>> -> memref<1x200x128xf32, #tpu.memory_space<vmem>>
        %dma_start3A_357 = tpu.memref_squeeze %dma_start3A_356 : memref<1x200x128xf32, #tpu.memory_space<vmem>> -> memref<200x128xf32, #tpu.memory_space<vmem>>
        %dma_start3A_358 = arith.constant 100 : i32
        %dma_start3A_359 = arith.constant 0 : i32
        %dma_start3A_360 = tpu.memref_slice %dma_start3A_357[%dma_start3A_358, %dma_start3A_359] : memref<200x128xf32, #tpu.memory_space<vmem>> -> memref<100x128xf32, #tpu.memory_space<vmem>>
        %dma_start3A_361 = arith.constant 0 : i32
        %dma_start3A_362 = tpu.memref_slice %arg8[%add3A_352, %dma_start3A_361] : memref<256x100xi32, #tpu.memory_space<vmem>> -> memref<1x100xi32, #tpu.memory_space<vmem>>
        %dma_start3A_363 = tpu.memref_squeeze %dma_start3A_362 : memref<1x100xi32, #tpu.memory_space<vmem>> -> memref<100xi32, #tpu.memory_space<vmem>>
        %dma_start3A_364 = arith.constant 0 : i32
        %dma_start3A_365 = arith.constant 0 : i32
        %dma_start3A_366 = tpu.memref_slice %arg3[%dma_start3A_364, %dma_start3A_365] : memref<100000x128xf32, #tpu.memory_space<hbm>> -> memref<100000x128xf32, #tpu.memory_space<hbm>>
        tpu.enqueue_indirect_dma source(%dma_start3A_366 : memref<100000x128xf32, #tpu.memory_space<hbm>>) target(%dma_start3A_360 : memref<100x128xf32, #tpu.memory_space<vmem>>) offsets(%dma_start3A_363 : memref<100xi32, #tpu.memory_space<vmem>>) semaphore(%arg13 : memref<!tpu.dma_semaphore, #tpu.memory_space<semaphore_mem>>)
      } else {
      }
      %parallel_loop3A_309 = arith.constant 100 : i32
      %parallel_loop3A_310 = arith.constant 200 : i32
      %parallel_loop3A_311 = arith.constant 1 : i32
      %parallel_loop3A_312 = arith.constant 1 : i32
      scf.for %parallel_loop3A_331 = %parallel_loop3A_309 to %parallel_loop3A_310 step %parallel_loop3A_311  : i32 {
        %parallel_loop3A_332 = arith.constant 0 : i32
        %parallel_loop3A_333 = arith.constant 0 : i32
        %parallel_loop3A_334 = tpu.memref_slice %arg9[%parallel_loop3A_312, %parallel_loop3A_332, %parallel_loop3A_333] : memref<2x200x128xf32, #tpu.memory_space<vmem>> -> memref<1x200x128xf32, #tpu.memory_space<vmem>>
        %parallel_loop3A_335 = tpu.memref_squeeze %parallel_loop3A_334 : memref<1x200x128xf32, #tpu.memory_space<vmem>> -> memref<200x128xf32, #tpu.memory_space<vmem>>
        %parallel_loop3A_336 = arith.index_cast %parallel_loop3A_331 : i32 to index
        %parallel_loop3A_337 = arith.constant 0 : index
        %parallel_loop3A_338 = tpu.vector_load %parallel_loop3A_335[%parallel_loop3A_336, %parallel_loop3A_337] {strides = array<i32>} : memref<200x128xf32, #tpu.memory_space<vmem>>, vector<1x16xf32>,
        %parallel_loop3A_339 = vector.shape_cast %parallel_loop3A_338 : vector<1x16xf32> to vector<16xf32>
        %parallel_loop3A_340 = arith.index_cast %parallel_loop3A_331 : i32 to index
        %parallel_loop3A_341 = arith.constant 0 : index
        %parallel_loop3A_342 = tpu.vector_load %arg10[%parallel_loop3A_340, %parallel_loop3A_341] {strides = array<i32>} : memref<200x128xf32, #tpu.memory_space<vmem>>, vector<1x16xf32>,
        %parallel_loop3A_343 = vector.shape_cast %parallel_loop3A_342 : vector<1x16xf32> to vector<16xf32>
        %parallel_loop3A_344 = arith.addf %parallel_loop3A_339, %parallel_loop3A_343 : vector<16xf32>
        %parallel_loop3A_345 = arith.constant 0 : i32
        %parallel_loop3A_346 = arith.constant 0 : i32
        %parallel_loop3A_347 = tpu.memref_slice %arg9[%parallel_loop3A_312, %parallel_loop3A_345, %parallel_loop3A_346] : memref<2x200x128xf32, #tpu.memory_space<vmem>> -> memref<1x200x128xf32, #tpu.memory_space<vmem>>
        %parallel_loop3A_348 = tpu.memref_squeeze %parallel_loop3A_347 : memref<1x200x128xf32, #tpu.memory_space<vmem>> -> memref<200x128xf32, #tpu.memory_space<vmem>>
        %parallel_loop3A_349 = arith.index_cast %parallel_loop3A_331 : i32 to index
        %parallel_loop3A_350 = arith.constant 16 : index
        %parallel_loop3A_351 = tpu.vector_load %parallel_loop3A_348[%parallel_loop3A_349, %parallel_loop3A_350] {strides = array<i32>} : memref<200x128xf32, #tpu.memory_space<vmem>>, vector<1x16xf32>,
        %parallel_loop3A_352 = vector.shape_cast %parallel_loop3A_351 : vector<1x16xf32> to vector<16xf32>
        %parallel_loop3A_353 = arith.index_cast %parallel_loop3A_331 : i32 to index
        %parallel_loop3A_354 = arith.constant 16 : index
        %parallel_loop3A_355 = tpu.vector_load %arg10[%parallel_loop3A_353, %parallel_loop3A_354] {strides = array<i32>} : memref<200x128xf32, #tpu.memory_space<vmem>>, vector<1x16xf32>,
        %parallel_loop3A_356 = vector.shape_cast %parallel_loop3A_355 : vector<1x16xf32> to vector<16xf32>
        %parallel_loop3A_357 = arith.addf %parallel_loop3A_352, %parallel_loop3A_356 : vector<16xf32>
        %parallel_loop3A_358 = arith.constant 0 : i32
        %parallel_loop3A_359 = arith.constant 0 : i32
        %parallel_loop3A_360 = tpu.memref_slice %arg9[%parallel_loop3A_312, %parallel_loop3A_358, %parallel_loop3A_359] : memref<2x200x128xf32, #tpu.memory_space<vmem>> -> memref<1x200x128xf32, #tpu.memory_space<vmem>>
        %parallel_loop3A_361 = tpu.memref_squeeze %parallel_loop3A_360 : memref<1x200x128xf32, #tpu.memory_space<vmem>> -> memref<200x128xf32, #tpu.memory_space<vmem>>
        %parallel_loop3A_362 = arith.index_cast %parallel_loop3A_331 : i32 to index
        %parallel_loop3A_363 = arith.constant 32 : index
        %parallel_loop3A_364 = tpu.vector_load %parallel_loop3A_361[%parallel_loop3A_362, %parallel_loop3A_363] {strides = array<i32>} : memref<200x128xf32, #tpu.memory_space<vmem>>, vector<1x16xf32>,
        %parallel_loop3A_365 = vector.shape_cast %parallel_loop3A_364 : vector<1x16xf32> to vector<16xf32>
        %parallel_loop3A_366 = arith.index_cast %parallel_loop3A_331 : i32 to index
        %parallel_loop3A_367 = arith.constant 32 : index
        %parallel_loop3A_368 = tpu.vector_load %arg10[%parallel_loop3A_366, %parallel_loop3A_367] {strides = array<i32>} : memref<200x128xf32, #tpu.memory_space<vmem>>, vector<1x16xf32>,
        %parallel_loop3A_369 = vector.shape_cast %parallel_loop3A_368 : vector<1x16xf32> to vector<16xf32>
        %parallel_loop3A_370 = arith.addf %parallel_loop3A_365, %parallel_loop3A_369 : vector<16xf32>
        %parallel_loop3A_371 = arith.constant 0 : i32
        %parallel_loop3A_372 = arith.constant 0 : i32
        %parallel_loop3A_373 = tpu.memref_slice %arg9[%parallel_loop3A_312, %parallel_loop3A_371, %parallel_loop3A_372] : memref<2x200x128xf32, #tpu.memory_space<vmem>> -> memref<1x200x128xf32, #tpu.memory_space<vmem>>
        %parallel_loop3A_374 = tpu.memref_squeeze %parallel_loop3A_373 : memref<1x200x128xf32, #tpu.memory_space<vmem>> -> memref<200x128xf32, #tpu.memory_space<vmem>>
        %parallel_loop3A_375 = arith.index_cast %parallel_loop3A_331 : i32 to index
        %parallel_loop3A_376 = arith.constant 48 : index
        %parallel_loop3A_377 = tpu.vector_load %parallel_loop3A_374[%parallel_loop3A_375, %parallel_loop3A_376] {strides = array<i32>} : memref<200x128xf32, #tpu.memory_space<vmem>>, vector<1x16xf32>,
        %parallel_loop3A_378 = vector.shape_cast %parallel_loop3A_377 : vector<1x16xf32> to vector<16xf32>
        %parallel_loop3A_379 = arith.index_cast %parallel_loop3A_331 : i32 to index
        %parallel_loop3A_380 = arith.constant 48 : index
        %parallel_loop3A_381 = tpu.vector_load %arg10[%parallel_loop3A_379, %parallel_loop3A_380] {strides = array<i32>} : memref<200x128xf32, #tpu.memory_space<vmem>>, vector<1x16xf32>,
        %parallel_loop3A_382 = vector.shape_cast %parallel_loop3A_381 : vector<1x16xf32> to vector<16xf32>
        %parallel_loop3A_383 = arith.addf %parallel_loop3A_378, %parallel_loop3A_382 : vector<16xf32>
        %parallel_loop3A_384 = arith.constant 0 : i32
        %parallel_loop3A_385 = arith.constant 0 : i32
        %parallel_loop3A_386 = tpu.memref_slice %arg9[%parallel_loop3A_312, %parallel_loop3A_384, %parallel_loop3A_385] : memref<2x200x128xf32, #tpu.memory_space<vmem>> -> memref<1x200x128xf32, #tpu.memory_space<vmem>>
        %parallel_loop3A_387 = tpu.memref_squeeze %parallel_loop3A_386 : memref<1x200x128xf32, #tpu.memory_space<vmem>> -> memref<200x128xf32, #tpu.memory_space<vmem>>
        %parallel_loop3A_388 = arith.index_cast %parallel_loop3A_331 : i32 to index
        %parallel_loop3A_389 = arith.constant 64 : index
        %parallel_loop3A_390 = tpu.vector_load %parallel_loop3A_387[%parallel_loop3A_388, %parallel_loop3A_389] {strides = array<i32>} : memref<200x128xf32, #tpu.memory_space<vmem>>, vector<1x16xf32>,
        %parallel_loop3A_391 = vector.shape_cast %parallel_loop3A_390 : vector<1x16xf32> to vector<16xf32>
        %parallel_loop3A_392 = arith.index_cast %parallel_loop3A_331 : i32 to index
        %parallel_loop3A_393 = arith.constant 64 : index
        %parallel_loop3A_394 = tpu.vector_load %arg10[%parallel_loop3A_392, %parallel_loop3A_393] {strides = array<i32>} : memref<200x128xf32, #tpu.memory_space<vmem>>, vector<1x16xf32>,
        %parallel_loop3A_395 = vector.shape_cast %parallel_loop3A_394 : vector<1x16xf32> to vector<16xf32>
        %parallel_loop3A_396 = arith.addf %parallel_loop3A_391, %parallel_loop3A_395 : vector<16xf32>
        %parallel_loop3A_397 = arith.constant 0 : i32
        %parallel_loop3A_398 = arith.constant 0 : i32
        %parallel_loop3A_399 = tpu.memref_slice %arg9[%parallel_loop3A_312, %parallel_loop3A_397, %parallel_loop3A_398] : memref<2x200x128xf32, #tpu.memory_space<vmem>> -> memref<1x200x128xf32, #tpu.memory_space<vmem>>
        %parallel_loop3A_400 = tpu.memref_squeeze %parallel_loop3A_399 : memref<1x200x128xf32, #tpu.memory_space<vmem>> -> memref<200x128xf32, #tpu.memory_space<vmem>>
        %parallel_loop3A_401 = arith.index_cast %parallel_loop3A_331 : i32 to index
        %parallel_loop3A_402 = arith.constant 80 : index
        %parallel_loop3A_403 = tpu.vector_load %parallel_loop3A_400[%parallel_loop3A_401, %parallel_loop3A_402] {strides = array<i32>} : memref<200x128xf32, #tpu.memory_space<vmem>>, vector<1x16xf32>,
        %parallel_loop3A_404 = vector.shape_cast %parallel_loop3A_403 : vector<1x16xf32> to vector<16xf32>
        %parallel_loop3A_405 = arith.index_cast %parallel_loop3A_331 : i32 to index
        %parallel_loop3A_406 = arith.constant 80 : index
        %parallel_loop3A_407 = tpu.vector_load %arg10[%parallel_loop3A_405, %parallel_loop3A_406] {strides = array<i32>} : memref<200x128xf32, #tpu.memory_space<vmem>>, vector<1x16xf32>,
        %parallel_loop3A_408 = vector.shape_cast %parallel_loop3A_407 : vector<1x16xf32> to vector<16xf32>
        %parallel_loop3A_409 = arith.addf %parallel_loop3A_404, %parallel_loop3A_408 : vector<16xf32>
        %parallel_loop3A_410 = arith.constant 0 : i32
        %parallel_loop3A_411 = arith.constant 0 : i32
        %parallel_loop3A_412 = tpu.memref_slice %arg9[%parallel_loop3A_312, %parallel_loop3A_410, %parallel_loop3A_411] : memref<2x200x128xf32, #tpu.memory_space<vmem>> -> memref<1x200x128xf32, #tpu.memory_space<vmem>>
        %parallel_loop3A_413 = tpu.memref_squeeze %parallel_loop3A_412 : memref<1x200x128xf32, #tpu.memory_space<vmem>> -> memref<200x128xf32, #tpu.memory_space<vmem>>
        %parallel_loop3A_414 = arith.index_cast %parallel_loop3A_331 : i32 to index
        %parallel_loop3A_415 = arith.constant 96 : index
        %parallel_loop3A_416 = tpu.vector_load %parallel_loop3A_413[%parallel_loop3A_414, %parallel_loop3A_415] {strides = array<i32>} : memref<200x128xf32, #tpu.memory_space<vmem>>, vector<1x16xf32>,
        %parallel_loop3A_417 = vector.shape_cast %parallel_loop3A_416 : vector<1x16xf32> to vector<16xf32>
        %parallel_loop3A_418 = arith.index_cast %parallel_loop3A_331 : i32 to index
        %parallel_loop3A_419 = arith.constant 96 : index
        %parallel_loop3A_420 = tpu.vector_load %arg10[%parallel_loop3A_418, %parallel_loop3A_419] {strides = array<i32>} : memref<200x128xf32, #tpu.memory_space<vmem>>, vector<1x16xf32>,
        %parallel_loop3A_421 = vector.shape_cast %parallel_loop3A_420 : vector<1x16xf32> to vector<16xf32>
        %parallel_loop3A_422 = arith.addf %parallel_loop3A_417, %parallel_loop3A_421 : vector<16xf32>
        %parallel_loop3A_423 = arith.constant 0 : i32
        %parallel_loop3A_424 = arith.constant 0 : i32
        %parallel_loop3A_425 = tpu.memref_slice %arg9[%parallel_loop3A_312, %parallel_loop3A_423, %parallel_loop3A_424] : memref<2x200x128xf32, #tpu.memory_space<vmem>> -> memref<1x200x128xf32, #tpu.memory_space<vmem>>
        %parallel_loop3A_426 = tpu.memref_squeeze %parallel_loop3A_425 : memref<1x200x128xf32, #tpu.memory_space<vmem>> -> memref<200x128xf32, #tpu.memory_space<vmem>>
        %parallel_loop3A_427 = arith.index_cast %parallel_loop3A_331 : i32 to index
        %parallel_loop3A_428 = arith.constant 112 : index
        %parallel_loop3A_429 = tpu.vector_load %parallel_loop3A_426[%parallel_loop3A_427, %parallel_loop3A_428] {strides = array<i32>} : memref<200x128xf32, #tpu.memory_space<vmem>>, vector<1x16xf32>,
        %parallel_loop3A_430 = vector.shape_cast %parallel_loop3A_429 : vector<1x16xf32> to vector<16xf32>
        %parallel_loop3A_431 = arith.index_cast %parallel_loop3A_331 : i32 to index
        %parallel_loop3A_432 = arith.constant 112 : index
        %parallel_loop3A_433 = tpu.vector_load %arg10[%parallel_loop3A_431, %parallel_loop3A_432] {strides = array<i32>} : memref<200x128xf32, #tpu.memory_space<vmem>>, vector<1x16xf32>,
        %parallel_loop3A_434 = vector.shape_cast %parallel_loop3A_433 : vector<1x16xf32> to vector<16xf32>
        %parallel_loop3A_435 = arith.addf %parallel_loop3A_430, %parallel_loop3A_434 : vector<16xf32>
        %parallel_loop3A_436 = arith.mulf %parallel_loop3A_344, %parallel_loop3A_344 : vector<16xf32>
        %parallel_loop3A_437 = arith.mulf %parallel_loop3A_357, %parallel_loop3A_357 : vector<16xf32>
        %parallel_loop3A_438 = arith.mulf %parallel_loop3A_370, %parallel_loop3A_370 : vector<16xf32>
        %parallel_loop3A_439 = arith.mulf %parallel_loop3A_383, %parallel_loop3A_383 : vector<16xf32>
        %parallel_loop3A_440 = arith.mulf %parallel_loop3A_396, %parallel_loop3A_396 : vector<16xf32>
        %parallel_loop3A_441 = arith.mulf %parallel_loop3A_409, %parallel_loop3A_409 : vector<16xf32>
        %parallel_loop3A_442 = arith.mulf %parallel_loop3A_422, %parallel_loop3A_422 : vector<16xf32>
        %parallel_loop3A_443 = arith.mulf %parallel_loop3A_435, %parallel_loop3A_435 : vector<16xf32>
        %parallel_loop3A_444 = arith.addf %parallel_loop3A_344, %parallel_loop3A_357 : vector<16xf32>
        %parallel_loop3A_445 = arith.addf %parallel_loop3A_370, %parallel_loop3A_383 : vector<16xf32>
        %parallel_loop3A_446 = arith.addf %parallel_loop3A_396, %parallel_loop3A_409 : vector<16xf32>
        %parallel_loop3A_447 = arith.addf %parallel_loop3A_422, %parallel_loop3A_435 : vector<16xf32>
        %parallel_loop3A_448 = arith.addf %parallel_loop3A_444, %parallel_loop3A_445 : vector<16xf32>
        %parallel_loop3A_449 = arith.addf %parallel_loop3A_446, %parallel_loop3A_447 : vector<16xf32>
        %parallel_loop3A_450 = arith.addf %parallel_loop3A_448, %parallel_loop3A_449 : vector<16xf32>
        %parallel_loop3A_451 = tpu.iota {dimensions = array<i32: 0>} : vector<16xi32>
        %parallel_loop3A_452 = arith.constant 8 : i32
        %parallel_loop3A_453 = vector.broadcast %parallel_loop3A_452 : i32 to vector<16xi32>
        %parallel_loop3A_454 = arith.xori %parallel_loop3A_451, %parallel_loop3A_453 : vector<16xi32>
        %parallel_loop3A_455 = vector.shape_cast %parallel_loop3A_454 : vector<16xi32> to vector<16x1xi32>
        %parallel_loop3A_456 = vector.shape_cast %parallel_loop3A_455 : vector<16x1xi32> to vector<16xi32>
        %parallel_loop3A_457 = tpu.dynamic_gather %parallel_loop3A_450[%parallel_loop3A_456] in [0] : vector<16xf32>, vector<16xi32> -> vector<16xf32>
        %parallel_loop3A_458 = arith.addf %parallel_loop3A_450, %parallel_loop3A_457 : vector<16xf32>
        %parallel_loop3A_459 = tpu.iota {dimensions = array<i32: 0>} : vector<16xi32>
        %parallel_loop3A_460 = arith.constant 4 : i32
        %parallel_loop3A_461 = vector.broadcast %parallel_loop3A_460 : i32 to vector<16xi32>
        %parallel_loop3A_462 = arith.xori %parallel_loop3A_459, %parallel_loop3A_461 : vector<16xi32>
        %parallel_loop3A_463 = vector.shape_cast %parallel_loop3A_462 : vector<16xi32> to vector<16x1xi32>
        %parallel_loop3A_464 = vector.shape_cast %parallel_loop3A_463 : vector<16x1xi32> to vector<16xi32>
        %parallel_loop3A_465 = tpu.dynamic_gather %parallel_loop3A_458[%parallel_loop3A_464] in [0] : vector<16xf32>, vector<16xi32> -> vector<16xf32>
        %parallel_loop3A_466 = arith.addf %parallel_loop3A_458, %parallel_loop3A_465 : vector<16xf32>
        %parallel_loop3A_467 = tpu.iota {dimensions = array<i32: 0>} : vector<16xi32>
        %parallel_loop3A_468 = arith.constant 2 : i32
        %parallel_loop3A_469 = vector.broadcast %parallel_loop3A_468 : i32 to vector<16xi32>
        %parallel_loop3A_470 = arith.xori %parallel_loop3A_467, %parallel_loop3A_469 : vector<16xi32>
        %parallel_loop3A_471 = vector.shape_cast %parallel_loop3A_470 : vector<16xi32> to vector<16x1xi32>
        %parallel_loop3A_472 = vector.shape_cast %parallel_loop3A_471 : vector<16x1xi32> to vector<16xi32>
        %parallel_loop3A_473 = tpu.dynamic_gather %parallel_loop3A_466[%parallel_loop3A_472] in [0] : vector<16xf32>, vector<16xi32> -> vector<16xf32>
        %parallel_loop3A_474 = arith.addf %parallel_loop3A_466, %parallel_loop3A_473 : vector<16xf32>
        %parallel_loop3A_475 = tpu.iota {dimensions = array<i32: 0>} : vector<16xi32>
        %parallel_loop3A_476 = arith.constant 1 : i32
        %parallel_loop3A_477 = vector.broadcast %parallel_loop3A_476 : i32 to vector<16xi32>
        %parallel_loop3A_478 = arith.xori %parallel_loop3A_475, %parallel_loop3A_477 : vector<16xi32>
        %parallel_loop3A_479 = vector.shape_cast %parallel_loop3A_478 : vector<16xi32> to vector<16x1xi32>
        %parallel_loop3A_480 = vector.shape_cast %parallel_loop3A_479 : vector<16x1xi32> to vector<16xi32>
        %parallel_loop3A_481 = tpu.dynamic_gather %parallel_loop3A_474[%parallel_loop3A_480] in [0] : vector<16xf32>, vector<16xi32> -> vector<16xf32>
        %parallel_loop3A_482 = arith.addf %parallel_loop3A_474, %parallel_loop3A_481 : vector<16xf32>
        %parallel_loop3A_483 = arith.addf %parallel_loop3A_436, %parallel_loop3A_437 : vector<16xf32>
        %parallel_loop3A_484 = arith.addf %parallel_loop3A_438, %parallel_loop3A_439 : vector<16xf32>
        %parallel_loop3A_485 = arith.addf %parallel_loop3A_440, %parallel_loop3A_441 : vector<16xf32>
        %parallel_loop3A_486 = arith.addf %parallel_loop3A_442, %parallel_loop3A_443 : vector<16xf32>
        %parallel_loop3A_487 = arith.addf %parallel_loop3A_483, %parallel_loop3A_484 : vector<16xf32>
        %parallel_loop3A_488 = arith.addf %parallel_loop3A_485, %parallel_loop3A_486 : vector<16xf32>
        %parallel_loop3A_489 = arith.addf %parallel_loop3A_487, %parallel_loop3A_488 : vector<16xf32>
        %parallel_loop3A_490 = tpu.iota {dimensions = array<i32: 0>} : vector<16xi32>
        %parallel_loop3A_491 = arith.constant 8 : i32
        %parallel_loop3A_492 = vector.broadcast %parallel_loop3A_491 : i32 to vector<16xi32>
        %parallel_loop3A_493 = arith.xori %parallel_loop3A_490, %parallel_loop3A_492 : vector<16xi32>
        %parallel_loop3A_494 = vector.shape_cast %parallel_loop3A_493 : vector<16xi32> to vector<16x1xi32>
        %parallel_loop3A_495 = vector.shape_cast %parallel_loop3A_494 : vector<16x1xi32> to vector<16xi32>
        %parallel_loop3A_496 = tpu.dynamic_gather %parallel_loop3A_489[%parallel_loop3A_495] in [0] : vector<16xf32>, vector<16xi32> -> vector<16xf32>
        %parallel_loop3A_497 = arith.addf %parallel_loop3A_489, %parallel_loop3A_496 : vector<16xf32>
        %parallel_loop3A_498 = tpu.iota {dimensions = array<i32: 0>} : vector<16xi32>
        %parallel_loop3A_499 = arith.constant 4 : i32
        %parallel_loop3A_500 = vector.broadcast %parallel_loop3A_499 : i32 to vector<16xi32>
        %parallel_loop3A_501 = arith.xori %parallel_loop3A_498, %parallel_loop3A_500 : vector<16xi32>
        %parallel_loop3A_502 = vector.shape_cast %parallel_loop3A_501 : vector<16xi32> to vector<16x1xi32>
        %parallel_loop3A_503 = vector.shape_cast %parallel_loop3A_502 : vector<16x1xi32> to vector<16xi32>
        %parallel_loop3A_504 = tpu.dynamic_gather %parallel_loop3A_497[%parallel_loop3A_503] in [0] : vector<16xf32>, vector<16xi32> -> vector<16xf32>
        %parallel_loop3A_505 = arith.addf %parallel_loop3A_497, %parallel_loop3A_504 : vector<16xf32>
        %parallel_loop3A_506 = tpu.iota {dimensions = array<i32: 0>} : vector<16xi32>
        %parallel_loop3A_507 = arith.constant 2 : i32
        %parallel_loop3A_508 = vector.broadcast %parallel_loop3A_507 : i32 to vector<16xi32>
        %parallel_loop3A_509 = arith.xori %parallel_loop3A_506, %parallel_loop3A_508 : vector<16xi32>
        %parallel_loop3A_510 = vector.shape_cast %parallel_loop3A_509 : vector<16xi32> to vector<16x1xi32>
        %parallel_loop3A_511 = vector.shape_cast %parallel_loop3A_510 : vector<16x1xi32> to vector<16xi32>
        %parallel_loop3A_512 = tpu.dynamic_gather %parallel_loop3A_505[%parallel_loop3A_511] in [0] : vector<16xf32>, vector<16xi32> -> vector<16xf32>
        %parallel_loop3A_513 = arith.addf %parallel_loop3A_505, %parallel_loop3A_512 : vector<16xf32>
        %parallel_loop3A_514 = tpu.iota {dimensions = array<i32: 0>} : vector<16xi32>
        %parallel_loop3A_515 = arith.constant 1 : i32
        %parallel_loop3A_516 = vector.broadcast %parallel_loop3A_515 : i32 to vector<16xi32>
        %parallel_loop3A_517 = arith.xori %parallel_loop3A_514, %parallel_loop3A_516 : vector<16xi32>
        %parallel_loop3A_518 = vector.shape_cast %parallel_loop3A_517 : vector<16xi32> to vector<16x1xi32>
        %parallel_loop3A_519 = vector.shape_cast %parallel_loop3A_518 : vector<16x1xi32> to vector<16xi32>
        %parallel_loop3A_520 = tpu.dynamic_gather %parallel_loop3A_513[%parallel_loop3A_519] in [0] : vector<16xf32>, vector<16xi32> -> vector<16xf32>
        %parallel_loop3A_521 = arith.addf %parallel_loop3A_513, %parallel_loop3A_520 : vector<16xf32>
        %parallel_loop3A_522 = arith.constant 7.812500e-03 : f32
        %parallel_loop3A_523 = vector.broadcast %parallel_loop3A_522 : f32 to vector<16xf32>
        %parallel_loop3A_524 = arith.mulf %parallel_loop3A_482, %parallel_loop3A_523 : vector<16xf32>
        %parallel_loop3A_525 = arith.mulf %parallel_loop3A_524, %parallel_loop3A_524 : vector<16xf32>
        %parallel_loop3A_526 = arith.constant 1.280000e+02 : f32
        %parallel_loop3A_527 = vector.broadcast %parallel_loop3A_526 : f32 to vector<16xf32>
        %parallel_loop3A_528 = arith.mulf %parallel_loop3A_525, %parallel_loop3A_527 : vector<16xf32>
        %parallel_loop3A_529 = arith.subf %parallel_loop3A_521, %parallel_loop3A_528 : vector<16xf32>
        %parallel_loop3A_530 = arith.constant 0.00787401571 : f32
        %parallel_loop3A_531 = vector.broadcast %parallel_loop3A_530 : f32 to vector<16xf32>
        %parallel_loop3A_532 = arith.mulf %parallel_loop3A_529, %parallel_loop3A_531 : vector<16xf32>
        %parallel_loop3A_533 = arith.constant 9.99999996E-13 : f32
        %parallel_loop3A_534 = vector.broadcast %parallel_loop3A_533 : f32 to vector<16xf32>
        %parallel_loop3A_535 = arith.maximumf %parallel_loop3A_532, %parallel_loop3A_534 : vector<16xf32>
        %parallel_loop3A_536 = tpu.bitcast %parallel_loop3A_535 : vector<16xf32> -> vector<16xi32>
        %parallel_loop3A_537 = arith.constant 1 : i32
        %parallel_loop3A_538 = vector.broadcast %parallel_loop3A_537 : i32 to vector<16xi32>
        %parallel_loop3A_539 = arith.shrui %parallel_loop3A_536, %parallel_loop3A_538 : vector<16xi32>
        %parallel_loop3A_540 = arith.constant 1597463007 : i32
        %parallel_loop3A_541 = vector.broadcast %parallel_loop3A_540 : i32 to vector<16xi32>
        %parallel_loop3A_542 = arith.subi %parallel_loop3A_541, %parallel_loop3A_539 : vector<16xi32>
        %parallel_loop3A_543 = tpu.bitcast %parallel_loop3A_542 : vector<16xi32> -> vector<16xf32>
        %parallel_loop3A_544 = arith.constant 5.000000e-01 : f32
        %parallel_loop3A_545 = vector.broadcast %parallel_loop3A_544 : f32 to vector<16xf32>
        %parallel_loop3A_546 = arith.mulf %parallel_loop3A_535, %parallel_loop3A_545 : vector<16xf32>
        %parallel_loop3A_547 = arith.mulf %parallel_loop3A_546, %parallel_loop3A_543 : vector<16xf32>
        %parallel_loop3A_548 = arith.mulf %parallel_loop3A_547, %parallel_loop3A_543 : vector<16xf32>
        %parallel_loop3A_549 = arith.constant 1.500000e+00 : f32
        %parallel_loop3A_550 = vector.broadcast %parallel_loop3A_549 : f32 to vector<16xf32>
        %parallel_loop3A_551 = arith.subf %parallel_loop3A_550, %parallel_loop3A_548 : vector<16xf32>
        %parallel_loop3A_552 = arith.mulf %parallel_loop3A_543, %parallel_loop3A_551 : vector<16xf32>
        %parallel_loop3A_553 = arith.mulf %parallel_loop3A_552, %mul3A_7 : vector<16xf32>
        %parallel_loop3A_554 = arith.subf %parallel_loop3A_344, %parallel_loop3A_524 : vector<16xf32>
        %parallel_loop3A_555 = arith.mulf %parallel_loop3A_554, %parallel_loop3A_553 : vector<16xf32>
        %parallel_loop3A_556 = arith.addf %parallel_loop3A_555, %mul3A_55 : vector<16xf32>
        %parallel_loop3A_557 = arith.constant 0 : i32
        %parallel_loop3A_558 = arith.constant 0 : i32
        %parallel_loop3A_559 = tpu.memref_slice %arg9[%parallel_loop3A_312, %parallel_loop3A_557, %parallel_loop3A_558] : memref<2x200x128xf32, #tpu.memory_space<vmem>> -> memref<1x200x128xf32, #tpu.memory_space<vmem>>
        %parallel_loop3A_560 = tpu.memref_squeeze %parallel_loop3A_559 : memref<1x200x128xf32, #tpu.memory_space<vmem>> -> memref<200x128xf32, #tpu.memory_space<vmem>>
        %parallel_loop3A_561 = arith.index_cast %parallel_loop3A_331 : i32 to index
        %parallel_loop3A_562 = arith.constant 0 : index
        %parallel_loop3A_563 = tpu.vector_load %parallel_loop3A_560[%parallel_loop3A_561, %parallel_loop3A_562] {strides = array<i32>} : memref<200x128xf32, #tpu.memory_space<vmem>>, vector<1x16xf32>,
        %parallel_loop3A_564 = vector.shape_cast %parallel_loop3A_563 : vector<1x16xf32> to vector<16xf32>
        %parallel_loop3A_565 = vector.shape_cast %parallel_loop3A_556 : vector<16xf32> to vector<1x16xf32>
        tpu.vector_store %parallel_loop3A_560[%parallel_loop3A_561, %parallel_loop3A_562], %parallel_loop3A_565 {strides = array<i32>} : memref<200x128xf32, #tpu.memory_space<vmem>>, vector<1x16xf32>,
        %parallel_loop3A_566 = arith.mulf %parallel_loop3A_552, %mul3A_13 : vector<16xf32>
        %parallel_loop3A_567 = arith.subf %parallel_loop3A_357, %parallel_loop3A_524 : vector<16xf32>
        %parallel_loop3A_568 = arith.mulf %parallel_loop3A_567, %parallel_loop3A_566 : vector<16xf32>
        %parallel_loop3A_569 = arith.addf %parallel_loop3A_568, %mul3A_61 : vector<16xf32>
        %parallel_loop3A_570 = arith.constant 0 : i32
        %parallel_loop3A_571 = arith.constant 0 : i32
        %parallel_loop3A_572 = tpu.memref_slice %arg9[%parallel_loop3A_312, %parallel_loop3A_570, %parallel_loop3A_571] : memref<2x200x128xf32, #tpu.memory_space<vmem>> -> memref<1x200x128xf32, #tpu.memory_space<vmem>>
        %parallel_loop3A_573 = tpu.memref_squeeze %parallel_loop3A_572 : memref<1x200x128xf32, #tpu.memory_space<vmem>> -> memref<200x128xf32, #tpu.memory_space<vmem>>
        %parallel_loop3A_574 = arith.index_cast %parallel_loop3A_331 : i32 to index
        %parallel_loop3A_575 = arith.constant 16 : index
        %parallel_loop3A_576 = tpu.vector_load %parallel_loop3A_573[%parallel_loop3A_574, %parallel_loop3A_575] {strides = array<i32>} : memref<200x128xf32, #tpu.memory_space<vmem>>, vector<1x16xf32>,
        %parallel_loop3A_577 = vector.shape_cast %parallel_loop3A_576 : vector<1x16xf32> to vector<16xf32>
        %parallel_loop3A_578 = vector.shape_cast %parallel_loop3A_569 : vector<16xf32> to vector<1x16xf32>
        tpu.vector_store %parallel_loop3A_573[%parallel_loop3A_574, %parallel_loop3A_575], %parallel_loop3A_578 {strides = array<i32>} : memref<200x128xf32, #tpu.memory_space<vmem>>, vector<1x16xf32>,
        %parallel_loop3A_579 = arith.mulf %parallel_loop3A_552, %mul3A_19 : vector<16xf32>
        %parallel_loop3A_580 = arith.subf %parallel_loop3A_370, %parallel_loop3A_524 : vector<16xf32>
        %parallel_loop3A_581 = arith.mulf %parallel_loop3A_580, %parallel_loop3A_579 : vector<16xf32>
        %parallel_loop3A_582 = arith.addf %parallel_loop3A_581, %mul3A_67 : vector<16xf32>
        %parallel_loop3A_583 = arith.constant 0 : i32
        %parallel_loop3A_584 = arith.constant 0 : i32
        %parallel_loop3A_585 = tpu.memref_slice %arg9[%parallel_loop3A_312, %parallel_loop3A_583, %parallel_loop3A_584] : memref<2x200x128xf32, #tpu.memory_space<vmem>> -> memref<1x200x128xf32, #tpu.memory_space<vmem>>
        %parallel_loop3A_586 = tpu.memref_squeeze %parallel_loop3A_585 : memref<1x200x128xf32, #tpu.memory_space<vmem>> -> memref<200x128xf32, #tpu.memory_space<vmem>>
        %parallel_loop3A_587 = arith.index_cast %parallel_loop3A_331 : i32 to index
        %parallel_loop3A_588 = arith.constant 32 : index
        %parallel_loop3A_589 = tpu.vector_load %parallel_loop3A_586[%parallel_loop3A_587, %parallel_loop3A_588] {strides = array<i32>} : memref<200x128xf32, #tpu.memory_space<vmem>>, vector<1x16xf32>,
        %parallel_loop3A_590 = vector.shape_cast %parallel_loop3A_589 : vector<1x16xf32> to vector<16xf32>
        %parallel_loop3A_591 = vector.shape_cast %parallel_loop3A_582 : vector<16xf32> to vector<1x16xf32>
        tpu.vector_store %parallel_loop3A_586[%parallel_loop3A_587, %parallel_loop3A_588], %parallel_loop3A_591 {strides = array<i32>} : memref<200x128xf32, #tpu.memory_space<vmem>>, vector<1x16xf32>,
        %parallel_loop3A_592 = arith.mulf %parallel_loop3A_552, %mul3A_25 : vector<16xf32>
        %parallel_loop3A_593 = arith.subf %parallel_loop3A_383, %parallel_loop3A_524 : vector<16xf32>
        %parallel_loop3A_594 = arith.mulf %parallel_loop3A_593, %parallel_loop3A_592 : vector<16xf32>
        %parallel_loop3A_595 = arith.addf %parallel_loop3A_594, %mul3A_73 : vector<16xf32>
        %parallel_loop3A_596 = arith.constant 0 : i32
        %parallel_loop3A_597 = arith.constant 0 : i32
        %parallel_loop3A_598 = tpu.memref_slice %arg9[%parallel_loop3A_312, %parallel_loop3A_596, %parallel_loop3A_597] : memref<2x200x128xf32, #tpu.memory_space<vmem>> -> memref<1x200x128xf32, #tpu.memory_space<vmem>>
        %parallel_loop3A_599 = tpu.memref_squeeze %parallel_loop3A_598 : memref<1x200x128xf32, #tpu.memory_space<vmem>> -> memref<200x128xf32, #tpu.memory_space<vmem>>
        %parallel_loop3A_600 = arith.index_cast %parallel_loop3A_331 : i32 to index
        %parallel_loop3A_601 = arith.constant 48 : index
        %parallel_loop3A_602 = tpu.vector_load %parallel_loop3A_599[%parallel_loop3A_600, %parallel_loop3A_601] {strides = array<i32>} : memref<200x128xf32, #tpu.memory_space<vmem>>, vector<1x16xf32>,
        %parallel_loop3A_603 = vector.shape_cast %parallel_loop3A_602 : vector<1x16xf32> to vector<16xf32>
        %parallel_loop3A_604 = vector.shape_cast %parallel_loop3A_595 : vector<16xf32> to vector<1x16xf32>
        tpu.vector_store %parallel_loop3A_599[%parallel_loop3A_600, %parallel_loop3A_601], %parallel_loop3A_604 {strides = array<i32>} : memref<200x128xf32, #tpu.memory_space<vmem>>, vector<1x16xf32>,
        %parallel_loop3A_605 = arith.mulf %parallel_loop3A_552, %mul3A_31 : vector<16xf32>
        %parallel_loop3A_606 = arith.subf %parallel_loop3A_396, %parallel_loop3A_524 : vector<16xf32>
        %parallel_loop3A_607 = arith.mulf %parallel_loop3A_606, %parallel_loop3A_605 : vector<16xf32>
        %parallel_loop3A_608 = arith.addf %parallel_loop3A_607, %mul3A_79 : vector<16xf32>
        %parallel_loop3A_609 = arith.constant 0 : i32
        %parallel_loop3A_610 = arith.constant 0 : i32
        %parallel_loop3A_611 = tpu.memref_slice %arg9[%parallel_loop3A_312, %parallel_loop3A_609, %parallel_loop3A_610] : memref<2x200x128xf32, #tpu.memory_space<vmem>> -> memref<1x200x128xf32, #tpu.memory_space<vmem>>
        %parallel_loop3A_612 = tpu.memref_squeeze %parallel_loop3A_611 : memref<1x200x128xf32, #tpu.memory_space<vmem>> -> memref<200x128xf32, #tpu.memory_space<vmem>>
        %parallel_loop3A_613 = arith.index_cast %parallel_loop3A_331 : i32 to index
        %parallel_loop3A_614 = arith.constant 64 : index
        %parallel_loop3A_615 = tpu.vector_load %parallel_loop3A_612[%parallel_loop3A_613, %parallel_loop3A_614] {strides = array<i32>} : memref<200x128xf32, #tpu.memory_space<vmem>>, vector<1x16xf32>,
        %parallel_loop3A_616 = vector.shape_cast %parallel_loop3A_615 : vector<1x16xf32> to vector<16xf32>
        %parallel_loop3A_617 = vector.shape_cast %parallel_loop3A_608 : vector<16xf32> to vector<1x16xf32>
        tpu.vector_store %parallel_loop3A_612[%parallel_loop3A_613, %parallel_loop3A_614], %parallel_loop3A_617 {strides = array<i32>} : memref<200x128xf32, #tpu.memory_space<vmem>>, vector<1x16xf32>,
        %parallel_loop3A_618 = arith.mulf %parallel_loop3A_552, %mul3A_37 : vector<16xf32>
        %parallel_loop3A_619 = arith.subf %parallel_loop3A_409, %parallel_loop3A_524 : vector<16xf32>
        %parallel_loop3A_620 = arith.mulf %parallel_loop3A_619, %parallel_loop3A_618 : vector<16xf32>
        %parallel_loop3A_621 = arith.addf %parallel_loop3A_620, %mul3A_85 : vector<16xf32>
        %parallel_loop3A_622 = arith.constant 0 : i32
        %parallel_loop3A_623 = arith.constant 0 : i32
        %parallel_loop3A_624 = tpu.memref_slice %arg9[%parallel_loop3A_312, %parallel_loop3A_622, %parallel_loop3A_623] : memref<2x200x128xf32, #tpu.memory_space<vmem>> -> memref<1x200x128xf32, #tpu.memory_space<vmem>>
        %parallel_loop3A_625 = tpu.memref_squeeze %parallel_loop3A_624 : memref<1x200x128xf32, #tpu.memory_space<vmem>> -> memref<200x128xf32, #tpu.memory_space<vmem>>
        %parallel_loop3A_626 = arith.index_cast %parallel_loop3A_331 : i32 to index
        %parallel_loop3A_627 = arith.constant 80 : index
        %parallel_loop3A_628 = tpu.vector_load %parallel_loop3A_625[%parallel_loop3A_626, %parallel_loop3A_627] {strides = array<i32>} : memref<200x128xf32, #tpu.memory_space<vmem>>, vector<1x16xf32>,
        %parallel_loop3A_629 = vector.shape_cast %parallel_loop3A_628 : vector<1x16xf32> to vector<16xf32>
        %parallel_loop3A_630 = vector.shape_cast %parallel_loop3A_621 : vector<16xf32> to vector<1x16xf32>
        tpu.vector_store %parallel_loop3A_625[%parallel_loop3A_626, %parallel_loop3A_627], %parallel_loop3A_630 {strides = array<i32>} : memref<200x128xf32, #tpu.memory_space<vmem>>, vector<1x16xf32>,
        %parallel_loop3A_631 = arith.mulf %parallel_loop3A_552, %mul3A_43 : vector<16xf32>
        %parallel_loop3A_632 = arith.subf %parallel_loop3A_422, %parallel_loop3A_524 : vector<16xf32>
        %parallel_loop3A_633 = arith.mulf %parallel_loop3A_632, %parallel_loop3A_631 : vector<16xf32>
        %parallel_loop3A_634 = arith.addf %parallel_loop3A_633, %mul3A_91 : vector<16xf32>
        %parallel_loop3A_635 = arith.constant 0 : i32
        %parallel_loop3A_636 = arith.constant 0 : i32
        %parallel_loop3A_637 = tpu.memref_slice %arg9[%parallel_loop3A_312, %parallel_loop3A_635, %parallel_loop3A_636] : memref<2x200x128xf32, #tpu.memory_space<vmem>> -> memref<1x200x128xf32, #tpu.memory_space<vmem>>
        %parallel_loop3A_638 = tpu.memref_squeeze %parallel_loop3A_637 : memref<1x200x128xf32, #tpu.memory_space<vmem>> -> memref<200x128xf32, #tpu.memory_space<vmem>>
        %parallel_loop3A_639 = arith.index_cast %parallel_loop3A_331 : i32 to index
        %parallel_loop3A_640 = arith.constant 96 : index
        %parallel_loop3A_641 = tpu.vector_load %parallel_loop3A_638[%parallel_loop3A_639, %parallel_loop3A_640] {strides = array<i32>} : memref<200x128xf32, #tpu.memory_space<vmem>>, vector<1x16xf32>,
        %parallel_loop3A_642 = vector.shape_cast %parallel_loop3A_641 : vector<1x16xf32> to vector<16xf32>
        %parallel_loop3A_643 = vector.shape_cast %parallel_loop3A_634 : vector<16xf32> to vector<1x16xf32>
        tpu.vector_store %parallel_loop3A_638[%parallel_loop3A_639, %parallel_loop3A_640], %parallel_loop3A_643 {strides = array<i32>} : memref<200x128xf32, #tpu.memory_space<vmem>>, vector<1x16xf32>,
        %parallel_loop3A_644 = arith.mulf %parallel_loop3A_552, %mul3A_49 : vector<16xf32>
        %parallel_loop3A_645 = arith.subf %parallel_loop3A_435, %parallel_loop3A_524 : vector<16xf32>
        %parallel_loop3A_646 = arith.mulf %parallel_loop3A_645, %parallel_loop3A_644 : vector<16xf32>
        %parallel_loop3A_647 = arith.addf %parallel_loop3A_646, %mul3A_97 : vector<16xf32>
        %parallel_loop3A_648 = arith.constant 0 : i32
        %parallel_loop3A_649 = arith.constant 0 : i32
        %parallel_loop3A_650 = tpu.memref_slice %arg9[%parallel_loop3A_312, %parallel_loop3A_648, %parallel_loop3A_649] : memref<2x200x128xf32, #tpu.memory_space<vmem>> -> memref<1x200x128xf32, #tpu.memory_space<vmem>>
        %parallel_loop3A_651 = tpu.memref_squeeze %parallel_loop3A_650 : memref<1x200x128xf32, #tpu.memory_space<vmem>> -> memref<200x128xf32, #tpu.memory_space<vmem>>
        %parallel_loop3A_652 = arith.index_cast %parallel_loop3A_331 : i32 to index
        %parallel_loop3A_653 = arith.constant 112 : index
        %parallel_loop3A_654 = tpu.vector_load %parallel_loop3A_651[%parallel_loop3A_652, %parallel_loop3A_653] {strides = array<i32>} : memref<200x128xf32, #tpu.memory_space<vmem>>, vector<1x16xf32>,
        %parallel_loop3A_655 = vector.shape_cast %parallel_loop3A_654 : vector<1x16xf32> to vector<16xf32>
        %parallel_loop3A_656 = vector.shape_cast %parallel_loop3A_647 : vector<16xf32> to vector<1x16xf32>
        tpu.vector_store %parallel_loop3A_651[%parallel_loop3A_652, %parallel_loop3A_653], %parallel_loop3A_656 {strides = array<i32>} : memref<200x128xf32, #tpu.memory_space<vmem>>, vector<1x16xf32>,
      } {sc.loop_unroll_factor = 2 : i64, sc.parallel_access}
      %add3A_313 = arith.addi %mul3A_99, %add3A_252 : i32
      %dma_start3A_314 = arith.constant 1 : i32
      %dma_start3A_315 = arith.constant 0 : i32
      %dma_start3A_316 = arith.constant 0 : i32
      %dma_start3A_317 = tpu.memref_slice %arg9[%dma_start3A_314, %dma_start3A_315, %dma_start3A_316] : memref<2x200x128xf32, #tpu.memory_space<vmem>> -> memref<1x200x128xf32, #tpu.memory_space<vmem>>
      %dma_start3A_318 = tpu.memref_squeeze %dma_start3A_317 : memref<1x200x128xf32, #tpu.memory_space<vmem>> -> memref<200x128xf32, #tpu.memory_space<vmem>>
      %dma_start3A_319 = arith.constant 0 : i32
      %dma_start3A_320 = arith.constant 0 : i32
      %dma_start3A_321 = tpu.memref_slice %arg7[%add3A_313, %dma_start3A_319, %dma_start3A_320] : memref<4096x200x128xf32, #tpu.memory_space<hbm>> -> memref<1x200x128xf32, #tpu.memory_space<hbm>>
      %dma_start3A_322 = tpu.memref_squeeze %dma_start3A_321 : memref<1x200x128xf32, #tpu.memory_space<hbm>> -> memref<200x128xf32, #tpu.memory_space<hbm>>
      %dma_start3A_323 = arith.constant 0 : i32
      %dma_start3A_324 = arith.constant 0 : i32
      %dma_start3A_325 = tpu.memref_slice %arg7[%add3A_313, %dma_start3A_323, %dma_start3A_324] : memref<4096x200x128xf32, #tpu.memory_space<hbm>> -> memref<1x200x128xf32, #tpu.memory_space<hbm>>
      %dma_start3A_326 = tpu.memref_squeeze %dma_start3A_325 : memref<1x200x128xf32, #tpu.memory_space<hbm>> -> memref<200x128xf32, #tpu.memory_space<hbm>>
      %dma_start3A_327 = arith.constant 0 : i32
      %dma_start3A_328 = arith.constant 0 : i32
      %dma_start3A_329 = tpu.memref_slice %arg9[%dma_start3A_314, %dma_start3A_327, %dma_start3A_328] : memref<2x200x128xf32, #tpu.memory_space<vmem>> -> memref<1x200x128xf32, #tpu.memory_space<vmem>>
      %dma_start3A_330 = tpu.memref_squeeze %dma_start3A_329 : memref<1x200x128xf32, #tpu.memory_space<vmem>> -> memref<200x128xf32, #tpu.memory_space<vmem>>
      tpu.enqueue_dma source(%dma_start3A_330 : memref<200x128xf32, #tpu.memory_space<vmem>>) target(%dma_start3A_326 : memref<200x128xf32, #tpu.memory_space<hbm>>) target_semaphore(%arg16 : memref<!tpu.dma_semaphore, #tpu.memory_space<semaphore_mem>>)
    }
    %scan3A_133 = arith.constant 64 : i32
    %dma_wait3A = arith.constant 1 : i32
    %dma_wait3A_134 = arith.constant 0 : i32
    %dma_wait3A_135 = arith.constant 0 : i32
    %dma_wait3A_136 = arith.constant 0 : i32
    %dma_wait3A_137 = tpu.memref_slice %arg9[%dma_wait3A, %dma_wait3A_135, %dma_wait3A_136] : memref<2x200x128xf32, #tpu.memory_space<vmem>> -> memref<1x200x128xf32, #tpu.memory_space<vmem>>
    %dma_wait3A_138 = tpu.memref_squeeze %dma_wait3A_137 : memref<1x200x128xf32, #tpu.memory_space<vmem>> -> memref<200x128xf32, #tpu.memory_space<vmem>>
    %dma_wait3A_139 = arith.constant 0 : i32
    %dma_wait3A_140 = arith.constant 0 : i32
    %dma_wait3A_141 = tpu.memref_slice %arg7[%dma_wait3A_134, %dma_wait3A_139, %dma_wait3A_140] : memref<4096x200x128xf32, #tpu.memory_space<hbm>> -> memref<1x200x128xf32, #tpu.memory_space<hbm>>
    %dma_wait3A_142 = tpu.memref_squeeze %dma_wait3A_141 : memref<1x200x128xf32, #tpu.memory_space<hbm>> -> memref<200x128xf32, #tpu.memory_space<hbm>>
    %dma_wait3A_143 = arith.constant 0 : i32
    %dma_wait3A_144 = arith.constant 0 : i32
    %dma_wait3A_145 = tpu.memref_slice %arg7[%dma_wait3A_134, %dma_wait3A_143, %dma_wait3A_144] : memref<4096x200x128xf32, #tpu.memory_space<hbm>> -> memref<1x200x128xf32, #tpu.memory_space<hbm>>
    %dma_wait3A_146 = tpu.memref_squeeze %dma_wait3A_145 : memref<1x200x128xf32, #tpu.memory_space<hbm>> -> memref<200x128xf32, #tpu.memory_space<hbm>>
    %dma_wait3A_147 = arith.constant 0 : i32
    %dma_wait3A_148 = arith.constant 0 : i32
    %dma_wait3A_149 = tpu.memref_slice %arg9[%dma_wait3A, %dma_wait3A_147, %dma_wait3A_148] : memref<2x200x128xf32, #tpu.memory_space<vmem>> -> memref<1x200x128xf32, #tpu.memory_space<vmem>>
    %dma_wait3A_150 = tpu.memref_squeeze %dma_wait3A_149 : memref<1x200x128xf32, #tpu.memory_space<vmem>> -> memref<200x128xf32, #tpu.memory_space<vmem>>
    tpu.wait_dma2 semaphore(%arg16 : memref<!tpu.dma_semaphore, #tpu.memory_space<semaphore_mem>>) src(%dma_wait3A_150 : memref<200x128xf32, #tpu.memory_space<vmem>>) dst(%dma_wait3A_146 : memref<200x128xf32, #tpu.memory_space<hbm>>)
    return
  }
}

</mosaic_0001>

<sc_bundles>
// kernel: kernel.3.cloned.1.call-start
scs
__scs_entry_jumppad:
0x0: {  	(pc) =	sbr.rel $0x88, $3  }
0x1: {  	(tag) =	ssettag $0x0;
	lr =	simm.s32 $0x1  }
0x2: {  	[smem:$0x3F9C] =	sst lr;
	_ =	strace $0xD0000000  }
0x3: {  	_ = 	snop  }
0x4: {  	_ = 	snop  }
0x5: {  	_ = 	snop  }
0x6: {  	_ = 	snop  }
0x7: {  	_ = 	snop  }
__scs_overlays_trampoline_lowered:
0x8: {  	[smem:$0x3FAB] =	sst s0  }
0x9: {  	[smem:$0x3FAC] =	sst s1  }
0xa: {  	[smem:$0x3FAD] =	sst s2  }
0xb: {  	[smem:$0x3FAE] =	sst s3  }
0xc: {  	[smem:$0x3FAF] =	sst s4  }
0xd: {  	[smem:$0x3FB0] =	sst s5  }
0xe: {  	[smem:$0x3FB1] =	sst s6  }
0xf: {  	[smem:$0x3FB2] =	sst s7  }
0x10: {  	[smem:$0x3FB3] =	sst s8  }
0x11: {  	[smem:$0x3FB4] =	sst s9;
	s0 =	simm.s32 @!p0 $0x0  }
0x12: {  	s1 =	sld [smem:$0x3F9A];
	s0 =	simm.s32 @p0 $0x1  }
0x13: {  	[smem:$0x3FB5] =	sst s0;
	s0 =	simm.s32 @!p1 $0x0  }
0x14: {  	s2 =	sld [smem:$0x3F99];
	s0 =	simm.s32 @p1 $0x1  }
0x15: {  	[smem:$0x3FB6] =	sst s0;
	s0 =	simm.s32 @!p2 $0x0  }
0x16: {  	s3 =	sld [smem:$0x3FDB];
	s0 =	simm.s32 @p2 $0x1  }
0x17: {  	s4 =	simm.s32 $0x1BF5;
	[smem:$0x3FB8] =	sst s0  }
0x18: {  	s0 =	sld [smem:$0x3F9B];
	_ =	swait.ge [sflag:s4], $0x0  }
0x19: {  	s7 =	sld [smem:$0x3F9C]  }
0x1a: {  	s8 =	sadd.s32 $0xFFFFE003, lr  }
0x1b: {  	s9 =	sadd.s32 $0xFFFFFEF7, lr;
	s5 =	simm.s32 $0xFFFFFFFF;
	p2 =	slt.u32 s8, $0xFFFFF086  }
0x1c: {  	p1 =	slt.u32 s9, $0xF7A;
	s5 =	simm.s32 @!p2 $0x0  }
0x1d: {  	s5 =	simm.s32 @p1 $0x1;
	p0 =	seq.s32 s7, s2  }
0x1e: {  	s7 =	smul.u32 @!p0 $0xF7A, s2;
	p2 =	seq.s32 @!p0 s5, $0x0  }
0x1f: {  	s9 =	smul.u32 $0xF7A, s1;
	s8 =	simm.s32 @!p0 $0x1BF5;
	p2 =	por !p2, p0  }
0x20: {  	[sflag:s8] =	ssyncset.s32 @!p0 $0xFFFFF086;
	s6 =	sadd.s32 @!p0 s3, s7;
	s7 =	simm.s32 @!p0 $0x108  }
0x21: {  	s3 =	sadd.s32 s3, s9;
	s6 =	sadd.s32 @!p0 $0x88, s6;
	s7 =	simm.s32 @p2 $0x1082  }
0x22: {  	[simem:s7], [sflag:s8] =	dma.local @!p0 [hbm:s6], $0xF7A  }
0x23: {  	s9 =	sor.u32 $0xD0000000, s2;
	s6 =	simm.s32 $0x108;
	_ =	swait.ge @!p0 [sflag:s8], $0x0  }
0x24: {  	s3 =	sadd.s32 $0x88, s3;
	s6 =	simm.s32 @!p1 $0x1082;
	[sflag:s4] =	ssyncset.s32 $0xFFFFF086  }
0x25: {  	[simem:s6], [sflag:s4] =	dma.local [hbm:s3], $0xF7A  }
0x26: {  	[smem:$0x3F9C] =	sst s1;
	(tag) =	ssettag s2;
	_ =	strace s9  }
0x27: {  	s1 =	sld [smem:$0x3FAC]  }
0x28: {  	s2 =	sld [smem:$0x3FAD]  }
0x29: {  	s4 =	sld [smem:$0x3FAF]  }
0x2a: {  	p0 =	seq.s32 s5, $0x0;
	s5 =	sld [smem:$0x3FB0]  }
0x2b: {  	s6 =	sld [smem:$0x3FB1]  }
0x2c: {  	s7 =	sld [smem:$0x3FB2]  }
0x2d: {  	s3 =	simm.s32 $0x108;
	s8 =	sld [smem:$0x3FB3]  }
0x2e: {  	s3 =	simm.s32 @!p0 $0x1082;
	s9 =	sld [smem:$0x3FB4]  }
0x2f: {  	lr =	sadd.s32 s0, s3;
	s0 =	sld [smem:$0x3FAB]  }
0x30: {  	s3 =	sld [smem:$0x3FAE]  }
0x31: {  	[smem:$0x3FB7] =	sst s10  }
0x32: {  	s10 =	sld [smem:$0x3FB5];
	_ =	sdelay $0x3  }
0x33: {  	p0 =	seq.s32 s10, $0x1;
	s10 =	sld [smem:$0x3FB7];
	_ =	sdelay $0x3  }
0x34: {  	[smem:$0x3FB7] =	sst s10  }
0x35: {  	s10 =	sld [smem:$0x3FB6];
	_ =	sdelay $0x3  }
0x36: {  	p1 =	seq.s32 s10, $0x1;
	s10 =	sld [smem:$0x3FB7];
	_ =	sdelay $0x3  }
0x37: {  	[smem:$0x3FB7] =	sst s10  }
0x38: {  	s10 =	sld [smem:$0x3FB8]  }
0x39: {  	_ = 	snop;
	(pc) =	sbr.ind lr, $3  }
0x3a: {  	_ = 	snop  }
0x3b: {  	_ = 	snop  }
0x3c: {  	p2 =	seq.s32 s10, $0x1;
	s10 =	sld [smem:$0x3FB7]  }
0x3d: {  	_ =	shalt  }
0x3e: {  	_ =	shalt  }
0x3f: {  	_ =	shalt  }
0x40: {  	_ =	shalt  }
0x41: {  	_ =	shalt  }
0x42: {  	_ =	shalt  }
0x43: {  	_ =	shalt  }
0x44: {  	_ =	shalt  }
0x45: {  	_ =	shalt  }
0x46: {  	_ =	shalt  }
0x47: {  	_ =	shalt  }
0x48: {  	_ =	shalt  }
0x49: {  	_ =	shalt  }
0x4a: {  	_ =	shalt  }
0x4b: {  	_ =	shalt  }
0x4c: {  	_ =	shalt  }
0x4d: {  	_ =	shalt  }
0x4e: {  	_ =	shalt  }
0x4f: {  	_ =	shalt  }
0x50: {  	_ =	shalt  }
0x51: {  	_ =	shalt  }
0x52: {  	_ =	shalt  }
0x53: {  	_ =	shalt  }
0x54: {  	_ =	shalt  }
0x55: {  	_ =	shalt  }
0x56: {  	_ =	shalt  }
0x57: {  	_ =	shalt  }
0x58: {  	_ =	shalt  }
0x59: {  	_ =	shalt  }
0x5a: {  	_ =	shalt  }
0x5b: {  	_ =	shalt  }
0x5c: {  	_ =	shalt  }
0x5d: {  	_ =	shalt  }
0x5e: {  	_ =	shalt  }
0x5f: {  	_ =	shalt  }
0x60: {  	_ =	shalt  }
0x61: {  	_ =	shalt  }
0x62: {  	_ =	shalt  }
0x63: {  	_ =	shalt  }
0x64: {  	_ =	shalt  }
0x65: {  	_ =	shalt  }
0x66: {  	_ =	shalt  }
0x67: {  	_ =	shalt  }
0x68: {  	_ =	shalt  }
0x69: {  	_ =	shalt  }
0x6a: {  	_ =	shalt  }
0x6b: {  	_ =	shalt  }
0x6c: {  	_ =	shalt  }
0x6d: {  	_ =	shalt  }
0x6e: {  	_ =	shalt  }
0x6f: {  	_ =	shalt  }
0x70: {  	_ =	shalt  }
0x71: {  	_ =	shalt  }
0x72: {  	_ =	shalt  }
0x73: {  	_ =	shalt  }
0x74: {  	_ =	shalt  }
0x75: {  	_ =	shalt  }
0x76: {  	_ =	shalt  }
0x77: {  	_ =	shalt  }
0x78: {  	_ =	shalt  }
0x79: {  	_ =	shalt  }
0x7a: {  	_ =	shalt  }
0x7b: {  	_ =	shalt  }
0x7c: {  	_ =	shalt  }
0x7d: {  	_ =	shalt  }
0x7e: {  	_ =	shalt  }
0x7f: {  	_ =	shalt  }
0x80: {  	_ =	shalt  }
0x81: {  	_ =	shalt  }
0x82: {  	_ =	shalt  }
0x83: {  	_ =	shalt  }
0x84: {  	_ =	shalt  }
0x85: {  	_ =	shalt  }
0x86: {  	_ =	shalt  }
0x87: {  	_ =	shalt  }
.Lfunc_end0:
.L_simem_size_0:
called_computation_lowered:
.L_overlay_start_0:
0x88: {  	s2 =	sld [smem:$0x3FD9]  }
0x89: {  	s3 =	sld [smem:$0x3FFE];
	_ =	sdelay $0x1  }
0x8a: {  	s1 =	srdreg.scid  }
0x8b: {  	s0 =	sand.u32 $0x1, s1  }
0x8c: {  	s17 =	sshll.u32 s0, $0xA;
	s2 =	sadd.s32 s3, s2  }
0x8d: {  	s2 =	sadd.s32 s2, s17  }
0x8e: {  	[smem:$0x3FC3] =	sst s2  }
0x8f: {  	_ = 	snop  }
0x90: {  	s2 =	sld [smem:$0x3FC8]  }
0x91: {  	s18 =	sld [smem:$0x3FC7]  }
0x92: {  	s4 =	sld [smem:$0x3FC6]  }
0x93: {  	s5 =	sld [smem:$0x3FC5]  }
0x94: {  	s6 =	sld [smem:$0x3FD0];
	(tm) =	ssettm $0x1  }
0x95: {  	s7 =	sld [smem:$0x3FFB];
	_ =	sdelay $0x3  }
0x96: {  	_ =	strace s7  }
0x97: {  	s7 =	sld [smem:$0x3FFC];
	_ =	sdelay $0x3  }
0x98: {  	_ =	strace s7  }
0x99: {  	s7 =	sld [smem:$0x3FFD];
	_ =	sdelay $0x3  }
0x9a: {  	_ =	strace s7  }
0x9b: {  	_ =	strace $0x8FFFFFFF  }
0x9c: {  	s19 =	sld [smem:$0x3FDB];
	_ =	sdelay $0x1  }
0x9d: {  	s8 =	simm.s32 $_scs_section_size  }
0x9e: {  	s9 =	simm.s32 $_size__tile_overlayer_lowered;
	s10 =	simm.s32 $_tile_overlayer_lowered  }
0x9f: {  	s22 =	simm.s32 $0x1BFF;
	s21 =	sshll.u32 s10, $0x1;
	s7 =	sadd.s32 s8, s19  }
0xa0: {  	s11 =	simm.s32 $0x0;
	s20 =	sshll.u32 s9, $0x1;
	s9 =	sadd.s32 s21, s7  }
0xa1: {  	[timem:s11], [sflag:s22] =	dma.local [hbm:s9], s20  }
0xa2: {  	_ =	swait.ge [sflag:s22], s20  }
0xa3: {  	s8 =	ssub.s32 $0x0, s20;
	[sflag:s22] =	ssyncset.done $0x0  }
0xa4: {  	[sflag:s22] =	ssyncadd.s32 s8;
	_ =	sdelay $0x1  }
0xa5: {  	s23 =	simm.s32 $0x1B8B  }
0xa6: {  	_ =	swait.ge [sflag:s23], $0x1  }
0xa7: {  	[sflag:s23] =	ssyncset.done $0x0  }
0xa8: {  	s25 =	simm.s32 $0x1B8E;
	s24 =	sld [smem:$0x3FFE];
	[sflag:s23] =	ssyncadd.s32 $0xFFFFFFFF  }
0xa9: {  	s26 =	simm.s32 $execute0_lowered;
	[smem:$0x3FD2] =	sst s25  }
0xaa: {  	s9 =	sshll.u32 s26, $0x1;
	_ =	strace $0x80000046;
	[dreg:$0x1] =	wrdreg $0xFFFFFFFF  }
0xab: {  	s28 =	simm.s32 $_size_execute0_lowered;
	s7 =	sadd.s32 s7, s9;
	[dreg:$0x0] =	wrdreg $0x0  }
0xac: {  	s9 =	sshll.u32 s28, $0x1;
	[dreg:$0x2] =	wrdreg s7  }
0xad: {  	[dreg:$0x3] =	wrdreg s9  }
0xae: {  	[dreg:$0x4] =	wrdreg $0xC0  }
0xaf: {  	_ =	task [dreg:s11], $0x5FFFF  }
0xb0: {  	[dreg:$0x1] =	wrdreg $0xFFFFFFFF  }
0xb1: {  	[dreg:$0x0] =	wrdreg $0x60  }
0xb2: {  	[dreg:$0x2] =	wrdreg s24  }
0xb3: {  	[dreg:$0x3] =	wrdreg s2  }
0xb4: {  	[dreg:$0x4] =	wrdreg s18  }
0xb5: {  	[dreg:$0x5] =	wrdreg s4  }
0xb6: {  	[dreg:$0x6] =	wrdreg s5  }
0xb7: {  	[dreg:$0x7] =	wrdreg s6  }
0xb8: {  	[dreg:$0x8] =	wrdreg $0x9  }
0xb9: {  	_ =	task.clear_ibuf [dreg:s11], $0x9FFFF;
	_ =	strace $0x90000046  }
0xba: {  	s29 =	simm.s32 $0x9;
	_ =	strace $0x80000048  }
0xbb: {  	_ =	swait.ge [sflag:s29], $0x1  }
0xbc: {  	[sflag:s29] =	ssyncadd.s32 $0xFFFFFFFF  }
0xbd: {  	_ =	strace $0x90000048  }
0xbe: {  	_ =	sfence  }
0xbf: {  	s30 =	sld [smem:$0x0];
	_ =	sdelay $0x2  }
0xc0: {  	s31 =	sshll.u32 s1, $0xD;
	s1 =	sshrl.u32 s1, $0x2  }
0xc1: {  	s3 =	sand.u32 $0x4000, s31;
	s1 =	sadd.s32 s1, s30  }
0xc2: {  	s0 =	sor.u32 s3, s0;
	s1 =	sshll.u32 s1, $0x11  }
0xc3: {  	s0 =	sor.u32 s1, s0  }
0xc4: {  	s0 =	sadd.s32 $0x8F2B, s0  }
0xc5: {  	[sflag:s0] =	ssyncadd.remote.s32 $0x1  }
0xc6: {  	_ =	sfence.sel $0xFFFF  }
0xc7: {  	[dreg:$0x0] =	wrdreg $0xFFFFFFFF;
	(pc) =	sbr.abs _section_cstart, $3  }
0xc8: {  	[dreg:$0x1] =	wrdreg $0xFFFFFFFF  }
0xc9: {  	_ =	task.clear_ibuf [dreg:s11], $0x2FFFF;
	_ =	strace $0x9FFFFFFF  }
0xca: {  	(tm) =	ssettm $0x7FFFFFFF  }
0xcb: {  	_ =	shalt  }
tec
execute0_lowered:
.L_overlay_start_1:
0x0: {  	(tag) =	ssettag $0x1  }
0x1: {  	s1 =	rddreg [dreg:$0x0]  }
0x2: {  	s0 =	rddreg [dreg:$0x1]  }
0x3: {  	v0 =	vimm.s32 $0xFEDCBA98;
	s3 =	rddreg [dreg:$0x3];
	s2 =	srdreg.scid;
	v1 =	vimm.s32 $0x76543210;
	v2 =	vimm.s32 $0xBA98FEDC  }
0x4: {  	s5 =	stileid.u32;
	s4 =	rddreg [dreg:$0x4];
	v3 =	vimm.s32 $0x32107654;
	v4 =	vimm.s32 $0xDCFE98BA;
	v5 =	vimm.s32 $0x54761032  }
0x5: {  	s6 =	simm.s32 $0x0;
	v6 =	vimm.s32 $0xEFCDAB89;
	v7 =	vimm.s32 $0x67452301;
	s11 =	simm.s32 $0x14800;
	s12 =	simm.s32 $0x5  }
0x6: {  	s13 =	simm.s32 $0x1AC00;
	s14 =	simm.s32 $0x1AC80;
	s15 =	simm.s32 $0x64;
	v0 =	vunpack.c.l.s4.s8 v0;
	v1 =	vunpack.c.l.s4.s8 v1;
	v2 =	vunpack.c.l.s4.s8 v2  }
0x7: {  	s16 =	simm.s32 $0x8000;
	s17 =	simm.s32 $0x80;
	s18 =	simm.s32 $0xB200;
	v3 =	vunpack.c.l.s4.s8 v3;
	v4 =	vunpack.c.l.s4.s8 v4;
	v5 =	vunpack.c.l.s4.s8 v5  }
0x8: {  	s19 =	simm.s32 $0x1;
	s20 =	simm.s32 $0xE400;
	s21 =	simm.s32 $0x11600;
	v6 =	vunpack.c.l.s4.s8 v6;
	v7 =	vunpack.c.l.s4.s8 v7;
	v0 =	vunpack.c.0.s8.s32 v0  }
0x9: {  	s22 =	simm.s32 $0x2;
	s23 =	simm.s32 $0x3;
	s24 =	simm.s32 $0x4;
	v2 =	vunpack.c.0.s8.s32 v2;
	v3 =	vunpack.c.0.s8.s32 v3;
	v4 =	vunpack.c.0.s8.s32 v4  }
0xa: {  	s25 =	simm.s32 $0x0;
	s2 =	sand.u32 $0x1, s2;
	s7 =	sshll.u32 s5, $0x1;
	v5 =	vunpack.c.0.s8.s32 v5;
	v6 =	vunpack.c.0.s8.s32 v6;
	v7 =	vunpack.c.0.s8.s32 v7  }
0xb: {  	s5 =	rddreg [dreg:$0x5];
	s7 =	sor.u32 s2, s7;
	s2 =	ssub.s32 $0x2, s2;
	v1 =	vunpack.c.0.s8.s32 v1;
	v2 =	vcombine.low v3, v2  }
0xc: {  	[smem:$0x7FF] =	sst s6;
	s8 =	sshll.u32 s7, $0xC;
	s9 =	sshrl.u32 s2, $0x1;
	v3 =	vcombine.low v5, v4;
	v4 =	vcombine.low v7, v6;
	v0 =	vand.u32 $0xF, v0  }
0xd: {  	_ =	strace $0x80000047;
	s1 =	sadd.s32 s8, s1;
	s2 =	ssub.s32 s2, s9;
	v0 =	vcombine.low v0, v1  }
0xe: {  	s9 =	sshll.u32 s7, $0x7;
	s8 =	sadd.s32 $0x400, s1;
	s10 =	smax.u32 s2, $0x1;
	v1 =	vand.u32 $0xF, v2;
	v2 =	vand.u32 $0xF, v3;
	v3 =	vand.u32 $0xF, v4  }
.LBB2_1:
0xf: {  	s1 =	rddreg [dreg:$0x2]  }
0x10: {  	[tilespmem:s11], [sflag:$0x5] =	stream.linear.gather [hbm4b:s1+s6], $0x6400, $0x38;
	[tilespmem:$0x1AD00] =	vst v63  }
0x11: {  	_ =	swait.ge [sflag:s12], $0x6400  }
0x12: {  	[sflag:s12] =	ssyncset.done $0x0  }
0x13: {  	[sflag:s12] =	ssyncadd.s32 $0xFFFF9C00  }
0x14: {  	[tilespmem:s13], [sflag:$0x5] =	stream.linear.gather [hbm4b:s3+s6], $0x80, $0x38;
	[tilespmem:$0x1AD00] =	vst v63  }
0x15: {  	_ =	swait.ge [sflag:s12], $0x80  }
0x16: {  	[sflag:s12] =	ssyncset.done $0x0  }
0x17: {  	[sflag:s12] =	ssyncadd.s32 $0xFFFFFF80  }
0x18: {  	[tilespmem:s14], [sflag:$0x5] =	stream.linear.gather [hbm4b:s4+s6], $0x80, $0x38;
	[tilespmem:$0x1AD00] =	vst v63  }
0x19: {  	_ =	swait.ge [sflag:s12], $0x80  }
0x1a: {  	[sflag:s12] =	ssyncset.done $0x0  }
0x1b: {  	[sflag:s12] =	ssyncadd.s32 $0xFFFFFF80  }
0x1c: {  	[tilespmem:s6], [sflag:$0x5] =	stream.linear.gather [hbm4b:s8+s6], $0x8000, $0x38;
	[tilespmem:$0x1AD00] =	vst v63  }
0x1d: {  	_ =	swait.ge [sflag:s12], $0x8000  }
0x1e: {  	[sflag:s12] =	ssyncset.done $0x0  }
0x1f: {  	[sflag:s12] =	ssyncadd.s32 $0xFFFF8000  }
0x20: {  	v4 =	vld [tilespmem:$0x1AC00]  }
0x21: {  	v5 =	vld [tilespmem:$0x1AC10]  }
0x22: {  	v6 =	vld [tilespmem:$0x1AC20]  }
0x23: {  	v7 =	vld [tilespmem:$0x1AC30]  }
0x24: {  	v8 =	vld [tilespmem:$0x1AC40]  }
0x25: {  	v9 =	vld [tilespmem:$0x1AC50]  }
0x26: {  	v10 =	vld [tilespmem:$0x1AC60]  }
0x27: {  	v11 =	vld [tilespmem:$0x1AC70]  }
0x28: {  	v12 =	vld [tilespmem:$0x1AC80]  }
0x29: {  	v13 =	vld [tilespmem:$0x1AC90]  }
0x2a: {  	v14 =	vld [tilespmem:$0x1ACA0]  }
0x2b: {  	v15 =	vld [tilespmem:$0x1ACB0]  }
0x2c: {  	v16 =	vld [tilespmem:$0x1ACC0]  }
0x2d: {  	v17 =	vld [tilespmem:$0x1ACD0];
	v4 =	vmul.f32 $1.131370830e+01, v4;
	v5 =	vmul.f32 $1.131370830e+01, v5  }
0x2e: {  	v18 =	vld [tilespmem:$0x1ACE0];
	v6 =	vmul.f32 $1.131370830e+01, v6;
	v7 =	vmul.f32 $1.131370830e+01, v7  }
0x2f: {  	v19 =	vld [tilespmem:$0x1ACF0];
	v8 =	vmul.f32 $1.131370830e+01, v8;
	v9 =	vmul.f32 $1.131370830e+01, v9  }
0x30: {  	v10 =	vmul.f32 $1.131370830e+01, v10;
	v11 =	vmul.f32 $1.131370830e+01, v11  }
0x31: {  	v12 =	vmul.f32 $1.131370830e+01, v12;
	v13 =	vmul.f32 $1.131370830e+01, v13  }
0x32: {  	[tilespmem:s16], [sflag:$0x1] =	stream.indirect.gather [hbm4b:s0+s15], $0x80, s6, s15, $0xb8;
	v14 =	vmul.f32 $1.131370830e+01, v14;
	v15 =	vmul.f32 $1.131370830e+01, v15;
	[tilespmem:$0x1AD00] =	vst v63  }
0x33: {  	s26 =	simm.s32 $0x0;
	v16 =	vmul.f32 $1.131370830e+01, v16;
	v17 =	vmul.f32 $1.131370830e+01, v17  }
0x34: {  	[tilespmem:s18], [sflag:$0x1] =	stream.indirect.gather [hbm4b:s0+s15], $0x80, s17, s15, $0xb8;
	v18 =	vmul.f32 $1.131370830e+01, v18;
	v19 =	vmul.f32 $1.131370830e+01, v19;
	[tilespmem:$0x1AD00] =	vst v63  }
.LBB2_2:
0x35: {  	_ =	swait.ge [sflag:s19], $0x3200  }
0x36: {  	[sflag:s19] =	ssyncset.done $0x0  }
0x37: {  	[sflag:s19] =	ssyncadd.s32 $0xFFFFCE00  }
0x38: {  	_ =	swait.ge [sflag:s19], $0x3200  }
0x39: {  	[sflag:s19] =	ssyncset.done $0x0  }
0x3a: {  	s28 =	simm.s32 $0x8080;
	[sflag:s19] =	ssyncadd.s32 $0xFFFFCE00  }
0x3b: {  	s1 =	simm.s32 $0x14880;
	v20 =	vld [tilespmem:s28+$0x0]  }
0x3c: {  	v21 =	vld [tilespmem:s1+$0x0]  }
0x3d: {  	v22 =	vld [tilespmem:s28+$0x10]  }
0x3e: {  	v23 =	vld [tilespmem:s1+$0x10]  }
0x3f: {  	v24 =	vld [tilespmem:s28+$0x20]  }
0x40: {  	v25 =	vld [tilespmem:s1+$0x20]  }
0x41: {  	v26 =	vld [tilespmem:s28+$0x30]  }
0x42: {  	v27 =	vld [tilespmem:s1+$0x30]  }
0x43: {  	v28 =	vld [tilespmem:s28+$0x40]  }
0x44: {  	v29 =	vld [tilespmem:s1+$0x40]  }
0x45: {  	v30 =	vld [tilespmem:s28+$0x50]  }
0x46: {  	v31 =	vld [tilespmem:s1+$0x50]  }
0x47: {  	v32 =	vld [tilespmem:s28+$0x60]  }
0x48: {  	v33 =	vld [tilespmem:s1+$0x60]  }
0x49: {  	v34 =	vld [tilespmem:s28+$0x70]  }
0x4a: {  	v35 =	vld [tilespmem:s1+$0x70]  }
0x4b: {  	v37 =	vld [tilespmem:s28+$0xFFFFFF90]  }
0x4c: {  	v38 =	vld [tilespmem:s1+$0xFFFFFF90]  }
0x4d: {  	v21 =	vadd.f32 v21, v20;
	v22 =	vadd.f32 v23, v22  }
0x4e: {  	v48 =	vld [tilespmem:s28+$0xFFFFFFC0];
	v24 =	vadd.f32 v25, v24;
	v25 =	vadd.f32 v27, v26  }
0x4f: {  	v40 =	vld [tilespmem:s1+$0xFFFFFFC0];
	v27 =	vadd.f32 v29, v28;
	v28 =	vadd.f32 v31, v30  }
0x50: {  	v50 =	vld [tilespmem:s28+$0xFFFFFFD0];
	v30 =	vadd.f32 v33, v32;
	v20 =	vadd.f32 v35, v34  }
0x51: {  	v52 =	vld [tilespmem:s1+$0xFFFFFFD0];
	v37 =	vadd.f32 v38, v37;
	v46 =	vadd.f32 v22, v21  }
0x52: {  	v23 =	vld [tilespmem:s28+$0xFFFFFFA0];
	v47 =	vadd.f32 v25, v24;
	v49 =	vadd.f32 v28, v27  }
0x53: {  	v26 =	vld [tilespmem:s1+$0xFFFFFFA0];
	v39 =	vadd.f32 v20, v30;
	v41 =	vmul.f32 v21, v21;
	v42 =	vmul.f32 v22, v22  }
0x54: {  	v29 =	vld [tilespmem:s28+$0xFFFFFFB0];
	v34 =	vadd.f32 v40, v48;
	v53 =	vmul.f32 v24, v24;
	v43 =	vmul.f32 v25, v25  }
0x55: {  	v31 =	vld [tilespmem:s1+$0xFFFFFFB0];
	v44 =	vmul.f32 v27, v27;
	v32 =	vadd.f32 v47, v46;
	v51 =	vadd.f32 v39, v49  }
0x56: {  	v36 =	vld [tilespmem:s1+$0xFFFFFF80];
	v38 =	vadd.f32 v52, v50;
	v45 =	vmul.f32 v28, v28;
	v46 =	vmul.f32 v30, v30  }
0x57: {  	v54 =	vld [tilespmem:s1+$0xFFFFFFE0];
	v47 =	vmul.f32 v20, v20;
	v41 =	vadd.f32 v42, v41;
	v32 =	vadd.f32 v51, v32  }
0x58: {  	v55 =	vld [tilespmem:s28+$0xFFFFFFF0];
	v39 =	vadd.f32 v43, v53;
	v44 =	vadd.f32 v45, v44  }
0x59: {  	v57 =	vld [tilespmem:s1+$0xFFFFFFF0];
	v23 =	vadd.f32 v26, v23;
	v46 =	vadd.f32 v47, v46;
	v56 =	vperm.xlane v32, v0  }
0x5a: {  	v26 =	vld [tilespmem:s28+$0xFFFFFFE0];
	v29 =	vadd.f32 v31, v29;
	v39 =	vadd.f32 v39, v41  }
0x5b: {  	v31 =	vld [tilespmem:s28+$0xFFFFFF80];
	v58 =	vadd.f32 v46, v44;
	v32 =	vadd.f32 v32, v56  }
0x5c: {  	v62 =	vadd.f32 v38, v34;
	v63 =	vmul.f32 v34, v34  }
0x5d: {  	v53 =	vmul.f32 v38, v38;
	v39 =	vadd.f32 v58, v39;
	v60 =	vperm.xlane v32, v1  }
0x5e: {  	v42 =	vadd.f32 v57, v55;
	v41 =	vmul.f32 v37, v37;
	v40 =	vmul.f32 v23, v23  }
0x5f: {  	v59 =	vadd.f32 v29, v23;
	v43 =	vperm.xlane v39, v0;
	v32 =	vadd.f32 v32, v60  }
0x60: {  	v61 =	vmul.f32 v29, v29;
	v26 =	vadd.f32 v54, v26;
	v31 =	vadd.f32 v36, v31  }
0x61: {  	v44 =	vadd.f32 v53, v63;
	v39 =	vadd.f32 v43, v39;
	v48 =	vperm.xlane v32, v2  }
0x62: {  	v55 =	vmul.f32 v42, v42;
	v45 =	vadd.f32 v42, v26;
	v52 =	vadd.f32 v37, v31  }
0x63: {  	v33 =	vadd.f32 v61, v40;
	v56 =	vperm.xlane v39, v1;
	v32 =	vadd.f32 v32, v48  }
0x64: {  	v54 =	vmul.f32 v26, v26;
	v36 =	vadd.f32 v45, v62;
	v35 =	vadd.f32 v59, v52  }
0x65: {  	v57 =	vmul.f32 v31, v31;
	v39 =	vadd.f32 v56, v39;
	v59 =	vperm.xlane v32, v3  }
0x66: {  	v58 =	vadd.f32 v55, v54;
	v35 =	vadd.f32 v36, v35  }
0x67: {  	v60 =	vadd.f32 v41, v57;
	v62 =	vperm.xlane v39, v2;
	v32 =	vadd.f32 v32, v59  }
0x68: {  	v36 =	vadd.f32 v58, v44;
	v61 =	vperm.xlane v35, v0  }
0x69: {  	v33 =	vadd.f32 v33, v60;
	v39 =	vadd.f32 v62, v39;
	v63 =	vmul.f32 $7.812500000e-03, v32  }
0x6a: {  	v35 =	vadd.f32 v35, v61  }
0x6b: {  	v46 =	vadd.f32 v36, v33;
	v48 =	vperm.xlane v39, v3;
	v49 =	vmul.f32 v63, v63  }
0x6c: {  	v47 =	vperm.xlane v35, v1  }
0x6d: {  	v50 =	vperm.xlane v46, v0;
	v51 =	vadd.f32 v48, v39;
	v52 =	vmul.f32 $1.280000000e+02, v49  }
0x6e: {  	v33 =	vadd.f32 v35, v47  }
0x6f: {  	v32 =	vadd.f32 v50, v46;
	v35 =	vsub.f32 v51, v52  }
0x70: {  	v53 =	vperm.xlane v33, v2  }
0x71: {  	v54 =	vperm.xlane v32, v1;
	v35 =	vmul.f32 $7.874015710e-03, v35  }
0x72: {  	v33 =	vadd.f32 v33, v53  }
0x73: {  	s30 =	simm.s32 $0x14980;
	v32 =	vadd.f32 v54, v32;
	v35 =	vmax.f32 v35, $9.999999960e-13  }
0x74: {  	s29 =	simm.s32 $0x8180;
	v45 =	vld [tilespmem:s30+$0x0];
	v55 =	vperm.xlane v33, v3;
	v57 =	vshrl.u32 v35, $0x1;
	v35 =	vmul.f32 $5.000000000e-01, v35  }
0x75: {  	v44 =	vld [tilespmem:s29+$0x0];
	v56 =	vperm.xlane v32, v2;
	v58 =	vsub.s32 $0x5F3759DF, v57  }
0x76: {  	v43 =	vsub.f32 v22, v63;
	v33 =	vadd.f32 v33, v55;
	v22 =	vmul.f32 v58, v35  }
0x77: {  	v32 =	vadd.f32 v56, v32  }
0x78: {  	v39 =	vmul.f32 $7.812500000e-03, v33;
	v22 =	vmul.f32 v58, v22  }
0x79: {  	v46 =	vld [tilespmem:s29+$0x10];
	v59 =	vperm.xlane v32, v3  }
0x7a: {  	v44 =	vadd.f32 v45, v44;
	v47 =	vld [tilespmem:s30+$0x10];
	v60 =	vmul.f32 v39, v39;
	v22 =	vsub.f32 $1.500000000e+00, v22  }
0x7b: {  	v50 =	vld [tilespmem:s29+$0x30];
	v21 =	vsub.f32 v21, v63;
	v32 =	vadd.f32 v59, v32  }
0x7c: {  	v48 =	vld [tilespmem:s29+$0x20];
	v35 =	vmul.f32 $1.280000000e+02, v60;
	v41 =	vmul.f32 v58, v22;
	v22 =	vsub.f32 v34, v39  }
0x7d: {  	v24 =	vsub.f32 v24, v63;
	v36 =	vsub.f32 v30, v63;
	v49 =	vld [tilespmem:s30+$0x20]  }
0x7e: {  	v51 =	vld [tilespmem:s30+$0x30];
	v30 =	vsub.f32 v32, v35;
	[tilespmem:$0x1FFE0] =	vst v22;
	v22 =	vsub.f32 v38, v39  }
0x7f: {  	v25 =	vsub.f32 v25, v63;
	v27 =	vsub.f32 v27, v63  }
0x80: {  	v33 =	vsub.f32 v31, v39;
	v31 =	vsub.f32 v29, v39;
	v29 =	vmul.f32 $7.874015710e-03, v30;
	[tilespmem:$0x1FFF0] =	vst v22  }
0x81: {  	v28 =	vsub.f32 v28, v63;
	v20 =	vsub.f32 v20, v63;
	v34 =	vld [tilespmem:s29+$0x40]  }
0x82: {  	v45 =	vadd.f32 v47, v46;
	v48 =	vadd.f32 v49, v48;
	v29 =	vmax.f32 v29, $9.999999960e-13;
	v52 =	vld [tilespmem:s30+$0x40]  }
0x83: {  	v62 =	vmul.f32 v41, v11;
	v30 =	vshrl.u32 v29, $0x1;
	v29 =	vmul.f32 $5.000000000e-01, v29;
	v53 =	vld [tilespmem:s29+$0x50]  }
0x84: {  	v61 =	vmul.f32 v41, v4;
	v54 =	vmul.f32 v41, v6;
	v55 =	vsub.s32 $0x5F3759DF, v30;
	v56 =	vld [tilespmem:s30+$0x50]  }
0x85: {  	v30 =	vsub.f32 v26, v39;
	v20 =	vmul.f32 v62, v20;
	v26 =	vmul.f32 v55, v29;
	v57 =	vld [tilespmem:s29+$0x60]  }
0x86: {  	v35 =	vsub.f32 v37, v39;
	v63 =	vmul.f32 v41, v5;
	v21 =	vmul.f32 v61, v21;
	v61 =	vld [tilespmem:s30+$0x60]  }
0x87: {  	v37 =	vadd.f32 v20, v19;
	v20 =	vmul.f32 v54, v24;
	v24 =	vmul.f32 v55, v26;
	v26 =	vld [tilespmem:s29+$0x70]  }
0x88: {  	v49 =	vadd.f32 v51, v50;
	v60 =	vmul.f32 v63, v43;
	v40 =	vadd.f32 v21, v12;
	v21 =	vld [tilespmem:s30+$0x70]  }
0x89: {  	v32 =	vsub.f32 v23, v39;
	v29 =	vsub.f32 v42, v39;
	v46 =	vld [tilespmem:s30+$0xFFFFFF90]  }
0x8a: {  	v47 =	vmul.f32 v41, v9;
	v50 =	vld [tilespmem:s29+$0xFFFFFFA0];
	v38 =	vadd.f32 v60, v13;
	v43 =	vadd.f32 v20, v14  }
0x8b: {  	v54 =	vld [tilespmem:s29+$0xFFFFFF90];
	v24 =	vsub.f32 $1.500000000e+00, v24;
	v20 =	vmul.f32 v41, v8;
	v51 =	vadd.f32 v52, v34  }
0x8c: {  	v62 =	vmul.f32 v41, v7;
	v42 =	vld [tilespmem:s30+$0xFFFFFFA0];
	v52 =	vadd.f32 v56, v53;
	v56 =	vadd.f32 v61, v57  }
0x8d: {  	v39 =	vld [tilespmem:s30+$0xFFFFFFB0];
	v53 =	vmul.f32 v20, v27;
	v27 =	vadd.f32 v49, v48;
	v20 =	vadd.f32 v21, v26  }
0x8e: {  	v60 =	vld [tilespmem:s29+$0xFFFFFFC0];
	v57 =	vmul.f32 v44, v44;
	v61 =	vmul.f32 v45, v45;
	v21 =	vadd.f32 v45, v44  }
0x8f: {  	v47 =	vmul.f32 v47, v28;
	v26 =	vld [tilespmem:s29+$0xFFFFFFB0];
	v58 =	vadd.f32 v52, v51;
	v59 =	vadd.f32 v20, v56  }
0x90: {  	v25 =	vmul.f32 v62, v25;
	v34 =	vadd.f32 v46, v54;
	v54 =	vld [tilespmem:s30+$0xFFFFFFC0];
	v57 =	vadd.f32 v61, v57  }
0x91: {  	v62 =	vmul.f32 v49, v49;
	v61 =	vld [tilespmem:s29+$0xFFFFFFE0];
	v27 =	vadd.f32 v27, v21;
	v58 =	vadd.f32 v59, v58  }
0x92: {  	v23 =	vadd.f32 v25, v15;
	v46 =	vmul.f32 v48, v48;
	v21 =	vadd.f32 v42, v50;
	v50 =	vld [tilespmem:s30+$0xFFFFFFD0]  }
0x93: {  	v63 =	vmul.f32 v51, v51;
	v22 =	vmul.f32 v56, v56;
	v59 =	vld [tilespmem:s29+$0xFFFFFFD0];
	v27 =	vadd.f32 v58, v27  }
0x94: {  	v42 =	vmul.f32 v52, v52;
	v28 =	vadd.f32 v62, v46;
	v46 =	vld [tilespmem:s30+$0xFFFFFFE0];
	v58 =	vmul.f32 v20, v20  }
0x95: {  	v41 =	vmul.f32 v41, v10;
	v25 =	vadd.f32 v39, v26;
	v26 =	vld [tilespmem:s30+$0xFFFFFFF0];
	v62 =	vperm.xlane v27, v0  }
0x96: {  	v55 =	vmul.f32 v55, v24;
	v42 =	vadd.f32 v42, v63;
	v39 =	vld [tilespmem:s30+$0xFFFFFF80];
	v22 =	vadd.f32 v58, v22  }
0x97: {  	v24 =	vadd.f32 v28, v57;
	v57 =	vmul.f32 v21, v21;
	v58 =	vld [tilespmem:s29+$0xFFFFFFF0];
	v62 =	vadd.f32 v27, v62  }
0x98: {  	v28 =	vadd.f32 v50, v59;
	v50 =	vmul.f32 v25, v25;
	v22 =	vadd.f32 v22, v42;
	v42 =	vld [tilespmem:s29+$0xFFFFFF80]  }
0x99: {  	v27 =	vadd.f32 v54, v60;
	v54 =	vadd.f32 v25, v21;
	v59 =	vperm.xlane v62, v1  }
0x9a: {  	v36 =	vmul.f32 v41, v36;
	v50 =	vadd.f32 v50, v57;
	v22 =	vadd.f32 v22, v24  }
0x9b: {  	v24 =	vadd.f32 v46, v61;
	v46 =	vmul.f32 v27, v27;
	v59 =	vadd.f32 v62, v59  }
0x9c: {  	v60 =	vadd.f32 v28, v27;
	v26 =	vadd.f32 v26, v58;
	v61 =	vperm.xlane v22, v0  }
0x9d: {  	v58 =	vmul.f32 v28, v28;
	v62 =	vadd.f32 v39, v42;
	v63 =	vperm.xlane v59, v2  }
0x9e: {  	v57 =	vmul.f32 v24, v24;
	v22 =	vadd.f32 v61, v22;
	v61 =	vadd.f32 v26, v24  }
0x9f: {  	v42 =	vmul.f32 v26, v26;
	v46 =	vadd.f32 v58, v46;
	v39 =	vadd.f32 v59, v63  }
0xa0: {  	v59 =	vadd.f32 v34, v62;
	v58 =	vadd.f32 v61, v60;
	v60 =	vperm.xlane v22, v1  }
0xa1: {  	v53 =	vadd.f32 v53, v16;
	v63 =	vmul.f32 v34, v34;
	v61 =	vmul.f32 v62, v62  }
0xa2: {  	v41 =	vmul.f32 v55, v4;
	v42 =	vadd.f32 v42, v57;
	v54 =	vadd.f32 v54, v59  }
0xa3: {  	v22 =	vadd.f32 v60, v22;
	v57 =	vadd.f32 v63, v61;
	v63 =	vperm.xlane v39, v3  }
0xa4: {  	v33 =	vmul.f32 v41, v33;
	v46 =	vadd.f32 v42, v46;
	v54 =	vadd.f32 v58, v54  }
0xa5: {  	v60 =	vperm.xlane v22, v2;
	v58 =	vmul.f32 v55, v5;
	v39 =	vadd.f32 v39, v63  }
0xa6: {  	v50 =	vadd.f32 v50, v57;
	v57 =	vmul.f32 v55, v6;
	v59 =	vperm.xlane v54, v0  }
0xa7: {  	[tilespmem:s28+$0x70] =	vst v37;
	v22 =	vadd.f32 v60, v22;
	v60 =	vmul.f32 v55, v7;
	v42 =	vmul.f32 $7.812500000e-03, v39  }
0xa8: {  	[tilespmem:s28+$0x0] =	vst v40;
	v39 =	vadd.f32 v46, v50;
	v50 =	vmul.f32 v58, v35;
	v46 =	vadd.f32 v47, v17  }
0xa9: {  	[tilespmem:s28+$0x10] =	vst v38;
	v57 =	vmul.f32 v57, v32;
	v35 =	vadd.f32 v54, v59;
	v61 =	vperm.xlane v22, v3  }
0xaa: {  	[tilespmem:s28+$0x20] =	vst v43;
	v63 =	vperm.xlane v39, v0;
	v54 =	vadd.f32 v36, v18;
	v36 =	vmul.f32 v42, v42  }
0xab: {  	[tilespmem:s28+$0x30] =	vst v23;
	v59 =	vmul.f32 v55, v8;
	v37 =	vsub.f32 v51, v42;
	v40 =	vsub.f32 v52, v42  }
0xac: {  	v23 =	vld [tilespmem:$0x1FFE0];
	v58 =	vperm.xlane v35, v1;
	v22 =	vadd.f32 v61, v22;
	v41 =	vmul.f32 $1.280000000e+02, v36  }
0xad: {  	v31 =	vmul.f32 v60, v31;
	v38 =	vsub.f32 v56, v42;
	v47 =	vadd.f32 v63, v39  }
0xae: {  	v61 =	vmul.f32 v55, v9;
	v58 =	vadd.f32 v35, v58;
	v22 =	vsub.f32 v22, v41  }
0xaf: {  	v63 =	vmul.f32 v55, v10;
	v35 =	vsub.f32 v48, v42;
	v48 =	vperm.xlane v47, v1  }
0xb0: {  	v39 =	vsub.f32 v44, v42;
	v51 =	vperm.xlane v58, v2;
	v22 =	vmul.f32 $7.874015710e-03, v22  }
0xb1: {  	v36 =	vsub.f32 v45, v42;
	v44 =	vmul.f32 v59, v23;
	v32 =	vadd.f32 v48, v47  }
0xb2: {  	[tilespmem:s28+$0x40] =	vst v53;
	v41 =	vsub.f32 v49, v42;
	v52 =	vadd.f32 v58, v51;
	v22 =	vmax.f32 v22, $9.999999960e-13  }
0xb3: {  	v59 =	vld [tilespmem:$0x1FFF0];
	v56 =	vperm.xlane v32, v2;
	v58 =	vshrl.u32 v22, $0x1;
	v22 =	vmul.f32 $5.000000000e-01, v22  }
0xb4: {  	[tilespmem:s28+$0x50] =	vst v46;
	v46 =	vmul.f32 v63, v30;
	v23 =	vperm.xlane v52, v3;
	v48 =	vsub.s32 $0x5F3759DF, v58  }
0xb5: {  	v30 =	vadd.f32 v33, v12;
	v43 =	vadd.f32 v56, v32;
	v22 =	vmul.f32 v48, v22  }
0xb6: {  	v55 =	vmul.f32 v55, v11;
	v63 =	vadd.f32 v57, v14;
	v23 =	vadd.f32 v52, v23  }
0xb7: {  	[tilespmem:s28+$0xFFFFFF80] =	vst v30;
	v30 =	vadd.f32 v31, v15;
	v60 =	vperm.xlane v43, v3;
	v22 =	vmul.f32 v48, v22  }
0xb8: {  	[tilespmem:s28+$0x60] =	vst v54;
	v45 =	vmul.f32 v61, v59;
	v61 =	vadd.f32 v50, v13;
	v32 =	vmul.f32 $7.812500000e-03, v23  }
0xb9: {  	v47 =	vmul.f32 v55, v29;
	[tilespmem:s28+$0xFFFFFFA0] =	vst v63;
	v31 =	vadd.f32 v60, v43;
	v29 =	vsub.f32 $1.500000000e+00, v22  }
0xba: {  	s7 =	simm.s32 $0x2;
	s2 =	simm.s32 $0x8280;
	[tilespmem:s28+$0xFFFFFF90] =	vst v61;
	v49 =	vmul.f32 v32, v32;
	v23 =	vsub.f32 v62, v32;
	v22 =	vsub.f32 v34, v32  }
.LBB2_3:
0xbb: {  	v43 =	vld [tilespmem:s2+$0x0];
	v34 =	vsub.f32 v21, v32;
	v33 =	vsub.f32 v25, v32;
	v21 =	vmul.f32 v48, v29;
	s30 =	sadd.s32 $0x100, s30;
	[tilespmem:s28+$0xFFFFFFB0] =	vst v30  }
0xbc: {  	v30 =	vsub.f32 v27, v32;
	v29 =	vsub.f32 v28, v32;
	v25 =	vld [tilespmem:s30+$0x0];
	v48 =	vmul.f32 $1.280000000e+02, v49  }
0xbd: {  	v20 =	vsub.f32 v20, v42;
	v27 =	vld [tilespmem:s2+$0x10];
	v28 =	vmul.f32 v21, v4;
	v49 =	vmul.f32 v21, v11  }
0xbe: {  	v50 =	vmul.f32 v21, v5;
	v51 =	vmul.f32 v21, v6;
	v42 =	vld [tilespmem:s30+$0x10];
	v48 =	vsub.f32 v31, v48  }
0xbf: {  	v31 =	vsub.f32 v24, v32;
	v24 =	vmul.f32 v21, v7;
	v52 =	vld [tilespmem:s2+$0x20];
	v20 =	vmul.f32 v49, v20  }
0xc0: {  	v32 =	vsub.f32 v26, v32;
	v26 =	vmul.f32 v21, v8;
	v49 =	vld [tilespmem:s30+$0x20];
	v48 =	vmul.f32 $7.874015710e-03, v48  }
0xc1: {  	v54 =	vmul.f32 v21, v9;
	v21 =	vmul.f32 v21, v10;
	v53 =	vld [tilespmem:s2+$0x30];
	v20 =	vadd.f32 v20, v19  }
0xc2: {  	v28 =	vmul.f32 v28, v39;
	v36 =	vmul.f32 v50, v36;
	v55 =	vld [tilespmem:s30+$0x30];
	v48 =	vmax.f32 v48, $9.999999960e-13  }
0xc3: {  	v35 =	vmul.f32 v51, v35;
	v50 =	vld [tilespmem:s2+$0x40];
	v39 =	vshrl.u32 v48, $0x1;
	v48 =	vmul.f32 $5.000000000e-01, v48;
	[tilespmem:s29+$0x70] =	vst v20  }
0xc4: {  	v24 =	vmul.f32 v24, v41;
	v26 =	vmul.f32 v26, v37;
	v20 =	vld [tilespmem:s30+$0x40];
	v39 =	vsub.s32 $0x5F3759DF, v39  }
0xc5: {  	v40 =	vmul.f32 v54, v40;
	v41 =	vadd.f32 v44, v16;
	v51 =	vld [tilespmem:s2+$0x50];
	v37 =	vmul.f32 v39, v48  }
0xc6: {  	v21 =	vmul.f32 v21, v38;
	v38 =	vadd.f32 v45, v17;
	v45 =	vadd.f32 v46, v18;
	v44 =	vld [tilespmem:s30+$0x50]  }
0xc7: {  	v28 =	vadd.f32 v28, v12;
	v46 =	vld [tilespmem:s2+$0x60];
	v37 =	vmul.f32 v39, v37;
	[tilespmem:s28+$0xFFFFFFC0] =	vst v41;
	v41 =	vadd.f32 v47, v19  }
0xc8: {  	v54 =	vadd.f32 v35, v14;
	v48 =	vadd.f32 v36, v13;
	v47 =	vld [tilespmem:s30+$0x60];
	[tilespmem:s28+$0xFFFFFFD0] =	vst v38  }
0xc9: {  	v24 =	vadd.f32 v24, v15;
	v56 =	vld [tilespmem:s2+$0x70];
	v35 =	vsub.f32 $1.500000000e+00, v37;
	[tilespmem:s28+$0xFFFFFFE0] =	vst v45  }
0xca: {  	s7 =	sadd.s32 $0x2, s7;
	v57 =	vadd.f32 v40, v17;
	v26 =	vadd.f32 v26, v16;
	v45 =	vld [tilespmem:s30+$0x70];
	[tilespmem:s28+$0xFFFFFFF0] =	vst v41;
	s28 =	smov.u32 s29;
	s29 =	smov.u32 s2  }
0xcb: {  	p0 =	slt.u32 s7, $0x62;
	v21 =	vadd.f32 v21, v18;
	v58 =	vld [tilespmem:s30+$0xFFFFFF80];
	v39 =	vmul.f32 v39, v35;
	[tilespmem:s28+$0x0] =	vst v28  }
0xcc: {  	v36 =	vadd.f32 v25, v43;
	v41 =	vadd.f32 v42, v27;
	v28 =	vld [tilespmem:s2+$0xFFFFFF90];
	[tilespmem:s28+$0x10] =	vst v48  }
0xcd: {  	v37 =	vadd.f32 v55, v53;
	v35 =	vadd.f32 v49, v52;
	v25 =	vld [tilespmem:s30+$0xFFFFFF90];
	v48 =	vmul.f32 v39, v4;
	[tilespmem:s28+$0x20] =	vst v54  }
0xce: {  	v40 =	vadd.f32 v20, v50;
	v38 =	vadd.f32 v44, v51;
	v49 =	vmul.f32 v39, v5;
	v27 =	vld [tilespmem:s2+$0xFFFFFFA0];
	[tilespmem:s28+$0x30] =	vst v24  }
0xcf: {  	v44 =	vadd.f32 v47, v46;
	v24 =	vld [tilespmem:s30+$0xFFFFFFA0];
	v20 =	vadd.f32 v45, v56;
	v45 =	vmul.f32 v39, v6;
	[tilespmem:s28+$0x40] =	vst v26  }
0xd0: {  	v42 =	vadd.f32 v41, v36;
	v46 =	vadd.f32 v37, v35;
	v47 =	vmul.f32 v39, v7;
	v26 =	vld [tilespmem:s2+$0xFFFFFFB0];
	[tilespmem:s28+$0x50] =	vst v57  }
0xd1: {  	v51 =	vmul.f32 v36, v36;
	v52 =	vadd.f32 v38, v40;
	v50 =	vld [tilespmem:s30+$0xFFFFFFB0];
	v53 =	vadd.f32 v20, v44;
	[tilespmem:s28+$0x60] =	vst v21  }
0xd2: {  	v54 =	vmul.f32 v35, v35;
	v43 =	vadd.f32 v25, v28;
	v28 =	vld [tilespmem:s2+$0xFFFFFFC0];
	v25 =	vmul.f32 v41, v41  }
0xd3: {  	v56 =	vmul.f32 v37, v37;
	v42 =	vadd.f32 v46, v42;
	v55 =	vld [tilespmem:s30+$0xFFFFFFC0];
	v46 =	vadd.f32 v53, v52  }
0xd4: {  	v52 =	vmul.f32 v38, v38;
	v21 =	vadd.f32 v24, v27;
	v24 =	vld [tilespmem:s2+$0xFFFFFFD0];
	v27 =	vmul.f32 v40, v40  }
0xd5: {  	v57 =	vmul.f32 v44, v44;
	v59 =	vmul.f32 v20, v20;
	v53 =	vld [tilespmem:s30+$0xFFFFFFD0];
	v42 =	vadd.f32 v46, v42  }
0xd6: {  	v54 =	vadd.f32 v56, v54;
	v60 =	vmul.f32 v43, v43;
	v51 =	vadd.f32 v25, v51;
	v46 =	vld [tilespmem:s2+$0xFFFFFFE0]  }
0xd7: {  	v27 =	vadd.f32 v52, v27;
	v52 =	vadd.f32 v59, v57;
	v56 =	vld [tilespmem:s30+$0xFFFFFFE0];
	v61 =	vperm.xlane v42, v0  }
0xd8: {  	v25 =	vadd.f32 v50, v26;
	v50 =	vmul.f32 v21, v21;
	v51 =	vadd.f32 v54, v51;
	v26 =	vld [tilespmem:s2+$0xFFFFFFF0]  }
0xd9: {  	v57 =	vmul.f32 v39, v8;
	v52 =	vadd.f32 v52, v27;
	v54 =	vld [tilespmem:s30+$0xFFFFFFF0];
	v42 =	vadd.f32 v42, v61  }
0xda: {  	v27 =	vadd.f32 v55, v28;
	v59 =	vld [tilespmem:s2+$0xFFFFFF80];
	v28 =	vadd.f32 v53, v24;
	v53 =	vmul.f32 v25, v25  }
0xdb: {  	v55 =	vadd.f32 v25, v21;
	v51 =	vadd.f32 v52, v51;
	v61 =	vperm.xlane v42, v1  }
0xdc: {  	v24 =	vadd.f32 v56, v46;
	v46 =	vmul.f32 v27, v27;
	v52 =	vadd.f32 v28, v27  }
0xdd: {  	v56 =	vmul.f32 v28, v28;
	v42 =	vadd.f32 v42, v61;
	v61 =	vperm.xlane v51, v0  }
0xde: {  	v50 =	vadd.f32 v53, v50;
	v26 =	vadd.f32 v54, v26;
	v54 =	vmul.f32 v24, v24  }
0xdf: {  	v53 =	vadd.f32 v58, v59;
	v58 =	vperm.xlane v42, v2;
	v51 =	vadd.f32 v61, v51  }
0xe0: {  	v46 =	vadd.f32 v56, v46;
	v59 =	vmul.f32 v26, v26;
	v61 =	vadd.f32 v26, v24  }
0xe1: {  	v56 =	vadd.f32 v43, v53;
	v42 =	vadd.f32 v42, v58;
	v58 =	vperm.xlane v51, v1  }
0xe2: {  	v62 =	vmul.f32 v53, v53;
	v52 =	vadd.f32 v61, v52;
	v54 =	vadd.f32 v59, v54  }
0xe3: {  	v55 =	vadd.f32 v55, v56;
	v56 =	vperm.xlane v42, v3;
	v51 =	vadd.f32 v58, v51  }
0xe4: {  	v58 =	vadd.f32 v60, v62;
	v46 =	vadd.f32 v54, v46;
	v54 =	vmul.f32 v39, v9  }
0xe5: {  	v52 =	vadd.f32 v52, v55;
	v42 =	vadd.f32 v42, v56;
	v55 =	vperm.xlane v51, v2  }
0xe6: {  	v50 =	vadd.f32 v50, v58;
	v56 =	vmul.f32 v39, v10;
	v58 =	vmul.f32 v39, v11  }
0xe7: {  	v39 =	vperm.xlane v52, v0;
	v51 =	vadd.f32 v55, v51;
	v42 =	vmul.f32 $7.812500000e-03, v42  }
0xe8: {  	v23 =	vmul.f32 v48, v23;
	v22 =	vmul.f32 v49, v22;
	v46 =	vadd.f32 v46, v50  }
0xe9: {  	v48 =	vadd.f32 v52, v39;
	v49 =	vperm.xlane v51, v3;
	v50 =	vmul.f32 v42, v42  }
0xea: {  	v52 =	vperm.xlane v46, v0;
	v39 =	vsub.f32 v36, v42;
	v36 =	vsub.f32 v41, v42  }
0xeb: {  	v41 =	vperm.xlane v48, v1;
	v49 =	vadd.f32 v49, v51;
	v50 =	vmul.f32 $1.280000000e+02, v50  }
0xec: {  	v34 =	vmul.f32 v45, v34;
	v35 =	vsub.f32 v35, v42;
	v46 =	vadd.f32 v52, v46  }
0xed: {  	v33 =	vmul.f32 v47, v33;
	v45 =	vadd.f32 v48, v41;
	v48 =	vsub.f32 v49, v50  }
0xee: {  	v47 =	vperm.xlane v46, v1;
	v41 =	vsub.f32 v37, v42;
	v37 =	vsub.f32 v40, v42  }
0xef: {  	v40 =	vsub.f32 v38, v42;
	v49 =	vperm.xlane v45, v2;
	v48 =	vmul.f32 $7.874015710e-03, v48  }
0xf0: {  	v38 =	vsub.f32 v44, v42;
	v44 =	vmul.f32 v57, v30;
	v47 =	vadd.f32 v47, v46  }
0xf1: {  	v30 =	vadd.f32 v45, v49;
	v46 =	vmax.f32 v48, $9.999999960e-13;
	v45 =	vmul.f32 v54, v29  }
0xf2: {  	v29 =	vperm.xlane v47, v2;
	v48 =	vshrl.u32 v46, $0x1;
	v49 =	vmul.f32 $5.000000000e-01, v46  }
0xf3: {  	v46 =	vmul.f32 v56, v31;
	v50 =	vperm.xlane v30, v3;
	v48 =	vsub.s32 $0x5F3759DF, v48  }
0xf4: {  	v29 =	vadd.f32 v29, v47;
	v47 =	vmul.f32 v58, v32;
	v31 =	vmul.f32 v48, v49  }
.Ltmp0:
0xf5: {  	v23 =	vadd.f32 v23, v12;
	v30 =	vadd.f32 v30, v50;
	(pc) =	sbr.rel @p0 .LBB2_3-.Ltmp0, $4  }
0xf6: {  	v22 =	vadd.f32 v22, v13;
	v49 =	vperm.xlane v29, v3;
	v50 =	vmul.f32 v48, v31  }
0xf7: {  	v34 =	vadd.f32 v34, v14;
	v32 =	vmul.f32 $7.812500000e-03, v30;
	[tilespmem:s28+$0xFFFFFF80] =	vst v23;
	v30 =	vadd.f32 v33, v15  }
0xf8: {  	v31 =	vadd.f32 v49, v29;
	v29 =	vsub.f32 $1.500000000e+00, v50;
	[tilespmem:s28+$0xFFFFFF90] =	vst v22  }
0xf9: {  	s2 =	sadd.s32 $0x100, s2;
	v49 =	vmul.f32 v32, v32;
	v23 =	vsub.f32 v53, v32;
	v22 =	vsub.f32 v43, v32;
	[tilespmem:s28+$0xFFFFFFA0] =	vst v34  }
0xfa: {  	_ = 	snop  }
0xfb: {  	v33 =	vmul.f32 $1.280000000e+02, v49;
	_ =	sdelay $0x1  }
0xfc: {  	v31 =	vsub.f32 v31, v33  }
0xfd: {  	v29 =	vmul.f32 v48, v29;
	v21 =	vsub.f32 v21, v32  }
0xfe: {  	v25 =	vsub.f32 v25, v32;
	v20 =	vsub.f32 v20, v42;
	v31 =	vmul.f32 $7.874015710e-03, v31  }
0xff: {  	v27 =	vsub.f32 v27, v32;
	v28 =	vsub.f32 v28, v32;
	v58 =	vmul.f32 v29, v11  }
0x100: {  	v24 =	vsub.f32 v24, v32;
	v44 =	vadd.f32 v44, v16;
	v31 =	vmax.f32 v31, $9.999999960e-13  }
0x101: {  	v20 =	vmul.f32 v58, v20;
	v59 =	vshrl.u32 v31, $0x1;
	v31 =	vmul.f32 $5.000000000e-01, v31  }
0x102: {  	v26 =	vsub.f32 v26, v32;
	v34 =	vmul.f32 v29, v4;
	v33 =	vsub.s32 $0x5F3759DF, v59  }
0x103: {  	v60 =	vmul.f32 v29, v5;
	v20 =	vadd.f32 v20, v19;
	v31 =	vmul.f32 v33, v31  }
0x104: {  	[tilespmem:s28+$0xFFFFFFB0] =	vst v30;
	v62 =	vadd.f32 v46, v18;
	v43 =	vmul.f32 v29, v6;
	v30 =	vmul.f32 v29, v7  }
0x105: {  	v61 =	vmul.f32 v29, v8;
	[tilespmem:s29+$0x70] =	vst v20;
	v20 =	vadd.f32 v45, v17;
	v31 =	vmul.f32 v33, v31  }
0x106: {  	v63 =	vadd.f32 v47, v19;
	[tilespmem:s28+$0xFFFFFFC0] =	vst v44;
	v34 =	vmul.f32 v34, v39;
	v36 =	vmul.f32 v60, v36  }
0x107: {  	v35 =	vmul.f32 v43, v35;
	v30 =	vmul.f32 v30, v41;
	[tilespmem:s28+$0xFFFFFFD0] =	vst v20;
	v20 =	vsub.f32 $1.500000000e+00, v31  }
0x108: {  	[tilespmem:s28+$0xFFFFFFE0] =	vst v62;
	v34 =	vadd.f32 v34, v12;
	v31 =	vmul.f32 v29, v9;
	v29 =	vmul.f32 v29, v10  }
0x109: {  	[tilespmem:s28+$0xFFFFFFF0] =	vst v63;
	v32 =	vmul.f32 v61, v37;
	v36 =	vadd.f32 v36, v13;
	v20 =	vmul.f32 v33, v20  }
0x10a: {  	v30 =	vadd.f32 v30, v15;
	[tilespmem:s29+$0x0] =	vst v34;
	v31 =	vmul.f32 v31, v40;
	v29 =	vmul.f32 v29, v38  }
0x10b: {  	v44 =	vadd.f32 v35, v14;
	[tilespmem:s29+$0x10] =	vst v36;
	v45 =	vmul.f32 v20, v4;
	v46 =	vmul.f32 v20, v5  }
0x10c: {  	[tilespmem:s29+$0x30] =	vst v30;
	v31 =	vadd.f32 v31, v17;
	v30 =	vmul.f32 v20, v6;
	v47 =	vmul.f32 v20, v7  }
0x10d: {  	[tilespmem:s29+$0x20] =	vst v44;
	v29 =	vadd.f32 v29, v18;
	v23 =	vmul.f32 v45, v23;
	v22 =	vmul.f32 v46, v22  }
0x10e: {  	v32 =	vadd.f32 v32, v16;
	[tilespmem:s29+$0x50] =	vst v31;
	v31 =	vmul.f32 v20, v8;
	v21 =	vmul.f32 v30, v21  }
0x10f: {  	[tilespmem:s29+$0x60] =	vst v29;
	v29 =	vmul.f32 v20, v9;
	v25 =	vmul.f32 v47, v25;
	v23 =	vadd.f32 v23, v12  }
0x110: {  	[tilespmem:s29+$0x40] =	vst v32;
	v30 =	vmul.f32 v20, v10;
	v20 =	vmul.f32 v20, v11;
	v22 =	vadd.f32 v22, v13  }
0x111: {  	v27 =	vmul.f32 v31, v27;
	v21 =	vadd.f32 v21, v14;
	[tilespmem:s29+$0xFFFFFF80] =	vst v23  }
0x112: {  	v25 =	vadd.f32 v25, v15;
	v20 =	vmul.f32 v20, v26;
	[tilespmem:s29+$0xFFFFFF90] =	vst v22  }
0x113: {  	v23 =	vmul.f32 v29, v28;
	[tilespmem:s29+$0xFFFFFFA0] =	vst v21;
	v21 =	vadd.f32 v27, v16  }
0x114: {  	v22 =	vmul.f32 v30, v24;
	[tilespmem:s29+$0xFFFFFFB0] =	vst v25;
	v20 =	vadd.f32 v20, v19  }
0x115: {  	v23 =	vadd.f32 v23, v17;
	[tilespmem:s29+$0xFFFFFFC0] =	vst v21  }
0x116: {  	v22 =	vadd.f32 v22, v18;
	[tilespmem:s29+$0xFFFFFFF0] =	vst v20  }
0x117: {  	p0 =	seq.s32 s26, $0x0;
	[tilespmem:s29+$0xFFFFFFD0] =	vst v23  }
0x118: {  	s1 =	simm.s32 @!p0 $0x4;
	[tilespmem:s29+$0xFFFFFFE0] =	vst v22;
	s29 =	sshll.u32 s26, $0x1  }
0x119: {  	_ =	swait.ge @!p0 [sflag:s1], $0x6400;
	s28 =	sor.u32 $0x1, s29  }
0x11a: {  	[sflag:s1] =	ssyncset.done @!p0 $0x0;
	s2 =	sshll.u32 s28, $0x8  }
0x11b: {  	[sflag:s1] =	ssyncadd.s32 @!p0 $0xFFFF9C00;
	s2 =	sand.u32 $0x3FFFFF00, s2  }
0x11c: {  	[tilespmem:s20], [sflag:$0x2] =	stream.indirect.gather [hbm4b:s0+s15], $0x80, s2, s15, $0xb8;
	[tilespmem:$0x1AD00] =	vst v63  }
0x11d: {  	s30 =	simm.s32 $0xB2F0;
	s1 =	sor.u32 $0x80, s2  }
0x11e: {  	[tilespmem:s21], [sflag:$0x2] =	stream.indirect.gather [hbm4b:s0+s15], $0x80, s1, s15, $0xb8;
	[tilespmem:$0x1AD00] =	vst v63  }
0x11f: {  	s7 =	simm.s32 $0x17AF0;
	v20 =	vld [tilespmem:s30+$0xFFFFFF90]  }
0x120: {  	v21 =	vld [tilespmem:s7+$0xFFFFFF90]  }
0x121: {  	v22 =	vld [tilespmem:s30+$0xFFFFFFA0]  }
0x122: {  	v23 =	vld [tilespmem:s7+$0xFFFFFFA0]  }
0x123: {  	v24 =	vld [tilespmem:s30+$0xFFFFFFB0]  }
0x124: {  	v25 =	vld [tilespmem:s7+$0xFFFFFFB0]  }
0x125: {  	v26 =	vld [tilespmem:s30+$0xFFFFFFC0]  }
0x126: {  	v27 =	vld [tilespmem:s7+$0xFFFFFFC0]  }
0x127: {  	v28 =	vld [tilespmem:s30+$0xFFFFFFD0]  }
0x128: {  	v29 =	vld [tilespmem:s7+$0xFFFFFFD0]  }
0x129: {  	v30 =	vld [tilespmem:s30+$0xFFFFFFE0]  }
0x12a: {  	v31 =	vld [tilespmem:s7+$0xFFFFFFE0]  }
0x12b: {  	v48 =	vld [tilespmem:s30+$0xFFFFFFF0]  }
0x12c: {  	v49 =	vld [tilespmem:s7+$0xFFFFFFF0]  }
0x12d: {  	v50 =	vld [tilespmem:s30+$0x0]  }
0x12e: {  	v51 =	vld [tilespmem:s7+$0x0]  }
0x12f: {  	v52 =	vld [tilespmem:s30+$0xFFFFFF20]  }
0x130: {  	v53 =	vld [tilespmem:s7+$0xFFFFFF20]  }
0x131: {  	v21 =	vadd.f32 v21, v20;
	v22 =	vadd.f32 v23, v22  }
0x132: {  	v34 =	vld [tilespmem:s30+$0xFFFFFF50];
	v24 =	vadd.f32 v25, v24;
	v25 =	vadd.f32 v27, v26  }
0x133: {  	v40 =	vld [tilespmem:s7+$0xFFFFFF50];
	v27 =	vadd.f32 v29, v28;
	v28 =	vadd.f32 v31, v30  }
0x134: {  	v59 =	vld [tilespmem:s30+$0xFFFFFF60];
	v30 =	vadd.f32 v49, v48;
	v20 =	vadd.f32 v51, v50  }
0x135: {  	v62 =	vld [tilespmem:s7+$0xFFFFFF60];
	v37 =	vadd.f32 v53, v52;
	v54 =	vadd.f32 v22, v21  }
0x136: {  	v23 =	vld [tilespmem:s30+$0xFFFFFF30];
	v55 =	vadd.f32 v25, v24;
	v56 =	vadd.f32 v28, v27  }
0x137: {  	v26 =	vld [tilespmem:s7+$0xFFFFFF30];
	v57 =	vadd.f32 v20, v30;
	v58 =	vmul.f32 v21, v21;
	v60 =	vmul.f32 v22, v22  }
0x138: {  	v29 =	vld [tilespmem:s30+$0xFFFFFF40];
	v34 =	vadd.f32 v40, v34;
	v63 =	vmul.f32 v24, v24;
	v48 =	vmul.f32 v25, v25  }
0x139: {  	v31 =	vld [tilespmem:s7+$0xFFFFFF40];
	v49 =	vmul.f32 v27, v27;
	v32 =	vadd.f32 v55, v54;
	v61 =	vadd.f32 v57, v56  }
0x13a: {  	v36 =	vld [tilespmem:s7+$0xFFFFFF10];
	v38 =	vadd.f32 v62, v59;
	v50 =	vmul.f32 v28, v28;
	v52 =	vmul.f32 v30, v30  }
0x13b: {  	v51 =	vld [tilespmem:s7+$0xFFFFFF70];
	v53 =	vmul.f32 v20, v20;
	v41 =	vadd.f32 v60, v58;
	v32 =	vadd.f32 v61, v32  }
0x13c: {  	v54 =	vld [tilespmem:s30+$0xFFFFFF80];
	v39 =	vadd.f32 v48, v63;
	v44 =	vadd.f32 v50, v49  }
0x13d: {  	v56 =	vld [tilespmem:s7+$0xFFFFFF80];
	v46 =	vadd.f32 v53, v52;
	v23 =	vadd.f32 v26, v23;
	v55 =	vperm.xlane v32, v0  }
0x13e: {  	v62 =	vmul.f32 v34, v34;
	v26 =	vld [tilespmem:s30+$0xFFFFFF70];
	v29 =	vadd.f32 v31, v29;
	v39 =	vadd.f32 v39, v41  }
0x13f: {  	v52 =	vmul.f32 v38, v38;
	v31 =	vld [tilespmem:s30+$0xFFFFFF10];
	v57 =	vadd.f32 v46, v44;
	v32 =	vadd.f32 v32, v55  }
0x140: {  	v61 =	vadd.f32 v38, v34  }
0x141: {  	v44 =	vadd.f32 v52, v62;
	v39 =	vadd.f32 v57, v39;
	v59 =	vperm.xlane v32, v1  }
0x142: {  	v40 =	vmul.f32 v23, v23;
	v58 =	vadd.f32 v29, v23;
	v60 =	vmul.f32 v29, v29  }
0x143: {  	v42 =	vadd.f32 v56, v54;
	v43 =	vperm.xlane v39, v0;
	v32 =	vadd.f32 v32, v59  }
0x144: {  	v26 =	vadd.f32 v51, v26;
	v31 =	vadd.f32 v36, v31  }
0x145: {  	v33 =	vadd.f32 v60, v40;
	v39 =	vadd.f32 v43, v39;
	v53 =	vperm.xlane v32, v2  }
0x146: {  	v41 =	vmul.f32 v37, v37;
	v45 =	vadd.f32 v42, v26;
	v63 =	vadd.f32 v37, v31  }
0x147: {  	v55 =	vmul.f32 v42, v42;
	v56 =	vperm.xlane v39, v1;
	v32 =	vadd.f32 v32, v53  }
0x148: {  	v54 =	vmul.f32 v26, v26;
	v36 =	vadd.f32 v45, v61;
	v35 =	vadd.f32 v58, v63  }
0x149: {  	v57 =	vmul.f32 v31, v31;
	v39 =	vadd.f32 v56, v39;
	v59 =	vperm.xlane v32, v3  }
0x14a: {  	v58 =	vadd.f32 v55, v54;
	v35 =	vadd.f32 v36, v35  }
0x14b: {  	v60 =	vadd.f32 v41, v57;
	v62 =	vperm.xlane v39, v2;
	v32 =	vadd.f32 v32, v59  }
0x14c: {  	v36 =	vadd.f32 v58, v44;
	v61 =	vperm.xlane v35, v0  }
0x14d: {  	v33 =	vadd.f32 v33, v60;
	v39 =	vadd.f32 v62, v39;
	v63 =	vmul.f32 $7.812500000e-03, v32  }
0x14e: {  	v35 =	vadd.f32 v35, v61  }
0x14f: {  	v46 =	vadd.f32 v36, v33;
	v48 =	vperm.xlane v39, v3;
	v49 =	vmul.f32 v63, v63  }
0x150: {  	v47 =	vperm.xlane v35, v1  }
0x151: {  	v50 =	vperm.xlane v46, v0;
	v51 =	vadd.f32 v48, v39;
	v52 =	vmul.f32 $1.280000000e+02, v49  }
0x152: {  	v33 =	vadd.f32 v35, v47  }
0x153: {  	v32 =	vadd.f32 v50, v46;
	v35 =	vsub.f32 v51, v52  }
0x154: {  	v53 =	vperm.xlane v33, v2  }
0x155: {  	v54 =	vperm.xlane v32, v1;
	v35 =	vmul.f32 $7.874015710e-03, v35  }
0x156: {  	v33 =	vadd.f32 v33, v53  }
0x157: {  	s7 =	simm.s32 $0x17BF0;
	v32 =	vadd.f32 v54, v32;
	v35 =	vmax.f32 v35, $9.999999960e-13  }
0x158: {  	s31 =	simm.s32 $0xB3F0;
	v45 =	vld [tilespmem:s7+$0xFFFFFF90];
	v55 =	vperm.xlane v33, v3;
	v57 =	vshrl.u32 v35, $0x1;
	v35 =	vmul.f32 $5.000000000e-01, v35  }
0x159: {  	v44 =	vld [tilespmem:s31+$0xFFFFFF90];
	v56 =	vperm.xlane v32, v2;
	v58 =	vsub.s32 $0x5F3759DF, v57  }
0x15a: {  	v43 =	vsub.f32 v22, v63;
	v33 =	vadd.f32 v33, v55;
	v22 =	vmul.f32 v58, v35  }
0x15b: {  	v32 =	vadd.f32 v56, v32  }
0x15c: {  	v39 =	vmul.f32 $7.812500000e-03, v33;
	v22 =	vmul.f32 v58, v22  }
0x15d: {  	v46 =	vld [tilespmem:s31+$0xFFFFFFA0];
	v59 =	vperm.xlane v32, v3  }
0x15e: {  	v44 =	vadd.f32 v45, v44;
	v47 =	vld [tilespmem:s7+$0xFFFFFFA0];
	v60 =	vmul.f32 v39, v39;
	v22 =	vsub.f32 $1.500000000e+00, v22  }
0x15f: {  	v48 =	vld [tilespmem:s31+$0xFFFFFFB0];
	v21 =	vsub.f32 v21, v63;
	v32 =	vadd.f32 v59, v32  }
0x160: {  	v50 =	vld [tilespmem:s31+$0xFFFFFFC0];
	v35 =	vmul.f32 $1.280000000e+02, v60;
	v41 =	vmul.f32 v58, v22;
	v22 =	vsub.f32 v34, v39  }
0x161: {  	v24 =	vsub.f32 v24, v63;
	v36 =	vsub.f32 v30, v63;
	v49 =	vld [tilespmem:s7+$0xFFFFFFB0]  }
0x162: {  	v51 =	vld [tilespmem:s7+$0xFFFFFFC0];
	v30 =	vsub.f32 v32, v35;
	[tilespmem:$0x1FFC0] =	vst v22;
	v22 =	vsub.f32 v38, v39  }
0x163: {  	v25 =	vsub.f32 v25, v63;
	v27 =	vsub.f32 v27, v63  }
0x164: {  	v33 =	vsub.f32 v31, v39;
	v31 =	vsub.f32 v29, v39;
	v29 =	vmul.f32 $7.874015710e-03, v30;
	[tilespmem:$0x1FFD0] =	vst v22  }
0x165: {  	v28 =	vsub.f32 v28, v63;
	v20 =	vsub.f32 v20, v63;
	v34 =	vld [tilespmem:s31+$0xFFFFFFD0]  }
0x166: {  	v45 =	vadd.f32 v47, v46;
	v48 =	vadd.f32 v49, v48;
	v29 =	vmax.f32 v29, $9.999999960e-13;
	v52 =	vld [tilespmem:s7+$0xFFFFFFD0]  }
0x167: {  	v62 =	vmul.f32 v41, v11;
	v30 =	vshrl.u32 v29, $0x1;
	v29 =	vmul.f32 $5.000000000e-01, v29;
	v53 =	vld [tilespmem:s31+$0xFFFFFFE0]  }
0x168: {  	v61 =	vmul.f32 v41, v4;
	v54 =	vmul.f32 v41, v6;
	v55 =	vsub.s32 $0x5F3759DF, v30;
	v56 =	vld [tilespmem:s7+$0xFFFFFFE0]  }
0x169: {  	v30 =	vsub.f32 v26, v39;
	v20 =	vmul.f32 v62, v20;
	v26 =	vmul.f32 v55, v29;
	v57 =	vld [tilespmem:s31+$0xFFFFFFF0]  }
0x16a: {  	v35 =	vsub.f32 v37, v39;
	v63 =	vmul.f32 v41, v5;
	v21 =	vmul.f32 v61, v21;
	v61 =	vld [tilespmem:s7+$0xFFFFFFF0]  }
0x16b: {  	v37 =	vadd.f32 v20, v19;
	v20 =	vmul.f32 v54, v24;
	v24 =	vmul.f32 v55, v26;
	v26 =	vld [tilespmem:s31+$0x0]  }
0x16c: {  	v49 =	vadd.f32 v51, v50;
	v60 =	vmul.f32 v63, v43;
	v40 =	vadd.f32 v21, v12;
	v21 =	vld [tilespmem:s7+$0x0]  }
0x16d: {  	v32 =	vsub.f32 v23, v39;
	v29 =	vsub.f32 v42, v39;
	v46 =	vld [tilespmem:s7+$0xFFFFFF20]  }
0x16e: {  	v47 =	vmul.f32 v41, v9;
	v50 =	vld [tilespmem:s31+$0xFFFFFF30];
	v38 =	vadd.f32 v60, v13;
	v43 =	vadd.f32 v20, v14  }
0x16f: {  	v54 =	vld [tilespmem:s31+$0xFFFFFF20];
	v24 =	vsub.f32 $1.500000000e+00, v24;
	v20 =	vmul.f32 v41, v8;
	v51 =	vadd.f32 v52, v34  }
0x170: {  	v62 =	vmul.f32 v41, v7;
	v42 =	vld [tilespmem:s7+$0xFFFFFF30];
	v52 =	vadd.f32 v56, v53;
	v56 =	vadd.f32 v61, v57  }
0x171: {  	v39 =	vld [tilespmem:s7+$0xFFFFFF40];
	v53 =	vmul.f32 v20, v27;
	v27 =	vadd.f32 v49, v48;
	v20 =	vadd.f32 v21, v26  }
0x172: {  	v60 =	vld [tilespmem:s31+$0xFFFFFF50];
	v57 =	vmul.f32 v44, v44;
	v61 =	vmul.f32 v45, v45;
	v21 =	vadd.f32 v45, v44  }
0x173: {  	v47 =	vmul.f32 v47, v28;
	v26 =	vld [tilespmem:s31+$0xFFFFFF40];
	v58 =	vadd.f32 v52, v51;
	v59 =	vadd.f32 v20, v56  }
0x174: {  	v25 =	vmul.f32 v62, v25;
	v34 =	vadd.f32 v46, v54;
	v54 =	vld [tilespmem:s7+$0xFFFFFF50];
	v57 =	vadd.f32 v61, v57  }
0x175: {  	v62 =	vmul.f32 v49, v49;
	v61 =	vld [tilespmem:s31+$0xFFFFFF70];
	v27 =	vadd.f32 v27, v21;
	v58 =	vadd.f32 v59, v58  }
0x176: {  	v23 =	vadd.f32 v25, v15;
	v46 =	vmul.f32 v48, v48;
	v21 =	vadd.f32 v42, v50;
	v50 =	vld [tilespmem:s7+$0xFFFFFF60]  }
0x177: {  	v63 =	vmul.f32 v51, v51;
	v22 =	vmul.f32 v56, v56;
	v59 =	vld [tilespmem:s31+$0xFFFFFF60];
	v27 =	vadd.f32 v58, v27  }
0x178: {  	v42 =	vmul.f32 v52, v52;
	v28 =	vadd.f32 v62, v46;
	v46 =	vld [tilespmem:s7+$0xFFFFFF70];
	v58 =	vmul.f32 v20, v20  }
0x179: {  	v41 =	vmul.f32 v41, v10;
	v25 =	vadd.f32 v39, v26;
	v26 =	vld [tilespmem:s7+$0xFFFFFF80];
	v62 =	vperm.xlane v27, v0  }
0x17a: {  	v55 =	vmul.f32 v55, v24;
	v42 =	vadd.f32 v42, v63;
	v39 =	vld [tilespmem:s7+$0xFFFFFF10];
	v22 =	vadd.f32 v58, v22  }
0x17b: {  	v24 =	vadd.f32 v28, v57;
	v57 =	vmul.f32 v21, v21;
	v58 =	vld [tilespmem:s31+$0xFFFFFF80];
	v62 =	vadd.f32 v27, v62  }
0x17c: {  	v28 =	vadd.f32 v50, v59;
	v50 =	vmul.f32 v25, v25;
	v22 =	vadd.f32 v22, v42;
	v42 =	vld [tilespmem:s31+$0xFFFFFF10]  }
0x17d: {  	v27 =	vadd.f32 v54, v60;
	v54 =	vadd.f32 v25, v21;
	v59 =	vperm.xlane v62, v1  }
0x17e: {  	v36 =	vmul.f32 v41, v36;
	v50 =	vadd.f32 v50, v57;
	v22 =	vadd.f32 v22, v24  }
0x17f: {  	v24 =	vadd.f32 v46, v61;
	v46 =	vmul.f32 v27, v27;
	v59 =	vadd.f32 v62, v59  }
0x180: {  	v60 =	vadd.f32 v28, v27;
	v26 =	vadd.f32 v26, v58;
	v61 =	vperm.xlane v22, v0  }
0x181: {  	v58 =	vmul.f32 v28, v28;
	v62 =	vadd.f32 v39, v42;
	v63 =	vperm.xlane v59, v2  }
0x182: {  	v57 =	vmul.f32 v24, v24;
	v22 =	vadd.f32 v61, v22;
	v61 =	vadd.f32 v26, v24  }
0x183: {  	v42 =	vmul.f32 v26, v26;
	v46 =	vadd.f32 v58, v46;
	v39 =	vadd.f32 v59, v63  }
0x184: {  	v59 =	vadd.f32 v34, v62;
	v58 =	vadd.f32 v61, v60;
	v60 =	vperm.xlane v22, v1  }
0x185: {  	v53 =	vadd.f32 v53, v16;
	v63 =	vmul.f32 v34, v34;
	v61 =	vmul.f32 v62, v62  }
0x186: {  	v41 =	vmul.f32 v55, v4;
	v42 =	vadd.f32 v42, v57;
	v54 =	vadd.f32 v54, v59  }
0x187: {  	v22 =	vadd.f32 v60, v22;
	v57 =	vadd.f32 v63, v61;
	v63 =	vperm.xlane v39, v3  }
0x188: {  	v33 =	vmul.f32 v41, v33;
	v46 =	vadd.f32 v42, v46;
	v54 =	vadd.f32 v58, v54  }
0x189: {  	v60 =	vperm.xlane v22, v2;
	v58 =	vmul.f32 v55, v5;
	v39 =	vadd.f32 v39, v63  }
0x18a: {  	v50 =	vadd.f32 v50, v57;
	v57 =	vmul.f32 v55, v6;
	v59 =	vperm.xlane v54, v0  }
0x18b: {  	[tilespmem:s30+$0x0] =	vst v37;
	v22 =	vadd.f32 v60, v22;
	v60 =	vmul.f32 v55, v7;
	v42 =	vmul.f32 $7.812500000e-03, v39  }
0x18c: {  	[tilespmem:s30+$0xFFFFFF90] =	vst v40;
	v39 =	vadd.f32 v46, v50;
	v50 =	vmul.f32 v58, v35;
	v46 =	vadd.f32 v47, v17  }
0x18d: {  	[tilespmem:s30+$0xFFFFFFA0] =	vst v38;
	v57 =	vmul.f32 v57, v32;
	v35 =	vadd.f32 v54, v59;
	v61 =	vperm.xlane v22, v3  }
0x18e: {  	[tilespmem:s30+$0xFFFFFFB0] =	vst v43;
	v63 =	vperm.xlane v39, v0;
	v54 =	vadd.f32 v36, v18;
	v36 =	vmul.f32 v42, v42  }
0x18f: {  	[tilespmem:s30+$0xFFFFFFC0] =	vst v23;
	v59 =	vmul.f32 v55, v8;
	v37 =	vsub.f32 v51, v42;
	v40 =	vsub.f32 v52, v42  }
0x190: {  	v23 =	vld [tilespmem:$0x1FFC0];
	v58 =	vperm.xlane v35, v1;
	v22 =	vadd.f32 v61, v22;
	v41 =	vmul.f32 $1.280000000e+02, v36  }
0x191: {  	v31 =	vmul.f32 v60, v31;
	v38 =	vsub.f32 v56, v42;
	v47 =	vadd.f32 v63, v39  }
0x192: {  	v61 =	vmul.f32 v55, v9;
	v58 =	vadd.f32 v35, v58;
	v22 =	vsub.f32 v22, v41  }
0x193: {  	v63 =	vmul.f32 v55, v10;
	v35 =	vsub.f32 v48, v42;
	v48 =	vperm.xlane v47, v1  }
0x194: {  	v39 =	vsub.f32 v44, v42;
	v51 =	vperm.xlane v58, v2;
	v22 =	vmul.f32 $7.874015710e-03, v22  }
0x195: {  	v36 =	vsub.f32 v45, v42;
	v44 =	vmul.f32 v59, v23;
	v32 =	vadd.f32 v48, v47  }
0x196: {  	[tilespmem:s30+$0xFFFFFFD0] =	vst v53;
	v41 =	vsub.f32 v49, v42;
	v52 =	vadd.f32 v58, v51;
	v22 =	vmax.f32 v22, $9.999999960e-13  }
0x197: {  	v59 =	vld [tilespmem:$0x1FFD0];
	v56 =	vperm.xlane v32, v2;
	v58 =	vshrl.u32 v22, $0x1;
	v22 =	vmul.f32 $5.000000000e-01, v22  }
0x198: {  	[tilespmem:s30+$0xFFFFFFE0] =	vst v46;
	v46 =	vmul.f32 v63, v30;
	v23 =	vperm.xlane v52, v3;
	v48 =	vsub.s32 $0x5F3759DF, v58  }
0x199: {  	v30 =	vadd.f32 v33, v12;
	v43 =	vadd.f32 v56, v32;
	v22 =	vmul.f32 v48, v22  }
0x19a: {  	v55 =	vmul.f32 v55, v11;
	v63 =	vadd.f32 v57, v14;
	v23 =	vadd.f32 v52, v23  }
0x19b: {  	[tilespmem:s30+$0xFFFFFF10] =	vst v30;
	v30 =	vadd.f32 v31, v15;
	v60 =	vperm.xlane v43, v3;
	v22 =	vmul.f32 v48, v22  }
0x19c: {  	[tilespmem:s30+$0xFFFFFFF0] =	vst v54;
	v45 =	vmul.f32 v61, v59;
	v61 =	vadd.f32 v50, v13;
	v32 =	vmul.f32 $7.812500000e-03, v23  }
0x19d: {  	v47 =	vmul.f32 v55, v29;
	[tilespmem:s30+$0xFFFFFF30] =	vst v63;
	v31 =	vadd.f32 v60, v43;
	v29 =	vsub.f32 $1.500000000e+00, v22  }
0x19e: {  	s2 =	simm.s32 $0x66;
	s1 =	simm.s32 $0xB4F0;
	[tilespmem:s30+$0xFFFFFF20] =	vst v61;
	v49 =	vmul.f32 v32, v32;
	v23 =	vsub.f32 v62, v32;
	v22 =	vsub.f32 v34, v32  }
.LBB2_5:
0x19f: {  	v43 =	vld [tilespmem:s1+$0xFFFFFF90];
	v34 =	vsub.f32 v21, v32;
	v33 =	vsub.f32 v25, v32;
	v21 =	vmul.f32 v48, v29;
	s7 =	sadd.s32 $0x100, s7;
	[tilespmem:s30+$0xFFFFFF40] =	vst v30  }
0x1a0: {  	v30 =	vsub.f32 v27, v32;
	v29 =	vsub.f32 v28, v32;
	v25 =	vld [tilespmem:s7+$0xFFFFFF90];
	v48 =	vmul.f32 $1.280000000e+02, v49  }
0x1a1: {  	v20 =	vsub.f32 v20, v42;
	v27 =	vld [tilespmem:s1+$0xFFFFFFA0];
	v28 =	vmul.f32 v21, v4;
	v49 =	vmul.f32 v21, v11  }
0x1a2: {  	v50 =	vmul.f32 v21, v5;
	v51 =	vmul.f32 v21, v6;
	v42 =	vld [tilespmem:s7+$0xFFFFFFA0];
	v48 =	vsub.f32 v31, v48  }
0x1a3: {  	v31 =	vsub.f32 v24, v32;
	v24 =	vmul.f32 v21, v7;
	v52 =	vld [tilespmem:s1+$0xFFFFFFB0];
	v20 =	vmul.f32 v49, v20  }
0x1a4: {  	v32 =	vsub.f32 v26, v32;
	v26 =	vmul.f32 v21, v8;
	v49 =	vld [tilespmem:s7+$0xFFFFFFB0];
	v48 =	vmul.f32 $7.874015710e-03, v48  }
0x1a5: {  	v54 =	vmul.f32 v21, v9;
	v21 =	vmul.f32 v21, v10;
	v53 =	vld [tilespmem:s1+$0xFFFFFFC0];
	v20 =	vadd.f32 v20, v19  }
0x1a6: {  	v28 =	vmul.f32 v28, v39;
	v36 =	vmul.f32 v50, v36;
	v55 =	vld [tilespmem:s7+$0xFFFFFFC0];
	v48 =	vmax.f32 v48, $9.999999960e-13  }
0x1a7: {  	v35 =	vmul.f32 v51, v35;
	v50 =	vld [tilespmem:s1+$0xFFFFFFD0];
	v39 =	vshrl.u32 v48, $0x1;
	v48 =	vmul.f32 $5.000000000e-01, v48;
	[tilespmem:s31+$0x0] =	vst v20  }
0x1a8: {  	v24 =	vmul.f32 v24, v41;
	v26 =	vmul.f32 v26, v37;
	v20 =	vld [tilespmem:s7+$0xFFFFFFD0];
	v39 =	vsub.s32 $0x5F3759DF, v39  }
0x1a9: {  	v40 =	vmul.f32 v54, v40;
	v41 =	vadd.f32 v44, v16;
	v51 =	vld [tilespmem:s1+$0xFFFFFFE0];
	v37 =	vmul.f32 v39, v48  }
0x1aa: {  	v21 =	vmul.f32 v21, v38;
	v38 =	vadd.f32 v45, v17;
	v45 =	vadd.f32 v46, v18;
	v44 =	vld [tilespmem:s7+$0xFFFFFFE0]  }
0x1ab: {  	v28 =	vadd.f32 v28, v12;
	v46 =	vld [tilespmem:s1+$0xFFFFFFF0];
	v37 =	vmul.f32 v39, v37;
	[tilespmem:s30+$0xFFFFFF50] =	vst v41;
	v41 =	vadd.f32 v47, v19  }
0x1ac: {  	v54 =	vadd.f32 v35, v14;
	v48 =	vadd.f32 v36, v13;
	v47 =	vld [tilespmem:s7+$0xFFFFFFF0];
	[tilespmem:s30+$0xFFFFFF60] =	vst v38  }
0x1ad: {  	v24 =	vadd.f32 v24, v15;
	v56 =	vld [tilespmem:s1+$0x0];
	v35 =	vsub.f32 $1.500000000e+00, v37;
	[tilespmem:s30+$0xFFFFFF70] =	vst v45  }
0x1ae: {  	s2 =	sadd.s32 $0x2, s2;
	v57 =	vadd.f32 v40, v17;
	v26 =	vadd.f32 v26, v16;
	v45 =	vld [tilespmem:s7+$0x0];
	[tilespmem:s30+$0xFFFFFF80] =	vst v41;
	s30 =	smov.u32 s31;
	s31 =	smov.u32 s1  }
0x1af: {  	p0 =	slt.u32 s2, $0xC6;
	v21 =	vadd.f32 v21, v18;
	v58 =	vld [tilespmem:s7+$0xFFFFFF10];
	v39 =	vmul.f32 v39, v35;
	[tilespmem:s30+$0xFFFFFF90] =	vst v28  }
0x1b0: {  	v36 =	vadd.f32 v25, v43;
	v41 =	vadd.f32 v42, v27;
	v28 =	vld [tilespmem:s1+$0xFFFFFF20];
	[tilespmem:s30+$0xFFFFFFA0] =	vst v48  }
0x1b1: {  	v37 =	vadd.f32 v55, v53;
	v35 =	vadd.f32 v49, v52;
	v25 =	vld [tilespmem:s7+$0xFFFFFF20];
	v48 =	vmul.f32 v39, v4;
	[tilespmem:s30+$0xFFFFFFB0] =	vst v54  }
0x1b2: {  	v40 =	vadd.f32 v20, v50;
	v38 =	vadd.f32 v44, v51;
	v49 =	vmul.f32 v39, v5;
	v27 =	vld [tilespmem:s1+$0xFFFFFF30];
	[tilespmem:s30+$0xFFFFFFC0] =	vst v24  }
0x1b3: {  	v44 =	vadd.f32 v47, v46;
	v24 =	vld [tilespmem:s7+$0xFFFFFF30];
	v20 =	vadd.f32 v45, v56;
	v45 =	vmul.f32 v39, v6;
	[tilespmem:s30+$0xFFFFFFD0] =	vst v26  }
0x1b4: {  	v42 =	vadd.f32 v41, v36;
	v46 =	vadd.f32 v37, v35;
	v47 =	vmul.f32 v39, v7;
	v26 =	vld [tilespmem:s1+$0xFFFFFF40];
	[tilespmem:s30+$0xFFFFFFE0] =	vst v57  }
0x1b5: {  	v51 =	vmul.f32 v36, v36;
	v52 =	vadd.f32 v38, v40;
	v50 =	vld [tilespmem:s7+$0xFFFFFF40];
	v53 =	vadd.f32 v20, v44;
	[tilespmem:s30+$0xFFFFFFF0] =	vst v21  }
0x1b6: {  	v54 =	vmul.f32 v35, v35;
	v43 =	vadd.f32 v25, v28;
	v28 =	vld [tilespmem:s1+$0xFFFFFF50];
	v25 =	vmul.f32 v41, v41  }
0x1b7: {  	v56 =	vmul.f32 v37, v37;
	v42 =	vadd.f32 v46, v42;
	v55 =	vld [tilespmem:s7+$0xFFFFFF50];
	v46 =	vadd.f32 v53, v52  }
0x1b8: {  	v52 =	vmul.f32 v38, v38;
	v21 =	vadd.f32 v24, v27;
	v24 =	vld [tilespmem:s1+$0xFFFFFF60];
	v27 =	vmul.f32 v40, v40  }
0x1b9: {  	v57 =	vmul.f32 v44, v44;
	v59 =	vmul.f32 v20, v20;
	v53 =	vld [tilespmem:s7+$0xFFFFFF60];
	v42 =	vadd.f32 v46, v42  }
0x1ba: {  	v54 =	vadd.f32 v56, v54;
	v60 =	vmul.f32 v43, v43;
	v51 =	vadd.f32 v25, v51;
	v46 =	vld [tilespmem:s1+$0xFFFFFF70]  }
0x1bb: {  	v27 =	vadd.f32 v52, v27;
	v52 =	vadd.f32 v59, v57;
	v56 =	vld [tilespmem:s7+$0xFFFFFF70];
	v61 =	vperm.xlane v42, v0  }
0x1bc: {  	v25 =	vadd.f32 v50, v26;
	v50 =	vmul.f32 v21, v21;
	v51 =	vadd.f32 v54, v51;
	v26 =	vld [tilespmem:s1+$0xFFFFFF80]  }
0x1bd: {  	v57 =	vmul.f32 v39, v8;
	v52 =	vadd.f32 v52, v27;
	v54 =	vld [tilespmem:s7+$0xFFFFFF80];
	v42 =	vadd.f32 v42, v61  }
0x1be: {  	v27 =	vadd.f32 v55, v28;
	v59 =	vld [tilespmem:s1+$0xFFFFFF10];
	v28 =	vadd.f32 v53, v24;
	v53 =	vmul.f32 v25, v25  }
0x1bf: {  	v55 =	vadd.f32 v25, v21;
	v51 =	vadd.f32 v52, v51;
	v61 =	vperm.xlane v42, v1  }
0x1c0: {  	v24 =	vadd.f32 v56, v46;
	v46 =	vmul.f32 v27, v27;
	v52 =	vadd.f32 v28, v27  }
0x1c1: {  	v56 =	vmul.f32 v28, v28;
	v42 =	vadd.f32 v42, v61;
	v61 =	vperm.xlane v51, v0  }
0x1c2: {  	v50 =	vadd.f32 v53, v50;
	v26 =	vadd.f32 v54, v26;
	v54 =	vmul.f32 v24, v24  }
0x1c3: {  	v53 =	vadd.f32 v58, v59;
	v58 =	vperm.xlane v42, v2;
	v51 =	vadd.f32 v61, v51  }
0x1c4: {  	v46 =	vadd.f32 v56, v46;
	v59 =	vmul.f32 v26, v26;
	v61 =	vadd.f32 v26, v24  }
0x1c5: {  	v56 =	vadd.f32 v43, v53;
	v42 =	vadd.f32 v42, v58;
	v58 =	vperm.xlane v51, v1  }
0x1c6: {  	v62 =	vmul.f32 v53, v53;
	v52 =	vadd.f32 v61, v52;
	v54 =	vadd.f32 v59, v54  }
0x1c7: {  	v55 =	vadd.f32 v55, v56;
	v56 =	vperm.xlane v42, v3;
	v51 =	vadd.f32 v58, v51  }
0x1c8: {  	v58 =	vadd.f32 v60, v62;
	v46 =	vadd.f32 v54, v46;
	v54 =	vmul.f32 v39, v9  }
0x1c9: {  	v52 =	vadd.f32 v52, v55;
	v42 =	vadd.f32 v42, v56;
	v55 =	vperm.xlane v51, v2  }
0x1ca: {  	v50 =	vadd.f32 v50, v58;
	v56 =	vmul.f32 v39, v10;
	v58 =	vmul.f32 v39, v11  }
0x1cb: {  	v39 =	vperm.xlane v52, v0;
	v51 =	vadd.f32 v55, v51;
	v42 =	vmul.f32 $7.812500000e-03, v42  }
0x1cc: {  	v23 =	vmul.f32 v48, v23;
	v22 =	vmul.f32 v49, v22;
	v46 =	vadd.f32 v46, v50  }
0x1cd: {  	v48 =	vadd.f32 v52, v39;
	v49 =	vperm.xlane v51, v3;
	v50 =	vmul.f32 v42, v42  }
0x1ce: {  	v52 =	vperm.xlane v46, v0;
	v39 =	vsub.f32 v36, v42;
	v36 =	vsub.f32 v41, v42  }
0x1cf: {  	v41 =	vperm.xlane v48, v1;
	v49 =	vadd.f32 v49, v51;
	v50 =	vmul.f32 $1.280000000e+02, v50  }
0x1d0: {  	v34 =	vmul.f32 v45, v34;
	v35 =	vsub.f32 v35, v42;
	v46 =	vadd.f32 v52, v46  }
0x1d1: {  	v33 =	vmul.f32 v47, v33;
	v45 =	vadd.f32 v48, v41;
	v48 =	vsub.f32 v49, v50  }
0x1d2: {  	v47 =	vperm.xlane v46, v1;
	v41 =	vsub.f32 v37, v42;
	v37 =	vsub.f32 v40, v42  }
0x1d3: {  	v40 =	vsub.f32 v38, v42;
	v49 =	vperm.xlane v45, v2;
	v48 =	vmul.f32 $7.874015710e-03, v48  }
0x1d4: {  	v38 =	vsub.f32 v44, v42;
	v44 =	vmul.f32 v57, v30;
	v47 =	vadd.f32 v47, v46  }
0x1d5: {  	v30 =	vadd.f32 v45, v49;
	v46 =	vmax.f32 v48, $9.999999960e-13;
	v45 =	vmul.f32 v54, v29  }
0x1d6: {  	v29 =	vperm.xlane v47, v2;
	v48 =	vshrl.u32 v46, $0x1;
	v49 =	vmul.f32 $5.000000000e-01, v46  }
0x1d7: {  	v46 =	vmul.f32 v56, v31;
	v50 =	vperm.xlane v30, v3;
	v48 =	vsub.s32 $0x5F3759DF, v48  }
0x1d8: {  	v29 =	vadd.f32 v29, v47;
	v47 =	vmul.f32 v58, v32;
	v31 =	vmul.f32 v48, v49  }
.Ltmp1:
0x1d9: {  	v23 =	vadd.f32 v23, v12;
	v30 =	vadd.f32 v30, v50;
	(pc) =	sbr.rel @p0 .LBB2_5-.Ltmp1, $4  }
0x1da: {  	v22 =	vadd.f32 v22, v13;
	v49 =	vperm.xlane v29, v3;
	v50 =	vmul.f32 v48, v31  }
0x1db: {  	v34 =	vadd.f32 v34, v14;
	v32 =	vmul.f32 $7.812500000e-03, v30;
	[tilespmem:s30+$0xFFFFFF10] =	vst v23;
	v30 =	vadd.f32 v33, v15  }
0x1dc: {  	v31 =	vadd.f32 v49, v29;
	v29 =	vsub.f32 $1.500000000e+00, v50;
	[tilespmem:s30+$0xFFFFFF20] =	vst v22  }
0x1dd: {  	s1 =	sadd.s32 $0x100, s1;
	v49 =	vmul.f32 v32, v32;
	v23 =	vsub.f32 v53, v32;
	v22 =	vsub.f32 v43, v32;
	[tilespmem:s30+$0xFFFFFF30] =	vst v34  }
0x1de: {  	_ = 	snop  }
0x1df: {  	v33 =	vmul.f32 $1.280000000e+02, v49;
	_ =	sdelay $0x1  }
0x1e0: {  	v31 =	vsub.f32 v31, v33  }
0x1e1: {  	v29 =	vmul.f32 v48, v29;
	v21 =	vsub.f32 v21, v32;
	v25 =	vsub.f32 v25, v32  }
0x1e2: {  	v20 =	vsub.f32 v20, v42;
	v27 =	vsub.f32 v27, v32;
	v31 =	vmul.f32 $7.874015710e-03, v31  }
0x1e3: {  	v28 =	vsub.f32 v28, v32;
	v24 =	vsub.f32 v24, v32;
	v59 =	vmul.f32 v29, v11  }
0x1e4: {  	v44 =	vadd.f32 v44, v16;
	v34 =	vmul.f32 v29, v4;
	v31 =	vmax.f32 v31, $9.999999960e-13  }
0x1e5: {  	v20 =	vmul.f32 v59, v20;
	v60 =	vshrl.u32 v31, $0x1;
	v31 =	vmul.f32 $5.000000000e-01, v31  }
0x1e6: {  	v61 =	vmul.f32 v29, v5;
	v43 =	vmul.f32 v29, v6;
	v33 =	vsub.s32 $0x5F3759DF, v60  }
0x1e7: {  	[tilespmem:s30+$0xFFFFFF40] =	vst v30;
	v30 =	vmul.f32 v29, v7;
	v20 =	vadd.f32 v20, v19;
	v31 =	vmul.f32 v33, v31  }
0x1e8: {  	v26 =	vsub.f32 v26, v32;
	v62 =	vmul.f32 v29, v8;
	v34 =	vmul.f32 v34, v39  }
0x1e9: {  	v36 =	vmul.f32 v61, v36;
	[tilespmem:s31+$0x0] =	vst v20;
	v20 =	vadd.f32 v45, v17;
	v31 =	vmul.f32 v33, v31  }
0x1ea: {  	v63 =	vadd.f32 v46, v18;
	[tilespmem:s30+$0xFFFFFF50] =	vst v44;
	v35 =	vmul.f32 v43, v35;
	v30 =	vmul.f32 v30, v41  }
0x1eb: {  	v32 =	vmul.f32 v62, v37;
	v34 =	vadd.f32 v34, v12;
	[tilespmem:s30+$0xFFFFFF60] =	vst v20;
	v20 =	vsub.f32 $1.500000000e+00, v31  }
0x1ec: {  	[tilespmem:s30+$0xFFFFFF70] =	vst v63;
	v36 =	vadd.f32 v36, v13;
	v31 =	vmul.f32 v29, v9;
	v29 =	vmul.f32 v29, v10  }
0x1ed: {  	v46 =	vadd.f32 v35, v14;
	v30 =	vadd.f32 v30, v15;
	[tilespmem:s31+$0xFFFFFF90] =	vst v34;
	v20 =	vmul.f32 v33, v20  }
0x1ee: {  	v32 =	vadd.f32 v32, v16;
	[tilespmem:s31+$0xFFFFFFA0] =	vst v36;
	v31 =	vmul.f32 v31, v40;
	v29 =	vmul.f32 v29, v38  }
0x1ef: {  	v45 =	vadd.f32 v47, v19;
	[tilespmem:s31+$0xFFFFFFB0] =	vst v46;
	v47 =	vmul.f32 v20, v4;
	v48 =	vmul.f32 v20, v5  }
0x1f0: {  	[tilespmem:s31+$0xFFFFFFC0] =	vst v30;
	v31 =	vadd.f32 v31, v17;
	v30 =	vmul.f32 v20, v6;
	v49 =	vmul.f32 v20, v7  }
0x1f1: {  	[tilespmem:s31+$0xFFFFFFD0] =	vst v32;
	v29 =	vadd.f32 v29, v18;
	v23 =	vmul.f32 v47, v23;
	v22 =	vmul.f32 v48, v22  }
0x1f2: {  	[tilespmem:s31+$0xFFFFFFE0] =	vst v31;
	v31 =	vmul.f32 v20, v8;
	v21 =	vmul.f32 v30, v21  }
0x1f3: {  	[tilespmem:s31+$0xFFFFFFF0] =	vst v29;
	v29 =	vmul.f32 v20, v9;
	v25 =	vmul.f32 v49, v25;
	v23 =	vadd.f32 v23, v12  }
0x1f4: {  	[tilespmem:s30+$0xFFFFFF80] =	vst v45;
	v30 =	vmul.f32 v20, v10;
	v20 =	vmul.f32 v20, v11;
	v22 =	vadd.f32 v22, v13  }
0x1f5: {  	v27 =	vmul.f32 v31, v27;
	v21 =	vadd.f32 v21, v14;
	[tilespmem:s31+$0xFFFFFF10] =	vst v23  }
0x1f6: {  	v25 =	vadd.f32 v25, v15;
	v20 =	vmul.f32 v20, v26;
	[tilespmem:s31+$0xFFFFFF20] =	vst v22  }
0x1f7: {  	v23 =	vmul.f32 v29, v28;
	[tilespmem:s31+$0xFFFFFF30] =	vst v21;
	v21 =	vadd.f32 v27, v16  }
0x1f8: {  	v22 =	vmul.f32 v30, v24;
	[tilespmem:s31+$0xFFFFFF40] =	vst v25;
	v20 =	vadd.f32 v20, v19  }
0x1f9: {  	s1 =	sadd.s32 s9, s29;
	v23 =	vadd.f32 v23, v17;
	[tilespmem:s31+$0xFFFFFF50] =	vst v21  }
0x1fa: {  	s1 =	smul.u32 $0xC80, s1;
	v22 =	vadd.f32 v22, v18;
	[tilespmem:s31+$0xFFFFFF80] =	vst v20  }
0x1fb: {  	[tilespmem:s31+$0xFFFFFF60] =	vst v23  }
0x1fc: {  	s2 =	simm.s32 $0x0;
	s1 =	sadd.s32 s5, s1;
	[tilespmem:s31+$0xFFFFFF70] =	vst v22  }
0x1fd: {  	[hbm4b:s1+s2] =	stream.linear.scatter [tilespmem:s16], [sflag:$0x3], $0x6400, $0x38;
	[tilespmem:$0x1AD00] =	vst v63  }
0x1fe: {  	_ =	swait.ge [sflag:s22], $0x3200  }
0x1ff: {  	[sflag:s22] =	ssyncset.done $0x0  }
0x200: {  	[sflag:s22] =	ssyncadd.s32 $0xFFFFCE00  }
0x201: {  	_ =	swait.ge [sflag:s22], $0x3200  }
0x202: {  	[sflag:s22] =	ssyncset.done $0x0  }
0x203: {  	s29 =	simm.s32 $0x0;
	[sflag:s22] =	ssyncadd.s32 $0xFFFFCE00  }
0x204: {  	v20 =	vld [tilespmem:s29+$0xE480]  }
0x205: {  	v21 =	vld [tilespmem:s29+$0x14880]  }
0x206: {  	v22 =	vld [tilespmem:s29+$0xE490]  }
0x207: {  	v23 =	vld [tilespmem:s29+$0x14890]  }
0x208: {  	v24 =	vld [tilespmem:s29+$0xE4A0]  }
0x209: {  	v25 =	vld [tilespmem:s29+$0x148A0]  }
0x20a: {  	v26 =	vld [tilespmem:s29+$0xE4B0]  }
0x20b: {  	v27 =	vld [tilespmem:s29+$0x148B0]  }
0x20c: {  	v28 =	vld [tilespmem:s29+$0xE4C0]  }
0x20d: {  	v29 =	vld [tilespmem:s29+$0x148C0]  }
0x20e: {  	v30 =	vld [tilespmem:s29+$0xE4D0]  }
0x20f: {  	v31 =	vld [tilespmem:s29+$0x148D0]  }
0x210: {  	v50 =	vld [tilespmem:s29+$0xE4E0]  }
0x211: {  	v51 =	vld [tilespmem:s29+$0x148E0]  }
0x212: {  	v52 =	vld [tilespmem:s29+$0xE4F0]  }
0x213: {  	v53 =	vld [tilespmem:s29+$0x148F0]  }
0x214: {  	v54 =	vld [tilespmem:s29+$0xE400]  }
0x215: {  	v55 =	vld [tilespmem:s29+$0x14800]  }
0x216: {  	v34 =	vld [tilespmem:s29+$0xE430]  }
0x217: {  	v37 =	vld [tilespmem:s29+$0x14830];
	v21 =	vadd.f32 v21, v20  }
0x218: {  	v63 =	vld [tilespmem:s29+$0xE440];
	v22 =	vadd.f32 v23, v22;
	v24 =	vadd.f32 v25, v24  }
0x219: {  	v23 =	vld [tilespmem:s29+$0xE410];
	v25 =	vadd.f32 v27, v26;
	v27 =	vadd.f32 v29, v28  }
0x21a: {  	v26 =	vld [tilespmem:s29+$0x14810];
	v28 =	vadd.f32 v31, v30;
	v30 =	vadd.f32 v51, v50  }
0x21b: {  	v29 =	vld [tilespmem:s29+$0xE420];
	v20 =	vadd.f32 v53, v52;
	v36 =	vadd.f32 v55, v54  }
0x21c: {  	v31 =	vld [tilespmem:s29+$0x14820];
	v56 =	vadd.f32 v22, v21;
	v57 =	vadd.f32 v25, v24;
	v58 =	vmul.f32 v21, v21  }
0x21d: {  	v52 =	vld [tilespmem:s29+$0xE450];
	v59 =	vadd.f32 v28, v27;
	v61 =	vmul.f32 v22, v22;
	v62 =	vmul.f32 v24, v24  }
0x21e: {  	v55 =	vld [tilespmem:s29+$0x14850];
	v60 =	vadd.f32 v20, v30;
	v48 =	vmul.f32 v25, v25;
	v50 =	vmul.f32 v27, v27  }
0x21f: {  	v51 =	vmul.f32 v28, v28;
	v53 =	vmul.f32 v30, v30;
	v32 =	vadd.f32 v57, v56;
	v57 =	vld [tilespmem:s29+$0xE460]  }
0x220: {  	v54 =	vmul.f32 v20, v20;
	v49 =	vadd.f32 v60, v59;
	v35 =	vadd.f32 v61, v58;
	v60 =	vld [tilespmem:s29+$0xE470]  }
0x221: {  	v56 =	vadd.f32 v48, v62;
	v38 =	vadd.f32 v51, v50;
	v61 =	vld [tilespmem:s29+$0x14870]  }
0x222: {  	v59 =	vadd.f32 v54, v53;
	v23 =	vadd.f32 v26, v23;
	v26 =	vld [tilespmem:s29+$0x14840]  }
0x223: {  	v29 =	vadd.f32 v31, v29;
	v31 =	vld [tilespmem:s29+$0x14860];
	v32 =	vadd.f32 v49, v32  }
0x224: {  	v35 =	vadd.f32 v56, v35;
	v38 =	vadd.f32 v59, v38  }
0x225: {  	v43 =	vadd.f32 v37, v34;
	v58 =	vperm.xlane v32, v0  }
0x226: {  	v35 =	vadd.f32 v38, v35;
	v38 =	vadd.f32 v55, v52  }
0x227: {  	v45 =	vadd.f32 v61, v60;
	v32 =	vadd.f32 v32, v58  }
0x228: {  	v40 =	vmul.f32 v36, v36;
	v26 =	vadd.f32 v26, v63;
	v41 =	vadd.f32 v31, v57  }
0x229: {  	v39 =	vmul.f32 v23, v23;
	v51 =	vadd.f32 v23, v36;
	v52 =	vadd.f32 v43, v29  }
0x22a: {  	v62 =	vperm.xlane v32, v1;
	v54 =	vadd.f32 v38, v26;
	v59 =	vadd.f32 v45, v41  }
0x22b: {  	v37 =	vmul.f32 v29, v29;
	v53 =	vperm.xlane v35, v0;
	v56 =	vadd.f32 v52, v51  }
0x22c: {  	v63 =	vmul.f32 v43, v43;
	v32 =	vadd.f32 v32, v62;
	v62 =	vadd.f32 v59, v54  }
0x22d: {  	v57 =	vmul.f32 v38, v38;
	v61 =	vmul.f32 v45, v45;
	v35 =	vadd.f32 v53, v35  }
0x22e: {  	v33 =	vadd.f32 v63, v37;
	v55 =	vperm.xlane v32, v2;
	v37 =	vadd.f32 v62, v56  }
0x22f: {  	v39 =	vadd.f32 v39, v40;
	v31 =	vmul.f32 v26, v26;
	v60 =	vperm.xlane v35, v1  }
0x230: {  	v58 =	vmul.f32 v41, v41;
	v32 =	vadd.f32 v32, v55;
	v47 =	vperm.xlane v37, v0  }
0x231: {  	v31 =	vadd.f32 v57, v31;
	v34 =	vadd.f32 v60, v35  }
0x232: {  	v44 =	vadd.f32 v61, v58;
	v63 =	vperm.xlane v32, v3;
	v48 =	vadd.f32 v37, v47  }
0x233: {  	v33 =	vadd.f32 v33, v39;
	v46 =	vperm.xlane v34, v2  }
0x234: {  	v31 =	vadd.f32 v44, v31;
	v32 =	vadd.f32 v32, v63;
	v52 =	vperm.xlane v48, v1  }
0x235: {  	v34 =	vadd.f32 v46, v34  }
0x236: {  	v31 =	vadd.f32 v31, v33;
	v32 =	vmul.f32 $7.812500000e-03, v32;
	v33 =	vadd.f32 v48, v52  }
0x237: {  	v49 =	vperm.xlane v34, v3  }
0x238: {  	s30 =	simm.s32 $0x100;
	v50 =	vmul.f32 v32, v32;
	v55 =	vperm.xlane v33, v2  }
0x239: {  	v44 =	vld [tilespmem:s30+$0xE480];
	v51 =	vperm.xlane v31, v0  }
0x23a: {  	v46 =	vld [tilespmem:s30+$0x14880];
	v34 =	vadd.f32 v49, v34;
	v53 =	vmul.f32 $1.280000000e+02, v50;
	v33 =	vadd.f32 v33, v55  }
0x23b: {  	v31 =	vadd.f32 v51, v31  }
0x23c: {  	v34 =	vsub.f32 v34, v53;
	v58 =	vperm.xlane v33, v3  }
0x23d: {  	v54 =	vperm.xlane v31, v1  }
0x23e: {  	v34 =	vmul.f32 $7.874015710e-03, v34;
	v33 =	vadd.f32 v33, v58  }
0x23f: {  	v47 =	vld [tilespmem:s30+$0xE490];
	v46 =	vadd.f32 v46, v44;
	v31 =	vadd.f32 v54, v31  }
0x240: {  	v51 =	vld [tilespmem:s30+$0xE4B0];
	v21 =	vsub.f32 v21, v32;
	v34 =	vmax.f32 v34, $9.999999960e-13;
	v39 =	vmul.f32 $7.812500000e-03, v33  }
0x241: {  	v48 =	vld [tilespmem:s30+$0x14890];
	v57 =	vperm.xlane v31, v2;
	v56 =	vshrl.u32 v34, $0x1;
	v34 =	vmul.f32 $5.000000000e-01, v34  }
0x242: {  	v49 =	vld [tilespmem:s30+$0xE4A0];
	v37 =	vsub.f32 v28, v32;
	v59 =	vsub.s32 $0x5F3759DF, v56;
	v28 =	vsub.f32 v43, v39  }
0x243: {  	v22 =	vsub.f32 v22, v32;
	v50 =	vld [tilespmem:s30+$0x148A0];
	v31 =	vadd.f32 v57, v31;
	v34 =	vmul.f32 v59, v34  }
0x244: {  	v35 =	vsub.f32 v36, v39;
	v36 =	vsub.f32 v23, v39;
	v23 =	vld [tilespmem:s30+$0x148B0];
	[tilespmem:$0x1FFA0] =	vst v28  }
0x245: {  	v24 =	vsub.f32 v24, v32;
	v25 =	vsub.f32 v25, v32;
	v34 =	vmul.f32 v59, v34;
	v62 =	vld [tilespmem:s30+$0xE4C0]  }
0x246: {  	v27 =	vsub.f32 v27, v32;
	v20 =	vsub.f32 v20, v32;
	v60 =	vperm.xlane v31, v3;
	v53 =	vld [tilespmem:s30+$0x148C0]  }
0x247: {  	v47 =	vadd.f32 v48, v47;
	v61 =	vsub.f32 $1.500000000e+00, v34  }
0x248: {  	v34 =	vsub.f32 v30, v32;
	v30 =	vadd.f32 v60, v31;
	v31 =	vmul.f32 v39, v39  }
0x249: {  	v48 =	vadd.f32 v50, v49;
	v49 =	vadd.f32 v23, v51;
	v52 =	vmul.f32 v59, v61  }
0x24a: {  	v33 =	vsub.f32 v29, v39;
	v28 =	vsub.f32 v45, v39;
	v55 =	vld [tilespmem:s30+$0xE4D0];
	v29 =	vmul.f32 $1.280000000e+02, v31  }
0x24b: {  	v56 =	vld [tilespmem:s30+$0x148D0];
	v50 =	vadd.f32 v53, v62;
	v62 =	vmul.f32 v49, v49;
	v40 =	vmul.f32 v52, v4  }
0x24c: {  	v31 =	vmul.f32 v52, v11;
	v29 =	vsub.f32 v30, v29;
	v63 =	vmul.f32 v52, v5  }
0x24d: {  	v54 =	vmul.f32 v52, v6;
	v30 =	vsub.f32 v26, v39;
	v26 =	vmul.f32 v52, v7  }
0x24e: {  	v58 =	vld [tilespmem:s30+$0xE4E0];
	v32 =	vsub.f32 v41, v39;
	v57 =	vmul.f32 v52, v8;
	v41 =	vmul.f32 v52, v9  }
0x24f: {  	v43 =	vadd.f32 v47, v46;
	v59 =	vld [tilespmem:s30+$0x148E0];
	[tilespmem:$0x1FFB0] =	vst v28;
	v52 =	vmul.f32 v52, v10;
	v21 =	vmul.f32 v40, v21  }
0x250: {  	v61 =	vld [tilespmem:s30+$0xE4F0];
	v51 =	vadd.f32 v56, v55;
	v20 =	vmul.f32 v31, v20;
	v60 =	vmul.f32 $7.874015710e-03, v29  }
0x251: {  	v31 =	vsub.f32 v38, v39;
	v22 =	vmul.f32 v63, v22;
	v42 =	vadd.f32 v21, v12;
	v21 =	vld [tilespmem:s30+$0x148F0]  }
0x252: {  	v44 =	vld [tilespmem:s30+$0xE410];
	v24 =	vmul.f32 v54, v24;
	v39 =	vadd.f32 v20, v19;
	v20 =	vmax.f32 v60, $9.999999960e-13  }
0x253: {  	v40 =	vadd.f32 v22, v13;
	v22 =	vld [tilespmem:s30+$0xE400];
	v38 =	vshrl.u32 v20, $0x1;
	v20 =	vmul.f32 $5.000000000e-01, v20  }
0x254: {  	v25 =	vmul.f32 v26, v25;
	v45 =	vadd.f32 v24, v14;
	v24 =	vsub.s32 $0x5F3759DF, v38;
	v38 =	vld [tilespmem:s30+$0x14800]  }
0x255: {  	v26 =	vld [tilespmem:s30+$0x14810];
	v54 =	vadd.f32 v49, v48;
	v55 =	vmul.f32 v57, v27;
	v23 =	vmul.f32 v24, v20  }
0x256: {  	v28 =	vld [tilespmem:s30+$0xE420];
	v63 =	vmul.f32 v51, v51;
	v53 =	vadd.f32 v59, v58;
	v20 =	vadd.f32 v21, v61  }
0x257: {  	v56 =	vadd.f32 v51, v50;
	v27 =	vld [tilespmem:s30+$0x14820];
	v37 =	vmul.f32 v41, v37;
	v21 =	vmul.f32 v24, v23  }
0x258: {  	v41 =	vld [tilespmem:s30+$0x14850];
	v60 =	vmul.f32 v46, v46;
	v43 =	vadd.f32 v54, v43;
	v57 =	vadd.f32 v20, v53  }
0x259: {  	v59 =	vld [tilespmem:s30+$0xE430];
	v61 =	vmul.f32 v47, v47;
	v58 =	vsub.f32 $1.500000000e+00, v21;
	v21 =	vadd.f32 v38, v22  }
0x25a: {  	v23 =	vmul.f32 v53, v53;
	v38 =	vld [tilespmem:s30+$0x14830];
	v22 =	vadd.f32 v26, v44;
	v54 =	vadd.f32 v57, v56  }
0x25b: {  	v26 =	vld [tilespmem:s30+$0x14840];
	v44 =	vmul.f32 v50, v50;
	v60 =	vadd.f32 v61, v60;
	v61 =	vmul.f32 v20, v20  }
0x25c: {  	v29 =	vadd.f32 v25, v15;
	v56 =	vmul.f32 v48, v48;
	v57 =	vld [tilespmem:s30+$0xE440];
	v43 =	vadd.f32 v54, v43  }
0x25d: {  	v44 =	vadd.f32 v63, v44;
	v61 =	vadd.f32 v61, v23;
	v58 =	vmul.f32 v24, v58;
	v24 =	vld [tilespmem:s30+$0x14860]  }
0x25e: {  	v23 =	vadd.f32 v27, v28;
	v54 =	vld [tilespmem:s30+$0xE450];
	v25 =	vadd.f32 v62, v56;
	v62 =	vperm.xlane v43, v0  }
0x25f: {  	v34 =	vmul.f32 v52, v34;
	v56 =	vld [tilespmem:s30+$0xE460];
	v44 =	vadd.f32 v61, v44;
	v28 =	vadd.f32 v38, v59  }
0x260: {  	v63 =	vld [tilespmem:s30+$0xE470];
	v61 =	vmul.f32 v22, v22;
	v25 =	vadd.f32 v25, v60;
	v43 =	vadd.f32 v43, v62  }
0x261: {  	v38 =	vld [tilespmem:s30+$0x14870];
	v60 =	vmul.f32 v21, v21;
	v26 =	vadd.f32 v26, v57;
	v57 =	vadd.f32 v28, v23  }
0x262: {  	v44 =	vadd.f32 v44, v25;
	v25 =	vadd.f32 v22, v21;
	v62 =	vperm.xlane v43, v1  }
0x263: {  	v60 =	vadd.f32 v61, v60;
	v27 =	vadd.f32 v41, v54;
	v54 =	vmul.f32 v23, v23  }
0x264: {  	v24 =	vadd.f32 v24, v56;
	v41 =	vadd.f32 v43, v62;
	v62 =	vperm.xlane v44, v0  }
0x265: {  	v56 =	vmul.f32 v28, v28;
	v59 =	vmul.f32 v26, v26;
	v57 =	vadd.f32 v57, v25  }
0x266: {  	v25 =	vadd.f32 v38, v63;
	v38 =	vperm.xlane v41, v2;
	v43 =	vadd.f32 v62, v44  }
0x267: {  	v61 =	vmul.f32 v27, v27;
	v54 =	vadd.f32 v56, v54;
	v44 =	vadd.f32 v27, v26  }
0x268: {  	v38 =	vadd.f32 v41, v38;
	v41 =	vadd.f32 v25, v24;
	v56 =	vperm.xlane v43, v1  }
0x269: {  	v63 =	vmul.f32 v25, v25;
	v59 =	vadd.f32 v61, v59;
	v61 =	vmul.f32 v24, v24  }
0x26a: {  	v41 =	vadd.f32 v41, v44;
	v43 =	vadd.f32 v56, v43;
	v56 =	vperm.xlane v38, v3  }
0x26b: {  	v52 =	vadd.f32 v55, v16;
	v55 =	vmul.f32 v58, v4;
	v44 =	vadd.f32 v63, v61  }
0x26c: {  	v41 =	vadd.f32 v41, v57;
	v57 =	vperm.xlane v43, v2;
	v38 =	vadd.f32 v38, v56  }
0x26d: {  	v35 =	vmul.f32 v55, v35;
	v54 =	vadd.f32 v54, v60;
	v56 =	vadd.f32 v44, v59  }
0x26e: {  	v60 =	vmul.f32 v58, v5;
	v43 =	vadd.f32 v57, v43;
	v44 =	vmul.f32 $7.812500000e-03, v38  }
0x26f: {  	v62 =	vmul.f32 v58, v9;
	v61 =	vperm.xlane v41, v0;
	v38 =	vadd.f32 v56, v54  }
0x270: {  	v54 =	vadd.f32 v37, v17;
	v37 =	vperm.xlane v43, v3;
	v56 =	vmul.f32 v44, v44  }
0x271: {  	v36 =	vmul.f32 v60, v36;
	v63 =	vmul.f32 v58, v10;
	v41 =	vadd.f32 v41, v61  }
0x272: {  	v55 =	vperm.xlane v38, v0;
	v43 =	vadd.f32 v37, v43;
	v56 =	vmul.f32 $1.280000000e+02, v56  }
0x273: {  	v34 =	vadd.f32 v34, v18;
	[tilespmem:s29+$0xE4F0] =	vst v39;
	v59 =	vmul.f32 v58, v6;
	v60 =	vperm.xlane v41, v1  }
0x274: {  	[tilespmem:s29+$0xE480] =	vst v42;
	v57 =	vmul.f32 v58, v7;
	v55 =	vadd.f32 v55, v38;
	v56 =	vsub.f32 v43, v56  }
0x275: {  	v42 =	vld [tilespmem:$0x1FFA0];
	v61 =	vmul.f32 v58, v8;
	v38 =	vsub.f32 v47, v44;
	v60 =	vadd.f32 v41, v60  }
0x276: {  	v41 =	vsub.f32 v46, v44;
	v47 =	vperm.xlane v55, v1;
	v46 =	vmul.f32 $7.874015710e-03, v56  }
0x277: {  	[tilespmem:s29+$0xE490] =	vst v40;
	v33 =	vmul.f32 v59, v33;
	v37 =	vsub.f32 v48, v44;
	v59 =	vperm.xlane v60, v2  }
0x278: {  	[tilespmem:s29+$0xE4A0] =	vst v45;
	v45 =	vmul.f32 v61, v30;
	v47 =	vadd.f32 v47, v55;
	v46 =	vmax.f32 v46, $9.999999960e-13  }
0x279: {  	[tilespmem:s29+$0xE4B0] =	vst v29;
	v48 =	vadd.f32 v60, v59;
	v59 =	vshrl.u32 v46, $0x1;
	v60 =	vmul.f32 $5.000000000e-01, v46  }
0x27a: {  	[tilespmem:s29+$0xE4C0] =	vst v52;
	v56 =	vmul.f32 v57, v42;
	v57 =	vperm.xlane v47, v2;
	v30 =	vsub.s32 $0x5F3759DF, v59  }
0x27b: {  	[tilespmem:s29+$0xE4E0] =	vst v34;
	v46 =	vmul.f32 v62, v31;
	v31 =	vmul.f32 v30, v60  }
0x27c: {  	v39 =	vsub.f32 v50, v44;
	[tilespmem:s29+$0xE4D0] =	vst v54;
	v29 =	vperm.xlane v48, v3  }
0x27d: {  	v50 =	vadd.f32 v57, v47;
	v47 =	vmul.f32 v63, v32;
	v63 =	vmul.f32 v30, v31;
	v31 =	vld [tilespmem:$0x1FFB0]  }
0x27e: {  	v36 =	vadd.f32 v36, v13  }
0x27f: {  	v61 =	vadd.f32 v48, v29;
	v29 =	vadd.f32 v35, v12  }
0x280: {  	v58 =	vmul.f32 v58, v11;
	v40 =	vsub.f32 v53, v44;
	v43 =	vsub.f32 v49, v44  }
0x281: {  	v42 =	vsub.f32 v51, v44;
	v62 =	vperm.xlane v50, v3;
	[tilespmem:s29+$0xE400] =	vst v29;
	v29 =	vadd.f32 v56, v15  }
0x282: {  	v32 =	vmul.f32 $7.812500000e-03, v61;
	v48 =	vmul.f32 v58, v31;
	v31 =	vadd.f32 v33, v14  }
0x283: {  	s2 =	simm.s32 $0x2;
	s1 =	simm.s32 $0x800;
	[tilespmem:s29+$0xE410] =	vst v36;
	v49 =	vadd.f32 v62, v50;
	v50 =	vsub.f32 $1.500000000e+00, v63  }
.LBB2_7:
0x284: {  	s7 =	sshra.s32 s1, $0x2;
	v51 =	vmul.f32 v32, v32;
	v35 =	vsub.f32 v21, v32;
	v36 =	vsub.f32 v22, v32;
	[tilespmem:s29+$0xE420] =	vst v31  }
0x285: {  	v34 =	vsub.f32 v23, v32;
	v33 =	vsub.f32 v28, v32;
	v21 =	vld [tilespmem:s7+$0xE480];
	v22 =	vmul.f32 v30, v50;
	[tilespmem:s29+$0xE430] =	vst v29  }
0x286: {  	v30 =	vsub.f32 v26, v32;
	v29 =	vsub.f32 v27, v32;
	v23 =	vld [tilespmem:s7+$0x14880];
	v28 =	vmul.f32 $1.280000000e+02, v51  }
0x287: {  	v20 =	vsub.f32 v20, v44;
	v26 =	vld [tilespmem:s7+$0xE490];
	v27 =	vmul.f32 v22, v4;
	v50 =	vmul.f32 v22, v11  }
0x288: {  	v51 =	vmul.f32 v22, v6;
	v44 =	vld [tilespmem:s7+$0x14890];
	v28 =	vsub.f32 v49, v28;
	v49 =	vmul.f32 v22, v5  }
0x289: {  	v31 =	vsub.f32 v24, v32;
	v24 =	vmul.f32 v22, v7;
	v52 =	vld [tilespmem:s7+$0xE4A0];
	v20 =	vmul.f32 v50, v20  }
0x28a: {  	v32 =	vsub.f32 v25, v32;
	v25 =	vmul.f32 v22, v8;
	v50 =	vld [tilespmem:s7+$0x148A0];
	v28 =	vmul.f32 $7.874015710e-03, v28  }
0x28b: {  	v54 =	vmul.f32 v22, v9;
	v22 =	vmul.f32 v22, v10;
	v53 =	vld [tilespmem:s7+$0xE4B0];
	v20 =	vadd.f32 v20, v19  }
0x28c: {  	v27 =	vmul.f32 v27, v41;
	v38 =	vmul.f32 v49, v38;
	v55 =	vld [tilespmem:s7+$0x148B0];
	v28 =	vmax.f32 v28, $9.999999960e-13  }
0x28d: {  	v37 =	vmul.f32 v51, v37;
	v49 =	vld [tilespmem:s7+$0xE4C0];
	v41 =	vshrl.u32 v28, $0x1;
	v28 =	vmul.f32 $5.000000000e-01, v28;
	[tilespmem:s30+$0xE4F0] =	vst v20  }
0x28e: {  	v24 =	vmul.f32 v24, v43;
	v25 =	vmul.f32 v25, v39;
	v20 =	vld [tilespmem:s7+$0x148C0];
	v41 =	vsub.s32 $0x5F3759DF, v41  }
0x28f: {  	v39 =	vmul.f32 v54, v42;
	v42 =	vadd.f32 v45, v16;
	v51 =	vld [tilespmem:s7+$0xE4D0];
	v28 =	vmul.f32 v41, v28  }
0x290: {  	v43 =	vadd.f32 v47, v18;
	v22 =	vmul.f32 v22, v40;
	v40 =	vadd.f32 v46, v17;
	v45 =	vld [tilespmem:s7+$0x148D0]  }
0x291: {  	v27 =	vadd.f32 v27, v12;
	v46 =	vld [tilespmem:s7+$0xE4E0];
	v28 =	vmul.f32 v41, v28;
	[tilespmem:s29+$0xE440] =	vst v42;
	v42 =	vadd.f32 v48, v19  }
0x292: {  	v54 =	vadd.f32 v37, v14;
	v48 =	vadd.f32 v38, v13;
	v47 =	vld [tilespmem:s7+$0x148E0];
	[tilespmem:s29+$0xE450] =	vst v40  }
0x293: {  	s2 =	sadd.s32 $0x2, s2;
	v24 =	vadd.f32 v24, v15;
	v56 =	vld [tilespmem:s7+$0xE4F0];
	v28 =	vsub.f32 $1.500000000e+00, v28;
	[tilespmem:s29+$0xE460] =	vst v43  }
0x294: {  	p0 =	slt.u32 s2, $0x62;
	v25 =	vadd.f32 v25, v16;
	v58 =	vadd.f32 v39, v17;
	v57 =	vld [tilespmem:s7+$0x148F0];
	[tilespmem:s29+$0xE470] =	vst v42;
	s29 =	smov.u32 s30;
	s30 =	smov.u32 s7  }
0x295: {  	v22 =	vadd.f32 v22, v18;
	v59 =	vld [tilespmem:s30+$0xE400];
	v41 =	vmul.f32 v41, v28;
	[tilespmem:s29+$0xE480] =	vst v27  }
0x296: {  	v38 =	vadd.f32 v23, v21;
	v43 =	vadd.f32 v44, v26;
	v27 =	vld [tilespmem:s30+$0x14800];
	[tilespmem:s29+$0xE490] =	vst v48  }
0x297: {  	v37 =	vadd.f32 v50, v52;
	v39 =	vadd.f32 v55, v53;
	v23 =	vld [tilespmem:s30+$0xE410];
	v48 =	vmul.f32 v41, v4;
	[tilespmem:s29+$0xE4A0] =	vst v54  }
0x298: {  	v42 =	vadd.f32 v20, v49;
	v40 =	vadd.f32 v45, v51;
	v49 =	vmul.f32 v41, v5;
	v26 =	vld [tilespmem:s30+$0x14810];
	[tilespmem:s29+$0xE4B0] =	vst v24  }
0x299: {  	v45 =	vadd.f32 v47, v46;
	v46 =	vmul.f32 v41, v6;
	v24 =	vld [tilespmem:s30+$0xE420];
	v20 =	vadd.f32 v57, v56;
	[tilespmem:s29+$0xE4C0] =	vst v25  }
0x29a: {  	v44 =	vadd.f32 v39, v37;
	v28 =	vadd.f32 v43, v38;
	v47 =	vmul.f32 v41, v7;
	v25 =	vld [tilespmem:s30+$0x14820];
	[tilespmem:s29+$0xE4D0] =	vst v58  }
0x29b: {  	v51 =	vmul.f32 v38, v38;
	v52 =	vadd.f32 v40, v42;
	v50 =	vld [tilespmem:s30+$0xE430];
	v53 =	vadd.f32 v20, v45;
	[tilespmem:s29+$0xE4E0] =	vst v22  }
0x29c: {  	v55 =	vmul.f32 v37, v37;
	v54 =	vmul.f32 v43, v43;
	v21 =	vadd.f32 v27, v59;
	v27 =	vld [tilespmem:s30+$0x14830]  }
0x29d: {  	v28 =	vadd.f32 v44, v28;
	v57 =	vmul.f32 v39, v39;
	v56 =	vld [tilespmem:s30+$0xE440];
	v44 =	vadd.f32 v53, v52  }
0x29e: {  	v22 =	vadd.f32 v26, v23;
	v23 =	vmul.f32 v42, v42;
	v52 =	vmul.f32 v40, v40;
	v26 =	vld [tilespmem:s30+$0x14840]  }
0x29f: {  	v58 =	vmul.f32 v45, v45;
	v59 =	vmul.f32 v20, v20;
	v53 =	vld [tilespmem:s30+$0xE450];
	v28 =	vadd.f32 v44, v28  }
0x2a0: {  	v51 =	vadd.f32 v54, v51;
	v54 =	vadd.f32 v57, v55;
	v60 =	vmul.f32 v21, v21;
	v44 =	vld [tilespmem:s30+$0x14850]  }
0x2a1: {  	v58 =	vadd.f32 v59, v58;
	v52 =	vadd.f32 v52, v23;
	v55 =	vld [tilespmem:s30+$0xE460];
	v57 =	vperm.xlane v28, v0  }
0x2a2: {  	v23 =	vadd.f32 v25, v24;
	v59 =	vmul.f32 v22, v22;
	v25 =	vadd.f32 v54, v51;
	v24 =	vld [tilespmem:s30+$0x14860]  }
0x2a3: {  	v52 =	vadd.f32 v58, v52;
	v51 =	vld [tilespmem:s30+$0xE470];
	v54 =	vadd.f32 v28, v57;
	v57 =	vmul.f32 v41, v8  }
0x2a4: {  	v28 =	vadd.f32 v27, v50;
	v26 =	vadd.f32 v26, v56;
	v56 =	vmul.f32 v23, v23;
	v50 =	vld [tilespmem:s30+$0x14870]  }
0x2a5: {  	v52 =	vadd.f32 v52, v25;
	v27 =	vadd.f32 v44, v53;
	v44 =	vperm.xlane v54, v1  }
0x2a6: {  	v25 =	vadd.f32 v22, v21;
	v53 =	vmul.f32 v28, v28;
	v58 =	vadd.f32 v28, v23  }
0x2a7: {  	v24 =	vadd.f32 v24, v55;
	v44 =	vadd.f32 v54, v44;
	v54 =	vperm.xlane v52, v0  }
0x2a8: {  	v55 =	vmul.f32 v26, v26;
	v61 =	vadd.f32 v27, v26;
	v58 =	vadd.f32 v58, v25  }
0x2a9: {  	v25 =	vadd.f32 v50, v51;
	v50 =	vperm.xlane v44, v2;
	v51 =	vadd.f32 v54, v52  }
0x2aa: {  	v59 =	vadd.f32 v59, v60;
	v52 =	vmul.f32 v27, v27;
	v54 =	vmul.f32 v24, v24  }
0x2ab: {  	v60 =	vadd.f32 v25, v24;
	v44 =	vadd.f32 v44, v50;
	v50 =	vperm.xlane v51, v1  }
0x2ac: {  	v53 =	vadd.f32 v53, v56;
	v62 =	vmul.f32 v25, v25;
	v52 =	vadd.f32 v52, v55  }
0x2ad: {  	v55 =	vadd.f32 v60, v61;
	v56 =	vperm.xlane v44, v3;
	v50 =	vadd.f32 v50, v51  }
0x2ae: {  	v53 =	vadd.f32 v53, v59;
	v51 =	vadd.f32 v62, v54;
	v54 =	vmul.f32 v41, v9  }
0x2af: {  	v55 =	vadd.f32 v55, v58;
	v44 =	vadd.f32 v44, v56;
	v56 =	vperm.xlane v50, v2  }
0x2b0: {  	v51 =	vadd.f32 v51, v52;
	v52 =	vmul.f32 v41, v10;
	v58 =	vmul.f32 v41, v11  }
0x2b1: {  	v41 =	vperm.xlane v55, v0;
	v50 =	vadd.f32 v56, v50;
	v44 =	vmul.f32 $7.812500000e-03, v44  }
0x2b2: {  	v35 =	vmul.f32 v48, v35;
	v36 =	vmul.f32 v49, v36;
	v51 =	vadd.f32 v51, v53  }
0x2b3: {  	v48 =	vadd.f32 v55, v41;
	v49 =	vperm.xlane v50, v3;
	v53 =	vmul.f32 v44, v44  }
0x2b4: {  	v55 =	vperm.xlane v51, v0;
	v41 =	vsub.f32 v38, v44;
	v38 =	vsub.f32 v43, v44  }
0x2b5: {  	v43 =	vperm.xlane v48, v1;
	v49 =	vadd.f32 v49, v50;
	v50 =	vmul.f32 $1.280000000e+02, v53  }
0x2b6: {  	v34 =	vmul.f32 v46, v34;
	v37 =	vsub.f32 v37, v44;
	v51 =	vadd.f32 v55, v51  }
0x2b7: {  	v33 =	vmul.f32 v47, v33;
	v46 =	vadd.f32 v48, v43;
	v48 =	vsub.f32 v49, v50  }
0x2b8: {  	v47 =	vperm.xlane v51, v1;
	v43 =	vsub.f32 v39, v44;
	v39 =	vsub.f32 v42, v44  }
0x2b9: {  	v42 =	vsub.f32 v40, v44;
	v49 =	vperm.xlane v46, v2;
	v48 =	vmul.f32 $7.874015710e-03, v48  }
0x2ba: {  	v40 =	vsub.f32 v45, v44;
	v45 =	vmul.f32 v57, v30;
	v50 =	vadd.f32 v47, v51  }
0x2bb: {  	v49 =	vadd.f32 v46, v49;
	v30 =	vmax.f32 v48, $9.999999960e-13;
	v46 =	vmul.f32 v54, v29  }
0x2bc: {  	v29 =	vperm.xlane v50, v2;
	v47 =	vshrl.u32 v30, $0x1;
	v48 =	vmul.f32 $5.000000000e-01, v30  }
0x2bd: {  	v51 =	vperm.xlane v49, v3;
	v30 =	vsub.s32 $0x5F3759DF, v47;
	v47 =	vmul.f32 v52, v31  }
.Ltmp2:
0x2be: {  	v50 =	vadd.f32 v29, v50;
	v29 =	vmul.f32 v30, v48;
	v48 =	vmul.f32 v58, v32;
	(pc) =	sbr.rel @p0 .LBB2_7-.Ltmp2, $4  }
0x2bf: {  	v35 =	vadd.f32 v35, v12;
	v31 =	vadd.f32 v49, v51  }
0x2c0: {  	v36 =	vadd.f32 v36, v13;
	v49 =	vperm.xlane v50, v3;
	v51 =	vmul.f32 v30, v29  }
0x2c1: {  	v29 =	vadd.f32 v33, v15;
	v32 =	vmul.f32 $7.812500000e-03, v31;
	[tilespmem:s29+$0xE400] =	vst v35;
	v31 =	vadd.f32 v34, v14  }
0x2c2: {  	s1 =	sadd.s32 $0x400, s1;
	v49 =	vadd.f32 v49, v50;
	v50 =	vsub.f32 $1.500000000e+00, v51;
	[tilespmem:s29+$0xE410] =	vst v36  }
0x2c3: {  	v33 =	vmul.f32 v32, v32;
	_ =	sdelay $0x1  }
0x2c4: {  	v33 =	vmul.f32 $1.280000000e+02, v33;
	_ =	sdelay $0x1  }
0x2c5: {  	v21 =	vsub.f32 v21, v32;
	v33 =	vsub.f32 v49, v33  }
0x2c6: {  	v22 =	vsub.f32 v22, v32;
	v23 =	vsub.f32 v23, v32;
	v30 =	vmul.f32 v30, v50  }
0x2c7: {  	v28 =	vsub.f32 v28, v32;
	v20 =	vsub.f32 v20, v44;
	v33 =	vmul.f32 $7.874015710e-03, v33  }
0x2c8: {  	v26 =	vsub.f32 v26, v32;
	v27 =	vsub.f32 v27, v32;
	v34 =	vmul.f32 v30, v11  }
0x2c9: {  	v35 =	vmul.f32 v30, v4;
	v36 =	vmul.f32 v30, v5;
	v33 =	vmax.f32 v33, $9.999999960e-13  }
0x2ca: {  	[tilespmem:s29+$0xE420] =	vst v31;
	v20 =	vmul.f32 v34, v20;
	v61 =	vshrl.u32 v33, $0x1;
	v33 =	vmul.f32 $5.000000000e-01, v33  }
0x2cb: {  	[tilespmem:s29+$0xE430] =	vst v29;
	v31 =	vmul.f32 v30, v6;
	v29 =	vmul.f32 v30, v7;
	v34 =	vsub.s32 $0x5F3759DF, v61  }
0x2cc: {  	v35 =	vmul.f32 v35, v41;
	v20 =	vadd.f32 v20, v19;
	v33 =	vmul.f32 v34, v33  }
0x2cd: {  	v62 =	vadd.f32 v45, v16;
	v45 =	vmul.f32 v30, v8;
	v36 =	vmul.f32 v36, v38  }
0x2ce: {  	v35 =	vadd.f32 v35, v12;
	[tilespmem:s30+$0xE4F0] =	vst v20;
	v20 =	vadd.f32 v46, v17;
	v63 =	vmul.f32 v34, v33  }
0x2cf: {  	v31 =	vmul.f32 v31, v37;
	v46 =	vadd.f32 v47, v18;
	v47 =	vadd.f32 v48, v19  }
0x2d0: {  	v48 =	vmul.f32 v30, v9;
	v30 =	vmul.f32 v30, v10;
	[tilespmem:s29+$0xE450] =	vst v20;
	v20 =	vsub.f32 $1.500000000e+00, v63  }
0x2d1: {  	v24 =	vsub.f32 v24, v32;
	[tilespmem:s29+$0xE440] =	vst v62;
	v29 =	vmul.f32 v29, v43;
	v36 =	vadd.f32 v36, v13  }
0x2d2: {  	v31 =	vadd.f32 v31, v14;
	[tilespmem:s30+$0xE480] =	vst v35;
	v30 =	vmul.f32 v30, v40;
	v20 =	vmul.f32 v34, v20  }
0x2d3: {  	v25 =	vsub.f32 v25, v32;
	v29 =	vadd.f32 v29, v15;
	[tilespmem:s30+$0xE490] =	vst v36;
	v32 =	vmul.f32 v48, v42  }
0x2d4: {  	[tilespmem:s30+$0xE4A0] =	vst v31;
	v33 =	vmul.f32 v45, v39;
	v30 =	vadd.f32 v30, v18;
	v34 =	vmul.f32 v20, v4  }
0x2d5: {  	[tilespmem:s30+$0xE4B0] =	vst v29;
	v31 =	vmul.f32 v20, v5;
	v29 =	vmul.f32 v20, v6  }
0x2d6: {  	[tilespmem:s30+$0xE4E0] =	vst v30;
	v49 =	vmul.f32 v20, v7;
	v30 =	vmul.f32 v20, v10  }
0x2d7: {  	[tilespmem:s29+$0xE460] =	vst v46;
	v32 =	vadd.f32 v32, v17;
	v21 =	vmul.f32 v34, v21;
	v22 =	vmul.f32 v31, v22  }
0x2d8: {  	[tilespmem:s29+$0xE470] =	vst v47;
	v33 =	vadd.f32 v33, v16;
	v31 =	vmul.f32 v20, v8;
	v23 =	vmul.f32 v29, v23  }
0x2d9: {  	[tilespmem:s30+$0xE4D0] =	vst v32;
	v29 =	vmul.f32 v20, v9;
	v20 =	vmul.f32 v20, v11;
	v21 =	vadd.f32 v21, v12  }
0x2da: {  	[tilespmem:s30+$0xE4C0] =	vst v33;
	v28 =	vmul.f32 v49, v28;
	v22 =	vadd.f32 v22, v13  }
0x2db: {  	v20 =	vmul.f32 v20, v25;
	[tilespmem:s30+$0xE400] =	vst v21;
	v21 =	vadd.f32 v23, v14  }
0x2dc: {  	v26 =	vmul.f32 v31, v26;
	v23 =	vmul.f32 v29, v27;
	v27 =	vadd.f32 v28, v15;
	[tilespmem:s30+$0xE410] =	vst v22  }
0x2dd: {  	v20 =	vadd.f32 v20, v19;
	[tilespmem:s30+$0xE420] =	vst v21  }
0x2de: {  	v22 =	vmul.f32 v30, v24;
	v21 =	vadd.f32 v26, v16;
	[tilespmem:s30+$0xE430] =	vst v27  }
0x2df: {  	v23 =	vadd.f32 v23, v17;
	[tilespmem:s30+$0xE470] =	vst v20  }
0x2e0: {  	v22 =	vadd.f32 v22, v18;
	[tilespmem:s30+$0xE440] =	vst v21  }
0x2e1: {  	[tilespmem:s30+$0xE450] =	vst v23  }
0x2e2: {  	p0 =	seq.s32 s26, $0x3F;
	[tilespmem:s30+$0xE460] =	vst v22  }
0x2e3: {  	s1 =	sshll.u32 @!p0 s26, $0x9;
	_ =	swait.ge [sflag:s23], $0x6400  }
0x2e4: {  	s7 =	simm.s32 @!p0 $0x64;
	s1 =	sand.u32 @!p0 $0x3FFFFE00, s1;
	[sflag:s23] =	ssyncset.done $0x0  }
0x2e5: {  	s2 =	sadd.s32 @!p0 $0x200, s1;
	s29 =	simm.s32 @!p0 $0x8000;
	[sflag:s23] =	ssyncadd.s32 $0xFFFF9C00  }
0x2e6: {  	[tilespmem:s29], [sflag:$0x1] =	stream.indirect.gather @!p0 [hbm4b:s0+s7], $0x80, s2, s7, $0xb8;
	[tilespmem:$0x1AD00] =	vst v63  }
0x2e7: {  	s1 =	sadd.s32 @!p0 $0x280, s1;
	s2 =	simm.s32 @!p0 $0xB200;
	s29 =	simm.s32 $0x0  }
0x2e8: {  	[tilespmem:s2], [sflag:$0x1] =	stream.indirect.gather @!p0 [hbm4b:s0+s7], $0x80, s1, s7, $0xb8;
	[tilespmem:$0x1AD00] =	vst v63  }
0x2e9: {  	v20 =	vld [tilespmem:s29+$0x11680]  }
0x2ea: {  	v21 =	vld [tilespmem:s29+$0x17A80]  }
0x2eb: {  	v22 =	vld [tilespmem:s29+$0x11690]  }
0x2ec: {  	v23 =	vld [tilespmem:s29+$0x17A90]  }
0x2ed: {  	v24 =	vld [tilespmem:s29+$0x116A0]  }
0x2ee: {  	v25 =	vld [tilespmem:s29+$0x17AA0]  }
0x2ef: {  	v26 =	vld [tilespmem:s29+$0x116B0]  }
0x2f0: {  	v27 =	vld [tilespmem:s29+$0x17AB0]  }
0x2f1: {  	v28 =	vld [tilespmem:s29+$0x116C0]  }
0x2f2: {  	v29 =	vld [tilespmem:s29+$0x17AC0]  }
0x2f3: {  	v30 =	vld [tilespmem:s29+$0x116D0]  }
0x2f4: {  	v31 =	vld [tilespmem:s29+$0x17AD0]  }
0x2f5: {  	v50 =	vld [tilespmem:s29+$0x116E0]  }
0x2f6: {  	v51 =	vld [tilespmem:s29+$0x17AE0]  }
0x2f7: {  	v52 =	vld [tilespmem:s29+$0x116F0]  }
0x2f8: {  	v53 =	vld [tilespmem:s29+$0x17AF0]  }
0x2f9: {  	v54 =	vld [tilespmem:s29+$0x11600]  }
0x2fa: {  	v55 =	vld [tilespmem:s29+$0x17A00]  }
0x2fb: {  	v34 =	vld [tilespmem:s29+$0x11630]  }
0x2fc: {  	v37 =	vld [tilespmem:s29+$0x17A30];
	v21 =	vadd.f32 v21, v20  }
0x2fd: {  	v63 =	vld [tilespmem:s29+$0x11640];
	v22 =	vadd.f32 v23, v22;
	v24 =	vadd.f32 v25, v24  }
0x2fe: {  	v23 =	vld [tilespmem:s29+$0x11610];
	v25 =	vadd.f32 v27, v26;
	v27 =	vadd.f32 v29, v28  }
0x2ff: {  	v26 =	vld [tilespmem:s29+$0x17A10];
	v28 =	vadd.f32 v31, v30;
	v30 =	vadd.f32 v51, v50  }
0x300: {  	v29 =	vld [tilespmem:s29+$0x11620];
	v20 =	vadd.f32 v53, v52;
	v36 =	vadd.f32 v55, v54  }
0x301: {  	v31 =	vld [tilespmem:s29+$0x17A20];
	v56 =	vadd.f32 v22, v21;
	v57 =	vadd.f32 v25, v24;
	v58 =	vmul.f32 v21, v21  }
0x302: {  	v52 =	vld [tilespmem:s29+$0x11650];
	v59 =	vadd.f32 v28, v27;
	v61 =	vmul.f32 v22, v22;
	v62 =	vmul.f32 v24, v24  }
0x303: {  	v55 =	vld [tilespmem:s29+$0x17A50];
	v60 =	vadd.f32 v20, v30;
	v48 =	vmul.f32 v25, v25;
	v50 =	vmul.f32 v27, v27  }
0x304: {  	v51 =	vmul.f32 v28, v28;
	v53 =	vmul.f32 v30, v30;
	v32 =	vadd.f32 v57, v56;
	v57 =	vld [tilespmem:s29+$0x11660]  }
0x305: {  	v54 =	vmul.f32 v20, v20;
	v49 =	vadd.f32 v60, v59;
	v35 =	vadd.f32 v61, v58;
	v60 =	vld [tilespmem:s29+$0x11670]  }
0x306: {  	v56 =	vadd.f32 v48, v62;
	v38 =	vadd.f32 v51, v50;
	v61 =	vld [tilespmem:s29+$0x17A70]  }
0x307: {  	v59 =	vadd.f32 v54, v53;
	v23 =	vadd.f32 v26, v23;
	v26 =	vld [tilespmem:s29+$0x17A40]  }
0x308: {  	v29 =	vadd.f32 v31, v29;
	v31 =	vld [tilespmem:s29+$0x17A60];
	v32 =	vadd.f32 v49, v32  }
0x309: {  	v35 =	vadd.f32 v56, v35;
	v38 =	vadd.f32 v59, v38  }
0x30a: {  	v43 =	vadd.f32 v37, v34;
	v58 =	vperm.xlane v32, v0  }
0x30b: {  	v35 =	vadd.f32 v38, v35;
	v38 =	vadd.f32 v55, v52  }
0x30c: {  	v45 =	vadd.f32 v61, v60;
	v32 =	vadd.f32 v32, v58  }
0x30d: {  	v40 =	vmul.f32 v36, v36;
	v26 =	vadd.f32 v26, v63;
	v41 =	vadd.f32 v31, v57  }
0x30e: {  	v39 =	vmul.f32 v23, v23;
	v51 =	vadd.f32 v23, v36;
	v52 =	vadd.f32 v43, v29  }
0x30f: {  	v62 =	vperm.xlane v32, v1;
	v54 =	vadd.f32 v38, v26;
	v59 =	vadd.f32 v45, v41  }
0x310: {  	v37 =	vmul.f32 v29, v29;
	v53 =	vperm.xlane v35, v0;
	v56 =	vadd.f32 v52, v51  }
0x311: {  	v63 =	vmul.f32 v43, v43;
	v32 =	vadd.f32 v32, v62;
	v62 =	vadd.f32 v59, v54  }
0x312: {  	v57 =	vmul.f32 v38, v38;
	v61 =	vmul.f32 v45, v45;
	v35 =	vadd.f32 v53, v35  }
0x313: {  	v33 =	vadd.f32 v63, v37;
	v55 =	vperm.xlane v32, v2;
	v37 =	vadd.f32 v62, v56  }
0x314: {  	v39 =	vadd.f32 v39, v40;
	v31 =	vmul.f32 v26, v26;
	v60 =	vperm.xlane v35, v1  }
0x315: {  	v58 =	vmul.f32 v41, v41;
	v32 =	vadd.f32 v32, v55;
	v47 =	vperm.xlane v37, v0  }
0x316: {  	v31 =	vadd.f32 v57, v31;
	v34 =	vadd.f32 v60, v35  }
0x317: {  	v44 =	vadd.f32 v61, v58;
	v63 =	vperm.xlane v32, v3;
	v48 =	vadd.f32 v37, v47  }
0x318: {  	v33 =	vadd.f32 v33, v39;
	v46 =	vperm.xlane v34, v2  }
0x319: {  	v31 =	vadd.f32 v44, v31;
	v32 =	vadd.f32 v32, v63;
	v52 =	vperm.xlane v48, v1  }
0x31a: {  	v34 =	vadd.f32 v46, v34  }
0x31b: {  	v31 =	vadd.f32 v31, v33;
	v32 =	vmul.f32 $7.812500000e-03, v32;
	v33 =	vadd.f32 v48, v52  }
0x31c: {  	v49 =	vperm.xlane v34, v3  }
0x31d: {  	s30 =	simm.s32 $0x100;
	v50 =	vmul.f32 v32, v32;
	v55 =	vperm.xlane v33, v2  }
0x31e: {  	v44 =	vld [tilespmem:s30+$0x11680];
	v51 =	vperm.xlane v31, v0  }
0x31f: {  	v46 =	vld [tilespmem:s30+$0x17A80];
	v34 =	vadd.f32 v49, v34;
	v53 =	vmul.f32 $1.280000000e+02, v50;
	v33 =	vadd.f32 v33, v55  }
0x320: {  	v31 =	vadd.f32 v51, v31  }
0x321: {  	v34 =	vsub.f32 v34, v53;
	v58 =	vperm.xlane v33, v3  }
0x322: {  	v54 =	vperm.xlane v31, v1  }
0x323: {  	v34 =	vmul.f32 $7.874015710e-03, v34;
	v33 =	vadd.f32 v33, v58  }
0x324: {  	v47 =	vld [tilespmem:s30+$0x11690];
	v46 =	vadd.f32 v46, v44;
	v31 =	vadd.f32 v54, v31  }
0x325: {  	v51 =	vld [tilespmem:s30+$0x116B0];
	v21 =	vsub.f32 v21, v32;
	v34 =	vmax.f32 v34, $9.999999960e-13;
	v39 =	vmul.f32 $7.812500000e-03, v33  }
0x326: {  	v48 =	vld [tilespmem:s30+$0x17A90];
	v57 =	vperm.xlane v31, v2;
	v56 =	vshrl.u32 v34, $0x1;
	v34 =	vmul.f32 $5.000000000e-01, v34  }
0x327: {  	v49 =	vld [tilespmem:s30+$0x116A0];
	v37 =	vsub.f32 v28, v32;
	v59 =	vsub.s32 $0x5F3759DF, v56;
	v28 =	vsub.f32 v43, v39  }
0x328: {  	v22 =	vsub.f32 v22, v32;
	v50 =	vld [tilespmem:s30+$0x17AA0];
	v31 =	vadd.f32 v57, v31;
	v34 =	vmul.f32 v59, v34  }
0x329: {  	v35 =	vsub.f32 v36, v39;
	v36 =	vsub.f32 v23, v39;
	v23 =	vld [tilespmem:s30+$0x17AB0];
	[tilespmem:$0x1FF80] =	vst v28  }
0x32a: {  	v24 =	vsub.f32 v24, v32;
	v25 =	vsub.f32 v25, v32;
	v34 =	vmul.f32 v59, v34;
	v62 =	vld [tilespmem:s30+$0x116C0]  }
0x32b: {  	v27 =	vsub.f32 v27, v32;
	v20 =	vsub.f32 v20, v32;
	v60 =	vperm.xlane v31, v3;
	v53 =	vld [tilespmem:s30+$0x17AC0]  }
0x32c: {  	v47 =	vadd.f32 v48, v47;
	v61 =	vsub.f32 $1.500000000e+00, v34  }
0x32d: {  	v34 =	vsub.f32 v30, v32;
	v30 =	vadd.f32 v60, v31;
	v31 =	vmul.f32 v39, v39  }
0x32e: {  	v48 =	vadd.f32 v50, v49;
	v49 =	vadd.f32 v23, v51;
	v52 =	vmul.f32 v59, v61  }
0x32f: {  	v33 =	vsub.f32 v29, v39;
	v28 =	vsub.f32 v45, v39;
	v55 =	vld [tilespmem:s30+$0x116D0];
	v29 =	vmul.f32 $1.280000000e+02, v31  }
0x330: {  	v56 =	vld [tilespmem:s30+$0x17AD0];
	v50 =	vadd.f32 v53, v62;
	v62 =	vmul.f32 v49, v49;
	v40 =	vmul.f32 v52, v4  }
0x331: {  	v31 =	vmul.f32 v52, v11;
	v29 =	vsub.f32 v30, v29;
	v63 =	vmul.f32 v52, v5  }
0x332: {  	v54 =	vmul.f32 v52, v6;
	v30 =	vsub.f32 v26, v39;
	v26 =	vmul.f32 v52, v7  }
0x333: {  	v58 =	vld [tilespmem:s30+$0x116E0];
	v32 =	vsub.f32 v41, v39;
	v57 =	vmul.f32 v52, v8;
	v41 =	vmul.f32 v52, v9  }
0x334: {  	v43 =	vadd.f32 v47, v46;
	v59 =	vld [tilespmem:s30+$0x17AE0];
	[tilespmem:$0x1FF90] =	vst v28;
	v52 =	vmul.f32 v52, v10;
	v21 =	vmul.f32 v40, v21  }
0x335: {  	v61 =	vld [tilespmem:s30+$0x116F0];
	v51 =	vadd.f32 v56, v55;
	v20 =	vmul.f32 v31, v20;
	v60 =	vmul.f32 $7.874015710e-03, v29  }
0x336: {  	v31 =	vsub.f32 v38, v39;
	v22 =	vmul.f32 v63, v22;
	v42 =	vadd.f32 v21, v12;
	v21 =	vld [tilespmem:s30+$0x17AF0]  }
0x337: {  	v44 =	vld [tilespmem:s30+$0x11610];
	v24 =	vmul.f32 v54, v24;
	v39 =	vadd.f32 v20, v19;
	v20 =	vmax.f32 v60, $9.999999960e-13  }
0x338: {  	v40 =	vadd.f32 v22, v13;
	v22 =	vld [tilespmem:s30+$0x11600];
	v38 =	vshrl.u32 v20, $0x1;
	v20 =	vmul.f32 $5.000000000e-01, v20  }
0x339: {  	v25 =	vmul.f32 v26, v25;
	v45 =	vadd.f32 v24, v14;
	v24 =	vsub.s32 $0x5F3759DF, v38;
	v38 =	vld [tilespmem:s30+$0x17A00]  }
0x33a: {  	v26 =	vld [tilespmem:s30+$0x17A10];
	v54 =	vadd.f32 v49, v48;
	v55 =	vmul.f32 v57, v27;
	v23 =	vmul.f32 v24, v20  }
0x33b: {  	v28 =	vld [tilespmem:s30+$0x11620];
	v63 =	vmul.f32 v51, v51;
	v53 =	vadd.f32 v59, v58;
	v20 =	vadd.f32 v21, v61  }
0x33c: {  	v56 =	vadd.f32 v51, v50;
	v27 =	vld [tilespmem:s30+$0x17A20];
	v37 =	vmul.f32 v41, v37;
	v21 =	vmul.f32 v24, v23  }
0x33d: {  	v41 =	vld [tilespmem:s30+$0x17A50];
	v60 =	vmul.f32 v46, v46;
	v43 =	vadd.f32 v54, v43;
	v57 =	vadd.f32 v20, v53  }
0x33e: {  	v59 =	vld [tilespmem:s30+$0x11630];
	v61 =	vmul.f32 v47, v47;
	v58 =	vsub.f32 $1.500000000e+00, v21;
	v21 =	vadd.f32 v38, v22  }
0x33f: {  	v23 =	vmul.f32 v53, v53;
	v38 =	vld [tilespmem:s30+$0x17A30];
	v22 =	vadd.f32 v26, v44;
	v54 =	vadd.f32 v57, v56  }
0x340: {  	v26 =	vld [tilespmem:s30+$0x17A40];
	v44 =	vmul.f32 v50, v50;
	v60 =	vadd.f32 v61, v60;
	v61 =	vmul.f32 v20, v20  }
0x341: {  	v29 =	vadd.f32 v25, v15;
	v56 =	vmul.f32 v48, v48;
	v57 =	vld [tilespmem:s30+$0x11640];
	v43 =	vadd.f32 v54, v43  }
0x342: {  	v44 =	vadd.f32 v63, v44;
	v61 =	vadd.f32 v61, v23;
	v58 =	vmul.f32 v24, v58;
	v24 =	vld [tilespmem:s30+$0x17A60]  }
0x343: {  	v23 =	vadd.f32 v27, v28;
	v54 =	vld [tilespmem:s30+$0x11650];
	v25 =	vadd.f32 v62, v56;
	v62 =	vperm.xlane v43, v0  }
0x344: {  	v34 =	vmul.f32 v52, v34;
	v56 =	vld [tilespmem:s30+$0x11660];
	v44 =	vadd.f32 v61, v44;
	v28 =	vadd.f32 v38, v59  }
0x345: {  	v63 =	vld [tilespmem:s30+$0x11670];
	v61 =	vmul.f32 v22, v22;
	v25 =	vadd.f32 v25, v60;
	v43 =	vadd.f32 v43, v62  }
0x346: {  	v38 =	vld [tilespmem:s30+$0x17A70];
	v60 =	vmul.f32 v21, v21;
	v26 =	vadd.f32 v26, v57;
	v57 =	vadd.f32 v28, v23  }
0x347: {  	v44 =	vadd.f32 v44, v25;
	v25 =	vadd.f32 v22, v21;
	v62 =	vperm.xlane v43, v1  }
0x348: {  	v60 =	vadd.f32 v61, v60;
	v27 =	vadd.f32 v41, v54;
	v54 =	vmul.f32 v23, v23  }
0x349: {  	v24 =	vadd.f32 v24, v56;
	v41 =	vadd.f32 v43, v62;
	v62 =	vperm.xlane v44, v0  }
0x34a: {  	v56 =	vmul.f32 v28, v28;
	v59 =	vmul.f32 v26, v26;
	v57 =	vadd.f32 v57, v25  }
0x34b: {  	v25 =	vadd.f32 v38, v63;
	v38 =	vperm.xlane v41, v2;
	v43 =	vadd.f32 v62, v44  }
0x34c: {  	v61 =	vmul.f32 v27, v27;
	v54 =	vadd.f32 v56, v54;
	v44 =	vadd.f32 v27, v26  }
0x34d: {  	v38 =	vadd.f32 v41, v38;
	v41 =	vadd.f32 v25, v24;
	v56 =	vperm.xlane v43, v1  }
0x34e: {  	v63 =	vmul.f32 v25, v25;
	v59 =	vadd.f32 v61, v59;
	v61 =	vmul.f32 v24, v24  }
0x34f: {  	v41 =	vadd.f32 v41, v44;
	v43 =	vadd.f32 v56, v43;
	v56 =	vperm.xlane v38, v3  }
0x350: {  	v52 =	vadd.f32 v55, v16;
	v55 =	vmul.f32 v58, v4;
	v44 =	vadd.f32 v63, v61  }
0x351: {  	v41 =	vadd.f32 v41, v57;
	v57 =	vperm.xlane v43, v2;
	v38 =	vadd.f32 v38, v56  }
0x352: {  	v35 =	vmul.f32 v55, v35;
	v54 =	vadd.f32 v54, v60;
	v56 =	vadd.f32 v44, v59  }
0x353: {  	v60 =	vmul.f32 v58, v5;
	v43 =	vadd.f32 v57, v43;
	v44 =	vmul.f32 $7.812500000e-03, v38  }
0x354: {  	v62 =	vmul.f32 v58, v9;
	v61 =	vperm.xlane v41, v0;
	v38 =	vadd.f32 v56, v54  }
0x355: {  	v54 =	vadd.f32 v37, v17;
	v37 =	vperm.xlane v43, v3;
	v56 =	vmul.f32 v44, v44  }
0x356: {  	v36 =	vmul.f32 v60, v36;
	v63 =	vmul.f32 v58, v10;
	v41 =	vadd.f32 v41, v61  }
0x357: {  	v55 =	vperm.xlane v38, v0;
	v43 =	vadd.f32 v37, v43;
	v56 =	vmul.f32 $1.280000000e+02, v56  }
0x358: {  	v34 =	vadd.f32 v34, v18;
	[tilespmem:s29+$0x116F0] =	vst v39;
	v59 =	vmul.f32 v58, v6;
	v60 =	vperm.xlane v41, v1  }
0x359: {  	[tilespmem:s29+$0x11680] =	vst v42;
	v57 =	vmul.f32 v58, v7;
	v55 =	vadd.f32 v55, v38;
	v56 =	vsub.f32 v43, v56  }
0x35a: {  	v42 =	vld [tilespmem:$0x1FF80];
	v61 =	vmul.f32 v58, v8;
	v38 =	vsub.f32 v47, v44;
	v60 =	vadd.f32 v41, v60  }
0x35b: {  	v41 =	vsub.f32 v46, v44;
	v47 =	vperm.xlane v55, v1;
	v46 =	vmul.f32 $7.874015710e-03, v56  }
0x35c: {  	[tilespmem:s29+$0x11690] =	vst v40;
	v33 =	vmul.f32 v59, v33;
	v37 =	vsub.f32 v48, v44;
	v59 =	vperm.xlane v60, v2  }
0x35d: {  	[tilespmem:s29+$0x116A0] =	vst v45;
	v45 =	vmul.f32 v61, v30;
	v47 =	vadd.f32 v47, v55;
	v46 =	vmax.f32 v46, $9.999999960e-13  }
0x35e: {  	[tilespmem:s29+$0x116B0] =	vst v29;
	v48 =	vadd.f32 v60, v59;
	v59 =	vshrl.u32 v46, $0x1;
	v60 =	vmul.f32 $5.000000000e-01, v46  }
0x35f: {  	[tilespmem:s29+$0x116C0] =	vst v52;
	v56 =	vmul.f32 v57, v42;
	v57 =	vperm.xlane v47, v2;
	v30 =	vsub.s32 $0x5F3759DF, v59  }
0x360: {  	[tilespmem:s29+$0x116E0] =	vst v34;
	v46 =	vmul.f32 v62, v31;
	v31 =	vmul.f32 v30, v60  }
0x361: {  	v39 =	vsub.f32 v50, v44;
	[tilespmem:s29+$0x116D0] =	vst v54;
	v29 =	vperm.xlane v48, v3  }
0x362: {  	v50 =	vadd.f32 v57, v47;
	v47 =	vmul.f32 v63, v32;
	v63 =	vmul.f32 v30, v31;
	v31 =	vld [tilespmem:$0x1FF90]  }
0x363: {  	v36 =	vadd.f32 v36, v13  }
0x364: {  	v61 =	vadd.f32 v48, v29;
	v29 =	vadd.f32 v35, v12  }
0x365: {  	v58 =	vmul.f32 v58, v11;
	v40 =	vsub.f32 v53, v44;
	v43 =	vsub.f32 v49, v44  }
0x366: {  	v42 =	vsub.f32 v51, v44;
	v62 =	vperm.xlane v50, v3;
	[tilespmem:s29+$0x11600] =	vst v29;
	v29 =	vadd.f32 v56, v15  }
0x367: {  	v32 =	vmul.f32 $7.812500000e-03, v61;
	v48 =	vmul.f32 v58, v31;
	v31 =	vadd.f32 v33, v14  }
0x368: {  	s2 =	simm.s32 $0x66;
	s1 =	simm.s32 $0x800;
	[tilespmem:s29+$0x11610] =	vst v36;
	v49 =	vadd.f32 v62, v50;
	v50 =	vsub.f32 $1.500000000e+00, v63  }
.LBB2_9:
0x369: {  	s7 =	sshra.s32 s1, $0x2;
	v51 =	vmul.f32 v32, v32;
	v35 =	vsub.f32 v21, v32;
	v36 =	vsub.f32 v22, v32;
	[tilespmem:s29+$0x11620] =	vst v31  }
0x36a: {  	v34 =	vsub.f32 v23, v32;
	v33 =	vsub.f32 v28, v32;
	v21 =	vld [tilespmem:s7+$0x11680];
	v22 =	vmul.f32 v30, v50;
	[tilespmem:s29+$0x11630] =	vst v29  }
0x36b: {  	v30 =	vsub.f32 v26, v32;
	v29 =	vsub.f32 v27, v32;
	v23 =	vld [tilespmem:s7+$0x17A80];
	v28 =	vmul.f32 $1.280000000e+02, v51  }
0x36c: {  	v20 =	vsub.f32 v20, v44;
	v26 =	vld [tilespmem:s7+$0x11690];
	v27 =	vmul.f32 v22, v4;
	v50 =	vmul.f32 v22, v11  }
0x36d: {  	v51 =	vmul.f32 v22, v6;
	v44 =	vld [tilespmem:s7+$0x17A90];
	v28 =	vsub.f32 v49, v28;
	v49 =	vmul.f32 v22, v5  }
0x36e: {  	v31 =	vsub.f32 v24, v32;
	v24 =	vmul.f32 v22, v7;
	v52 =	vld [tilespmem:s7+$0x116A0];
	v20 =	vmul.f32 v50, v20  }
0x36f: {  	v32 =	vsub.f32 v25, v32;
	v25 =	vmul.f32 v22, v8;
	v50 =	vld [tilespmem:s7+$0x17AA0];
	v28 =	vmul.f32 $7.874015710e-03, v28  }
0x370: {  	v54 =	vmul.f32 v22, v9;
	v22 =	vmul.f32 v22, v10;
	v53 =	vld [tilespmem:s7+$0x116B0];
	v20 =	vadd.f32 v20, v19  }
0x371: {  	v27 =	vmul.f32 v27, v41;
	v38 =	vmul.f32 v49, v38;
	v55 =	vld [tilespmem:s7+$0x17AB0];
	v28 =	vmax.f32 v28, $9.999999960e-13  }
0x372: {  	v37 =	vmul.f32 v51, v37;
	v49 =	vld [tilespmem:s7+$0x116C0];
	v41 =	vshrl.u32 v28, $0x1;
	v28 =	vmul.f32 $5.000000000e-01, v28;
	[tilespmem:s30+$0x116F0] =	vst v20  }
0x373: {  	v24 =	vmul.f32 v24, v43;
	v25 =	vmul.f32 v25, v39;
	v20 =	vld [tilespmem:s7+$0x17AC0];
	v41 =	vsub.s32 $0x5F3759DF, v41  }
0x374: {  	v39 =	vmul.f32 v54, v42;
	v42 =	vadd.f32 v45, v16;
	v51 =	vld [tilespmem:s7+$0x116D0];
	v28 =	vmul.f32 v41, v28  }
0x375: {  	v43 =	vadd.f32 v47, v18;
	v22 =	vmul.f32 v22, v40;
	v40 =	vadd.f32 v46, v17;
	v45 =	vld [tilespmem:s7+$0x17AD0]  }
0x376: {  	v27 =	vadd.f32 v27, v12;
	v46 =	vld [tilespmem:s7+$0x116E0];
	v28 =	vmul.f32 v41, v28;
	[tilespmem:s29+$0x11640] =	vst v42;
	v42 =	vadd.f32 v48, v19  }
0x377: {  	v54 =	vadd.f32 v37, v14;
	v48 =	vadd.f32 v38, v13;
	v47 =	vld [tilespmem:s7+$0x17AE0];
	[tilespmem:s29+$0x11650] =	vst v40  }
0x378: {  	s2 =	sadd.s32 $0x2, s2;
	v24 =	vadd.f32 v24, v15;
	v56 =	vld [tilespmem:s7+$0x116F0];
	v28 =	vsub.f32 $1.500000000e+00, v28;
	[tilespmem:s29+$0x11660] =	vst v43  }
0x379: {  	p0 =	slt.u32 s2, $0xC6;
	v25 =	vadd.f32 v25, v16;
	v58 =	vadd.f32 v39, v17;
	v57 =	vld [tilespmem:s7+$0x17AF0];
	[tilespmem:s29+$0x11670] =	vst v42;
	s29 =	smov.u32 s30;
	s30 =	smov.u32 s7  }
0x37a: {  	v22 =	vadd.f32 v22, v18;
	v59 =	vld [tilespmem:s30+$0x11600];
	v41 =	vmul.f32 v41, v28;
	[tilespmem:s29+$0x11680] =	vst v27  }
0x37b: {  	v38 =	vadd.f32 v23, v21;
	v43 =	vadd.f32 v44, v26;
	v27 =	vld [tilespmem:s30+$0x17A00];
	[tilespmem:s29+$0x11690] =	vst v48  }
0x37c: {  	v37 =	vadd.f32 v50, v52;
	v39 =	vadd.f32 v55, v53;
	v23 =	vld [tilespmem:s30+$0x11610];
	v48 =	vmul.f32 v41, v4;
	[tilespmem:s29+$0x116A0] =	vst v54  }
0x37d: {  	v42 =	vadd.f32 v20, v49;
	v40 =	vadd.f32 v45, v51;
	v49 =	vmul.f32 v41, v5;
	v26 =	vld [tilespmem:s30+$0x17A10];
	[tilespmem:s29+$0x116B0] =	vst v24  }
0x37e: {  	v45 =	vadd.f32 v47, v46;
	v46 =	vmul.f32 v41, v6;
	v24 =	vld [tilespmem:s30+$0x11620];
	v20 =	vadd.f32 v57, v56;
	[tilespmem:s29+$0x116C0] =	vst v25  }
0x37f: {  	v44 =	vadd.f32 v39, v37;
	v28 =	vadd.f32 v43, v38;
	v47 =	vmul.f32 v41, v7;
	v25 =	vld [tilespmem:s30+$0x17A20];
	[tilespmem:s29+$0x116D0] =	vst v58  }
0x380: {  	v51 =	vmul.f32 v38, v38;
	v52 =	vadd.f32 v40, v42;
	v50 =	vld [tilespmem:s30+$0x11630];
	v53 =	vadd.f32 v20, v45;
	[tilespmem:s29+$0x116E0] =	vst v22  }
0x381: {  	v55 =	vmul.f32 v37, v37;
	v54 =	vmul.f32 v43, v43;
	v21 =	vadd.f32 v27, v59;
	v27 =	vld [tilespmem:s30+$0x17A30]  }
0x382: {  	v28 =	vadd.f32 v44, v28;
	v57 =	vmul.f32 v39, v39;
	v56 =	vld [tilespmem:s30+$0x11640];
	v44 =	vadd.f32 v53, v52  }
0x383: {  	v22 =	vadd.f32 v26, v23;
	v23 =	vmul.f32 v42, v42;
	v52 =	vmul.f32 v40, v40;
	v26 =	vld [tilespmem:s30+$0x17A40]  }
0x384: {  	v58 =	vmul.f32 v45, v45;
	v59 =	vmul.f32 v20, v20;
	v53 =	vld [tilespmem:s30+$0x11650];
	v28 =	vadd.f32 v44, v28  }
0x385: {  	v51 =	vadd.f32 v54, v51;
	v54 =	vadd.f32 v57, v55;
	v60 =	vmul.f32 v21, v21;
	v44 =	vld [tilespmem:s30+$0x17A50]  }
0x386: {  	v58 =	vadd.f32 v59, v58;
	v52 =	vadd.f32 v52, v23;
	v55 =	vld [tilespmem:s30+$0x11660];
	v57 =	vperm.xlane v28, v0  }
0x387: {  	v23 =	vadd.f32 v25, v24;
	v59 =	vmul.f32 v22, v22;
	v25 =	vadd.f32 v54, v51;
	v24 =	vld [tilespmem:s30+$0x17A60]  }
0x388: {  	v52 =	vadd.f32 v58, v52;
	v51 =	vld [tilespmem:s30+$0x11670];
	v54 =	vadd.f32 v28, v57;
	v57 =	vmul.f32 v41, v8  }
0x389: {  	v28 =	vadd.f32 v27, v50;
	v26 =	vadd.f32 v26, v56;
	v56 =	vmul.f32 v23, v23;
	v50 =	vld [tilespmem:s30+$0x17A70]  }
0x38a: {  	v52 =	vadd.f32 v52, v25;
	v27 =	vadd.f32 v44, v53;
	v44 =	vperm.xlane v54, v1  }
0x38b: {  	v25 =	vadd.f32 v22, v21;
	v53 =	vmul.f32 v28, v28;
	v58 =	vadd.f32 v28, v23  }
0x38c: {  	v24 =	vadd.f32 v24, v55;
	v44 =	vadd.f32 v54, v44;
	v54 =	vperm.xlane v52, v0  }
0x38d: {  	v55 =	vmul.f32 v26, v26;
	v61 =	vadd.f32 v27, v26;
	v58 =	vadd.f32 v58, v25  }
0x38e: {  	v25 =	vadd.f32 v50, v51;
	v50 =	vperm.xlane v44, v2;
	v51 =	vadd.f32 v54, v52  }
0x38f: {  	v59 =	vadd.f32 v59, v60;
	v52 =	vmul.f32 v27, v27;
	v54 =	vmul.f32 v24, v24  }
0x390: {  	v60 =	vadd.f32 v25, v24;
	v44 =	vadd.f32 v44, v50;
	v50 =	vperm.xlane v51, v1  }
0x391: {  	v53 =	vadd.f32 v53, v56;
	v62 =	vmul.f32 v25, v25;
	v52 =	vadd.f32 v52, v55  }
0x392: {  	v55 =	vadd.f32 v60, v61;
	v56 =	vperm.xlane v44, v3;
	v50 =	vadd.f32 v50, v51  }
0x393: {  	v53 =	vadd.f32 v53, v59;
	v51 =	vadd.f32 v62, v54;
	v54 =	vmul.f32 v41, v9  }
0x394: {  	v55 =	vadd.f32 v55, v58;
	v44 =	vadd.f32 v44, v56;
	v56 =	vperm.xlane v50, v2  }
0x395: {  	v51 =	vadd.f32 v51, v52;
	v52 =	vmul.f32 v41, v10;
	v58 =	vmul.f32 v41, v11  }
0x396: {  	v41 =	vperm.xlane v55, v0;
	v50 =	vadd.f32 v56, v50;
	v44 =	vmul.f32 $7.812500000e-03, v44  }
0x397: {  	v35 =	vmul.f32 v48, v35;
	v36 =	vmul.f32 v49, v36;
	v51 =	vadd.f32 v51, v53  }
0x398: {  	v48 =	vadd.f32 v55, v41;
	v49 =	vperm.xlane v50, v3;
	v53 =	vmul.f32 v44, v44  }
0x399: {  	v55 =	vperm.xlane v51, v0;
	v41 =	vsub.f32 v38, v44;
	v38 =	vsub.f32 v43, v44  }
0x39a: {  	v43 =	vperm.xlane v48, v1;
	v49 =	vadd.f32 v49, v50;
	v50 =	vmul.f32 $1.280000000e+02, v53  }
0x39b: {  	v34 =	vmul.f32 v46, v34;
	v37 =	vsub.f32 v37, v44;
	v51 =	vadd.f32 v55, v51  }
0x39c: {  	v33 =	vmul.f32 v47, v33;
	v46 =	vadd.f32 v48, v43;
	v48 =	vsub.f32 v49, v50  }
0x39d: {  	v47 =	vperm.xlane v51, v1;
	v43 =	vsub.f32 v39, v44;
	v39 =	vsub.f32 v42, v44  }
0x39e: {  	v42 =	vsub.f32 v40, v44;
	v49 =	vperm.xlane v46, v2;
	v48 =	vmul.f32 $7.874015710e-03, v48  }
0x39f: {  	v40 =	vsub.f32 v45, v44;
	v45 =	vmul.f32 v57, v30;
	v50 =	vadd.f32 v47, v51  }
0x3a0: {  	v49 =	vadd.f32 v46, v49;
	v30 =	vmax.f32 v48, $9.999999960e-13;
	v46 =	vmul.f32 v54, v29  }
0x3a1: {  	v29 =	vperm.xlane v50, v2;
	v47 =	vshrl.u32 v30, $0x1;
	v48 =	vmul.f32 $5.000000000e-01, v30  }
0x3a2: {  	v51 =	vperm.xlane v49, v3;
	v30 =	vsub.s32 $0x5F3759DF, v47;
	v47 =	vmul.f32 v52, v31  }
.Ltmp3:
0x3a3: {  	v50 =	vadd.f32 v29, v50;
	v29 =	vmul.f32 v30, v48;
	v48 =	vmul.f32 v58, v32;
	(pc) =	sbr.rel @p0 .LBB2_9-.Ltmp3, $4  }
0x3a4: {  	v35 =	vadd.f32 v35, v12;
	v31 =	vadd.f32 v49, v51  }
0x3a5: {  	v36 =	vadd.f32 v36, v13;
	v49 =	vperm.xlane v50, v3;
	v51 =	vmul.f32 v30, v29  }
0x3a6: {  	v29 =	vadd.f32 v33, v15;
	v32 =	vmul.f32 $7.812500000e-03, v31;
	[tilespmem:s29+$0x11600] =	vst v35;
	v31 =	vadd.f32 v34, v14  }
0x3a7: {  	s1 =	sadd.s32 $0x400, s1;
	v49 =	vadd.f32 v49, v50;
	v50 =	vsub.f32 $1.500000000e+00, v51;
	[tilespmem:s29+$0x11610] =	vst v36  }
0x3a8: {  	v33 =	vmul.f32 v32, v32;
	_ =	sdelay $0x1  }
0x3a9: {  	v33 =	vmul.f32 $1.280000000e+02, v33;
	_ =	sdelay $0x1  }
0x3aa: {  	v33 =	vsub.f32 v49, v33  }
0x3ab: {  	v21 =	vsub.f32 v21, v32;
	v22 =	vsub.f32 v22, v32;
	v30 =	vmul.f32 v30, v50  }
0x3ac: {  	v23 =	vsub.f32 v23, v32;
	v28 =	vsub.f32 v28, v32;
	v33 =	vmul.f32 $7.874015710e-03, v33  }
0x3ad: {  	v20 =	vsub.f32 v20, v44;
	v26 =	vsub.f32 v26, v32;
	v34 =	vmul.f32 v30, v11  }
0x3ae: {  	v27 =	vsub.f32 v27, v32;
	v24 =	vsub.f32 v24, v32;
	v33 =	vmax.f32 v33, $9.999999960e-13  }
0x3af: {  	v20 =	vmul.f32 v34, v20;
	v60 =	vshrl.u32 v33, $0x1;
	v33 =	vmul.f32 $5.000000000e-01, v33  }
0x3b0: {  	v63 =	vadd.f32 v45, v16;
	v25 =	vsub.f32 v25, v32;
	v34 =	vsub.s32 $0x5F3759DF, v60  }
0x3b1: {  	[tilespmem:s29+$0x11620] =	vst v31;
	v35 =	vmul.f32 v30, v4;
	v20 =	vadd.f32 v20, v19;
	v33 =	vmul.f32 v34, v33  }
0x3b2: {  	[tilespmem:s29+$0x11630] =	vst v29;
	v51 =	vadd.f32 v48, v19;
	v36 =	vmul.f32 v30, v5;
	v61 =	vmul.f32 v30, v6  }
0x3b3: {  	v62 =	vmul.f32 v30, v7;
	[tilespmem:s30+$0x116F0] =	vst v20;
	v20 =	vadd.f32 v46, v17;
	v46 =	vmul.f32 v34, v33  }
0x3b4: {  	v50 =	vadd.f32 v47, v18;
	[tilespmem:s29+$0x11640] =	vst v63;
	v52 =	vmul.f32 v30, v9;
	v35 =	vmul.f32 v35, v41  }
0x3b5: {  	v49 =	vmul.f32 v30, v8;
	v36 =	vmul.f32 v36, v38;
	[tilespmem:s29+$0x11650] =	vst v20;
	v20 =	vsub.f32 $1.500000000e+00, v46  }
0x3b6: {  	[tilespmem:s29+$0x11670] =	vst v51;
	v30 =	vmul.f32 v30, v10;
	v31 =	vmul.f32 v61, v37;
	v35 =	vadd.f32 v35, v12  }
0x3b7: {  	[tilespmem:s29+$0x11660] =	vst v50;
	v29 =	vmul.f32 v62, v43;
	v36 =	vadd.f32 v36, v13;
	v20 =	vmul.f32 v34, v20  }
0x3b8: {  	v32 =	vmul.f32 v52, v42;
	v30 =	vmul.f32 v30, v40;
	v31 =	vadd.f32 v31, v14;
	[tilespmem:s30+$0x11680] =	vst v35  }
0x3b9: {  	v29 =	vadd.f32 v29, v15;
	[tilespmem:s30+$0x11690] =	vst v36;
	v33 =	vmul.f32 v49, v39;
	v34 =	vmul.f32 v20, v4  }
0x3ba: {  	v32 =	vadd.f32 v32, v17;
	[tilespmem:s30+$0x116A0] =	vst v31;
	v53 =	vmul.f32 v20, v5;
	v54 =	vmul.f32 v20, v6  }
0x3bb: {  	v30 =	vadd.f32 v30, v18;
	[tilespmem:s30+$0x116B0] =	vst v29;
	v55 =	vmul.f32 v20, v7;
	v21 =	vmul.f32 v34, v21  }
0x3bc: {  	[tilespmem:s30+$0x116D0] =	vst v32;
	v33 =	vadd.f32 v33, v16;
	v56 =	vmul.f32 v20, v8;
	v22 =	vmul.f32 v53, v22  }
0x3bd: {  	[tilespmem:s30+$0x116E0] =	vst v30;
	v57 =	vmul.f32 v20, v9;
	v23 =	vmul.f32 v54, v23;
	v21 =	vadd.f32 v21, v12  }
0x3be: {  	[tilespmem:s30+$0x116C0] =	vst v33;
	v58 =	vmul.f32 v20, v10;
	v28 =	vmul.f32 v55, v28;
	v22 =	vadd.f32 v22, v13  }
0x3bf: {  	v20 =	vmul.f32 v20, v11;
	v26 =	vmul.f32 v56, v26;
	v59 =	vadd.f32 v23, v14;
	[tilespmem:s30+$0x11600] =	vst v21  }
0x3c0: {  	v60 =	vmul.f32 v57, v27;
	v61 =	vadd.f32 v28, v15;
	[tilespmem:s30+$0x11610] =	vst v22  }
0x3c1: {  	s26 =	sadd.s32 $0x1, s26;
	v20 =	vmul.f32 v20, v25;
	v63 =	vadd.f32 v26, v16;
	[tilespmem:s30+$0x11620] =	vst v59  }
0x3c2: {  	p0 =	sne.s32 s26, $0x40;
	v62 =	vmul.f32 v58, v24;
	v23 =	vadd.f32 v60, v17;
	[tilespmem:s30+$0x11630] =	vst v61  }
.Ltmp4:
0x3c3: {  	s1 =	sadd.s32 s9, s28;
	v20 =	vadd.f32 v20, v19;
	[tilespmem:s30+$0x11640] =	vst v63;
	(pc) =	sbr.rel @p0 .LBB2_2-.Ltmp4, $4  }
0x3c4: {  	s1 =	smul.u32 $0xC80, s1;
	v22 =	vadd.f32 v62, v18;
	[tilespmem:s30+$0x11650] =	vst v23  }
0x3c5: {  	[tilespmem:s30+$0x11670] =	vst v20  }
0x3c6: {  	s1 =	sadd.s32 s5, s1;
	[tilespmem:s30+$0x11660] =	vst v22  }
0x3c7: {  	[hbm4b:s1+s6] =	stream.linear.scatter [tilespmem:s20], [sflag:$0x4], $0x6400, $0x38;
	[tilespmem:$0x1AD00] =	vst v63  }
0x3c8: {  	s25 =	sadd.s32 $0x1, s25  }
0x3c9: {  	p0 =	sne.s32 s25, s10  }
.Ltmp5:
0x3ca: {  	_ = 	snop;
	(pc) =	sbr.rel @p0 .LBB2_1-.Ltmp5, $4  }
0x3cb: {  	_ = 	snop  }
0x3cc: {  	_ =	swait.ge [sflag:s24], $0x6400  }
0x3cd: {  	[sflag:s24] =	ssyncset.done $0x0  }
0x3ce: {  	[sflag:s24] =	ssyncadd.s32 $0xFFFF9C00  }
0x3cf: {  	_ =	sfence.sel $0x180000  }
0x3d0: {  	[bflag:$0x0] =	sbarrier.arrive $0xFFFF  }
0x3d1: {  	_ =	strace $0x90000047  }
0x3d2: {  	s0 =	stileid.u32;
	[bflag:$0x2] =	sbarrier.arrive $0xFFFF  }
0x3d3: {  	p0 =	sne.s32 s0, $0x0;
	s0 =	rddreg [dreg:$0x6]  }
0x3d4: {  	s0 =	sadd.s32 @!p0 $0x100000, s0  }
0x3d5: {  	[sflag:s0] =	ssyncadd.tile.s32 @!p0 $0x1;
	_ =	shalt  }
.Lfunc_end2:
_tile_overlayer_lowered:
.L_overlay_start_2:
0x3d6: {  	(tag) =	ssettag $0x2  }
0x3d7: {  	s0 =	rddreg [dreg:$0x0];
	s2 =	stileid.u32  }
0x3d8: {  	s1 =	rddreg [dreg:$0x1];
	p0 =	sne.s32 s2, $0x0  }
0x3d9: {  	s3 =	rddreg [dreg:$0x2];
	[bflag:$0x3] =	sbarrier.arrive $0xFFFF;
	s2 =	simm.s32 @!p0 $0x1C05  }
0x3da: {  	[timem:s3], [sflag:s2] =	dma.local @!p0 [hbm:s0], s1  }
0x3db: {  	s0 =	simm.s32 @!p0 $0x5  }
0x3dc: {  	_ =	swait.ge @!p0 [sflag:s0], s1  }
0x3dd: {  	s1 =	ssub.s32 @!p0 $0x0, s1;
	[sflag:s0] =	ssyncset.done @!p0 $0x0  }
0x3de: {  	[sflag:s0] =	ssyncadd.s32 @!p0 s1  }
0x3df: {  	[bflag:$0x3] =	sbarrier.arrive $0xFFFF  }
0x3e0: {  	_ =	shalt  }

</sc_bundles>
